<compile_context>
chip_gen: v7x
topology: tpu7x:2x2x1
jax: 0.10.2.dev20260603
libtpu: 0.0.44.dev20260713+nightly
codegen_flags: <defaults>
</compile_context>

<pallas_src>
import functools

import jax
import jax.numpy as jnp
from jax import lax
from jax.experimental import pallas as pl
from jax.experimental.pallas import tpu as pltpu
from jax.experimental.pallas import tpu_sc as plsc

N = 10000
E = 320000
D = 128
DFF = 512
NC, NS = 2, 16
NW = NC * NS
EPW = E // NW
CHUNK = 100
NCHUNK = EPW // CHUNK
SCHUNK = 50
NBUF = 4
CPP = 40
NPH = EPW // (CPP * SCHUNK)
NPAD = 10240
DEG_PT = NPAD // NS
NPADR = 10240
ROWS_PT = NPADR // NS
CHUNKR = 40
RB = 2000
NB = N // RB
EPS = 1e-5

@functools.lru_cache(maxsize=None)
def _sc_mesh():
    return plsc.VectorSubcoreMesh(
        core_axis_name="c", subcore_axis_name="s", num_cores=NC, num_subcores=NS)


def _deg_body(dst_hbm, ones_hbm, zeros_hbm, deg_hbm, idx_v, ones_v, zb_v, acc,
              dsem):
    c = lax.axis_index("c")
    s = lax.axis_index("s")
    wid = c * NS + s

    pltpu.sync_copy(zeros_hbm, zb_v)
    pltpu.sync_copy(zb_v, acc.at[pl.ds(s * DEG_PT, DEG_PT)])
    pltpu.sync_copy(dst_hbm.at[wid], idx_v)
    pltpu.sync_copy(ones_hbm.at[pl.ds(0, CHUNK)], ones_v)
    plsc.subcore_barrier()

    def body(j, carry):
        pltpu.async_copy(ones_v, acc.at[idx_v.at[j]], dsem, add=True)
        return carry

    lax.fori_loop(0, NCHUNK, body, 0)

    def drain(j, carry):
        pltpu.make_async_copy(ones_v, acc.at[idx_v.at[j]], dsem).wait()
        return carry

    lax.fori_loop(0, NCHUNK, drain, 0)
    plsc.subcore_barrier()
    pltpu.sync_copy(acc.at[pl.ds(s * DEG_PT, DEG_PT)], zb_v)
    pltpu.sync_copy(zb_v, deg_hbm.at[c, pl.ds(s * DEG_PT, DEG_PT)])


@functools.lru_cache(maxsize=None)
def _deg_kernel_fn():
    return pl.kernel(
        _deg_body,
        out_type=jax.ShapeDtypeStruct((NC, NPAD), jnp.float32),
        mesh=_sc_mesh(),
        scratch_types=[
            pltpu.VMEM((NCHUNK, CHUNK), jnp.int32),
            pltpu.VMEM((CHUNK,), jnp.float32),
            pltpu.VMEM((DEG_PT,), jnp.float32),
            pltpu.VMEM_SHARED((NPAD,), jnp.float32),
            pltpu.SemaphoreType.DMA,
        ],
    )


def _deg_kernel(dst, ones_pad, zeros_deg):
    return _deg_kernel_fn()(dst, ones_pad, zeros_deg)


def _seg_body(src_hbm, dst_hbm, g_hbm, zrow_hbm, out_hbm,
              src_v, dst_v, buf0, buf1, buf2, buf3, acc, sem0, sem1, sem2,
              sem3):
    c = lax.axis_index("c")
    s = lax.axis_index("s")
    wid = c * NS + s
    bufs = (buf0, buf1, buf2, buf3)
    sems = (sem0, sem1, sem2, sem3)

    wb = buf0.at[pl.ds(0, CHUNKR)]
    pltpu.sync_copy(zrow_hbm, wb)
    for z in range(ROWS_PT // CHUNKR):
        pltpu.sync_copy(wb, acc.at[pl.ds(s * ROWS_PT + z * CHUNKR, CHUNKR)])
    plsc.subcore_barrier()

    for ph in range(NPH):
        blk = wid * NPH + ph
        pltpu.sync_copy(src_hbm.at[blk], src_v)
        pltpu.sync_copy(dst_hbm.at[blk], dst_v)
        for u in range(NBUF - 1):
            pltpu.async_copy(g_hbm.at[src_v.at[u]], bufs[u], sems[u])

        def body(k, carry):
            for u in range(NBUF):
                j = NBUF * k + u
                pltpu.make_async_copy(
                    g_hbm.at[src_v.at[j]], bufs[u], sems[u]).wait()
                pltpu.sync_copy(bufs[u], acc.at[dst_v.at[j]], add=True)
                un = (u + NBUF - 1) % NBUF

                @pl.when(j + NBUF - 1 < CPP)
                def _():
                    pltpu.async_copy(
                        g_hbm.at[src_v.at[j + NBUF - 1]], bufs[un], sems[un])

            return carry

        lax.fori_loop(0, CPP // NBUF, body, 0)

    plsc.subcore_barrier()
    for z in range(ROWS_PT // CHUNKR):
        r0 = s * ROWS_PT + z * CHUNKR
        pltpu.sync_copy(acc.at[pl.ds(r0, CHUNKR)], wb)
        pltpu.sync_copy(wb, out_hbm.at[c, pl.ds(r0, CHUNKR)])


@functools.lru_cache(maxsize=None)
def _seg_kernel_fn():
    return pl.kernel(
        _seg_body,
        out_type=jax.ShapeDtypeStruct((NC, NPADR, D), jnp.float32),
        mesh=_sc_mesh(),
        scratch_types=[
            pltpu.VMEM((CPP, SCHUNK), jnp.int32),
            pltpu.VMEM((CPP, SCHUNK), jnp.int32),
            pltpu.VMEM((SCHUNK, D), jnp.float32),
            pltpu.VMEM((SCHUNK, D), jnp.float32),
            pltpu.VMEM((SCHUNK, D), jnp.float32),
            pltpu.VMEM((SCHUNK, D), jnp.float32),
            pltpu.VMEM_SHARED((NPADR, D), jnp.float32),
            pltpu.SemaphoreType.DMA,
            pltpu.SemaphoreType.DMA,
            pltpu.SemaphoreType.DMA,
            pltpu.SemaphoreType.DMA,
        ],
    )


def _seg_kernel(src, dst, g, zero_rows):
    return _seg_kernel_fn()(src, dst, g, zero_rows)


def _pre_body(x_ref, w_ref, deg_ref, g_ref, dinv_ref):
    dinv = lax.rsqrt(deg_ref[...])
    h = jnp.dot(x_ref[...], w_ref[...], preferred_element_type=jnp.float32)
    g_ref[...] = h * dinv
    dinv_ref[...] = dinv


def _tc_pre(x, w, deg):
    return pl.pallas_call(
        _pre_body,
        grid=(NB,),
        in_specs=[
            pl.BlockSpec((RB, D), lambda b: (b, 0)),
            pl.BlockSpec((D, D), lambda b: (0, 0)),
            pl.BlockSpec((RB, 1), lambda b: (b, 0)),
        ],
        out_specs=[
            pl.BlockSpec((RB, D), lambda b: (b, 0)),
            pl.BlockSpec((RB, 1), lambda b: (b, 0)),
        ],
        out_shape=[
            jax.ShapeDtypeStruct((N, D), jnp.float32),
            jax.ShapeDtypeStruct((N, 1), jnp.float32),
        ],
    )(x, w, deg)


def _post_body(x_ref, e_ref, g_ref, dinv_ref, bgcn_ref, bnw_ref, bnb_ref,
               w1_ref, b1_ref, w2_ref, b2_ref, out_ref, y_ref, st_ref, cf_ref):
    p = pl.program_id(0)
    b = pl.program_id(1)
    rows = pl.ds(b * RB, RB)

    @pl.when(p == 0)
    def _():
        @pl.when(b == 0)
        def _():
            st_ref[...] = jnp.zeros_like(st_ref)

        e = e_ref[0] + e_ref[1]
        y = x_ref[...] + dinv_ref[...] * (e + g_ref[...]) + bgcn_ref[...]
        y_ref[rows, :] = y
        st_ref[0:1, :] += jnp.sum(y, axis=0, keepdims=True)
        st_ref[1:2, :] += jnp.sum(y * y, axis=0, keepdims=True)

    @pl.when(p == 1)
    def _():
        @pl.when(b == 0)
        def _():
            mean = st_ref[0:1, :] * (1.0 / N)
            var = st_ref[1:2, :] * (1.0 / N) - mean * mean
            sc = bnw_ref[...] * lax.rsqrt(var + EPS)
            cf_ref[0:1, :] = sc
            cf_ref[1:2, :] = bnb_ref[...] - mean * sc

        h1 = y_ref[rows, :] * cf_ref[0:1, :] + cf_ref[1:2, :]
        t = lax.dot_general(h1, w1_ref[...], (((1,), (1,)), ((), ())),
                            preferred_element_type=jnp.float32)
        t = jnp.maximum(t + b1_ref[...], 0.0)
        ff = lax.dot_general(t, w2_ref[...], (((1,), (1,)), ((), ())),
                             preferred_element_type=jnp.float32)
        z = h1 + ff + b2_ref[...]
        y_ref[rows, :] = z
        st_ref[2:3, :] += jnp.sum(z, axis=0, keepdims=True)
        st_ref[3:4, :] += jnp.sum(z * z, axis=0, keepdims=True)

    @pl.when(p == 2)
    def _():
        @pl.when(b == 0)
        def _():
            mean = st_ref[2:3, :] * (1.0 / N)
            var = st_ref[3:4, :] * (1.0 / N) - mean * mean
            sc = bnw_ref[...] * lax.rsqrt(var + EPS)
            cf_ref[2:3, :] = sc
            cf_ref[3:4, :] = bnb_ref[...] - mean * sc

        out_ref[...] = y_ref[rows, :] * cf_ref[2:3, :] + cf_ref[3:4, :]


def _tc_post(x, seg, g, dinv, bgcn, bnw, bnb, w1, b1, w2, b2):
    full = lambda shp: pl.BlockSpec(shp, lambda p, b: tuple(0 for _ in shp))
    return pl.pallas_call(
        _post_body,
        grid=(3, NB),
        in_specs=[
            pl.BlockSpec((RB, D), lambda p, b: (jnp.where(p == 0, b, 0), 0)),
            pl.BlockSpec((NC, RB, D),
                         lambda p, b: (0, jnp.where(p == 0, b, 0), 0)),
            pl.BlockSpec((RB, D), lambda p, b: (jnp.where(p == 0, b, 0), 0)),
            pl.BlockSpec((RB, 1), lambda p, b: (jnp.where(p == 0, b, 0), 0)),
            full((1, D)),
            full((1, D)),
            full((1, D)),
            full((DFF, D)),
            full((1, DFF)),
            full((D, DFF)),
            full((1, D)),
        ],
        out_specs=pl.BlockSpec((RB, D),
                               lambda p, b: (jnp.where(p == 2, b, 0), 0)),
        out_shape=jax.ShapeDtypeStruct((N, D), jnp.float32),
        scratch_shapes=[
            pltpu.VMEM((N, D), jnp.float32),
            pltpu.VMEM((8, D), jnp.float32),
            pltpu.VMEM((8, D), jnp.float32),
        ],
    )(x, seg, g, dinv, bgcn, bnw, bnb, w1, b1, w2, b2)


def kernel(x, edge_index, W_gcn, b_gcn, bn_w, bn_b, W1, b1, W2, b2):
    ei = edge_index.astype(jnp.int32)
    src = ei[0].reshape(NW, NCHUNK, CHUNK)
    dst = ei[1].reshape(NW, NCHUNK, CHUNK)
    src2 = ei[0].reshape(NW * NPH, CPP, SCHUNK)
    dst2 = ei[1].reshape(NW * NPH, CPP, SCHUNK)

    ones_pad = jnp.ones((128,), jnp.float32)
    zeros_deg = jnp.zeros((DEG_PT,), jnp.float32)
    zero_rows = jnp.zeros((CHUNKR, D), jnp.float32)

    deg_p = _deg_kernel(dst, ones_pad, zeros_deg)
    deg = (deg_p[0, :N] + deg_p[1, :N] + 1.0).reshape(N, 1)

    g, dinv = _tc_pre(x, W_gcn, deg)
    seg = _seg_kernel(src2, dst2, g, zero_rows)

    return _tc_post(x, seg, g, dinv,
                    b_gcn.reshape(1, D), bn_w.reshape(1, D), bn_b.reshape(1, D),
                    W1, b1.reshape(1, DFF), W2, b2.reshape(1, D))

# --- scband reference (transcript-rebuilt; emitter-appended) ---
"""Pipeline reference for scband-gnnlayer-24335284699303 (READ-ONLY COPY).

The authoritative reference and input builder live on the scoring server;
editing this copy changes nothing except your own understanding.
"""

import jax, jax.numpy as jnp
import numpy as np

N_NODES = 10000
N_EDGES = 320000
D = 128
D_FF = 512


def setup_inputs(seed: int = 0) -> dict:
    key = jax.random.key(seed)
    ks = jax.random.split(key, 12)
    x = jax.random.normal(ks[0], (N_NODES, D), dtype=jnp.float32)
    edge_index = jax.random.randint(ks[1], (2, N_EDGES), 0, N_NODES, dtype=jnp.int64)
    # GCNConv params (PyG: glorot weight, zero bias)
    lim = float(np.sqrt(6.0 / (D + D)))
    W_gcn = jax.random.uniform(ks[2], (D, D), dtype=jnp.float32, minval=-lim, maxval=lim)
    b_gcn = jnp.zeros((D,), dtype=jnp.float32)
    # BatchNorm1d affine params
    bn_w = jnp.ones((D,), dtype=jnp.float32)
    bn_b = jnp.zeros((D,), dtype=jnp.float32)
    # FF: Linear(D, 512) -> ReLU -> Linear(512, D), torch default init
    k1 = 1.0 / np.sqrt(D)
    W1 = jax.random.uniform(ks[3], (D_FF, D), dtype=jnp.float32, minval=-k1, maxval=k1)
    b1 = jax.random.uniform(ks[4], (D_FF,), dtype=jnp.float32, minval=-k1, maxval=k1)
    k2 = 1.0 / np.sqrt(D_FF)
    W2 = jax.random.uniform(ks[5], (D, D_FF), dtype=jnp.float32, minval=-k2, maxval=k2)
    b2 = jax.random.uniform(ks[6], (D,), dtype=jnp.float32, minval=-k2, maxval=k2)
    return {"x": x, "edge_index": edge_index, "W_gcn": W_gcn, "b_gcn": b_gcn,
            "bn_w": bn_w, "bn_b": bn_b, "W1": W1, "b1": b1, "W2": W2, "b2": b2}


def _batchnorm(x, w, b, eps=1e-5):
    # torch BatchNorm1d in training mode: biased batch statistics
    mean = jnp.mean(x, axis=0)
    var = jnp.var(x, axis=0)
    return (x - mean) / jnp.sqrt(var + eps) * w + b


def _gcn_conv(x, edge_index, W, bias):
    # PyG GCNConv: add self-loops, symmetric normalization D^-1/2 (A+I) D^-1/2 X W + b
    n = x.shape[0]
    loops = jnp.arange(n, dtype=edge_index.dtype)
    src = jnp.concatenate([edge_index[0], loops])
    dst = jnp.concatenate([edge_index[1], loops])
    deg = jnp.zeros((n,), dtype=x.dtype).at[dst].add(1.0)
    dinv = jnp.where(deg > 0, 1.0 / jnp.sqrt(deg), 0.0)
    norm = dinv[src] * dinv[dst]
    h = x @ W
    msg = h[src] * norm[:, None]
    out = jnp.zeros((n, h.shape[1]), dtype=x.dtype).at[dst].add(msg)
    return out + bias


def reference(x, edge_index, W_gcn, b_gcn, bn_w, bn_b, W1, b1, W2, b2):
    x_gnn = _gcn_conv(x, edge_index, W_gcn, b_gcn)
    h = _batchnorm(x + x_gnn, bn_w, bn_b)
    ff = jnp.maximum(h @ W1.T + b1, 0.0) @ W2.T + b2
    out = _batchnorm(h + ff, bn_w, bn_b)
    return out

if __name__ == "__main__":
    import jax
    _d = setup_inputs()
    print(jax.jit(kernel)(*tuple(_d.values())))

</pallas_src>

<mosaic_0001>
#map = affine_map<(d0, d1) -> (0, 0, 0)>
#map1 = affine_map<(d0, d1) -> (0)>
#map2 = affine_map<(d0, d1) -> (0, 0)>
module attributes {stable_mosaic.version = 14 : i64} {
  func.func @_deg_body(%arg0: i32, %arg1: i32, %arg2: memref<32x100x100xi32, #tpu.memory_space<hbm>>, %arg3: memref<128xf32, #tpu.memory_space<hbm>>, %arg4: memref<640xf32, #tpu.memory_space<hbm>>, %arg5: memref<2x10240xf32, #tpu.memory_space<hbm>>, %arg6: memref<100x100xi32, #tpu.memory_space<vmem>>, %arg7: memref<100xf32, #tpu.memory_space<vmem>>, %arg8: memref<640xf32, #tpu.memory_space<vmem>>, %arg9: memref<10240xf32, #tpu.memory_space<vmem_shared>>, %arg10: memref<!tpu.dma_semaphore, #tpu.memory_space<semaphore_mem>>) attributes {dimension_semantics = [#tpu.dimension_semantics<core_parallel>, #tpu.dimension_semantics<subcore_parallel>], iteration_bounds = array<i64: 2, 16>, scalar_prefetch = 0 : i64, scratch_operands = 5 : i64, tpu.core_type = #tpu.core_type<sc_vector_subcore>, window_params = [{transform_indices = #map}, {transform_indices = #map1}, {transform_indices = #map1}, {transform_indices = #map2}]} {
    %mul3A = arith.constant 16 : i32
    %mul3A_0 = arith.muli %arg0, %mul3A : i32
    %add3A = arith.addi %mul3A_0, %arg1 : i32
    "tpu.region"() ({
      %run_scoped3A = tpu.sem_alloc : memref<!tpu.dma_semaphore, #tpu.memory_space<semaphore_mem>>
      tpu.enqueue_dma source(%arg4 : memref<640xf32, #tpu.memory_space<hbm>>) target(%arg8 : memref<640xf32, #tpu.memory_space<vmem>>) target_semaphore(%run_scoped3A : memref<!tpu.dma_semaphore, #tpu.memory_space<semaphore_mem>>)
      tpu.wait_dma2 semaphore(%run_scoped3A : memref<!tpu.dma_semaphore, #tpu.memory_space<semaphore_mem>>) src(%arg4 : memref<640xf32, #tpu.memory_space<hbm>>) dst(%arg8 : memref<640xf32, #tpu.memory_space<vmem>>)
      tpu.yield
    }) : () -> ()
    %mul3A_1 = arith.constant 640 : i32
    %mul3A_2 = arith.muli %arg1, %mul3A_1 : i32
    "tpu.region"() ({
      %run_scoped3A = tpu.sem_alloc : memref<!tpu.dma_semaphore, #tpu.memory_space<semaphore_mem>>
      %dma_start3A = tpu.memref_slice %arg9[%mul3A_2] : memref<10240xf32, #tpu.memory_space<vmem_shared>> -> memref<640xf32, #tpu.memory_space<vmem_shared>>
      %dma_start3A_19 = tpu.memref_slice %arg9[%mul3A_2] : memref<10240xf32, #tpu.memory_space<vmem_shared>> -> memref<640xf32, #tpu.memory_space<vmem_shared>>
      tpu.enqueue_dma source(%arg8 : memref<640xf32, #tpu.memory_space<vmem>>) target(%dma_start3A_19 : memref<640xf32, #tpu.memory_space<vmem_shared>>) target_semaphore(%run_scoped3A : memref<!tpu.dma_semaphore, #tpu.memory_space<semaphore_mem>>)
      %dma_wait3A = tpu.memref_slice %arg9[%mul3A_2] : memref<10240xf32, #tpu.memory_space<vmem_shared>> -> memref<640xf32, #tpu.memory_space<vmem_shared>>
      %dma_wait3A_20 = tpu.memref_slice %arg9[%mul3A_2] : memref<10240xf32, #tpu.memory_space<vmem_shared>> -> memref<640xf32, #tpu.memory_space<vmem_shared>>
      tpu.wait_dma2 semaphore(%run_scoped3A : memref<!tpu.dma_semaphore, #tpu.memory_space<semaphore_mem>>) src(%arg8 : memref<640xf32, #tpu.memory_space<vmem>>) dst(%dma_wait3A_20 : memref<640xf32, #tpu.memory_space<vmem_shared>>)
      tpu.yield
    }) : () -> ()
    "tpu.region"() ({
      %run_scoped3A = tpu.sem_alloc : memref<!tpu.dma_semaphore, #tpu.memory_space<semaphore_mem>>
      %dma_start3A = arith.constant 0 : i32
      %dma_start3A_19 = arith.constant 0 : i32
      %dma_start3A_20 = tpu.memref_slice %arg2[%add3A, %dma_start3A, %dma_start3A_19] : memref<32x100x100xi32, #tpu.memory_space<hbm>> -> memref<1x100x100xi32, #tpu.memory_space<hbm>>
      %dma_start3A_21 = tpu.memref_squeeze %dma_start3A_20 : memref<1x100x100xi32, #tpu.memory_space<hbm>> -> memref<100x100xi32, #tpu.memory_space<hbm>>
      %dma_start3A_22 = arith.constant 0 : i32
      %dma_start3A_23 = arith.constant 0 : i32
      %dma_start3A_24 = tpu.memref_slice %arg2[%add3A, %dma_start3A_22, %dma_start3A_23] : memref<32x100x100xi32, #tpu.memory_space<hbm>> -> memref<1x100x100xi32, #tpu.memory_space<hbm>>
      %dma_start3A_25 = tpu.memref_squeeze %dma_start3A_24 : memref<1x100x100xi32, #tpu.memory_space<hbm>> -> memref<100x100xi32, #tpu.memory_space<hbm>>
      tpu.enqueue_dma source(%dma_start3A_25 : memref<100x100xi32, #tpu.memory_space<hbm>>) target(%arg6 : memref<100x100xi32, #tpu.memory_space<vmem>>) target_semaphore(%run_scoped3A : memref<!tpu.dma_semaphore, #tpu.memory_space<semaphore_mem>>)
      %dma_wait3A = arith.constant 0 : i32
      %dma_wait3A_26 = arith.constant 0 : i32
      %dma_wait3A_27 = tpu.memref_slice %arg2[%add3A, %dma_wait3A, %dma_wait3A_26] : memref<32x100x100xi32, #tpu.memory_space<hbm>> -> memref<1x100x100xi32, #tpu.memory_space<hbm>>
      %dma_wait3A_28 = tpu.memref_squeeze %dma_wait3A_27 : memref<1x100x100xi32, #tpu.memory_space<hbm>> -> memref<100x100xi32, #tpu.memory_space<hbm>>
      %dma_wait3A_29 = arith.constant 0 : i32
      %dma_wait3A_30 = arith.constant 0 : i32
      %dma_wait3A_31 = tpu.memref_slice %arg2[%add3A, %dma_wait3A_29, %dma_wait3A_30] : memref<32x100x100xi32, #tpu.memory_space<hbm>> -> memref<1x100x100xi32, #tpu.memory_space<hbm>>
      %dma_wait3A_32 = tpu.memref_squeeze %dma_wait3A_31 : memref<1x100x100xi32, #tpu.memory_space<hbm>> -> memref<100x100xi32, #tpu.memory_space<hbm>>
      tpu.wait_dma2 semaphore(%run_scoped3A : memref<!tpu.dma_semaphore, #tpu.memory_space<semaphore_mem>>) src(%dma_wait3A_32 : memref<100x100xi32, #tpu.memory_space<hbm>>) dst(%arg6 : memref<100x100xi32, #tpu.memory_space<vmem>>)
      tpu.yield
    }) : () -> ()
    "tpu.region"() ({
      %run_scoped3A = tpu.sem_alloc : memref<!tpu.dma_semaphore, #tpu.memory_space<semaphore_mem>>
      %dma_start3A = arith.constant 0 : i32
      %dma_start3A_19 = tpu.memref_slice %arg3[%dma_start3A] : memref<128xf32, #tpu.memory_space<hbm>> -> memref<100xf32, #tpu.memory_space<hbm>>
      %dma_start3A_20 = arith.constant 0 : i32
      %dma_start3A_21 = tpu.memref_slice %arg3[%dma_start3A_20] : memref<128xf32, #tpu.memory_space<hbm>> -> memref<100xf32, #tpu.memory_space<hbm>>
      tpu.enqueue_dma source(%dma_start3A_21 : memref<100xf32, #tpu.memory_space<hbm>>) target(%arg7 : memref<100xf32, #tpu.memory_space<vmem>>) target_semaphore(%run_scoped3A : memref<!tpu.dma_semaphore, #tpu.memory_space<semaphore_mem>>)
      %dma_wait3A = arith.constant 0 : i32
      %dma_wait3A_22 = tpu.memref_slice %arg3[%dma_wait3A] : memref<128xf32, #tpu.memory_space<hbm>> -> memref<100xf32, #tpu.memory_space<hbm>>
      %dma_wait3A_23 = arith.constant 0 : i32
      %dma_wait3A_24 = tpu.memref_slice %arg3[%dma_wait3A_23] : memref<128xf32, #tpu.memory_space<hbm>> -> memref<100xf32, #tpu.memory_space<hbm>>
      tpu.wait_dma2 semaphore(%run_scoped3A : memref<!tpu.dma_semaphore, #tpu.memory_space<semaphore_mem>>) src(%dma_wait3A_24 : memref<100xf32, #tpu.memory_space<hbm>>) dst(%arg7 : memref<100xf32, #tpu.memory_space<vmem>>)
      tpu.yield
    }) : () -> ()
    %barrier3A = arith.constant 0 : index
    tpu.barrier barrier_id(%barrier3A)
    %scan3A = arith.constant 0 : i32
    %scan3A_3 = arith.constant 0 : i32
    %scan3A_4 = arith.constant 100 : i32
    %scan3A_5 = arith.addi %scan3A_3, %scan3A_4 : i32
    %scan3A_6 = arith.constant 1 : i32
    scf.for %scan3A_19 = %scan3A_3 to %scan3A_5 step %scan3A_6  : i32 {
      %dma_start3A = arith.constant 0 : i32
      %dma_start3A_20 = tpu.memref_slice %arg6[%scan3A_19, %dma_start3A] : memref<100x100xi32, #tpu.memory_space<vmem>> -> memref<1x100xi32, #tpu.memory_space<vmem>>
      %dma_start3A_21 = tpu.memref_squeeze %dma_start3A_20 : memref<1x100xi32, #tpu.memory_space<vmem>> -> memref<100xi32, #tpu.memory_space<vmem>>
      %dma_start3A_22 = arith.constant 0 : i32
      %dma_start3A_23 = tpu.memref_slice %arg9[%dma_start3A_22] : memref<10240xf32, #tpu.memory_space<vmem_shared>> -> memref<10240xf32, #tpu.memory_space<vmem_shared>>
      tpu.enqueue_indirect_dma source(%arg7 : memref<100xf32, #tpu.memory_space<vmem>>) target(%dma_start3A_23 : memref<10240xf32, #tpu.memory_space<vmem_shared>>) offsets(%dma_start3A_21 : memref<100xi32, #tpu.memory_space<vmem>>) semaphore(%arg10 : memref<!tpu.dma_semaphore, #tpu.memory_space<semaphore_mem>>) {add = true}
    }
    %scan3A_7 = arith.constant 100 : i32
    %scan3A_8 = arith.constant 0 : i32
    %scan3A_9 = arith.constant 0 : i32
    %scan3A_10 = arith.constant 100 : i32
    %scan3A_11 = arith.addi %scan3A_9, %scan3A_10 : i32
    %scan3A_12 = arith.constant 1 : i32
    scf.for %scan3A_19 = %scan3A_9 to %scan3A_11 step %scan3A_12  : i32 {
      %dma_wait3A = arith.constant 0 : i32
      %dma_wait3A_20 = tpu.memref_slice %arg6[%scan3A_19, %dma_wait3A] : memref<100x100xi32, #tpu.memory_space<vmem>> -> memref<1x100xi32, #tpu.memory_space<vmem>>
      %dma_wait3A_21 = tpu.memref_squeeze %dma_wait3A_20 : memref<1x100xi32, #tpu.memory_space<vmem>> -> memref<100xi32, #tpu.memory_space<vmem>>
      %dma_wait3A_22 = arith.constant 0 : i32
      %dma_wait3A_23 = tpu.memref_slice %arg9[%dma_wait3A_22] : memref<10240xf32, #tpu.memory_space<vmem_shared>> -> memref<10240xf32, #tpu.memory_space<vmem_shared>>
      tpu.wait_indirect_dma semaphore(%arg10 : memref<!tpu.dma_semaphore, #tpu.memory_space<semaphore_mem>>) src(%arg7 : memref<100xf32, #tpu.memory_space<vmem>>) dst(%dma_wait3A_23 : memref<10240xf32, #tpu.memory_space<vmem_shared>>)
    }
    %scan3A_13 = arith.constant 100 : i32
    %barrier3A_14 = arith.constant 0 : index
    tpu.barrier barrier_id(%barrier3A_14)
    %mul3A_15 = arith.constant 640 : i32
    %mul3A_16 = arith.muli %arg1, %mul3A_15 : i32
    "tpu.region"() ({
      %run_scoped3A = tpu.sem_alloc : memref<!tpu.dma_semaphore, #tpu.memory_space<semaphore_mem>>
      %dma_start3A = tpu.memref_slice %arg9[%mul3A_16] : memref<10240xf32, #tpu.memory_space<vmem_shared>> -> memref<640xf32, #tpu.memory_space<vmem_shared>>
      %dma_start3A_19 = tpu.memref_slice %arg9[%mul3A_16] : memref<10240xf32, #tpu.memory_space<vmem_shared>> -> memref<640xf32, #tpu.memory_space<vmem_shared>>
      tpu.enqueue_dma source(%dma_start3A_19 : memref<640xf32, #tpu.memory_space<vmem_shared>>) target(%arg8 : memref<640xf32, #tpu.memory_space<vmem>>) target_semaphore(%run_scoped3A : memref<!tpu.dma_semaphore, #tpu.memory_space<semaphore_mem>>)
      %dma_wait3A = tpu.memref_slice %arg9[%mul3A_16] : memref<10240xf32, #tpu.memory_space<vmem_shared>> -> memref<640xf32, #tpu.memory_space<vmem_shared>>
      %dma_wait3A_20 = tpu.memref_slice %arg9[%mul3A_16] : memref<10240xf32, #tpu.memory_space<vmem_shared>> -> memref<640xf32, #tpu.memory_space<vmem_shared>>
      tpu.wait_dma2 semaphore(%run_scoped3A : memref<!tpu.dma_semaphore, #tpu.memory_space<semaphore_mem>>) src(%dma_wait3A_20 : memref<640xf32, #tpu.memory_space<vmem_shared>>) dst(%arg8 : memref<640xf32, #tpu.memory_space<vmem>>)
      tpu.yield
    }) : () -> ()
    %mul3A_17 = arith.constant 640 : i32
    %mul3A_18 = arith.muli %arg1, %mul3A_17 : i32
    "tpu.region"() ({
      %run_scoped3A = tpu.sem_alloc : memref<!tpu.dma_semaphore, #tpu.memory_space<semaphore_mem>>
      %dma_start3A = tpu.memref_slice %arg5[%arg0, %mul3A_18] : memref<2x10240xf32, #tpu.memory_space<hbm>> -> memref<1x640xf32, #tpu.memory_space<hbm>>
      %dma_start3A_19 = tpu.memref_squeeze %dma_start3A : memref<1x640xf32, #tpu.memory_space<hbm>> -> memref<640xf32, #tpu.memory_space<hbm>>
      %dma_start3A_20 = tpu.memref_slice %arg5[%arg0, %mul3A_18] : memref<2x10240xf32, #tpu.memory_space<hbm>> -> memref<1x640xf32, #tpu.memory_space<hbm>>
      %dma_start3A_21 = tpu.memref_squeeze %dma_start3A_20 : memref<1x640xf32, #tpu.memory_space<hbm>> -> memref<640xf32, #tpu.memory_space<hbm>>
      tpu.enqueue_dma source(%arg8 : memref<640xf32, #tpu.memory_space<vmem>>) target(%dma_start3A_21 : memref<640xf32, #tpu.memory_space<hbm>>) target_semaphore(%run_scoped3A : memref<!tpu.dma_semaphore, #tpu.memory_space<semaphore_mem>>)
      %dma_wait3A = tpu.memref_slice %arg5[%arg0, %mul3A_18] : memref<2x10240xf32, #tpu.memory_space<hbm>> -> memref<1x640xf32, #tpu.memory_space<hbm>>
      %dma_wait3A_22 = tpu.memref_squeeze %dma_wait3A : memref<1x640xf32, #tpu.memory_space<hbm>> -> memref<640xf32, #tpu.memory_space<hbm>>
      %dma_wait3A_23 = tpu.memref_slice %arg5[%arg0, %mul3A_18] : memref<2x10240xf32, #tpu.memory_space<hbm>> -> memref<1x640xf32, #tpu.memory_space<hbm>>
      %dma_wait3A_24 = tpu.memref_squeeze %dma_wait3A_23 : memref<1x640xf32, #tpu.memory_space<hbm>> -> memref<640xf32, #tpu.memory_space<hbm>>
      tpu.wait_dma2 semaphore(%run_scoped3A : memref<!tpu.dma_semaphore, #tpu.memory_space<semaphore_mem>>) src(%arg8 : memref<640xf32, #tpu.memory_space<vmem>>) dst(%dma_wait3A_24 : memref<640xf32, #tpu.memory_space<hbm>>)
      tpu.yield
    }) : () -> ()
    return
  }
}

#map = affine_map<(d0, d1) -> (0, 0, 0)>
#map1 = affine_map<(d0, d1) -> (0, 0)>
module attributes {stable_mosaic.version = 14 : i64} {
  func.func @_seg_body(%arg0: i32, %arg1: i32, %arg2: memref<160x40x50xi32, #tpu.memory_space<hbm>>, %arg3: memref<160x40x50xi32, #tpu.memory_space<hbm>>, %arg4: memref<10000x128xf32, #tpu.memory_space<hbm>>, %arg5: memref<40x128xf32, #tpu.memory_space<hbm>>, %arg6: memref<2x10240x128xf32, #tpu.memory_space<hbm>>, %arg7: memref<40x50xi32, #tpu.memory_space<vmem>>, %arg8: memref<40x50xi32, #tpu.memory_space<vmem>>, %arg9: memref<50x128xf32, #tpu.memory_space<vmem>>, %arg10: memref<50x128xf32, #tpu.memory_space<vmem>>, %arg11: memref<50x128xf32, #tpu.memory_space<vmem>>, %arg12: memref<50x128xf32, #tpu.memory_space<vmem>>, %arg13: memref<10240x128xf32, #tpu.memory_space<vmem_shared>>, %arg14: memref<!tpu.dma_semaphore, #tpu.memory_space<semaphore_mem>>, %arg15: memref<!tpu.dma_semaphore, #tpu.memory_space<semaphore_mem>>, %arg16: memref<!tpu.dma_semaphore, #tpu.memory_space<semaphore_mem>>, %arg17: memref<!tpu.dma_semaphore, #tpu.memory_space<semaphore_mem>>) attributes {dimension_semantics = [#tpu.dimension_semantics<core_parallel>, #tpu.dimension_semantics<subcore_parallel>], iteration_bounds = array<i64: 2, 16>, scalar_prefetch = 0 : i64, scratch_operands = 11 : i64, tpu.core_type = #tpu.core_type<sc_vector_subcore>, window_params = [{transform_indices = #map}, {transform_indices = #map}, {transform_indices = #map1}, {transform_indices = #map1}, {transform_indices = #map}]} {
    %mul3A = arith.constant 16 : i32
    %mul3A_0 = arith.muli %arg0, %mul3A : i32
    %add3A = arith.addi %mul3A_0, %arg1 : i32
    "tpu.region"() ({
      %run_scoped3A = tpu.sem_alloc : memref<!tpu.dma_semaphore, #tpu.memory_space<semaphore_mem>>
      %dma_start3A_283 = arith.constant 0 : i32
      %dma_start3A_284 = arith.constant 0 : i32
      %dma_start3A_285 = tpu.memref_slice %arg9[%dma_start3A_283, %dma_start3A_284] : memref<50x128xf32, #tpu.memory_space<vmem>> -> memref<40x128xf32, #tpu.memory_space<vmem>>
      %dma_start3A_286 = arith.constant 0 : i32
      %dma_start3A_287 = arith.constant 0 : i32
      %dma_start3A_288 = tpu.memref_slice %arg9[%dma_start3A_286, %dma_start3A_287] : memref<50x128xf32, #tpu.memory_space<vmem>> -> memref<40x128xf32, #tpu.memory_space<vmem>>
      tpu.enqueue_dma source(%arg5 : memref<40x128xf32, #tpu.memory_space<hbm>>) target(%dma_start3A_288 : memref<40x128xf32, #tpu.memory_space<vmem>>) target_semaphore(%run_scoped3A : memref<!tpu.dma_semaphore, #tpu.memory_space<semaphore_mem>>)
      %dma_wait3A = arith.constant 0 : i32
      %dma_wait3A_289 = arith.constant 0 : i32
      %dma_wait3A_290 = tpu.memref_slice %arg9[%dma_wait3A, %dma_wait3A_289] : memref<50x128xf32, #tpu.memory_space<vmem>> -> memref<40x128xf32, #tpu.memory_space<vmem>>
      %dma_wait3A_291 = arith.constant 0 : i32
      %dma_wait3A_292 = arith.constant 0 : i32
      %dma_wait3A_293 = tpu.memref_slice %arg9[%dma_wait3A_291, %dma_wait3A_292] : memref<50x128xf32, #tpu.memory_space<vmem>> -> memref<40x128xf32, #tpu.memory_space<vmem>>
      tpu.wait_dma2 semaphore(%run_scoped3A : memref<!tpu.dma_semaphore, #tpu.memory_space<semaphore_mem>>) src(%arg5 : memref<40x128xf32, #tpu.memory_space<hbm>>) dst(%dma_wait3A_293 : memref<40x128xf32, #tpu.memory_space<vmem>>)
      tpu.yield
    }) : () -> ()
    %mul3A_1 = arith.constant 640 : i32
    %mul3A_2 = arith.muli %arg1, %mul3A_1 : i32
    %add3A_3 = arith.constant 0 : i32
    %add3A_4 = arith.addi %mul3A_2, %add3A_3 : i32
    "tpu.region"() ({
      %run_scoped3A = tpu.sem_alloc : memref<!tpu.dma_semaphore, #tpu.memory_space<semaphore_mem>>
      %dma_start3A_283 = arith.constant 0 : i32
      %dma_start3A_284 = arith.constant 0 : i32
      %dma_start3A_285 = tpu.memref_slice %arg9[%dma_start3A_283, %dma_start3A_284] : memref<50x128xf32, #tpu.memory_space<vmem>> -> memref<40x128xf32, #tpu.memory_space<vmem>>
      %dma_start3A_286 = arith.constant 0 : i32
      %dma_start3A_287 = tpu.memref_slice %arg13[%add3A_4, %dma_start3A_286] : memref<10240x128xf32, #tpu.memory_space<vmem_shared>> -> memref<40x128xf32, #tpu.memory_space<vmem_shared>>
      %dma_start3A_288 = arith.constant 0 : i32
      %dma_start3A_289 = tpu.memref_slice %arg13[%add3A_4, %dma_start3A_288] : memref<10240x128xf32, #tpu.memory_space<vmem_shared>> -> memref<40x128xf32, #tpu.memory_space<vmem_shared>>
      %dma_start3A_290 = arith.constant 0 : i32
      %dma_start3A_291 = arith.constant 0 : i32
      %dma_start3A_292 = tpu.memref_slice %arg9[%dma_start3A_290, %dma_start3A_291] : memref<50x128xf32, #tpu.memory_space<vmem>> -> memref<40x128xf32, #tpu.memory_space<vmem>>
      tpu.enqueue_dma source(%dma_start3A_292 : memref<40x128xf32, #tpu.memory_space<vmem>>) target(%dma_start3A_289 : memref<40x128xf32, #tpu.memory_space<vmem_shared>>) target_semaphore(%run_scoped3A : memref<!tpu.dma_semaphore, #tpu.memory_space<semaphore_mem>>)
      %dma_wait3A = arith.constant 0 : i32
      %dma_wait3A_293 = arith.constant 0 : i32
      %dma_wait3A_294 = tpu.memref_slice %arg9[%dma_wait3A, %dma_wait3A_293] : memref<50x128xf32, #tpu.memory_space<vmem>> -> memref<40x128xf32, #tpu.memory_space<vmem>>
      %dma_wait3A_295 = arith.constant 0 : i32
      %dma_wait3A_296 = tpu.memref_slice %arg13[%add3A_4, %dma_wait3A_295] : memref<10240x128xf32, #tpu.memory_space<vmem_shared>> -> memref<40x128xf32, #tpu.memory_space<vmem_shared>>
      %dma_wait3A_297 = arith.constant 0 : i32
      %dma_wait3A_298 = tpu.memref_slice %arg13[%add3A_4, %dma_wait3A_297] : memref<10240x128xf32, #tpu.memory_space<vmem_shared>> -> memref<40x128xf32, #tpu.memory_space<vmem_shared>>
      %dma_wait3A_299 = arith.constant 0 : i32
      %dma_wait3A_300 = arith.constant 0 : i32
      %dma_wait3A_301 = tpu.memref_slice %arg9[%dma_wait3A_299, %dma_wait3A_300] : memref<50x128xf32, #tpu.memory_space<vmem>> -> memref<40x128xf32, #tpu.memory_space<vmem>>
      tpu.wait_dma2 semaphore(%run_scoped3A : memref<!tpu.dma_semaphore, #tpu.memory_space<semaphore_mem>>) src(%dma_wait3A_301 : memref<40x128xf32, #tpu.memory_space<vmem>>) dst(%dma_wait3A_298 : memref<40x128xf32, #tpu.memory_space<vmem_shared>>)
      tpu.yield
    }) : () -> ()
    %mul3A_5 = arith.constant 640 : i32
    %mul3A_6 = arith.muli %arg1, %mul3A_5 : i32
    %add3A_7 = arith.constant 40 : i32
    %add3A_8 = arith.addi %mul3A_6, %add3A_7 : i32
    "tpu.region"() ({
      %run_scoped3A = tpu.sem_alloc : memref<!tpu.dma_semaphore, #tpu.memory_space<semaphore_mem>>
      %dma_start3A_283 = arith.constant 0 : i32
      %dma_start3A_284 = arith.constant 0 : i32
      %dma_start3A_285 = tpu.memref_slice %arg9[%dma_start3A_283, %dma_start3A_284] : memref<50x128xf32, #tpu.memory_space<vmem>> -> memref<40x128xf32, #tpu.memory_space<vmem>>
      %dma_start3A_286 = arith.constant 0 : i32
      %dma_start3A_287 = tpu.memref_slice %arg13[%add3A_8, %dma_start3A_286] : memref<10240x128xf32, #tpu.memory_space<vmem_shared>> -> memref<40x128xf32, #tpu.memory_space<vmem_shared>>
      %dma_start3A_288 = arith.constant 0 : i32
      %dma_start3A_289 = tpu.memref_slice %arg13[%add3A_8, %dma_start3A_288] : memref<10240x128xf32, #tpu.memory_space<vmem_shared>> -> memref<40x128xf32, #tpu.memory_space<vmem_shared>>
      %dma_start3A_290 = arith.constant 0 : i32
      %dma_start3A_291 = arith.constant 0 : i32
      %dma_start3A_292 = tpu.memref_slice %arg9[%dma_start3A_290, %dma_start3A_291] : memref<50x128xf32, #tpu.memory_space<vmem>> -> memref<40x128xf32, #tpu.memory_space<vmem>>
      tpu.enqueue_dma source(%dma_start3A_292 : memref<40x128xf32, #tpu.memory_space<vmem>>) target(%dma_start3A_289 : memref<40x128xf32, #tpu.memory_space<vmem_shared>>) target_semaphore(%run_scoped3A : memref<!tpu.dma_semaphore, #tpu.memory_space<semaphore_mem>>)
      %dma_wait3A = arith.constant 0 : i32
      %dma_wait3A_293 = arith.constant 0 : i32
      %dma_wait3A_294 = tpu.memref_slice %arg9[%dma_wait3A, %dma_wait3A_293] : memref<50x128xf32, #tpu.memory_space<vmem>> -> memref<40x128xf32, #tpu.memory_space<vmem>>
      %dma_wait3A_295 = arith.constant 0 : i32
      %dma_wait3A_296 = tpu.memref_slice %arg13[%add3A_8, %dma_wait3A_295] : memref<10240x128xf32, #tpu.memory_space<vmem_shared>> -> memref<40x128xf32, #tpu.memory_space<vmem_shared>>
      %dma_wait3A_297 = arith.constant 0 : i32
      %dma_wait3A_298 = tpu.memref_slice %arg13[%add3A_8, %dma_wait3A_297] : memref<10240x128xf32, #tpu.memory_space<vmem_shared>> -> memref<40x128xf32, #tpu.memory_space<vmem_shared>>
      %dma_wait3A_299 = arith.constant 0 : i32
      %dma_wait3A_300 = arith.constant 0 : i32
      %dma_wait3A_301 = tpu.memref_slice %arg9[%dma_wait3A_299, %dma_wait3A_300] : memref<50x128xf32, #tpu.memory_space<vmem>> -> memref<40x128xf32, #tpu.memory_space<vmem>>
      tpu.wait_dma2 semaphore(%run_scoped3A : memref<!tpu.dma_semaphore, #tpu.memory_space<semaphore_mem>>) src(%dma_wait3A_301 : memref<40x128xf32, #tpu.memory_space<vmem>>) dst(%dma_wait3A_298 : memref<40x128xf32, #tpu.memory_space<vmem_shared>>)
      tpu.yield
    }) : () -> ()
    %mul3A_9 = arith.constant 640 : i32
    %mul3A_10 = arith.muli %arg1, %mul3A_9 : i32
    %add3A_11 = arith.constant 80 : i32
    %add3A_12 = arith.addi %mul3A_10, %add3A_11 : i32
    "tpu.region"() ({
      %run_scoped3A = tpu.sem_alloc : memref<!tpu.dma_semaphore, #tpu.memory_space<semaphore_mem>>
      %dma_start3A_283 = arith.constant 0 : i32
      %dma_start3A_284 = arith.constant 0 : i32
      %dma_start3A_285 = tpu.memref_slice %arg9[%dma_start3A_283, %dma_start3A_284] : memref<50x128xf32, #tpu.memory_space<vmem>> -> memref<40x128xf32, #tpu.memory_space<vmem>>
      %dma_start3A_286 = arith.constant 0 : i32
      %dma_start3A_287 = tpu.memref_slice %arg13[%add3A_12, %dma_start3A_286] : memref<10240x128xf32, #tpu.memory_space<vmem_shared>> -> memref<40x128xf32, #tpu.memory_space<vmem_shared>>
      %dma_start3A_288 = arith.constant 0 : i32
      %dma_start3A_289 = tpu.memref_slice %arg13[%add3A_12, %dma_start3A_288] : memref<10240x128xf32, #tpu.memory_space<vmem_shared>> -> memref<40x128xf32, #tpu.memory_space<vmem_shared>>
      %dma_start3A_290 = arith.constant 0 : i32
      %dma_start3A_291 = arith.constant 0 : i32
      %dma_start3A_292 = tpu.memref_slice %arg9[%dma_start3A_290, %dma_start3A_291] : memref<50x128xf32, #tpu.memory_space<vmem>> -> memref<40x128xf32, #tpu.memory_space<vmem>>
      tpu.enqueue_dma source(%dma_start3A_292 : memref<40x128xf32, #tpu.memory_space<vmem>>) target(%dma_start3A_289 : memref<40x128xf32, #tpu.memory_space<vmem_shared>>) target_semaphore(%run_scoped3A : memref<!tpu.dma_semaphore, #tpu.memory_space<semaphore_mem>>)
      %dma_wait3A = arith.constant 0 : i32
      %dma_wait3A_293 = arith.constant 0 : i32
      %dma_wait3A_294 = tpu.memref_slice %arg9[%dma_wait3A, %dma_wait3A_293] : memref<50x128xf32, #tpu.memory_space<vmem>> -> memref<40x128xf32, #tpu.memory_space<vmem>>
      %dma_wait3A_295 = arith.constant 0 : i32
      %dma_wait3A_296 = tpu.memref_slice %arg13[%add3A_12, %dma_wait3A_295] : memref<10240x128xf32, #tpu.memory_space<vmem_shared>> -> memref<40x128xf32, #tpu.memory_space<vmem_shared>>
      %dma_wait3A_297 = arith.constant 0 : i32
      %dma_wait3A_298 = tpu.memref_slice %arg13[%add3A_12, %dma_wait3A_297] : memref<10240x128xf32, #tpu.memory_space<vmem_shared>> -> memref<40x128xf32, #tpu.memory_space<vmem_shared>>
      %dma_wait3A_299 = arith.constant 0 : i32
      %dma_wait3A_300 = arith.constant 0 : i32
      %dma_wait3A_301 = tpu.memref_slice %arg9[%dma_wait3A_299, %dma_wait3A_300] : memref<50x128xf32, #tpu.memory_space<vmem>> -> memref<40x128xf32, #tpu.memory_space<vmem>>
      tpu.wait_dma2 semaphore(%run_scoped3A : memref<!tpu.dma_semaphore, #tpu.memory_space<semaphore_mem>>) src(%dma_wait3A_301 : memref<40x128xf32, #tpu.memory_space<vmem>>) dst(%dma_wait3A_298 : memref<40x128xf32, #tpu.memory_space<vmem_shared>>)
      tpu.yield
    }) : () -> ()
    %mul3A_13 = arith.constant 640 : i32
    %mul3A_14 = arith.muli %arg1, %mul3A_13 : i32
    %add3A_15 = arith.constant 120 : i32
    %add3A_16 = arith.addi %mul3A_14, %add3A_15 : i32
    "tpu.region"() ({
      %run_scoped3A = tpu.sem_alloc : memref<!tpu.dma_semaphore, #tpu.memory_space<semaphore_mem>>
      %dma_start3A_283 = arith.constant 0 : i32
      %dma_start3A_284 = arith.constant 0 : i32
      %dma_start3A_285 = tpu.memref_slice %arg9[%dma_start3A_283, %dma_start3A_284] : memref<50x128xf32, #tpu.memory_space<vmem>> -> memref<40x128xf32, #tpu.memory_space<vmem>>
      %dma_start3A_286 = arith.constant 0 : i32
      %dma_start3A_287 = tpu.memref_slice %arg13[%add3A_16, %dma_start3A_286] : memref<10240x128xf32, #tpu.memory_space<vmem_shared>> -> memref<40x128xf32, #tpu.memory_space<vmem_shared>>
      %dma_start3A_288 = arith.constant 0 : i32
      %dma_start3A_289 = tpu.memref_slice %arg13[%add3A_16, %dma_start3A_288] : memref<10240x128xf32, #tpu.memory_space<vmem_shared>> -> memref<40x128xf32, #tpu.memory_space<vmem_shared>>
      %dma_start3A_290 = arith.constant 0 : i32
      %dma_start3A_291 = arith.constant 0 : i32
      %dma_start3A_292 = tpu.memref_slice %arg9[%dma_start3A_290, %dma_start3A_291] : memref<50x128xf32, #tpu.memory_space<vmem>> -> memref<40x128xf32, #tpu.memory_space<vmem>>
      tpu.enqueue_dma source(%dma_start3A_292 : memref<40x128xf32, #tpu.memory_space<vmem>>) target(%dma_start3A_289 : memref<40x128xf32, #tpu.memory_space<vmem_shared>>) target_semaphore(%run_scoped3A : memref<!tpu.dma_semaphore, #tpu.memory_space<semaphore_mem>>)
      %dma_wait3A = arith.constant 0 : i32
      %dma_wait3A_293 = arith.constant 0 : i32
      %dma_wait3A_294 = tpu.memref_slice %arg9[%dma_wait3A, %dma_wait3A_293] : memref<50x128xf32, #tpu.memory_space<vmem>> -> memref<40x128xf32, #tpu.memory_space<vmem>>
      %dma_wait3A_295 = arith.constant 0 : i32
      %dma_wait3A_296 = tpu.memref_slice %arg13[%add3A_16, %dma_wait3A_295] : memref<10240x128xf32, #tpu.memory_space<vmem_shared>> -> memref<40x128xf32, #tpu.memory_space<vmem_shared>>
      %dma_wait3A_297 = arith.constant 0 : i32
      %dma_wait3A_298 = tpu.memref_slice %arg13[%add3A_16, %dma_wait3A_297] : memref<10240x128xf32, #tpu.memory_space<vmem_shared>> -> memref<40x128xf32, #tpu.memory_space<vmem_shared>>
      %dma_wait3A_299 = arith.constant 0 : i32
      %dma_wait3A_300 = arith.constant 0 : i32
      %dma_wait3A_301 = tpu.memref_slice %arg9[%dma_wait3A_299, %dma_wait3A_300] : memref<50x128xf32, #tpu.memory_space<vmem>> -> memref<40x128xf32, #tpu.memory_space<vmem>>
      tpu.wait_dma2 semaphore(%run_scoped3A : memref<!tpu.dma_semaphore, #tpu.memory_space<semaphore_mem>>) src(%dma_wait3A_301 : memref<40x128xf32, #tpu.memory_space<vmem>>) dst(%dma_wait3A_298 : memref<40x128xf32, #tpu.memory_space<vmem_shared>>)
      tpu.yield
    }) : () -> ()
    %mul3A_17 = arith.constant 640 : i32
    %mul3A_18 = arith.muli %arg1, %mul3A_17 : i32
    %add3A_19 = arith.constant 160 : i32
    %add3A_20 = arith.addi %mul3A_18, %add3A_19 : i32
    "tpu.region"() ({
      %run_scoped3A = tpu.sem_alloc : memref<!tpu.dma_semaphore, #tpu.memory_space<semaphore_mem>>
      %dma_start3A_283 = arith.constant 0 : i32
      %dma_start3A_284 = arith.constant 0 : i32
      %dma_start3A_285 = tpu.memref_slice %arg9[%dma_start3A_283, %dma_start3A_284] : memref<50x128xf32, #tpu.memory_space<vmem>> -> memref<40x128xf32, #tpu.memory_space<vmem>>
      %dma_start3A_286 = arith.constant 0 : i32
      %dma_start3A_287 = tpu.memref_slice %arg13[%add3A_20, %dma_start3A_286] : memref<10240x128xf32, #tpu.memory_space<vmem_shared>> -> memref<40x128xf32, #tpu.memory_space<vmem_shared>>
      %dma_start3A_288 = arith.constant 0 : i32
      %dma_start3A_289 = tpu.memref_slice %arg13[%add3A_20, %dma_start3A_288] : memref<10240x128xf32, #tpu.memory_space<vmem_shared>> -> memref<40x128xf32, #tpu.memory_space<vmem_shared>>
      %dma_start3A_290 = arith.constant 0 : i32
      %dma_start3A_291 = arith.constant 0 : i32
      %dma_start3A_292 = tpu.memref_slice %arg9[%dma_start3A_290, %dma_start3A_291] : memref<50x128xf32, #tpu.memory_space<vmem>> -> memref<40x128xf32, #tpu.memory_space<vmem>>
      tpu.enqueue_dma source(%dma_start3A_292 : memref<40x128xf32, #tpu.memory_space<vmem>>) target(%dma_start3A_289 : memref<40x128xf32, #tpu.memory_space<vmem_shared>>) target_semaphore(%run_scoped3A : memref<!tpu.dma_semaphore, #tpu.memory_space<semaphore_mem>>)
      %dma_wait3A = arith.constant 0 : i32
      %dma_wait3A_293 = arith.constant 0 : i32
      %dma_wait3A_294 = tpu.memref_slice %arg9[%dma_wait3A, %dma_wait3A_293] : memref<50x128xf32, #tpu.memory_space<vmem>> -> memref<40x128xf32, #tpu.memory_space<vmem>>
      %dma_wait3A_295 = arith.constant 0 : i32
      %dma_wait3A_296 = tpu.memref_slice %arg13[%add3A_20, %dma_wait3A_295] : memref<10240x128xf32, #tpu.memory_space<vmem_shared>> -> memref<40x128xf32, #tpu.memory_space<vmem_shared>>
      %dma_wait3A_297 = arith.constant 0 : i32
      %dma_wait3A_298 = tpu.memref_slice %arg13[%add3A_20, %dma_wait3A_297] : memref<10240x128xf32, #tpu.memory_space<vmem_shared>> -> memref<40x128xf32, #tpu.memory_space<vmem_shared>>
      %dma_wait3A_299 = arith.constant 0 : i32
      %dma_wait3A_300 = arith.constant 0 : i32
      %dma_wait3A_301 = tpu.memref_slice %arg9[%dma_wait3A_299, %dma_wait3A_300] : memref<50x128xf32, #tpu.memory_space<vmem>> -> memref<40x128xf32, #tpu.memory_space<vmem>>
      tpu.wait_dma2 semaphore(%run_scoped3A : memref<!tpu.dma_semaphore, #tpu.memory_space<semaphore_mem>>) src(%dma_wait3A_301 : memref<40x128xf32, #tpu.memory_space<vmem>>) dst(%dma_wait3A_298 : memref<40x128xf32, #tpu.memory_space<vmem_shared>>)
      tpu.yield
    }) : () -> ()
    %mul3A_21 = arith.constant 640 : i32
    %mul3A_22 = arith.muli %arg1, %mul3A_21 : i32
    %add3A_23 = arith.constant 200 : i32
    %add3A_24 = arith.addi %mul3A_22, %add3A_23 : i32
    "tpu.region"() ({
      %run_scoped3A = tpu.sem_alloc : memref<!tpu.dma_semaphore, #tpu.memory_space<semaphore_mem>>
      %dma_start3A_283 = arith.constant 0 : i32
      %dma_start3A_284 = arith.constant 0 : i32
      %dma_start3A_285 = tpu.memref_slice %arg9[%dma_start3A_283, %dma_start3A_284] : memref<50x128xf32, #tpu.memory_space<vmem>> -> memref<40x128xf32, #tpu.memory_space<vmem>>
      %dma_start3A_286 = arith.constant 0 : i32
      %dma_start3A_287 = tpu.memref_slice %arg13[%add3A_24, %dma_start3A_286] : memref<10240x128xf32, #tpu.memory_space<vmem_shared>> -> memref<40x128xf32, #tpu.memory_space<vmem_shared>>
      %dma_start3A_288 = arith.constant 0 : i32
      %dma_start3A_289 = tpu.memref_slice %arg13[%add3A_24, %dma_start3A_288] : memref<10240x128xf32, #tpu.memory_space<vmem_shared>> -> memref<40x128xf32, #tpu.memory_space<vmem_shared>>
      %dma_start3A_290 = arith.constant 0 : i32
      %dma_start3A_291 = arith.constant 0 : i32
      %dma_start3A_292 = tpu.memref_slice %arg9[%dma_start3A_290, %dma_start3A_291] : memref<50x128xf32, #tpu.memory_space<vmem>> -> memref<40x128xf32, #tpu.memory_space<vmem>>
      tpu.enqueue_dma source(%dma_start3A_292 : memref<40x128xf32, #tpu.memory_space<vmem>>) target(%dma_start3A_289 : memref<40x128xf32, #tpu.memory_space<vmem_shared>>) target_semaphore(%run_scoped3A : memref<!tpu.dma_semaphore, #tpu.memory_space<semaphore_mem>>)
      %dma_wait3A = arith.constant 0 : i32
      %dma_wait3A_293 = arith.constant 0 : i32
      %dma_wait3A_294 = tpu.memref_slice %arg9[%dma_wait3A, %dma_wait3A_293] : memref<50x128xf32, #tpu.memory_space<vmem>> -> memref<40x128xf32, #tpu.memory_space<vmem>>
      %dma_wait3A_295 = arith.constant 0 : i32
      %dma_wait3A_296 = tpu.memref_slice %arg13[%add3A_24, %dma_wait3A_295] : memref<10240x128xf32, #tpu.memory_space<vmem_shared>> -> memref<40x128xf32, #tpu.memory_space<vmem_shared>>
      %dma_wait3A_297 = arith.constant 0 : i32
      %dma_wait3A_298 = tpu.memref_slice %arg13[%add3A_24, %dma_wait3A_297] : memref<10240x128xf32, #tpu.memory_space<vmem_shared>> -> memref<40x128xf32, #tpu.memory_space<vmem_shared>>
      %dma_wait3A_299 = arith.constant 0 : i32
      %dma_wait3A_300 = arith.constant 0 : i32
      %dma_wait3A_301 = tpu.memref_slice %arg9[%dma_wait3A_299, %dma_wait3A_300] : memref<50x128xf32, #tpu.memory_space<vmem>> -> memref<40x128xf32, #tpu.memory_space<vmem>>
      tpu.wait_dma2 semaphore(%run_scoped3A : memref<!tpu.dma_semaphore, #tpu.memory_space<semaphore_mem>>) src(%dma_wait3A_301 : memref<40x128xf32, #tpu.memory_space<vmem>>) dst(%dma_wait3A_298 : memref<40x128xf32, #tpu.memory_space<vmem_shared>>)
      tpu.yield
    }) : () -> ()
    %mul3A_25 = arith.constant 640 : i32
    %mul3A_26 = arith.muli %arg1, %mul3A_25 : i32
    %add3A_27 = arith.constant 240 : i32
    %add3A_28 = arith.addi %mul3A_26, %add3A_27 : i32
    "tpu.region"() ({
      %run_scoped3A = tpu.sem_alloc : memref<!tpu.dma_semaphore, #tpu.memory_space<semaphore_mem>>
      %dma_start3A_283 = arith.constant 0 : i32
      %dma_start3A_284 = arith.constant 0 : i32
      %dma_start3A_285 = tpu.memref_slice %arg9[%dma_start3A_283, %dma_start3A_284] : memref<50x128xf32, #tpu.memory_space<vmem>> -> memref<40x128xf32, #tpu.memory_space<vmem>>
      %dma_start3A_286 = arith.constant 0 : i32
      %dma_start3A_287 = tpu.memref_slice %arg13[%add3A_28, %dma_start3A_286] : memref<10240x128xf32, #tpu.memory_space<vmem_shared>> -> memref<40x128xf32, #tpu.memory_space<vmem_shared>>
      %dma_start3A_288 = arith.constant 0 : i32
      %dma_start3A_289 = tpu.memref_slice %arg13[%add3A_28, %dma_start3A_288] : memref<10240x128xf32, #tpu.memory_space<vmem_shared>> -> memref<40x128xf32, #tpu.memory_space<vmem_shared>>
      %dma_start3A_290 = arith.constant 0 : i32
      %dma_start3A_291 = arith.constant 0 : i32
      %dma_start3A_292 = tpu.memref_slice %arg9[%dma_start3A_290, %dma_start3A_291] : memref<50x128xf32, #tpu.memory_space<vmem>> -> memref<40x128xf32, #tpu.memory_space<vmem>>
      tpu.enqueue_dma source(%dma_start3A_292 : memref<40x128xf32, #tpu.memory_space<vmem>>) target(%dma_start3A_289 : memref<40x128xf32, #tpu.memory_space<vmem_shared>>) target_semaphore(%run_scoped3A : memref<!tpu.dma_semaphore, #tpu.memory_space<semaphore_mem>>)
      %dma_wait3A = arith.constant 0 : i32
      %dma_wait3A_293 = arith.constant 0 : i32
      %dma_wait3A_294 = tpu.memref_slice %arg9[%dma_wait3A, %dma_wait3A_293] : memref<50x128xf32, #tpu.memory_space<vmem>> -> memref<40x128xf32, #tpu.memory_space<vmem>>
      %dma_wait3A_295 = arith.constant 0 : i32
      %dma_wait3A_296 = tpu.memref_slice %arg13[%add3A_28, %dma_wait3A_295] : memref<10240x128xf32, #tpu.memory_space<vmem_shared>> -> memref<40x128xf32, #tpu.memory_space<vmem_shared>>
      %dma_wait3A_297 = arith.constant 0 : i32
      %dma_wait3A_298 = tpu.memref_slice %arg13[%add3A_28, %dma_wait3A_297] : memref<10240x128xf32, #tpu.memory_space<vmem_shared>> -> memref<40x128xf32, #tpu.memory_space<vmem_shared>>
      %dma_wait3A_299 = arith.constant 0 : i32
      %dma_wait3A_300 = arith.constant 0 : i32
      %dma_wait3A_301 = tpu.memref_slice %arg9[%dma_wait3A_299, %dma_wait3A_300] : memref<50x128xf32, #tpu.memory_space<vmem>> -> memref<40x128xf32, #tpu.memory_space<vmem>>
      tpu.wait_dma2 semaphore(%run_scoped3A : memref<!tpu.dma_semaphore, #tpu.memory_space<semaphore_mem>>) src(%dma_wait3A_301 : memref<40x128xf32, #tpu.memory_space<vmem>>) dst(%dma_wait3A_298 : memref<40x128xf32, #tpu.memory_space<vmem_shared>>)
      tpu.yield
    }) : () -> ()
    %mul3A_29 = arith.constant 640 : i32
    %mul3A_30 = arith.muli %arg1, %mul3A_29 : i32
    %add3A_31 = arith.constant 280 : i32
    %add3A_32 = arith.addi %mul3A_30, %add3A_31 : i32
    "tpu.region"() ({
      %run_scoped3A = tpu.sem_alloc : memref<!tpu.dma_semaphore, #tpu.memory_space<semaphore_mem>>
      %dma_start3A_283 = arith.constant 0 : i32
      %dma_start3A_284 = arith.constant 0 : i32
      %dma_start3A_285 = tpu.memref_slice %arg9[%dma_start3A_283, %dma_start3A_284] : memref<50x128xf32, #tpu.memory_space<vmem>> -> memref<40x128xf32, #tpu.memory_space<vmem>>
      %dma_start3A_286 = arith.constant 0 : i32
      %dma_start3A_287 = tpu.memref_slice %arg13[%add3A_32, %dma_start3A_286] : memref<10240x128xf32, #tpu.memory_space<vmem_shared>> -> memref<40x128xf32, #tpu.memory_space<vmem_shared>>
      %dma_start3A_288 = arith.constant 0 : i32
      %dma_start3A_289 = tpu.memref_slice %arg13[%add3A_32, %dma_start3A_288] : memref<10240x128xf32, #tpu.memory_space<vmem_shared>> -> memref<40x128xf32, #tpu.memory_space<vmem_shared>>
      %dma_start3A_290 = arith.constant 0 : i32
      %dma_start3A_291 = arith.constant 0 : i32
      %dma_start3A_292 = tpu.memref_slice %arg9[%dma_start3A_290, %dma_start3A_291] : memref<50x128xf32, #tpu.memory_space<vmem>> -> memref<40x128xf32, #tpu.memory_space<vmem>>
      tpu.enqueue_dma source(%dma_start3A_292 : memref<40x128xf32, #tpu.memory_space<vmem>>) target(%dma_start3A_289 : memref<40x128xf32, #tpu.memory_space<vmem_shared>>) target_semaphore(%run_scoped3A : memref<!tpu.dma_semaphore, #tpu.memory_space<semaphore_mem>>)
      %dma_wait3A = arith.constant 0 : i32
      %dma_wait3A_293 = arith.constant 0 : i32
      %dma_wait3A_294 = tpu.memref_slice %arg9[%dma_wait3A, %dma_wait3A_293] : memref<50x128xf32, #tpu.memory_space<vmem>> -> memref<40x128xf32, #tpu.memory_space<vmem>>
      %dma_wait3A_295 = arith.constant 0 : i32
      %dma_wait3A_296 = tpu.memref_slice %arg13[%add3A_32, %dma_wait3A_295] : memref<10240x128xf32, #tpu.memory_space<vmem_shared>> -> memref<40x128xf32, #tpu.memory_space<vmem_shared>>
      %dma_wait3A_297 = arith.constant 0 : i32
      %dma_wait3A_298 = tpu.memref_slice %arg13[%add3A_32, %dma_wait3A_297] : memref<10240x128xf32, #tpu.memory_space<vmem_shared>> -> memref<40x128xf32, #tpu.memory_space<vmem_shared>>
      %dma_wait3A_299 = arith.constant 0 : i32
      %dma_wait3A_300 = arith.constant 0 : i32
      %dma_wait3A_301 = tpu.memref_slice %arg9[%dma_wait3A_299, %dma_wait3A_300] : memref<50x128xf32, #tpu.memory_space<vmem>> -> memref<40x128xf32, #tpu.memory_space<vmem>>
      tpu.wait_dma2 semaphore(%run_scoped3A : memref<!tpu.dma_semaphore, #tpu.memory_space<semaphore_mem>>) src(%dma_wait3A_301 : memref<40x128xf32, #tpu.memory_space<vmem>>) dst(%dma_wait3A_298 : memref<40x128xf32, #tpu.memory_space<vmem_shared>>)
      tpu.yield
    }) : () -> ()
    %mul3A_33 = arith.constant 640 : i32
    %mul3A_34 = arith.muli %arg1, %mul3A_33 : i32
    %add3A_35 = arith.constant 320 : i32
    %add3A_36 = arith.addi %mul3A_34, %add3A_35 : i32
    "tpu.region"() ({
      %run_scoped3A = tpu.sem_alloc : memref<!tpu.dma_semaphore, #tpu.memory_space<semaphore_mem>>
      %dma_start3A_283 = arith.constant 0 : i32
      %dma_start3A_284 = arith.constant 0 : i32
      %dma_start3A_285 = tpu.memref_slice %arg9[%dma_start3A_283, %dma_start3A_284] : memref<50x128xf32, #tpu.memory_space<vmem>> -> memref<40x128xf32, #tpu.memory_space<vmem>>
      %dma_start3A_286 = arith.constant 0 : i32
      %dma_start3A_287 = tpu.memref_slice %arg13[%add3A_36, %dma_start3A_286] : memref<10240x128xf32, #tpu.memory_space<vmem_shared>> -> memref<40x128xf32, #tpu.memory_space<vmem_shared>>
      %dma_start3A_288 = arith.constant 0 : i32
      %dma_start3A_289 = tpu.memref_slice %arg13[%add3A_36, %dma_start3A_288] : memref<10240x128xf32, #tpu.memory_space<vmem_shared>> -> memref<40x128xf32, #tpu.memory_space<vmem_shared>>
      %dma_start3A_290 = arith.constant 0 : i32
      %dma_start3A_291 = arith.constant 0 : i32
      %dma_start3A_292 = tpu.memref_slice %arg9[%dma_start3A_290, %dma_start3A_291] : memref<50x128xf32, #tpu.memory_space<vmem>> -> memref<40x128xf32, #tpu.memory_space<vmem>>
      tpu.enqueue_dma source(%dma_start3A_292 : memref<40x128xf32, #tpu.memory_space<vmem>>) target(%dma_start3A_289 : memref<40x128xf32, #tpu.memory_space<vmem_shared>>) target_semaphore(%run_scoped3A : memref<!tpu.dma_semaphore, #tpu.memory_space<semaphore_mem>>)
      %dma_wait3A = arith.constant 0 : i32
      %dma_wait3A_293 = arith.constant 0 : i32
      %dma_wait3A_294 = tpu.memref_slice %arg9[%dma_wait3A, %dma_wait3A_293] : memref<50x128xf32, #tpu.memory_space<vmem>> -> memref<40x128xf32, #tpu.memory_space<vmem>>
      %dma_wait3A_295 = arith.constant 0 : i32
      %dma_wait3A_296 = tpu.memref_slice %arg13[%add3A_36, %dma_wait3A_295] : memref<10240x128xf32, #tpu.memory_space<vmem_shared>> -> memref<40x128xf32, #tpu.memory_space<vmem_shared>>
      %dma_wait3A_297 = arith.constant 0 : i32
      %dma_wait3A_298 = tpu.memref_slice %arg13[%add3A_36, %dma_wait3A_297] : memref<10240x128xf32, #tpu.memory_space<vmem_shared>> -> memref<40x128xf32, #tpu.memory_space<vmem_shared>>
      %dma_wait3A_299 = arith.constant 0 : i32
      %dma_wait3A_300 = arith.constant 0 : i32
      %dma_wait3A_301 = tpu.memref_slice %arg9[%dma_wait3A_299, %dma_wait3A_300] : memref<50x128xf32, #tpu.memory_space<vmem>> -> memref<40x128xf32, #tpu.memory_space<vmem>>
      tpu.wait_dma2 semaphore(%run_scoped3A : memref<!tpu.dma_semaphore, #tpu.memory_space<semaphore_mem>>) src(%dma_wait3A_301 : memref<40x128xf32, #tpu.memory_space<vmem>>) dst(%dma_wait3A_298 : memref<40x128xf32, #tpu.memory_space<vmem_shared>>)
      tpu.yield
    }) : () -> ()
    %mul3A_37 = arith.constant 640 : i32
    %mul3A_38 = arith.muli %arg1, %mul3A_37 : i32
    %add3A_39 = arith.constant 360 : i32
    %add3A_40 = arith.addi %mul3A_38, %add3A_39 : i32
    "tpu.region"() ({
      %run_scoped3A = tpu.sem_alloc : memref<!tpu.dma_semaphore, #tpu.memory_space<semaphore_mem>>
      %dma_start3A_283 = arith.constant 0 : i32
      %dma_start3A_284 = arith.constant 0 : i32
      %dma_start3A_285 = tpu.memref_slice %arg9[%dma_start3A_283, %dma_start3A_284] : memref<50x128xf32, #tpu.memory_space<vmem>> -> memref<40x128xf32, #tpu.memory_space<vmem>>
      %dma_start3A_286 = arith.constant 0 : i32
      %dma_start3A_287 = tpu.memref_slice %arg13[%add3A_40, %dma_start3A_286] : memref<10240x128xf32, #tpu.memory_space<vmem_shared>> -> memref<40x128xf32, #tpu.memory_space<vmem_shared>>
      %dma_start3A_288 = arith.constant 0 : i32
      %dma_start3A_289 = tpu.memref_slice %arg13[%add3A_40, %dma_start3A_288] : memref<10240x128xf32, #tpu.memory_space<vmem_shared>> -> memref<40x128xf32, #tpu.memory_space<vmem_shared>>
      %dma_start3A_290 = arith.constant 0 : i32
      %dma_start3A_291 = arith.constant 0 : i32
      %dma_start3A_292 = tpu.memref_slice %arg9[%dma_start3A_290, %dma_start3A_291] : memref<50x128xf32, #tpu.memory_space<vmem>> -> memref<40x128xf32, #tpu.memory_space<vmem>>
      tpu.enqueue_dma source(%dma_start3A_292 : memref<40x128xf32, #tpu.memory_space<vmem>>) target(%dma_start3A_289 : memref<40x128xf32, #tpu.memory_space<vmem_shared>>) target_semaphore(%run_scoped3A : memref<!tpu.dma_semaphore, #tpu.memory_space<semaphore_mem>>)
      %dma_wait3A = arith.constant 0 : i32
      %dma_wait3A_293 = arith.constant 0 : i32
      %dma_wait3A_294 = tpu.memref_slice %arg9[%dma_wait3A, %dma_wait3A_293] : memref<50x128xf32, #tpu.memory_space<vmem>> -> memref<40x128xf32, #tpu.memory_space<vmem>>
      %dma_wait3A_295 = arith.constant 0 : i32
      %dma_wait3A_296 = tpu.memref_slice %arg13[%add3A_40, %dma_wait3A_295] : memref<10240x128xf32, #tpu.memory_space<vmem_shared>> -> memref<40x128xf32, #tpu.memory_space<vmem_shared>>
      %dma_wait3A_297 = arith.constant 0 : i32
      %dma_wait3A_298 = tpu.memref_slice %arg13[%add3A_40, %dma_wait3A_297] : memref<10240x128xf32, #tpu.memory_space<vmem_shared>> -> memref<40x128xf32, #tpu.memory_space<vmem_shared>>
      %dma_wait3A_299 = arith.constant 0 : i32
      %dma_wait3A_300 = arith.constant 0 : i32
      %dma_wait3A_301 = tpu.memref_slice %arg9[%dma_wait3A_299, %dma_wait3A_300] : memref<50x128xf32, #tpu.memory_space<vmem>> -> memref<40x128xf32, #tpu.memory_space<vmem>>
      tpu.wait_dma2 semaphore(%run_scoped3A : memref<!tpu.dma_semaphore, #tpu.memory_space<semaphore_mem>>) src(%dma_wait3A_301 : memref<40x128xf32, #tpu.memory_space<vmem>>) dst(%dma_wait3A_298 : memref<40x128xf32, #tpu.memory_space<vmem_shared>>)
      tpu.yield
    }) : () -> ()
    %mul3A_41 = arith.constant 640 : i32
    %mul3A_42 = arith.muli %arg1, %mul3A_41 : i32
    %add3A_43 = arith.constant 400 : i32
    %add3A_44 = arith.addi %mul3A_42, %add3A_43 : i32
    "tpu.region"() ({
      %run_scoped3A = tpu.sem_alloc : memref<!tpu.dma_semaphore, #tpu.memory_space<semaphore_mem>>
      %dma_start3A_283 = arith.constant 0 : i32
      %dma_start3A_284 = arith.constant 0 : i32
      %dma_start3A_285 = tpu.memref_slice %arg9[%dma_start3A_283, %dma_start3A_284] : memref<50x128xf32, #tpu.memory_space<vmem>> -> memref<40x128xf32, #tpu.memory_space<vmem>>
      %dma_start3A_286 = arith.constant 0 : i32
      %dma_start3A_287 = tpu.memref_slice %arg13[%add3A_44, %dma_start3A_286] : memref<10240x128xf32, #tpu.memory_space<vmem_shared>> -> memref<40x128xf32, #tpu.memory_space<vmem_shared>>
      %dma_start3A_288 = arith.constant 0 : i32
      %dma_start3A_289 = tpu.memref_slice %arg13[%add3A_44, %dma_start3A_288] : memref<10240x128xf32, #tpu.memory_space<vmem_shared>> -> memref<40x128xf32, #tpu.memory_space<vmem_shared>>
      %dma_start3A_290 = arith.constant 0 : i32
      %dma_start3A_291 = arith.constant 0 : i32
      %dma_start3A_292 = tpu.memref_slice %arg9[%dma_start3A_290, %dma_start3A_291] : memref<50x128xf32, #tpu.memory_space<vmem>> -> memref<40x128xf32, #tpu.memory_space<vmem>>
      tpu.enqueue_dma source(%dma_start3A_292 : memref<40x128xf32, #tpu.memory_space<vmem>>) target(%dma_start3A_289 : memref<40x128xf32, #tpu.memory_space<vmem_shared>>) target_semaphore(%run_scoped3A : memref<!tpu.dma_semaphore, #tpu.memory_space<semaphore_mem>>)
      %dma_wait3A = arith.constant 0 : i32
      %dma_wait3A_293 = arith.constant 0 : i32
      %dma_wait3A_294 = tpu.memref_slice %arg9[%dma_wait3A, %dma_wait3A_293] : memref<50x128xf32, #tpu.memory_space<vmem>> -> memref<40x128xf32, #tpu.memory_space<vmem>>
      %dma_wait3A_295 = arith.constant 0 : i32
      %dma_wait3A_296 = tpu.memref_slice %arg13[%add3A_44, %dma_wait3A_295] : memref<10240x128xf32, #tpu.memory_space<vmem_shared>> -> memref<40x128xf32, #tpu.memory_space<vmem_shared>>
      %dma_wait3A_297 = arith.constant 0 : i32
      %dma_wait3A_298 = tpu.memref_slice %arg13[%add3A_44, %dma_wait3A_297] : memref<10240x128xf32, #tpu.memory_space<vmem_shared>> -> memref<40x128xf32, #tpu.memory_space<vmem_shared>>
      %dma_wait3A_299 = arith.constant 0 : i32
      %dma_wait3A_300 = arith.constant 0 : i32
      %dma_wait3A_301 = tpu.memref_slice %arg9[%dma_wait3A_299, %dma_wait3A_300] : memref<50x128xf32, #tpu.memory_space<vmem>> -> memref<40x128xf32, #tpu.memory_space<vmem>>
      tpu.wait_dma2 semaphore(%run_scoped3A : memref<!tpu.dma_semaphore, #tpu.memory_space<semaphore_mem>>) src(%dma_wait3A_301 : memref<40x128xf32, #tpu.memory_space<vmem>>) dst(%dma_wait3A_298 : memref<40x128xf32, #tpu.memory_space<vmem_shared>>)
      tpu.yield
    }) : () -> ()
    %mul3A_45 = arith.constant 640 : i32
    %mul3A_46 = arith.muli %arg1, %mul3A_45 : i32
    %add3A_47 = arith.constant 440 : i32
    %add3A_48 = arith.addi %mul3A_46, %add3A_47 : i32
    "tpu.region"() ({
      %run_scoped3A = tpu.sem_alloc : memref<!tpu.dma_semaphore, #tpu.memory_space<semaphore_mem>>
      %dma_start3A_283 = arith.constant 0 : i32
      %dma_start3A_284 = arith.constant 0 : i32
      %dma_start3A_285 = tpu.memref_slice %arg9[%dma_start3A_283, %dma_start3A_284] : memref<50x128xf32, #tpu.memory_space<vmem>> -> memref<40x128xf32, #tpu.memory_space<vmem>>
      %dma_start3A_286 = arith.constant 0 : i32
      %dma_start3A_287 = tpu.memref_slice %arg13[%add3A_48, %dma_start3A_286] : memref<10240x128xf32, #tpu.memory_space<vmem_shared>> -> memref<40x128xf32, #tpu.memory_space<vmem_shared>>
      %dma_start3A_288 = arith.constant 0 : i32
      %dma_start3A_289 = tpu.memref_slice %arg13[%add3A_48, %dma_start3A_288] : memref<10240x128xf32, #tpu.memory_space<vmem_shared>> -> memref<40x128xf32, #tpu.memory_space<vmem_shared>>
      %dma_start3A_290 = arith.constant 0 : i32
      %dma_start3A_291 = arith.constant 0 : i32
      %dma_start3A_292 = tpu.memref_slice %arg9[%dma_start3A_290, %dma_start3A_291] : memref<50x128xf32, #tpu.memory_space<vmem>> -> memref<40x128xf32, #tpu.memory_space<vmem>>
      tpu.enqueue_dma source(%dma_start3A_292 : memref<40x128xf32, #tpu.memory_space<vmem>>) target(%dma_start3A_289 : memref<40x128xf32, #tpu.memory_space<vmem_shared>>) target_semaphore(%run_scoped3A : memref<!tpu.dma_semaphore, #tpu.memory_space<semaphore_mem>>)
      %dma_wait3A = arith.constant 0 : i32
      %dma_wait3A_293 = arith.constant 0 : i32
      %dma_wait3A_294 = tpu.memref_slice %arg9[%dma_wait3A, %dma_wait3A_293] : memref<50x128xf32, #tpu.memory_space<vmem>> -> memref<40x128xf32, #tpu.memory_space<vmem>>
      %dma_wait3A_295 = arith.constant 0 : i32
      %dma_wait3A_296 = tpu.memref_slice %arg13[%add3A_48, %dma_wait3A_295] : memref<10240x128xf32, #tpu.memory_space<vmem_shared>> -> memref<40x128xf32, #tpu.memory_space<vmem_shared>>
      %dma_wait3A_297 = arith.constant 0 : i32
      %dma_wait3A_298 = tpu.memref_slice %arg13[%add3A_48, %dma_wait3A_297] : memref<10240x128xf32, #tpu.memory_space<vmem_shared>> -> memref<40x128xf32, #tpu.memory_space<vmem_shared>>
      %dma_wait3A_299 = arith.constant 0 : i32
      %dma_wait3A_300 = arith.constant 0 : i32
      %dma_wait3A_301 = tpu.memref_slice %arg9[%dma_wait3A_299, %dma_wait3A_300] : memref<50x128xf32, #tpu.memory_space<vmem>> -> memref<40x128xf32, #tpu.memory_space<vmem>>
      tpu.wait_dma2 semaphore(%run_scoped3A : memref<!tpu.dma_semaphore, #tpu.memory_space<semaphore_mem>>) src(%dma_wait3A_301 : memref<40x128xf32, #tpu.memory_space<vmem>>) dst(%dma_wait3A_298 : memref<40x128xf32, #tpu.memory_space<vmem_shared>>)
      tpu.yield
    }) : () -> ()
    %mul3A_49 = arith.constant 640 : i32
    %mul3A_50 = arith.muli %arg1, %mul3A_49 : i32
    %add3A_51 = arith.constant 480 : i32
    %add3A_52 = arith.addi %mul3A_50, %add3A_51 : i32
    "tpu.region"() ({
      %run_scoped3A = tpu.sem_alloc : memref<!tpu.dma_semaphore, #tpu.memory_space<semaphore_mem>>
      %dma_start3A_283 = arith.constant 0 : i32
      %dma_start3A_284 = arith.constant 0 : i32
      %dma_start3A_285 = tpu.memref_slice %arg9[%dma_start3A_283, %dma_start3A_284] : memref<50x128xf32, #tpu.memory_space<vmem>> -> memref<40x128xf32, #tpu.memory_space<vmem>>
      %dma_start3A_286 = arith.constant 0 : i32
      %dma_start3A_287 = tpu.memref_slice %arg13[%add3A_52, %dma_start3A_286] : memref<10240x128xf32, #tpu.memory_space<vmem_shared>> -> memref<40x128xf32, #tpu.memory_space<vmem_shared>>
      %dma_start3A_288 = arith.constant 0 : i32
      %dma_start3A_289 = tpu.memref_slice %arg13[%add3A_52, %dma_start3A_288] : memref<10240x128xf32, #tpu.memory_space<vmem_shared>> -> memref<40x128xf32, #tpu.memory_space<vmem_shared>>
      %dma_start3A_290 = arith.constant 0 : i32
      %dma_start3A_291 = arith.constant 0 : i32
      %dma_start3A_292 = tpu.memref_slice %arg9[%dma_start3A_290, %dma_start3A_291] : memref<50x128xf32, #tpu.memory_space<vmem>> -> memref<40x128xf32, #tpu.memory_space<vmem>>
      tpu.enqueue_dma source(%dma_start3A_292 : memref<40x128xf32, #tpu.memory_space<vmem>>) target(%dma_start3A_289 : memref<40x128xf32, #tpu.memory_space<vmem_shared>>) target_semaphore(%run_scoped3A : memref<!tpu.dma_semaphore, #tpu.memory_space<semaphore_mem>>)
      %dma_wait3A = arith.constant 0 : i32
      %dma_wait3A_293 = arith.constant 0 : i32
      %dma_wait3A_294 = tpu.memref_slice %arg9[%dma_wait3A, %dma_wait3A_293] : memref<50x128xf32, #tpu.memory_space<vmem>> -> memref<40x128xf32, #tpu.memory_space<vmem>>
      %dma_wait3A_295 = arith.constant 0 : i32
      %dma_wait3A_296 = tpu.memref_slice %arg13[%add3A_52, %dma_wait3A_295] : memref<10240x128xf32, #tpu.memory_space<vmem_shared>> -> memref<40x128xf32, #tpu.memory_space<vmem_shared>>
      %dma_wait3A_297 = arith.constant 0 : i32
      %dma_wait3A_298 = tpu.memref_slice %arg13[%add3A_52, %dma_wait3A_297] : memref<10240x128xf32, #tpu.memory_space<vmem_shared>> -> memref<40x128xf32, #tpu.memory_space<vmem_shared>>
      %dma_wait3A_299 = arith.constant 0 : i32
      %dma_wait3A_300 = arith.constant 0 : i32
      %dma_wait3A_301 = tpu.memref_slice %arg9[%dma_wait3A_299, %dma_wait3A_300] : memref<50x128xf32, #tpu.memory_space<vmem>> -> memref<40x128xf32, #tpu.memory_space<vmem>>
      tpu.wait_dma2 semaphore(%run_scoped3A : memref<!tpu.dma_semaphore, #tpu.memory_space<semaphore_mem>>) src(%dma_wait3A_301 : memref<40x128xf32, #tpu.memory_space<vmem>>) dst(%dma_wait3A_298 : memref<40x128xf32, #tpu.memory_space<vmem_shared>>)
      tpu.yield
    }) : () -> ()
    %mul3A_53 = arith.constant 640 : i32
    %mul3A_54 = arith.muli %arg1, %mul3A_53 : i32
    %add3A_55 = arith.constant 520 : i32
    %add3A_56 = arith.addi %mul3A_54, %add3A_55 : i32
    "tpu.region"() ({
      %run_scoped3A = tpu.sem_alloc : memref<!tpu.dma_semaphore, #tpu.memory_space<semaphore_mem>>
      %dma_start3A_283 = arith.constant 0 : i32
      %dma_start3A_284 = arith.constant 0 : i32
      %dma_start3A_285 = tpu.memref_slice %arg9[%dma_start3A_283, %dma_start3A_284] : memref<50x128xf32, #tpu.memory_space<vmem>> -> memref<40x128xf32, #tpu.memory_space<vmem>>
      %dma_start3A_286 = arith.constant 0 : i32
      %dma_start3A_287 = tpu.memref_slice %arg13[%add3A_56, %dma_start3A_286] : memref<10240x128xf32, #tpu.memory_space<vmem_shared>> -> memref<40x128xf32, #tpu.memory_space<vmem_shared>>
      %dma_start3A_288 = arith.constant 0 : i32
      %dma_start3A_289 = tpu.memref_slice %arg13[%add3A_56, %dma_start3A_288] : memref<10240x128xf32, #tpu.memory_space<vmem_shared>> -> memref<40x128xf32, #tpu.memory_space<vmem_shared>>
      %dma_start3A_290 = arith.constant 0 : i32
      %dma_start3A_291 = arith.constant 0 : i32
      %dma_start3A_292 = tpu.memref_slice %arg9[%dma_start3A_290, %dma_start3A_291] : memref<50x128xf32, #tpu.memory_space<vmem>> -> memref<40x128xf32, #tpu.memory_space<vmem>>
      tpu.enqueue_dma source(%dma_start3A_292 : memref<40x128xf32, #tpu.memory_space<vmem>>) target(%dma_start3A_289 : memref<40x128xf32, #tpu.memory_space<vmem_shared>>) target_semaphore(%run_scoped3A : memref<!tpu.dma_semaphore, #tpu.memory_space<semaphore_mem>>)
      %dma_wait3A = arith.constant 0 : i32
      %dma_wait3A_293 = arith.constant 0 : i32
      %dma_wait3A_294 = tpu.memref_slice %arg9[%dma_wait3A, %dma_wait3A_293] : memref<50x128xf32, #tpu.memory_space<vmem>> -> memref<40x128xf32, #tpu.memory_space<vmem>>
      %dma_wait3A_295 = arith.constant 0 : i32
      %dma_wait3A_296 = tpu.memref_slice %arg13[%add3A_56, %dma_wait3A_295] : memref<10240x128xf32, #tpu.memory_space<vmem_shared>> -> memref<40x128xf32, #tpu.memory_space<vmem_shared>>
      %dma_wait3A_297 = arith.constant 0 : i32
      %dma_wait3A_298 = tpu.memref_slice %arg13[%add3A_56, %dma_wait3A_297] : memref<10240x128xf32, #tpu.memory_space<vmem_shared>> -> memref<40x128xf32, #tpu.memory_space<vmem_shared>>
      %dma_wait3A_299 = arith.constant 0 : i32
      %dma_wait3A_300 = arith.constant 0 : i32
      %dma_wait3A_301 = tpu.memref_slice %arg9[%dma_wait3A_299, %dma_wait3A_300] : memref<50x128xf32, #tpu.memory_space<vmem>> -> memref<40x128xf32, #tpu.memory_space<vmem>>
      tpu.wait_dma2 semaphore(%run_scoped3A : memref<!tpu.dma_semaphore, #tpu.memory_space<semaphore_mem>>) src(%dma_wait3A_301 : memref<40x128xf32, #tpu.memory_space<vmem>>) dst(%dma_wait3A_298 : memref<40x128xf32, #tpu.memory_space<vmem_shared>>)
      tpu.yield
    }) : () -> ()
    %mul3A_57 = arith.constant 640 : i32
    %mul3A_58 = arith.muli %arg1, %mul3A_57 : i32
    %add3A_59 = arith.constant 560 : i32
    %add3A_60 = arith.addi %mul3A_58, %add3A_59 : i32
    "tpu.region"() ({
      %run_scoped3A = tpu.sem_alloc : memref<!tpu.dma_semaphore, #tpu.memory_space<semaphore_mem>>
      %dma_start3A_283 = arith.constant 0 : i32
      %dma_start3A_284 = arith.constant 0 : i32
      %dma_start3A_285 = tpu.memref_slice %arg9[%dma_start3A_283, %dma_start3A_284] : memref<50x128xf32, #tpu.memory_space<vmem>> -> memref<40x128xf32, #tpu.memory_space<vmem>>
      %dma_start3A_286 = arith.constant 0 : i32
      %dma_start3A_287 = tpu.memref_slice %arg13[%add3A_60, %dma_start3A_286] : memref<10240x128xf32, #tpu.memory_space<vmem_shared>> -> memref<40x128xf32, #tpu.memory_space<vmem_shared>>
      %dma_start3A_288 = arith.constant 0 : i32
      %dma_start3A_289 = tpu.memref_slice %arg13[%add3A_60, %dma_start3A_288] : memref<10240x128xf32, #tpu.memory_space<vmem_shared>> -> memref<40x128xf32, #tpu.memory_space<vmem_shared>>
      %dma_start3A_290 = arith.constant 0 : i32
      %dma_start3A_291 = arith.constant 0 : i32
      %dma_start3A_292 = tpu.memref_slice %arg9[%dma_start3A_290, %dma_start3A_291] : memref<50x128xf32, #tpu.memory_space<vmem>> -> memref<40x128xf32, #tpu.memory_space<vmem>>
      tpu.enqueue_dma source(%dma_start3A_292 : memref<40x128xf32, #tpu.memory_space<vmem>>) target(%dma_start3A_289 : memref<40x128xf32, #tpu.memory_space<vmem_shared>>) target_semaphore(%run_scoped3A : memref<!tpu.dma_semaphore, #tpu.memory_space<semaphore_mem>>)
      %dma_wait3A = arith.constant 0 : i32
      %dma_wait3A_293 = arith.constant 0 : i32
      %dma_wait3A_294 = tpu.memref_slice %arg9[%dma_wait3A, %dma_wait3A_293] : memref<50x128xf32, #tpu.memory_space<vmem>> -> memref<40x128xf32, #tpu.memory_space<vmem>>
      %dma_wait3A_295 = arith.constant 0 : i32
      %dma_wait3A_296 = tpu.memref_slice %arg13[%add3A_60, %dma_wait3A_295] : memref<10240x128xf32, #tpu.memory_space<vmem_shared>> -> memref<40x128xf32, #tpu.memory_space<vmem_shared>>
      %dma_wait3A_297 = arith.constant 0 : i32
      %dma_wait3A_298 = tpu.memref_slice %arg13[%add3A_60, %dma_wait3A_297] : memref<10240x128xf32, #tpu.memory_space<vmem_shared>> -> memref<40x128xf32, #tpu.memory_space<vmem_shared>>
      %dma_wait3A_299 = arith.constant 0 : i32
      %dma_wait3A_300 = arith.constant 0 : i32
      %dma_wait3A_301 = tpu.memref_slice %arg9[%dma_wait3A_299, %dma_wait3A_300] : memref<50x128xf32, #tpu.memory_space<vmem>> -> memref<40x128xf32, #tpu.memory_space<vmem>>
      tpu.wait_dma2 semaphore(%run_scoped3A : memref<!tpu.dma_semaphore, #tpu.memory_space<semaphore_mem>>) src(%dma_wait3A_301 : memref<40x128xf32, #tpu.memory_space<vmem>>) dst(%dma_wait3A_298 : memref<40x128xf32, #tpu.memory_space<vmem_shared>>)
      tpu.yield
    }) : () -> ()
    %mul3A_61 = arith.constant 640 : i32
    %mul3A_62 = arith.muli %arg1, %mul3A_61 : i32
    %add3A_63 = arith.constant 600 : i32
    %add3A_64 = arith.addi %mul3A_62, %add3A_63 : i32
    "tpu.region"() ({
      %run_scoped3A = tpu.sem_alloc : memref<!tpu.dma_semaphore, #tpu.memory_space<semaphore_mem>>
      %dma_start3A_283 = arith.constant 0 : i32
      %dma_start3A_284 = arith.constant 0 : i32
      %dma_start3A_285 = tpu.memref_slice %arg9[%dma_start3A_283, %dma_start3A_284] : memref<50x128xf32, #tpu.memory_space<vmem>> -> memref<40x128xf32, #tpu.memory_space<vmem>>
      %dma_start3A_286 = arith.constant 0 : i32
      %dma_start3A_287 = tpu.memref_slice %arg13[%add3A_64, %dma_start3A_286] : memref<10240x128xf32, #tpu.memory_space<vmem_shared>> -> memref<40x128xf32, #tpu.memory_space<vmem_shared>>
      %dma_start3A_288 = arith.constant 0 : i32
      %dma_start3A_289 = tpu.memref_slice %arg13[%add3A_64, %dma_start3A_288] : memref<10240x128xf32, #tpu.memory_space<vmem_shared>> -> memref<40x128xf32, #tpu.memory_space<vmem_shared>>
      %dma_start3A_290 = arith.constant 0 : i32
      %dma_start3A_291 = arith.constant 0 : i32
      %dma_start3A_292 = tpu.memref_slice %arg9[%dma_start3A_290, %dma_start3A_291] : memref<50x128xf32, #tpu.memory_space<vmem>> -> memref<40x128xf32, #tpu.memory_space<vmem>>
      tpu.enqueue_dma source(%dma_start3A_292 : memref<40x128xf32, #tpu.memory_space<vmem>>) target(%dma_start3A_289 : memref<40x128xf32, #tpu.memory_space<vmem_shared>>) target_semaphore(%run_scoped3A : memref<!tpu.dma_semaphore, #tpu.memory_space<semaphore_mem>>)
      %dma_wait3A = arith.constant 0 : i32
      %dma_wait3A_293 = arith.constant 0 : i32
      %dma_wait3A_294 = tpu.memref_slice %arg9[%dma_wait3A, %dma_wait3A_293] : memref<50x128xf32, #tpu.memory_space<vmem>> -> memref<40x128xf32, #tpu.memory_space<vmem>>
      %dma_wait3A_295 = arith.constant 0 : i32
      %dma_wait3A_296 = tpu.memref_slice %arg13[%add3A_64, %dma_wait3A_295] : memref<10240x128xf32, #tpu.memory_space<vmem_shared>> -> memref<40x128xf32, #tpu.memory_space<vmem_shared>>
      %dma_wait3A_297 = arith.constant 0 : i32
      %dma_wait3A_298 = tpu.memref_slice %arg13[%add3A_64, %dma_wait3A_297] : memref<10240x128xf32, #tpu.memory_space<vmem_shared>> -> memref<40x128xf32, #tpu.memory_space<vmem_shared>>
      %dma_wait3A_299 = arith.constant 0 : i32
      %dma_wait3A_300 = arith.constant 0 : i32
      %dma_wait3A_301 = tpu.memref_slice %arg9[%dma_wait3A_299, %dma_wait3A_300] : memref<50x128xf32, #tpu.memory_space<vmem>> -> memref<40x128xf32, #tpu.memory_space<vmem>>
      tpu.wait_dma2 semaphore(%run_scoped3A : memref<!tpu.dma_semaphore, #tpu.memory_space<semaphore_mem>>) src(%dma_wait3A_301 : memref<40x128xf32, #tpu.memory_space<vmem>>) dst(%dma_wait3A_298 : memref<40x128xf32, #tpu.memory_space<vmem_shared>>)
      tpu.yield
    }) : () -> ()
    %barrier3A = arith.constant 0 : index
    tpu.barrier barrier_id(%barrier3A)
    %mul3A_65 = arith.constant 5 : i32
    %mul3A_66 = arith.muli %add3A, %mul3A_65 : i32
    %add3A_67 = arith.constant 0 : i32
    %add3A_68 = arith.addi %mul3A_66, %add3A_67 : i32
    "tpu.region"() ({
      %run_scoped3A = tpu.sem_alloc : memref<!tpu.dma_semaphore, #tpu.memory_space<semaphore_mem>>
      %dma_start3A_283 = arith.constant 0 : i32
      %dma_start3A_284 = arith.constant 0 : i32
      %dma_start3A_285 = tpu.memref_slice %arg2[%add3A_68, %dma_start3A_283, %dma_start3A_284] : memref<160x40x50xi32, #tpu.memory_space<hbm>> -> memref<1x40x50xi32, #tpu.memory_space<hbm>>
      %dma_start3A_286 = tpu.memref_squeeze %dma_start3A_285 : memref<1x40x50xi32, #tpu.memory_space<hbm>> -> memref<40x50xi32, #tpu.memory_space<hbm>>
      %dma_start3A_287 = arith.constant 0 : i32
      %dma_start3A_288 = arith.constant 0 : i32
      %dma_start3A_289 = tpu.memref_slice %arg2[%add3A_68, %dma_start3A_287, %dma_start3A_288] : memref<160x40x50xi32, #tpu.memory_space<hbm>> -> memref<1x40x50xi32, #tpu.memory_space<hbm>>
      %dma_start3A_290 = tpu.memref_squeeze %dma_start3A_289 : memref<1x40x50xi32, #tpu.memory_space<hbm>> -> memref<40x50xi32, #tpu.memory_space<hbm>>
      tpu.enqueue_dma source(%dma_start3A_290 : memref<40x50xi32, #tpu.memory_space<hbm>>) target(%arg7 : memref<40x50xi32, #tpu.memory_space<vmem>>) target_semaphore(%run_scoped3A : memref<!tpu.dma_semaphore, #tpu.memory_space<semaphore_mem>>)
      %dma_wait3A = arith.constant 0 : i32
      %dma_wait3A_291 = arith.constant 0 : i32
      %dma_wait3A_292 = tpu.memref_slice %arg2[%add3A_68, %dma_wait3A, %dma_wait3A_291] : memref<160x40x50xi32, #tpu.memory_space<hbm>> -> memref<1x40x50xi32, #tpu.memory_space<hbm>>
      %dma_wait3A_293 = tpu.memref_squeeze %dma_wait3A_292 : memref<1x40x50xi32, #tpu.memory_space<hbm>> -> memref<40x50xi32, #tpu.memory_space<hbm>>
      %dma_wait3A_294 = arith.constant 0 : i32
      %dma_wait3A_295 = arith.constant 0 : i32
      %dma_wait3A_296 = tpu.memref_slice %arg2[%add3A_68, %dma_wait3A_294, %dma_wait3A_295] : memref<160x40x50xi32, #tpu.memory_space<hbm>> -> memref<1x40x50xi32, #tpu.memory_space<hbm>>
      %dma_wait3A_297 = tpu.memref_squeeze %dma_wait3A_296 : memref<1x40x50xi32, #tpu.memory_space<hbm>> -> memref<40x50xi32, #tpu.memory_space<hbm>>
      tpu.wait_dma2 semaphore(%run_scoped3A : memref<!tpu.dma_semaphore, #tpu.memory_space<semaphore_mem>>) src(%dma_wait3A_297 : memref<40x50xi32, #tpu.memory_space<hbm>>) dst(%arg7 : memref<40x50xi32, #tpu.memory_space<vmem>>)
      tpu.yield
    }) : () -> ()
    "tpu.region"() ({
      %run_scoped3A = tpu.sem_alloc : memref<!tpu.dma_semaphore, #tpu.memory_space<semaphore_mem>>
      %dma_start3A_283 = arith.constant 0 : i32
      %dma_start3A_284 = arith.constant 0 : i32
      %dma_start3A_285 = tpu.memref_slice %arg3[%add3A_68, %dma_start3A_283, %dma_start3A_284] : memref<160x40x50xi32, #tpu.memory_space<hbm>> -> memref<1x40x50xi32, #tpu.memory_space<hbm>>
      %dma_start3A_286 = tpu.memref_squeeze %dma_start3A_285 : memref<1x40x50xi32, #tpu.memory_space<hbm>> -> memref<40x50xi32, #tpu.memory_space<hbm>>
      %dma_start3A_287 = arith.constant 0 : i32
      %dma_start3A_288 = arith.constant 0 : i32
      %dma_start3A_289 = tpu.memref_slice %arg3[%add3A_68, %dma_start3A_287, %dma_start3A_288] : memref<160x40x50xi32, #tpu.memory_space<hbm>> -> memref<1x40x50xi32, #tpu.memory_space<hbm>>
      %dma_start3A_290 = tpu.memref_squeeze %dma_start3A_289 : memref<1x40x50xi32, #tpu.memory_space<hbm>> -> memref<40x50xi32, #tpu.memory_space<hbm>>
      tpu.enqueue_dma source(%dma_start3A_290 : memref<40x50xi32, #tpu.memory_space<hbm>>) target(%arg8 : memref<40x50xi32, #tpu.memory_space<vmem>>) target_semaphore(%run_scoped3A : memref<!tpu.dma_semaphore, #tpu.memory_space<semaphore_mem>>)
      %dma_wait3A = arith.constant 0 : i32
      %dma_wait3A_291 = arith.constant 0 : i32
      %dma_wait3A_292 = tpu.memref_slice %arg3[%add3A_68, %dma_wait3A, %dma_wait3A_291] : memref<160x40x50xi32, #tpu.memory_space<hbm>> -> memref<1x40x50xi32, #tpu.memory_space<hbm>>
      %dma_wait3A_293 = tpu.memref_squeeze %dma_wait3A_292 : memref<1x40x50xi32, #tpu.memory_space<hbm>> -> memref<40x50xi32, #tpu.memory_space<hbm>>
      %dma_wait3A_294 = arith.constant 0 : i32
      %dma_wait3A_295 = arith.constant 0 : i32
      %dma_wait3A_296 = tpu.memref_slice %arg3[%add3A_68, %dma_wait3A_294, %dma_wait3A_295] : memref<160x40x50xi32, #tpu.memory_space<hbm>> -> memref<1x40x50xi32, #tpu.memory_space<hbm>>
      %dma_wait3A_297 = tpu.memref_squeeze %dma_wait3A_296 : memref<1x40x50xi32, #tpu.memory_space<hbm>> -> memref<40x50xi32, #tpu.memory_space<hbm>>
      tpu.wait_dma2 semaphore(%run_scoped3A : memref<!tpu.dma_semaphore, #tpu.memory_space<semaphore_mem>>) src(%dma_wait3A_297 : memref<40x50xi32, #tpu.memory_space<hbm>>) dst(%arg8 : memref<40x50xi32, #tpu.memory_space<vmem>>)
      tpu.yield
    }) : () -> ()
    %dma_start3A = arith.constant 0 : i32
    %dma_start3A_69 = arith.constant 0 : i32
    %dma_start3A_70 = tpu.memref_slice %arg7[%dma_start3A, %dma_start3A_69] : memref<40x50xi32, #tpu.memory_space<vmem>> -> memref<1x50xi32, #tpu.memory_space<vmem>>
    %dma_start3A_71 = tpu.memref_squeeze %dma_start3A_70 : memref<1x50xi32, #tpu.memory_space<vmem>> -> memref<50xi32, #tpu.memory_space<vmem>>
    %dma_start3A_72 = arith.constant 0 : i32
    %dma_start3A_73 = arith.constant 0 : i32
    %dma_start3A_74 = tpu.memref_slice %arg4[%dma_start3A_72, %dma_start3A_73] : memref<10000x128xf32, #tpu.memory_space<hbm>> -> memref<10000x128xf32, #tpu.memory_space<hbm>>
    tpu.enqueue_indirect_dma source(%dma_start3A_74 : memref<10000x128xf32, #tpu.memory_space<hbm>>) target(%arg9 : memref<50x128xf32, #tpu.memory_space<vmem>>) offsets(%dma_start3A_71 : memref<50xi32, #tpu.memory_space<vmem>>) semaphore(%arg14 : memref<!tpu.dma_semaphore, #tpu.memory_space<semaphore_mem>>)
    %dma_start3A_75 = arith.constant 1 : i32
    %dma_start3A_76 = arith.constant 0 : i32
    %dma_start3A_77 = tpu.memref_slice %arg7[%dma_start3A_75, %dma_start3A_76] : memref<40x50xi32, #tpu.memory_space<vmem>> -> memref<1x50xi32, #tpu.memory_space<vmem>>
    %dma_start3A_78 = tpu.memref_squeeze %dma_start3A_77 : memref<1x50xi32, #tpu.memory_space<vmem>> -> memref<50xi32, #tpu.memory_space<vmem>>
    %dma_start3A_79 = arith.constant 0 : i32
    %dma_start3A_80 = arith.constant 0 : i32
    %dma_start3A_81 = tpu.memref_slice %arg4[%dma_start3A_79, %dma_start3A_80] : memref<10000x128xf32, #tpu.memory_space<hbm>> -> memref<10000x128xf32, #tpu.memory_space<hbm>>
    tpu.enqueue_indirect_dma source(%dma_start3A_81 : memref<10000x128xf32, #tpu.memory_space<hbm>>) target(%arg10 : memref<50x128xf32, #tpu.memory_space<vmem>>) offsets(%dma_start3A_78 : memref<50xi32, #tpu.memory_space<vmem>>) semaphore(%arg15 : memref<!tpu.dma_semaphore, #tpu.memory_space<semaphore_mem>>)
    %dma_start3A_82 = arith.constant 2 : i32
    %dma_start3A_83 = arith.constant 0 : i32
    %dma_start3A_84 = tpu.memref_slice %arg7[%dma_start3A_82, %dma_start3A_83] : memref<40x50xi32, #tpu.memory_space<vmem>> -> memref<1x50xi32, #tpu.memory_space<vmem>>
    %dma_start3A_85 = tpu.memref_squeeze %dma_start3A_84 : memref<1x50xi32, #tpu.memory_space<vmem>> -> memref<50xi32, #tpu.memory_space<vmem>>
    %dma_start3A_86 = arith.constant 0 : i32
    %dma_start3A_87 = arith.constant 0 : i32
    %dma_start3A_88 = tpu.memref_slice %arg4[%dma_start3A_86, %dma_start3A_87] : memref<10000x128xf32, #tpu.memory_space<hbm>> -> memref<10000x128xf32, #tpu.memory_space<hbm>>
    tpu.enqueue_indirect_dma source(%dma_start3A_88 : memref<10000x128xf32, #tpu.memory_space<hbm>>) target(%arg11 : memref<50x128xf32, #tpu.memory_space<vmem>>) offsets(%dma_start3A_85 : memref<50xi32, #tpu.memory_space<vmem>>) semaphore(%arg16 : memref<!tpu.dma_semaphore, #tpu.memory_space<semaphore_mem>>)
    %scan3A = arith.constant 0 : i32
    %scan3A_89 = arith.constant 0 : i32
    %scan3A_90 = arith.constant 10 : i32
    %scan3A_91 = arith.addi %scan3A_89, %scan3A_90 : i32
    %scan3A_92 = arith.constant 1 : i32
    scf.for %scan3A_283 = %scan3A_89 to %scan3A_91 step %scan3A_92  : i32 {
      %mul3A_284 = arith.constant 4 : i32
      %mul3A_285 = arith.muli %mul3A_284, %scan3A_283 : i32
      %add3A_286 = arith.constant 0 : i32
      %add3A_287 = arith.addi %mul3A_285, %add3A_286 : i32
      %dma_wait3A = arith.constant 0 : i32
      %dma_wait3A_288 = tpu.memref_slice %arg7[%add3A_287, %dma_wait3A] : memref<40x50xi32, #tpu.memory_space<vmem>> -> memref<1x50xi32, #tpu.memory_space<vmem>>
      %dma_wait3A_289 = tpu.memref_squeeze %dma_wait3A_288 : memref<1x50xi32, #tpu.memory_space<vmem>> -> memref<50xi32, #tpu.memory_space<vmem>>
      %dma_wait3A_290 = arith.constant 0 : i32
      %dma_wait3A_291 = arith.constant 0 : i32
      %dma_wait3A_292 = tpu.memref_slice %arg4[%dma_wait3A_290, %dma_wait3A_291] : memref<10000x128xf32, #tpu.memory_space<hbm>> -> memref<10000x128xf32, #tpu.memory_space<hbm>>
      tpu.wait_indirect_dma semaphore(%arg14 : memref<!tpu.dma_semaphore, #tpu.memory_space<semaphore_mem>>) src(%dma_wait3A_292 : memref<10000x128xf32, #tpu.memory_space<hbm>>) dst(%arg9 : memref<50x128xf32, #tpu.memory_space<vmem>>)
      "tpu.region"() ({
        %run_scoped3A = tpu.sem_alloc : memref<!tpu.dma_semaphore, #tpu.memory_space<semaphore_mem>>
        %dma_start3A_355 = arith.constant 0 : i32
        %dma_start3A_356 = tpu.memref_slice %arg8[%add3A_287, %dma_start3A_355] : memref<40x50xi32, #tpu.memory_space<vmem>> -> memref<1x50xi32, #tpu.memory_space<vmem>>
        %dma_start3A_357 = tpu.memref_squeeze %dma_start3A_356 : memref<1x50xi32, #tpu.memory_space<vmem>> -> memref<50xi32, #tpu.memory_space<vmem>>
        %dma_start3A_358 = arith.constant 0 : i32
        %dma_start3A_359 = arith.constant 0 : i32
        %dma_start3A_360 = tpu.memref_slice %arg13[%dma_start3A_358, %dma_start3A_359] : memref<10240x128xf32, #tpu.memory_space<vmem_shared>> -> memref<10240x128xf32, #tpu.memory_space<vmem_shared>>
        tpu.enqueue_indirect_dma source(%arg9 : memref<50x128xf32, #tpu.memory_space<vmem>>) target(%dma_start3A_360 : memref<10240x128xf32, #tpu.memory_space<vmem_shared>>) offsets(%dma_start3A_357 : memref<50xi32, #tpu.memory_space<vmem>>) semaphore(%run_scoped3A : memref<!tpu.dma_semaphore, #tpu.memory_space<semaphore_mem>>) {add = true}
        %dma_wait3A_361 = arith.constant 0 : i32
        %dma_wait3A_362 = tpu.memref_slice %arg8[%add3A_287, %dma_wait3A_361] : memref<40x50xi32, #tpu.memory_space<vmem>> -> memref<1x50xi32, #tpu.memory_space<vmem>>
        %dma_wait3A_363 = tpu.memref_squeeze %dma_wait3A_362 : memref<1x50xi32, #tpu.memory_space<vmem>> -> memref<50xi32, #tpu.memory_space<vmem>>
        %dma_wait3A_364 = arith.constant 0 : i32
        %dma_wait3A_365 = arith.constant 0 : i32
        %dma_wait3A_366 = tpu.memref_slice %arg13[%dma_wait3A_364, %dma_wait3A_365] : memref<10240x128xf32, #tpu.memory_space<vmem_shared>> -> memref<10240x128xf32, #tpu.memory_space<vmem_shared>>
        tpu.wait_indirect_dma semaphore(%run_scoped3A : memref<!tpu.dma_semaphore, #tpu.memory_space<semaphore_mem>>) src(%arg9 : memref<50x128xf32, #tpu.memory_space<vmem>>) dst(%dma_wait3A_366 : memref<10240x128xf32, #tpu.memory_space<vmem_shared>>)
        tpu.yield
      }) : () -> ()
      %add3A_293 = arith.constant 4 : i32
      %add3A_294 = arith.addi %add3A_287, %add3A_293 : i32
      %sub3A = arith.constant 1 : i32
      %sub3A_295 = arith.subi %add3A_294, %sub3A : i32
      %lt3A = arith.constant 40 : i32
      %lt3A_296 = arith.cmpi slt, %sub3A_295, %lt3A : i32
      %convert_element_type3A = arith.extui %lt3A_296 : i1 to i32
      %cond3A = arith.constant 0 : i32
      %cond3A_297 = arith.cmpi ne, %convert_element_type3A, %cond3A : i32
      scf.if %cond3A_297 {
        %add3A_355 = arith.constant 4 : i32
        %add3A_356 = arith.addi %add3A_287, %add3A_355 : i32
        %sub3A_357 = arith.constant 1 : i32
        %sub3A_358 = arith.subi %add3A_356, %sub3A_357 : i32
        %dma_start3A_359 = arith.constant 0 : i32
        %dma_start3A_360 = tpu.memref_slice %arg7[%sub3A_358, %dma_start3A_359] : memref<40x50xi32, #tpu.memory_space<vmem>> -> memref<1x50xi32, #tpu.memory_space<vmem>>
        %dma_start3A_361 = tpu.memref_squeeze %dma_start3A_360 : memref<1x50xi32, #tpu.memory_space<vmem>> -> memref<50xi32, #tpu.memory_space<vmem>>
        %dma_start3A_362 = arith.constant 0 : i32
        %dma_start3A_363 = arith.constant 0 : i32
        %dma_start3A_364 = tpu.memref_slice %arg4[%dma_start3A_362, %dma_start3A_363] : memref<10000x128xf32, #tpu.memory_space<hbm>> -> memref<10000x128xf32, #tpu.memory_space<hbm>>
        tpu.enqueue_indirect_dma source(%dma_start3A_364 : memref<10000x128xf32, #tpu.memory_space<hbm>>) target(%arg12 : memref<50x128xf32, #tpu.memory_space<vmem>>) offsets(%dma_start3A_361 : memref<50xi32, #tpu.memory_space<vmem>>) semaphore(%arg17 : memref<!tpu.dma_semaphore, #tpu.memory_space<semaphore_mem>>)
      } else {
      }
      %mul3A_298 = arith.constant 4 : i32
      %mul3A_299 = arith.muli %mul3A_298, %scan3A_283 : i32
      %add3A_300 = arith.constant 1 : i32
      %add3A_301 = arith.addi %mul3A_299, %add3A_300 : i32
      %dma_wait3A_302 = arith.constant 0 : i32
      %dma_wait3A_303 = tpu.memref_slice %arg7[%add3A_301, %dma_wait3A_302] : memref<40x50xi32, #tpu.memory_space<vmem>> -> memref<1x50xi32, #tpu.memory_space<vmem>>
      %dma_wait3A_304 = tpu.memref_squeeze %dma_wait3A_303 : memref<1x50xi32, #tpu.memory_space<vmem>> -> memref<50xi32, #tpu.memory_space<vmem>>
      %dma_wait3A_305 = arith.constant 0 : i32
      %dma_wait3A_306 = arith.constant 0 : i32
      %dma_wait3A_307 = tpu.memref_slice %arg4[%dma_wait3A_305, %dma_wait3A_306] : memref<10000x128xf32, #tpu.memory_space<hbm>> -> memref<10000x128xf32, #tpu.memory_space<hbm>>
      tpu.wait_indirect_dma semaphore(%arg15 : memref<!tpu.dma_semaphore, #tpu.memory_space<semaphore_mem>>) src(%dma_wait3A_307 : memref<10000x128xf32, #tpu.memory_space<hbm>>) dst(%arg10 : memref<50x128xf32, #tpu.memory_space<vmem>>)
      "tpu.region"() ({
        %run_scoped3A = tpu.sem_alloc : memref<!tpu.dma_semaphore, #tpu.memory_space<semaphore_mem>>
        %dma_start3A_355 = arith.constant 0 : i32
        %dma_start3A_356 = tpu.memref_slice %arg8[%add3A_301, %dma_start3A_355] : memref<40x50xi32, #tpu.memory_space<vmem>> -> memref<1x50xi32, #tpu.memory_space<vmem>>
        %dma_start3A_357 = tpu.memref_squeeze %dma_start3A_356 : memref<1x50xi32, #tpu.memory_space<vmem>> -> memref<50xi32, #tpu.memory_space<vmem>>
        %dma_start3A_358 = arith.constant 0 : i32
        %dma_start3A_359 = arith.constant 0 : i32
        %dma_start3A_360 = tpu.memref_slice %arg13[%dma_start3A_358, %dma_start3A_359] : memref<10240x128xf32, #tpu.memory_space<vmem_shared>> -> memref<10240x128xf32, #tpu.memory_space<vmem_shared>>
        tpu.enqueue_indirect_dma source(%arg10 : memref<50x128xf32, #tpu.memory_space<vmem>>) target(%dma_start3A_360 : memref<10240x128xf32, #tpu.memory_space<vmem_shared>>) offsets(%dma_start3A_357 : memref<50xi32, #tpu.memory_space<vmem>>) semaphore(%run_scoped3A : memref<!tpu.dma_semaphore, #tpu.memory_space<semaphore_mem>>) {add = true}
        %dma_wait3A_361 = arith.constant 0 : i32
        %dma_wait3A_362 = tpu.memref_slice %arg8[%add3A_301, %dma_wait3A_361] : memref<40x50xi32, #tpu.memory_space<vmem>> -> memref<1x50xi32, #tpu.memory_space<vmem>>
        %dma_wait3A_363 = tpu.memref_squeeze %dma_wait3A_362 : memref<1x50xi32, #tpu.memory_space<vmem>> -> memref<50xi32, #tpu.memory_space<vmem>>
        %dma_wait3A_364 = arith.constant 0 : i32
        %dma_wait3A_365 = arith.constant 0 : i32
        %dma_wait3A_366 = tpu.memref_slice %arg13[%dma_wait3A_364, %dma_wait3A_365] : memref<10240x128xf32, #tpu.memory_space<vmem_shared>> -> memref<10240x128xf32, #tpu.memory_space<vmem_shared>>
        tpu.wait_indirect_dma semaphore(%run_scoped3A : memref<!tpu.dma_semaphore, #tpu.memory_space<semaphore_mem>>) src(%arg10 : memref<50x128xf32, #tpu.memory_space<vmem>>) dst(%dma_wait3A_366 : memref<10240x128xf32, #tpu.memory_space<vmem_shared>>)
        tpu.yield
      }) : () -> ()
      %add3A_308 = arith.constant 4 : i32
      %add3A_309 = arith.addi %add3A_301, %add3A_308 : i32
      %sub3A_310 = arith.constant 1 : i32
      %sub3A_311 = arith.subi %add3A_309, %sub3A_310 : i32
      %lt3A_312 = arith.constant 40 : i32
      %lt3A_313 = arith.cmpi slt, %sub3A_311, %lt3A_312 : i32
      %convert_element_type3A_314 = arith.extui %lt3A_313 : i1 to i32
      %cond3A_315 = arith.constant 0 : i32
      %cond3A_316 = arith.cmpi ne, %convert_element_type3A_314, %cond3A_315 : i32
      scf.if %cond3A_316 {
        %add3A_355 = arith.constant 4 : i32
        %add3A_356 = arith.addi %add3A_301, %add3A_355 : i32
        %sub3A_357 = arith.constant 1 : i32
        %sub3A_358 = arith.subi %add3A_356, %sub3A_357 : i32
        %dma_start3A_359 = arith.constant 0 : i32
        %dma_start3A_360 = tpu.memref_slice %arg7[%sub3A_358, %dma_start3A_359] : memref<40x50xi32, #tpu.memory_space<vmem>> -> memref<1x50xi32, #tpu.memory_space<vmem>>
        %dma_start3A_361 = tpu.memref_squeeze %dma_start3A_360 : memref<1x50xi32, #tpu.memory_space<vmem>> -> memref<50xi32, #tpu.memory_space<vmem>>
        %dma_start3A_362 = arith.constant 0 : i32
        %dma_start3A_363 = arith.constant 0 : i32
        %dma_start3A_364 = tpu.memref_slice %arg4[%dma_start3A_362, %dma_start3A_363] : memref<10000x128xf32, #tpu.memory_space<hbm>> -> memref<10000x128xf32, #tpu.memory_space<hbm>>
        tpu.enqueue_indirect_dma source(%dma_start3A_364 : memref<10000x128xf32, #tpu.memory_space<hbm>>) target(%arg9 : memref<50x128xf32, #tpu.memory_space<vmem>>) offsets(%dma_start3A_361 : memref<50xi32, #tpu.memory_space<vmem>>) semaphore(%arg14 : memref<!tpu.dma_semaphore, #tpu.memory_space<semaphore_mem>>)
      } else {
      }
      %mul3A_317 = arith.constant 4 : i32
      %mul3A_318 = arith.muli %mul3A_317, %scan3A_283 : i32
      %add3A_319 = arith.constant 2 : i32
      %add3A_320 = arith.addi %mul3A_318, %add3A_319 : i32
      %dma_wait3A_321 = arith.constant 0 : i32
      %dma_wait3A_322 = tpu.memref_slice %arg7[%add3A_320, %dma_wait3A_321] : memref<40x50xi32, #tpu.memory_space<vmem>> -> memref<1x50xi32, #tpu.memory_space<vmem>>
      %dma_wait3A_323 = tpu.memref_squeeze %dma_wait3A_322 : memref<1x50xi32, #tpu.memory_space<vmem>> -> memref<50xi32, #tpu.memory_space<vmem>>
      %dma_wait3A_324 = arith.constant 0 : i32
      %dma_wait3A_325 = arith.constant 0 : i32
      %dma_wait3A_326 = tpu.memref_slice %arg4[%dma_wait3A_324, %dma_wait3A_325] : memref<10000x128xf32, #tpu.memory_space<hbm>> -> memref<10000x128xf32, #tpu.memory_space<hbm>>
      tpu.wait_indirect_dma semaphore(%arg16 : memref<!tpu.dma_semaphore, #tpu.memory_space<semaphore_mem>>) src(%dma_wait3A_326 : memref<10000x128xf32, #tpu.memory_space<hbm>>) dst(%arg11 : memref<50x128xf32, #tpu.memory_space<vmem>>)
      "tpu.region"() ({
        %run_scoped3A = tpu.sem_alloc : memref<!tpu.dma_semaphore, #tpu.memory_space<semaphore_mem>>
        %dma_start3A_355 = arith.constant 0 : i32
        %dma_start3A_356 = tpu.memref_slice %arg8[%add3A_320, %dma_start3A_355] : memref<40x50xi32, #tpu.memory_space<vmem>> -> memref<1x50xi32, #tpu.memory_space<vmem>>
        %dma_start3A_357 = tpu.memref_squeeze %dma_start3A_356 : memref<1x50xi32, #tpu.memory_space<vmem>> -> memref<50xi32, #tpu.memory_space<vmem>>
        %dma_start3A_358 = arith.constant 0 : i32
        %dma_start3A_359 = arith.constant 0 : i32
        %dma_start3A_360 = tpu.memref_slice %arg13[%dma_start3A_358, %dma_start3A_359] : memref<10240x128xf32, #tpu.memory_space<vmem_shared>> -> memref<10240x128xf32, #tpu.memory_space<vmem_shared>>
        tpu.enqueue_indirect_dma source(%arg11 : memref<50x128xf32, #tpu.memory_space<vmem>>) target(%dma_start3A_360 : memref<10240x128xf32, #tpu.memory_space<vmem_shared>>) offsets(%dma_start3A_357 : memref<50xi32, #tpu.memory_space<vmem>>) semaphore(%run_scoped3A : memref<!tpu.dma_semaphore, #tpu.memory_space<semaphore_mem>>) {add = true}
        %dma_wait3A_361 = arith.constant 0 : i32
        %dma_wait3A_362 = tpu.memref_slice %arg8[%add3A_320, %dma_wait3A_361] : memref<40x50xi32, #tpu.memory_space<vmem>> -> memref<1x50xi32, #tpu.memory_space<vmem>>
        %dma_wait3A_363 = tpu.memref_squeeze %dma_wait3A_362 : memref<1x50xi32, #tpu.memory_space<vmem>> -> memref<50xi32, #tpu.memory_space<vmem>>
        %dma_wait3A_364 = arith.constant 0 : i32
        %dma_wait3A_365 = arith.constant 0 : i32
        %dma_wait3A_366 = tpu.memref_slice %arg13[%dma_wait3A_364, %dma_wait3A_365] : memref<10240x128xf32, #tpu.memory_space<vmem_shared>> -> memref<10240x128xf32, #tpu.memory_space<vmem_shared>>
        tpu.wait_indirect_dma semaphore(%run_scoped3A : memref<!tpu.dma_semaphore, #tpu.memory_space<semaphore_mem>>) src(%arg11 : memref<50x128xf32, #tpu.memory_space<vmem>>) dst(%dma_wait3A_366 : memref<10240x128xf32, #tpu.memory_space<vmem_shared>>)
        tpu.yield
      }) : () -> ()
      %add3A_327 = arith.constant 4 : i32
      %add3A_328 = arith.addi %add3A_320, %add3A_327 : i32
      %sub3A_329 = arith.constant 1 : i32
      %sub3A_330 = arith.subi %add3A_328, %sub3A_329 : i32
      %lt3A_331 = arith.constant 40 : i32
      %lt3A_332 = arith.cmpi slt, %sub3A_330, %lt3A_331 : i32
      %convert_element_type3A_333 = arith.extui %lt3A_332 : i1 to i32
      %cond3A_334 = arith.constant 0 : i32
      %cond3A_335 = arith.cmpi ne, %convert_element_type3A_333, %cond3A_334 : i32
      scf.if %cond3A_335 {
        %add3A_355 = arith.constant 4 : i32
        %add3A_356 = arith.addi %add3A_320, %add3A_355 : i32
        %sub3A_357 = arith.constant 1 : i32
        %sub3A_358 = arith.subi %add3A_356, %sub3A_357 : i32
        %dma_start3A_359 = arith.constant 0 : i32
        %dma_start3A_360 = tpu.memref_slice %arg7[%sub3A_358, %dma_start3A_359] : memref<40x50xi32, #tpu.memory_space<vmem>> -> memref<1x50xi32, #tpu.memory_space<vmem>>
        %dma_start3A_361 = tpu.memref_squeeze %dma_start3A_360 : memref<1x50xi32, #tpu.memory_space<vmem>> -> memref<50xi32, #tpu.memory_space<vmem>>
        %dma_start3A_362 = arith.constant 0 : i32
        %dma_start3A_363 = arith.constant 0 : i32
        %dma_start3A_364 = tpu.memref_slice %arg4[%dma_start3A_362, %dma_start3A_363] : memref<10000x128xf32, #tpu.memory_space<hbm>> -> memref<10000x128xf32, #tpu.memory_space<hbm>>
        tpu.enqueue_indirect_dma source(%dma_start3A_364 : memref<10000x128xf32, #tpu.memory_space<hbm>>) target(%arg10 : memref<50x128xf32, #tpu.memory_space<vmem>>) offsets(%dma_start3A_361 : memref<50xi32, #tpu.memory_space<vmem>>) semaphore(%arg15 : memref<!tpu.dma_semaphore, #tpu.memory_space<semaphore_mem>>)
      } else {
      }
      %mul3A_336 = arith.constant 4 : i32
      %mul3A_337 = arith.muli %mul3A_336, %scan3A_283 : i32
      %add3A_338 = arith.constant 3 : i32
      %add3A_339 = arith.addi %mul3A_337, %add3A_338 : i32
      %dma_wait3A_340 = arith.constant 0 : i32
      %dma_wait3A_341 = tpu.memref_slice %arg7[%add3A_339, %dma_wait3A_340] : memref<40x50xi32, #tpu.memory_space<vmem>> -> memref<1x50xi32, #tpu.memory_space<vmem>>
      %dma_wait3A_342 = tpu.memref_squeeze %dma_wait3A_341 : memref<1x50xi32, #tpu.memory_space<vmem>> -> memref<50xi32, #tpu.memory_space<vmem>>
      %dma_wait3A_343 = arith.constant 0 : i32
      %dma_wait3A_344 = arith.constant 0 : i32
      %dma_wait3A_345 = tpu.memref_slice %arg4[%dma_wait3A_343, %dma_wait3A_344] : memref<10000x128xf32, #tpu.memory_space<hbm>> -> memref<10000x128xf32, #tpu.memory_space<hbm>>
      tpu.wait_indirect_dma semaphore(%arg17 : memref<!tpu.dma_semaphore, #tpu.memory_space<semaphore_mem>>) src(%dma_wait3A_345 : memref<10000x128xf32, #tpu.memory_space<hbm>>) dst(%arg12 : memref<50x128xf32, #tpu.memory_space<vmem>>)
      "tpu.region"() ({
        %run_scoped3A = tpu.sem_alloc : memref<!tpu.dma_semaphore, #tpu.memory_space<semaphore_mem>>
        %dma_start3A_355 = arith.constant 0 : i32
        %dma_start3A_356 = tpu.memref_slice %arg8[%add3A_339, %dma_start3A_355] : memref<40x50xi32, #tpu.memory_space<vmem>> -> memref<1x50xi32, #tpu.memory_space<vmem>>
        %dma_start3A_357 = tpu.memref_squeeze %dma_start3A_356 : memref<1x50xi32, #tpu.memory_space<vmem>> -> memref<50xi32, #tpu.memory_space<vmem>>
        %dma_start3A_358 = arith.constant 0 : i32
        %dma_start3A_359 = arith.constant 0 : i32
        %dma_start3A_360 = tpu.memref_slice %arg13[%dma_start3A_358, %dma_start3A_359] : memref<10240x128xf32, #tpu.memory_space<vmem_shared>> -> memref<10240x128xf32, #tpu.memory_space<vmem_shared>>
        tpu.enqueue_indirect_dma source(%arg12 : memref<50x128xf32, #tpu.memory_space<vmem>>) target(%dma_start3A_360 : memref<10240x128xf32, #tpu.memory_space<vmem_shared>>) offsets(%dma_start3A_357 : memref<50xi32, #tpu.memory_space<vmem>>) semaphore(%run_scoped3A : memref<!tpu.dma_semaphore, #tpu.memory_space<semaphore_mem>>) {add = true}
        %dma_wait3A_361 = arith.constant 0 : i32
        %dma_wait3A_362 = tpu.memref_slice %arg8[%add3A_339, %dma_wait3A_361] : memref<40x50xi32, #tpu.memory_space<vmem>> -> memref<1x50xi32, #tpu.memory_space<vmem>>
        %dma_wait3A_363 = tpu.memref_squeeze %dma_wait3A_362 : memref<1x50xi32, #tpu.memory_space<vmem>> -> memref<50xi32, #tpu.memory_space<vmem>>
        %dma_wait3A_364 = arith.constant 0 : i32
        %dma_wait3A_365 = arith.constant 0 : i32
        %dma_wait3A_366 = tpu.memref_slice %arg13[%dma_wait3A_364, %dma_wait3A_365] : memref<10240x128xf32, #tpu.memory_space<vmem_shared>> -> memref<10240x128xf32, #tpu.memory_space<vmem_shared>>
        tpu.wait_indirect_dma semaphore(%run_scoped3A : memref<!tpu.dma_semaphore, #tpu.memory_space<semaphore_mem>>) src(%arg12 : memref<50x128xf32, #tpu.memory_space<vmem>>) dst(%dma_wait3A_366 : memref<10240x128xf32, #tpu.memory_space<vmem_shared>>)
        tpu.yield
      }) : () -> ()
      %add3A_346 = arith.constant 4 : i32
      %add3A_347 = arith.addi %add3A_339, %add3A_346 : i32
      %sub3A_348 = arith.constant 1 : i32
      %sub3A_349 = arith.subi %add3A_347, %sub3A_348 : i32
      %lt3A_350 = arith.constant 40 : i32
      %lt3A_351 = arith.cmpi slt, %sub3A_349, %lt3A_350 : i32
      %convert_element_type3A_352 = arith.extui %lt3A_351 : i1 to i32
      %cond3A_353 = arith.constant 0 : i32
      %cond3A_354 = arith.cmpi ne, %convert_element_type3A_352, %cond3A_353 : i32
      scf.if %cond3A_354 {
        %add3A_355 = arith.constant 4 : i32
        %add3A_356 = arith.addi %add3A_339, %add3A_355 : i32
        %sub3A_357 = arith.constant 1 : i32
        %sub3A_358 = arith.subi %add3A_356, %sub3A_357 : i32
        %dma_start3A_359 = arith.constant 0 : i32
        %dma_start3A_360 = tpu.memref_slice %arg7[%sub3A_358, %dma_start3A_359] : memref<40x50xi32, #tpu.memory_space<vmem>> -> memref<1x50xi32, #tpu.memory_space<vmem>>
        %dma_start3A_361 = tpu.memref_squeeze %dma_start3A_360 : memref<1x50xi32, #tpu.memory_space<vmem>> -> memref<50xi32, #tpu.memory_space<vmem>>
        %dma_start3A_362 = arith.constant 0 : i32
        %dma_start3A_363 = arith.constant 0 : i32
        %dma_start3A_364 = tpu.memref_slice %arg4[%dma_start3A_362, %dma_start3A_363] : memref<10000x128xf32, #tpu.memory_space<hbm>> -> memref<10000x128xf32, #tpu.memory_space<hbm>>
        tpu.enqueue_indirect_dma source(%dma_start3A_364 : memref<10000x128xf32, #tpu.memory_space<hbm>>) target(%arg11 : memref<50x128xf32, #tpu.memory_space<vmem>>) offsets(%dma_start3A_361 : memref<50xi32, #tpu.memory_space<vmem>>) semaphore(%arg16 : memref<!tpu.dma_semaphore, #tpu.memory_space<semaphore_mem>>)
      } else {
      }
    }
    %scan3A_93 = arith.constant 10 : i32
    %mul3A_94 = arith.constant 5 : i32
    %mul3A_95 = arith.muli %add3A, %mul3A_94 : i32
    %add3A_96 = arith.constant 1 : i32
    %add3A_97 = arith.addi %mul3A_95, %add3A_96 : i32
    "tpu.region"() ({
      %run_scoped3A = tpu.sem_alloc : memref<!tpu.dma_semaphore, #tpu.memory_space<semaphore_mem>>
      %dma_start3A_283 = arith.constant 0 : i32
      %dma_start3A_284 = arith.constant 0 : i32
      %dma_start3A_285 = tpu.memref_slice %arg2[%add3A_97, %dma_start3A_283, %dma_start3A_284] : memref<160x40x50xi32, #tpu.memory_space<hbm>> -> memref<1x40x50xi32, #tpu.memory_space<hbm>>
      %dma_start3A_286 = tpu.memref_squeeze %dma_start3A_285 : memref<1x40x50xi32, #tpu.memory_space<hbm>> -> memref<40x50xi32, #tpu.memory_space<hbm>>
      %dma_start3A_287 = arith.constant 0 : i32
      %dma_start3A_288 = arith.constant 0 : i32
      %dma_start3A_289 = tpu.memref_slice %arg2[%add3A_97, %dma_start3A_287, %dma_start3A_288] : memref<160x40x50xi32, #tpu.memory_space<hbm>> -> memref<1x40x50xi32, #tpu.memory_space<hbm>>
      %dma_start3A_290 = tpu.memref_squeeze %dma_start3A_289 : memref<1x40x50xi32, #tpu.memory_space<hbm>> -> memref<40x50xi32, #tpu.memory_space<hbm>>
      tpu.enqueue_dma source(%dma_start3A_290 : memref<40x50xi32, #tpu.memory_space<hbm>>) target(%arg7 : memref<40x50xi32, #tpu.memory_space<vmem>>) target_semaphore(%run_scoped3A : memref<!tpu.dma_semaphore, #tpu.memory_space<semaphore_mem>>)
      %dma_wait3A = arith.constant 0 : i32
      %dma_wait3A_291 = arith.constant 0 : i32
      %dma_wait3A_292 = tpu.memref_slice %arg2[%add3A_97, %dma_wait3A, %dma_wait3A_291] : memref<160x40x50xi32, #tpu.memory_space<hbm>> -> memref<1x40x50xi32, #tpu.memory_space<hbm>>
      %dma_wait3A_293 = tpu.memref_squeeze %dma_wait3A_292 : memref<1x40x50xi32, #tpu.memory_space<hbm>> -> memref<40x50xi32, #tpu.memory_space<hbm>>
      %dma_wait3A_294 = arith.constant 0 : i32
      %dma_wait3A_295 = arith.constant 0 : i32
      %dma_wait3A_296 = tpu.memref_slice %arg2[%add3A_97, %dma_wait3A_294, %dma_wait3A_295] : memref<160x40x50xi32, #tpu.memory_space<hbm>> -> memref<1x40x50xi32, #tpu.memory_space<hbm>>
      %dma_wait3A_297 = tpu.memref_squeeze %dma_wait3A_296 : memref<1x40x50xi32, #tpu.memory_space<hbm>> -> memref<40x50xi32, #tpu.memory_space<hbm>>
      tpu.wait_dma2 semaphore(%run_scoped3A : memref<!tpu.dma_semaphore, #tpu.memory_space<semaphore_mem>>) src(%dma_wait3A_297 : memref<40x50xi32, #tpu.memory_space<hbm>>) dst(%arg7 : memref<40x50xi32, #tpu.memory_space<vmem>>)
      tpu.yield
    }) : () -> ()
    "tpu.region"() ({
      %run_scoped3A = tpu.sem_alloc : memref<!tpu.dma_semaphore, #tpu.memory_space<semaphore_mem>>
      %dma_start3A_283 = arith.constant 0 : i32
      %dma_start3A_284 = arith.constant 0 : i32
      %dma_start3A_285 = tpu.memref_slice %arg3[%add3A_97, %dma_start3A_283, %dma_start3A_284] : memref<160x40x50xi32, #tpu.memory_space<hbm>> -> memref<1x40x50xi32, #tpu.memory_space<hbm>>
      %dma_start3A_286 = tpu.memref_squeeze %dma_start3A_285 : memref<1x40x50xi32, #tpu.memory_space<hbm>> -> memref<40x50xi32, #tpu.memory_space<hbm>>
      %dma_start3A_287 = arith.constant 0 : i32
      %dma_start3A_288 = arith.constant 0 : i32
      %dma_start3A_289 = tpu.memref_slice %arg3[%add3A_97, %dma_start3A_287, %dma_start3A_288] : memref<160x40x50xi32, #tpu.memory_space<hbm>> -> memref<1x40x50xi32, #tpu.memory_space<hbm>>
      %dma_start3A_290 = tpu.memref_squeeze %dma_start3A_289 : memref<1x40x50xi32, #tpu.memory_space<hbm>> -> memref<40x50xi32, #tpu.memory_space<hbm>>
      tpu.enqueue_dma source(%dma_start3A_290 : memref<40x50xi32, #tpu.memory_space<hbm>>) target(%arg8 : memref<40x50xi32, #tpu.memory_space<vmem>>) target_semaphore(%run_scoped3A : memref<!tpu.dma_semaphore, #tpu.memory_space<semaphore_mem>>)
      %dma_wait3A = arith.constant 0 : i32
      %dma_wait3A_291 = arith.constant 0 : i32
      %dma_wait3A_292 = tpu.memref_slice %arg3[%add3A_97, %dma_wait3A, %dma_wait3A_291] : memref<160x40x50xi32, #tpu.memory_space<hbm>> -> memref<1x40x50xi32, #tpu.memory_space<hbm>>
      %dma_wait3A_293 = tpu.memref_squeeze %dma_wait3A_292 : memref<1x40x50xi32, #tpu.memory_space<hbm>> -> memref<40x50xi32, #tpu.memory_space<hbm>>
      %dma_wait3A_294 = arith.constant 0 : i32
      %dma_wait3A_295 = arith.constant 0 : i32
      %dma_wait3A_296 = tpu.memref_slice %arg3[%add3A_97, %dma_wait3A_294, %dma_wait3A_295] : memref<160x40x50xi32, #tpu.memory_space<hbm>> -> memref<1x40x50xi32, #tpu.memory_space<hbm>>
      %dma_wait3A_297 = tpu.memref_squeeze %dma_wait3A_296 : memref<1x40x50xi32, #tpu.memory_space<hbm>> -> memref<40x50xi32, #tpu.memory_space<hbm>>
      tpu.wait_dma2 semaphore(%run_scoped3A : memref<!tpu.dma_semaphore, #tpu.memory_space<semaphore_mem>>) src(%dma_wait3A_297 : memref<40x50xi32, #tpu.memory_space<hbm>>) dst(%arg8 : memref<40x50xi32, #tpu.memory_space<vmem>>)
      tpu.yield
    }) : () -> ()
    %dma_start3A_98 = arith.constant 0 : i32
    %dma_start3A_99 = arith.constant 0 : i32
    %dma_start3A_100 = tpu.memref_slice %arg7[%dma_start3A_98, %dma_start3A_99] : memref<40x50xi32, #tpu.memory_space<vmem>> -> memref<1x50xi32, #tpu.memory_space<vmem>>
    %dma_start3A_101 = tpu.memref_squeeze %dma_start3A_100 : memref<1x50xi32, #tpu.memory_space<vmem>> -> memref<50xi32, #tpu.memory_space<vmem>>
    %dma_start3A_102 = arith.constant 0 : i32
    %dma_start3A_103 = arith.constant 0 : i32
    %dma_start3A_104 = tpu.memref_slice %arg4[%dma_start3A_102, %dma_start3A_103] : memref<10000x128xf32, #tpu.memory_space<hbm>> -> memref<10000x128xf32, #tpu.memory_space<hbm>>
    tpu.enqueue_indirect_dma source(%dma_start3A_104 : memref<10000x128xf32, #tpu.memory_space<hbm>>) target(%arg9 : memref<50x128xf32, #tpu.memory_space<vmem>>) offsets(%dma_start3A_101 : memref<50xi32, #tpu.memory_space<vmem>>) semaphore(%arg14 : memref<!tpu.dma_semaphore, #tpu.memory_space<semaphore_mem>>)
    %dma_start3A_105 = arith.constant 1 : i32
    %dma_start3A_106 = arith.constant 0 : i32
    %dma_start3A_107 = tpu.memref_slice %arg7[%dma_start3A_105, %dma_start3A_106] : memref<40x50xi32, #tpu.memory_space<vmem>> -> memref<1x50xi32, #tpu.memory_space<vmem>>
    %dma_start3A_108 = tpu.memref_squeeze %dma_start3A_107 : memref<1x50xi32, #tpu.memory_space<vmem>> -> memref<50xi32, #tpu.memory_space<vmem>>
    %dma_start3A_109 = arith.constant 0 : i32
    %dma_start3A_110 = arith.constant 0 : i32
    %dma_start3A_111 = tpu.memref_slice %arg4[%dma_start3A_109, %dma_start3A_110] : memref<10000x128xf32, #tpu.memory_space<hbm>> -> memref<10000x128xf32, #tpu.memory_space<hbm>>
    tpu.enqueue_indirect_dma source(%dma_start3A_111 : memref<10000x128xf32, #tpu.memory_space<hbm>>) target(%arg10 : memref<50x128xf32, #tpu.memory_space<vmem>>) offsets(%dma_start3A_108 : memref<50xi32, #tpu.memory_space<vmem>>) semaphore(%arg15 : memref<!tpu.dma_semaphore, #tpu.memory_space<semaphore_mem>>)
    %dma_start3A_112 = arith.constant 2 : i32
    %dma_start3A_113 = arith.constant 0 : i32
    %dma_start3A_114 = tpu.memref_slice %arg7[%dma_start3A_112, %dma_start3A_113] : memref<40x50xi32, #tpu.memory_space<vmem>> -> memref<1x50xi32, #tpu.memory_space<vmem>>
    %dma_start3A_115 = tpu.memref_squeeze %dma_start3A_114 : memref<1x50xi32, #tpu.memory_space<vmem>> -> memref<50xi32, #tpu.memory_space<vmem>>
    %dma_start3A_116 = arith.constant 0 : i32
    %dma_start3A_117 = arith.constant 0 : i32
    %dma_start3A_118 = tpu.memref_slice %arg4[%dma_start3A_116, %dma_start3A_117] : memref<10000x128xf32, #tpu.memory_space<hbm>> -> memref<10000x128xf32, #tpu.memory_space<hbm>>
    tpu.enqueue_indirect_dma source(%dma_start3A_118 : memref<10000x128xf32, #tpu.memory_space<hbm>>) target(%arg11 : memref<50x128xf32, #tpu.memory_space<vmem>>) offsets(%dma_start3A_115 : memref<50xi32, #tpu.memory_space<vmem>>) semaphore(%arg16 : memref<!tpu.dma_semaphore, #tpu.memory_space<semaphore_mem>>)
    %scan3A_119 = arith.constant 0 : i32
    %scan3A_120 = arith.constant 0 : i32
    %scan3A_121 = arith.constant 10 : i32
    %scan3A_122 = arith.addi %scan3A_120, %scan3A_121 : i32
    %scan3A_123 = arith.constant 1 : i32
    scf.for %scan3A_283 = %scan3A_120 to %scan3A_122 step %scan3A_123  : i32 {
      %mul3A_284 = arith.constant 4 : i32
      %mul3A_285 = arith.muli %mul3A_284, %scan3A_283 : i32
      %add3A_286 = arith.constant 0 : i32
      %add3A_287 = arith.addi %mul3A_285, %add3A_286 : i32
      %dma_wait3A = arith.constant 0 : i32
      %dma_wait3A_288 = tpu.memref_slice %arg7[%add3A_287, %dma_wait3A] : memref<40x50xi32, #tpu.memory_space<vmem>> -> memref<1x50xi32, #tpu.memory_space<vmem>>
      %dma_wait3A_289 = tpu.memref_squeeze %dma_wait3A_288 : memref<1x50xi32, #tpu.memory_space<vmem>> -> memref<50xi32, #tpu.memory_space<vmem>>
      %dma_wait3A_290 = arith.constant 0 : i32
      %dma_wait3A_291 = arith.constant 0 : i32
      %dma_wait3A_292 = tpu.memref_slice %arg4[%dma_wait3A_290, %dma_wait3A_291] : memref<10000x128xf32, #tpu.memory_space<hbm>> -> memref<10000x128xf32, #tpu.memory_space<hbm>>
      tpu.wait_indirect_dma semaphore(%arg14 : memref<!tpu.dma_semaphore, #tpu.memory_space<semaphore_mem>>) src(%dma_wait3A_292 : memref<10000x128xf32, #tpu.memory_space<hbm>>) dst(%arg9 : memref<50x128xf32, #tpu.memory_space<vmem>>)
      "tpu.region"() ({
        %run_scoped3A = tpu.sem_alloc : memref<!tpu.dma_semaphore, #tpu.memory_space<semaphore_mem>>
        %dma_start3A_355 = arith.constant 0 : i32
        %dma_start3A_356 = tpu.memref_slice %arg8[%add3A_287, %dma_start3A_355] : memref<40x50xi32, #tpu.memory_space<vmem>> -> memref<1x50xi32, #tpu.memory_space<vmem>>
        %dma_start3A_357 = tpu.memref_squeeze %dma_start3A_356 : memref<1x50xi32, #tpu.memory_space<vmem>> -> memref<50xi32, #tpu.memory_space<vmem>>
        %dma_start3A_358 = arith.constant 0 : i32
        %dma_start3A_359 = arith.constant 0 : i32
        %dma_start3A_360 = tpu.memref_slice %arg13[%dma_start3A_358, %dma_start3A_359] : memref<10240x128xf32, #tpu.memory_space<vmem_shared>> -> memref<10240x128xf32, #tpu.memory_space<vmem_shared>>
        tpu.enqueue_indirect_dma source(%arg9 : memref<50x128xf32, #tpu.memory_space<vmem>>) target(%dma_start3A_360 : memref<10240x128xf32, #tpu.memory_space<vmem_shared>>) offsets(%dma_start3A_357 : memref<50xi32, #tpu.memory_space<vmem>>) semaphore(%run_scoped3A : memref<!tpu.dma_semaphore, #tpu.memory_space<semaphore_mem>>) {add = true}
        %dma_wait3A_361 = arith.constant 0 : i32
        %dma_wait3A_362 = tpu.memref_slice %arg8[%add3A_287, %dma_wait3A_361] : memref<40x50xi32, #tpu.memory_space<vmem>> -> memref<1x50xi32, #tpu.memory_space<vmem>>
        %dma_wait3A_363 = tpu.memref_squeeze %dma_wait3A_362 : memref<1x50xi32, #tpu.memory_space<vmem>> -> memref<50xi32, #tpu.memory_space<vmem>>
        %dma_wait3A_364 = arith.constant 0 : i32
        %dma_wait3A_365 = arith.constant 0 : i32
        %dma_wait3A_366 = tpu.memref_slice %arg13[%dma_wait3A_364, %dma_wait3A_365] : memref<10240x128xf32, #tpu.memory_space<vmem_shared>> -> memref<10240x128xf32, #tpu.memory_space<vmem_shared>>
        tpu.wait_indirect_dma semaphore(%run_scoped3A : memref<!tpu.dma_semaphore, #tpu.memory_space<semaphore_mem>>) src(%arg9 : memref<50x128xf32, #tpu.memory_space<vmem>>) dst(%dma_wait3A_366 : memref<10240x128xf32, #tpu.memory_space<vmem_shared>>)
        tpu.yield
      }) : () -> ()
      %add3A_293 = arith.constant 4 : i32
      %add3A_294 = arith.addi %add3A_287, %add3A_293 : i32
      %sub3A = arith.constant 1 : i32
      %sub3A_295 = arith.subi %add3A_294, %sub3A : i32
      %lt3A = arith.constant 40 : i32
      %lt3A_296 = arith.cmpi slt, %sub3A_295, %lt3A : i32
      %convert_element_type3A = arith.extui %lt3A_296 : i1 to i32
      %cond3A = arith.constant 0 : i32
      %cond3A_297 = arith.cmpi ne, %convert_element_type3A, %cond3A : i32
      scf.if %cond3A_297 {
        %add3A_355 = arith.constant 4 : i32
        %add3A_356 = arith.addi %add3A_287, %add3A_355 : i32
        %sub3A_357 = arith.constant 1 : i32
        %sub3A_358 = arith.subi %add3A_356, %sub3A_357 : i32
        %dma_start3A_359 = arith.constant 0 : i32
        %dma_start3A_360 = tpu.memref_slice %arg7[%sub3A_358, %dma_start3A_359] : memref<40x50xi32, #tpu.memory_space<vmem>> -> memref<1x50xi32, #tpu.memory_space<vmem>>
        %dma_start3A_361 = tpu.memref_squeeze %dma_start3A_360 : memref<1x50xi32, #tpu.memory_space<vmem>> -> memref<50xi32, #tpu.memory_space<vmem>>
        %dma_start3A_362 = arith.constant 0 : i32
        %dma_start3A_363 = arith.constant 0 : i32
        %dma_start3A_364 = tpu.memref_slice %arg4[%dma_start3A_362, %dma_start3A_363] : memref<10000x128xf32, #tpu.memory_space<hbm>> -> memref<10000x128xf32, #tpu.memory_space<hbm>>
        tpu.enqueue_indirect_dma source(%dma_start3A_364 : memref<10000x128xf32, #tpu.memory_space<hbm>>) target(%arg12 : memref<50x128xf32, #tpu.memory_space<vmem>>) offsets(%dma_start3A_361 : memref<50xi32, #tpu.memory_space<vmem>>) semaphore(%arg17 : memref<!tpu.dma_semaphore, #tpu.memory_space<semaphore_mem>>)
      } else {
      }
      %mul3A_298 = arith.constant 4 : i32
      %mul3A_299 = arith.muli %mul3A_298, %scan3A_283 : i32
      %add3A_300 = arith.constant 1 : i32
      %add3A_301 = arith.addi %mul3A_299, %add3A_300 : i32
      %dma_wait3A_302 = arith.constant 0 : i32
      %dma_wait3A_303 = tpu.memref_slice %arg7[%add3A_301, %dma_wait3A_302] : memref<40x50xi32, #tpu.memory_space<vmem>> -> memref<1x50xi32, #tpu.memory_space<vmem>>
      %dma_wait3A_304 = tpu.memref_squeeze %dma_wait3A_303 : memref<1x50xi32, #tpu.memory_space<vmem>> -> memref<50xi32, #tpu.memory_space<vmem>>
      %dma_wait3A_305 = arith.constant 0 : i32
      %dma_wait3A_306 = arith.constant 0 : i32
      %dma_wait3A_307 = tpu.memref_slice %arg4[%dma_wait3A_305, %dma_wait3A_306] : memref<10000x128xf32, #tpu.memory_space<hbm>> -> memref<10000x128xf32, #tpu.memory_space<hbm>>
      tpu.wait_indirect_dma semaphore(%arg15 : memref<!tpu.dma_semaphore, #tpu.memory_space<semaphore_mem>>) src(%dma_wait3A_307 : memref<10000x128xf32, #tpu.memory_space<hbm>>) dst(%arg10 : memref<50x128xf32, #tpu.memory_space<vmem>>)
      "tpu.region"() ({
        %run_scoped3A = tpu.sem_alloc : memref<!tpu.dma_semaphore, #tpu.memory_space<semaphore_mem>>
        %dma_start3A_355 = arith.constant 0 : i32
        %dma_start3A_356 = tpu.memref_slice %arg8[%add3A_301, %dma_start3A_355] : memref<40x50xi32, #tpu.memory_space<vmem>> -> memref<1x50xi32, #tpu.memory_space<vmem>>
        %dma_start3A_357 = tpu.memref_squeeze %dma_start3A_356 : memref<1x50xi32, #tpu.memory_space<vmem>> -> memref<50xi32, #tpu.memory_space<vmem>>
        %dma_start3A_358 = arith.constant 0 : i32
        %dma_start3A_359 = arith.constant 0 : i32
        %dma_start3A_360 = tpu.memref_slice %arg13[%dma_start3A_358, %dma_start3A_359] : memref<10240x128xf32, #tpu.memory_space<vmem_shared>> -> memref<10240x128xf32, #tpu.memory_space<vmem_shared>>
        tpu.enqueue_indirect_dma source(%arg10 : memref<50x128xf32, #tpu.memory_space<vmem>>) target(%dma_start3A_360 : memref<10240x128xf32, #tpu.memory_space<vmem_shared>>) offsets(%dma_start3A_357 : memref<50xi32, #tpu.memory_space<vmem>>) semaphore(%run_scoped3A : memref<!tpu.dma_semaphore, #tpu.memory_space<semaphore_mem>>) {add = true}
        %dma_wait3A_361 = arith.constant 0 : i32
        %dma_wait3A_362 = tpu.memref_slice %arg8[%add3A_301, %dma_wait3A_361] : memref<40x50xi32, #tpu.memory_space<vmem>> -> memref<1x50xi32, #tpu.memory_space<vmem>>
        %dma_wait3A_363 = tpu.memref_squeeze %dma_wait3A_362 : memref<1x50xi32, #tpu.memory_space<vmem>> -> memref<50xi32, #tpu.memory_space<vmem>>
        %dma_wait3A_364 = arith.constant 0 : i32
        %dma_wait3A_365 = arith.constant 0 : i32
        %dma_wait3A_366 = tpu.memref_slice %arg13[%dma_wait3A_364, %dma_wait3A_365] : memref<10240x128xf32, #tpu.memory_space<vmem_shared>> -> memref<10240x128xf32, #tpu.memory_space<vmem_shared>>
        tpu.wait_indirect_dma semaphore(%run_scoped3A : memref<!tpu.dma_semaphore, #tpu.memory_space<semaphore_mem>>) src(%arg10 : memref<50x128xf32, #tpu.memory_space<vmem>>) dst(%dma_wait3A_366 : memref<10240x128xf32, #tpu.memory_space<vmem_shared>>)
        tpu.yield
      }) : () -> ()
      %add3A_308 = arith.constant 4 : i32
      %add3A_309 = arith.addi %add3A_301, %add3A_308 : i32
      %sub3A_310 = arith.constant 1 : i32
      %sub3A_311 = arith.subi %add3A_309, %sub3A_310 : i32
      %lt3A_312 = arith.constant 40 : i32
      %lt3A_313 = arith.cmpi slt, %sub3A_311, %lt3A_312 : i32
      %convert_element_type3A_314 = arith.extui %lt3A_313 : i1 to i32
      %cond3A_315 = arith.constant 0 : i32
      %cond3A_316 = arith.cmpi ne, %convert_element_type3A_314, %cond3A_315 : i32
      scf.if %cond3A_316 {
        %add3A_355 = arith.constant 4 : i32
        %add3A_356 = arith.addi %add3A_301, %add3A_355 : i32
        %sub3A_357 = arith.constant 1 : i32
        %sub3A_358 = arith.subi %add3A_356, %sub3A_357 : i32
        %dma_start3A_359 = arith.constant 0 : i32
        %dma_start3A_360 = tpu.memref_slice %arg7[%sub3A_358, %dma_start3A_359] : memref<40x50xi32, #tpu.memory_space<vmem>> -> memref<1x50xi32, #tpu.memory_space<vmem>>
        %dma_start3A_361 = tpu.memref_squeeze %dma_start3A_360 : memref<1x50xi32, #tpu.memory_space<vmem>> -> memref<50xi32, #tpu.memory_space<vmem>>
        %dma_start3A_362 = arith.constant 0 : i32
        %dma_start3A_363 = arith.constant 0 : i32
        %dma_start3A_364 = tpu.memref_slice %arg4[%dma_start3A_362, %dma_start3A_363] : memref<10000x128xf32, #tpu.memory_space<hbm>> -> memref<10000x128xf32, #tpu.memory_space<hbm>>
        tpu.enqueue_indirect_dma source(%dma_start3A_364 : memref<10000x128xf32, #tpu.memory_space<hbm>>) target(%arg9 : memref<50x128xf32, #tpu.memory_space<vmem>>) offsets(%dma_start3A_361 : memref<50xi32, #tpu.memory_space<vmem>>) semaphore(%arg14 : memref<!tpu.dma_semaphore, #tpu.memory_space<semaphore_mem>>)
      } else {
      }
      %mul3A_317 = arith.constant 4 : i32
      %mul3A_318 = arith.muli %mul3A_317, %scan3A_283 : i32
      %add3A_319 = arith.constant 2 : i32
      %add3A_320 = arith.addi %mul3A_318, %add3A_319 : i32
      %dma_wait3A_321 = arith.constant 0 : i32
      %dma_wait3A_322 = tpu.memref_slice %arg7[%add3A_320, %dma_wait3A_321] : memref<40x50xi32, #tpu.memory_space<vmem>> -> memref<1x50xi32, #tpu.memory_space<vmem>>
      %dma_wait3A_323 = tpu.memref_squeeze %dma_wait3A_322 : memref<1x50xi32, #tpu.memory_space<vmem>> -> memref<50xi32, #tpu.memory_space<vmem>>
      %dma_wait3A_324 = arith.constant 0 : i32
      %dma_wait3A_325 = arith.constant 0 : i32
      %dma_wait3A_326 = tpu.memref_slice %arg4[%dma_wait3A_324, %dma_wait3A_325] : memref<10000x128xf32, #tpu.memory_space<hbm>> -> memref<10000x128xf32, #tpu.memory_space<hbm>>
      tpu.wait_indirect_dma semaphore(%arg16 : memref<!tpu.dma_semaphore, #tpu.memory_space<semaphore_mem>>) src(%dma_wait3A_326 : memref<10000x128xf32, #tpu.memory_space<hbm>>) dst(%arg11 : memref<50x128xf32, #tpu.memory_space<vmem>>)
      "tpu.region"() ({
        %run_scoped3A = tpu.sem_alloc : memref<!tpu.dma_semaphore, #tpu.memory_space<semaphore_mem>>
        %dma_start3A_355 = arith.constant 0 : i32
        %dma_start3A_356 = tpu.memref_slice %arg8[%add3A_320, %dma_start3A_355] : memref<40x50xi32, #tpu.memory_space<vmem>> -> memref<1x50xi32, #tpu.memory_space<vmem>>
        %dma_start3A_357 = tpu.memref_squeeze %dma_start3A_356 : memref<1x50xi32, #tpu.memory_space<vmem>> -> memref<50xi32, #tpu.memory_space<vmem>>
        %dma_start3A_358 = arith.constant 0 : i32
        %dma_start3A_359 = arith.constant 0 : i32
        %dma_start3A_360 = tpu.memref_slice %arg13[%dma_start3A_358, %dma_start3A_359] : memref<10240x128xf32, #tpu.memory_space<vmem_shared>> -> memref<10240x128xf32, #tpu.memory_space<vmem_shared>>
        tpu.enqueue_indirect_dma source(%arg11 : memref<50x128xf32, #tpu.memory_space<vmem>>) target(%dma_start3A_360 : memref<10240x128xf32, #tpu.memory_space<vmem_shared>>) offsets(%dma_start3A_357 : memref<50xi32, #tpu.memory_space<vmem>>) semaphore(%run_scoped3A : memref<!tpu.dma_semaphore, #tpu.memory_space<semaphore_mem>>) {add = true}
        %dma_wait3A_361 = arith.constant 0 : i32
        %dma_wait3A_362 = tpu.memref_slice %arg8[%add3A_320, %dma_wait3A_361] : memref<40x50xi32, #tpu.memory_space<vmem>> -> memref<1x50xi32, #tpu.memory_space<vmem>>
        %dma_wait3A_363 = tpu.memref_squeeze %dma_wait3A_362 : memref<1x50xi32, #tpu.memory_space<vmem>> -> memref<50xi32, #tpu.memory_space<vmem>>
        %dma_wait3A_364 = arith.constant 0 : i32
        %dma_wait3A_365 = arith.constant 0 : i32
        %dma_wait3A_366 = tpu.memref_slice %arg13[%dma_wait3A_364, %dma_wait3A_365] : memref<10240x128xf32, #tpu.memory_space<vmem_shared>> -> memref<10240x128xf32, #tpu.memory_space<vmem_shared>>
        tpu.wait_indirect_dma semaphore(%run_scoped3A : memref<!tpu.dma_semaphore, #tpu.memory_space<semaphore_mem>>) src(%arg11 : memref<50x128xf32, #tpu.memory_space<vmem>>) dst(%dma_wait3A_366 : memref<10240x128xf32, #tpu.memory_space<vmem_shared>>)
        tpu.yield
      }) : () -> ()
      %add3A_327 = arith.constant 4 : i32
      %add3A_328 = arith.addi %add3A_320, %add3A_327 : i32
      %sub3A_329 = arith.constant 1 : i32
      %sub3A_330 = arith.subi %add3A_328, %sub3A_329 : i32
      %lt3A_331 = arith.constant 40 : i32
      %lt3A_332 = arith.cmpi slt, %sub3A_330, %lt3A_331 : i32
      %convert_element_type3A_333 = arith.extui %lt3A_332 : i1 to i32
      %cond3A_334 = arith.constant 0 : i32
      %cond3A_335 = arith.cmpi ne, %convert_element_type3A_333, %cond3A_334 : i32
      scf.if %cond3A_335 {
        %add3A_355 = arith.constant 4 : i32
        %add3A_356 = arith.addi %add3A_320, %add3A_355 : i32
        %sub3A_357 = arith.constant 1 : i32
        %sub3A_358 = arith.subi %add3A_356, %sub3A_357 : i32
        %dma_start3A_359 = arith.constant 0 : i32
        %dma_start3A_360 = tpu.memref_slice %arg7[%sub3A_358, %dma_start3A_359] : memref<40x50xi32, #tpu.memory_space<vmem>> -> memref<1x50xi32, #tpu.memory_space<vmem>>
        %dma_start3A_361 = tpu.memref_squeeze %dma_start3A_360 : memref<1x50xi32, #tpu.memory_space<vmem>> -> memref<50xi32, #tpu.memory_space<vmem>>
        %dma_start3A_362 = arith.constant 0 : i32
        %dma_start3A_363 = arith.constant 0 : i32
        %dma_start3A_364 = tpu.memref_slice %arg4[%dma_start3A_362, %dma_start3A_363] : memref<10000x128xf32, #tpu.memory_space<hbm>> -> memref<10000x128xf32, #tpu.memory_space<hbm>>
        tpu.enqueue_indirect_dma source(%dma_start3A_364 : memref<10000x128xf32, #tpu.memory_space<hbm>>) target(%arg10 : memref<50x128xf32, #tpu.memory_space<vmem>>) offsets(%dma_start3A_361 : memref<50xi32, #tpu.memory_space<vmem>>) semaphore(%arg15 : memref<!tpu.dma_semaphore, #tpu.memory_space<semaphore_mem>>)
      } else {
      }
      %mul3A_336 = arith.constant 4 : i32
      %mul3A_337 = arith.muli %mul3A_336, %scan3A_283 : i32
      %add3A_338 = arith.constant 3 : i32
      %add3A_339 = arith.addi %mul3A_337, %add3A_338 : i32
      %dma_wait3A_340 = arith.constant 0 : i32
      %dma_wait3A_341 = tpu.memref_slice %arg7[%add3A_339, %dma_wait3A_340] : memref<40x50xi32, #tpu.memory_space<vmem>> -> memref<1x50xi32, #tpu.memory_space<vmem>>
      %dma_wait3A_342 = tpu.memref_squeeze %dma_wait3A_341 : memref<1x50xi32, #tpu.memory_space<vmem>> -> memref<50xi32, #tpu.memory_space<vmem>>
      %dma_wait3A_343 = arith.constant 0 : i32
      %dma_wait3A_344 = arith.constant 0 : i32
      %dma_wait3A_345 = tpu.memref_slice %arg4[%dma_wait3A_343, %dma_wait3A_344] : memref<10000x128xf32, #tpu.memory_space<hbm>> -> memref<10000x128xf32, #tpu.memory_space<hbm>>
      tpu.wait_indirect_dma semaphore(%arg17 : memref<!tpu.dma_semaphore, #tpu.memory_space<semaphore_mem>>) src(%dma_wait3A_345 : memref<10000x128xf32, #tpu.memory_space<hbm>>) dst(%arg12 : memref<50x128xf32, #tpu.memory_space<vmem>>)
      "tpu.region"() ({
        %run_scoped3A = tpu.sem_alloc : memref<!tpu.dma_semaphore, #tpu.memory_space<semaphore_mem>>
        %dma_start3A_355 = arith.constant 0 : i32
        %dma_start3A_356 = tpu.memref_slice %arg8[%add3A_339, %dma_start3A_355] : memref<40x50xi32, #tpu.memory_space<vmem>> -> memref<1x50xi32, #tpu.memory_space<vmem>>
        %dma_start3A_357 = tpu.memref_squeeze %dma_start3A_356 : memref<1x50xi32, #tpu.memory_space<vmem>> -> memref<50xi32, #tpu.memory_space<vmem>>
        %dma_start3A_358 = arith.constant 0 : i32
        %dma_start3A_359 = arith.constant 0 : i32
        %dma_start3A_360 = tpu.memref_slice %arg13[%dma_start3A_358, %dma_start3A_359] : memref<10240x128xf32, #tpu.memory_space<vmem_shared>> -> memref<10240x128xf32, #tpu.memory_space<vmem_shared>>
        tpu.enqueue_indirect_dma source(%arg12 : memref<50x128xf32, #tpu.memory_space<vmem>>) target(%dma_start3A_360 : memref<10240x128xf32, #tpu.memory_space<vmem_shared>>) offsets(%dma_start3A_357 : memref<50xi32, #tpu.memory_space<vmem>>) semaphore(%run_scoped3A : memref<!tpu.dma_semaphore, #tpu.memory_space<semaphore_mem>>) {add = true}
        %dma_wait3A_361 = arith.constant 0 : i32
        %dma_wait3A_362 = tpu.memref_slice %arg8[%add3A_339, %dma_wait3A_361] : memref<40x50xi32, #tpu.memory_space<vmem>> -> memref<1x50xi32, #tpu.memory_space<vmem>>
        %dma_wait3A_363 = tpu.memref_squeeze %dma_wait3A_362 : memref<1x50xi32, #tpu.memory_space<vmem>> -> memref<50xi32, #tpu.memory_space<vmem>>
        %dma_wait3A_364 = arith.constant 0 : i32
        %dma_wait3A_365 = arith.constant 0 : i32
        %dma_wait3A_366 = tpu.memref_slice %arg13[%dma_wait3A_364, %dma_wait3A_365] : memref<10240x128xf32, #tpu.memory_space<vmem_shared>> -> memref<10240x128xf32, #tpu.memory_space<vmem_shared>>
        tpu.wait_indirect_dma semaphore(%run_scoped3A : memref<!tpu.dma_semaphore, #tpu.memory_space<semaphore_mem>>) src(%arg12 : memref<50x128xf32, #tpu.memory_space<vmem>>) dst(%dma_wait3A_366 : memref<10240x128xf32, #tpu.memory_space<vmem_shared>>)
        tpu.yield
      }) : () -> ()
      %add3A_346 = arith.constant 4 : i32
      %add3A_347 = arith.addi %add3A_339, %add3A_346 : i32
      %sub3A_348 = arith.constant 1 : i32
      %sub3A_349 = arith.subi %add3A_347, %sub3A_348 : i32
      %lt3A_350 = arith.constant 40 : i32
      %lt3A_351 = arith.cmpi slt, %sub3A_349, %lt3A_350 : i32
      %convert_element_type3A_352 = arith.extui %lt3A_351 : i1 to i32
      %cond3A_353 = arith.constant 0 : i32
      %cond3A_354 = arith.cmpi ne, %convert_element_type3A_352, %cond3A_353 : i32
      scf.if %cond3A_354 {
        %add3A_355 = arith.constant 4 : i32
        %add3A_356 = arith.addi %add3A_339, %add3A_355 : i32
        %sub3A_357 = arith.constant 1 : i32
        %sub3A_358 = arith.subi %add3A_356, %sub3A_357 : i32
        %dma_start3A_359 = arith.constant 0 : i32
        %dma_start3A_360 = tpu.memref_slice %arg7[%sub3A_358, %dma_start3A_359] : memref<40x50xi32, #tpu.memory_space<vmem>> -> memref<1x50xi32, #tpu.memory_space<vmem>>
        %dma_start3A_361 = tpu.memref_squeeze %dma_start3A_360 : memref<1x50xi32, #tpu.memory_space<vmem>> -> memref<50xi32, #tpu.memory_space<vmem>>
        %dma_start3A_362 = arith.constant 0 : i32
        %dma_start3A_363 = arith.constant 0 : i32
        %dma_start3A_364 = tpu.memref_slice %arg4[%dma_start3A_362, %dma_start3A_363] : memref<10000x128xf32, #tpu.memory_space<hbm>> -> memref<10000x128xf32, #tpu.memory_space<hbm>>
        tpu.enqueue_indirect_dma source(%dma_start3A_364 : memref<10000x128xf32, #tpu.memory_space<hbm>>) target(%arg11 : memref<50x128xf32, #tpu.memory_space<vmem>>) offsets(%dma_start3A_361 : memref<50xi32, #tpu.memory_space<vmem>>) semaphore(%arg16 : memref<!tpu.dma_semaphore, #tpu.memory_space<semaphore_mem>>)
      } else {
      }
    }
    %scan3A_124 = arith.constant 10 : i32
    %mul3A_125 = arith.constant 5 : i32
    %mul3A_126 = arith.muli %add3A, %mul3A_125 : i32
    %add3A_127 = arith.constant 2 : i32
    %add3A_128 = arith.addi %mul3A_126, %add3A_127 : i32
    "tpu.region"() ({
      %run_scoped3A = tpu.sem_alloc : memref<!tpu.dma_semaphore, #tpu.memory_space<semaphore_mem>>
      %dma_start3A_283 = arith.constant 0 : i32
      %dma_start3A_284 = arith.constant 0 : i32
      %dma_start3A_285 = tpu.memref_slice %arg2[%add3A_128, %dma_start3A_283, %dma_start3A_284] : memref<160x40x50xi32, #tpu.memory_space<hbm>> -> memref<1x40x50xi32, #tpu.memory_space<hbm>>
      %dma_start3A_286 = tpu.memref_squeeze %dma_start3A_285 : memref<1x40x50xi32, #tpu.memory_space<hbm>> -> memref<40x50xi32, #tpu.memory_space<hbm>>
      %dma_start3A_287 = arith.constant 0 : i32
      %dma_start3A_288 = arith.constant 0 : i32
      %dma_start3A_289 = tpu.memref_slice %arg2[%add3A_128, %dma_start3A_287, %dma_start3A_288] : memref<160x40x50xi32, #tpu.memory_space<hbm>> -> memref<1x40x50xi32, #tpu.memory_space<hbm>>
      %dma_start3A_290 = tpu.memref_squeeze %dma_start3A_289 : memref<1x40x50xi32, #tpu.memory_space<hbm>> -> memref<40x50xi32, #tpu.memory_space<hbm>>
      tpu.enqueue_dma source(%dma_start3A_290 : memref<40x50xi32, #tpu.memory_space<hbm>>) target(%arg7 : memref<40x50xi32, #tpu.memory_space<vmem>>) target_semaphore(%run_scoped3A : memref<!tpu.dma_semaphore, #tpu.memory_space<semaphore_mem>>)
      %dma_wait3A = arith.constant 0 : i32
      %dma_wait3A_291 = arith.constant 0 : i32
      %dma_wait3A_292 = tpu.memref_slice %arg2[%add3A_128, %dma_wait3A, %dma_wait3A_291] : memref<160x40x50xi32, #tpu.memory_space<hbm>> -> memref<1x40x50xi32, #tpu.memory_space<hbm>>
      %dma_wait3A_293 = tpu.memref_squeeze %dma_wait3A_292 : memref<1x40x50xi32, #tpu.memory_space<hbm>> -> memref<40x50xi32, #tpu.memory_space<hbm>>
      %dma_wait3A_294 = arith.constant 0 : i32
      %dma_wait3A_295 = arith.constant 0 : i32
      %dma_wait3A_296 = tpu.memref_slice %arg2[%add3A_128, %dma_wait3A_294, %dma_wait3A_295] : memref<160x40x50xi32, #tpu.memory_space<hbm>> -> memref<1x40x50xi32, #tpu.memory_space<hbm>>
      %dma_wait3A_297 = tpu.memref_squeeze %dma_wait3A_296 : memref<1x40x50xi32, #tpu.memory_space<hbm>> -> memref<40x50xi32, #tpu.memory_space<hbm>>
      tpu.wait_dma2 semaphore(%run_scoped3A : memref<!tpu.dma_semaphore, #tpu.memory_space<semaphore_mem>>) src(%dma_wait3A_297 : memref<40x50xi32, #tpu.memory_space<hbm>>) dst(%arg7 : memref<40x50xi32, #tpu.memory_space<vmem>>)
      tpu.yield
    }) : () -> ()
    "tpu.region"() ({
      %run_scoped3A = tpu.sem_alloc : memref<!tpu.dma_semaphore, #tpu.memory_space<semaphore_mem>>
      %dma_start3A_283 = arith.constant 0 : i32
      %dma_start3A_284 = arith.constant 0 : i32
      %dma_start3A_285 = tpu.memref_slice %arg3[%add3A_128, %dma_start3A_283, %dma_start3A_284] : memref<160x40x50xi32, #tpu.memory_space<hbm>> -> memref<1x40x50xi32, #tpu.memory_space<hbm>>
      %dma_start3A_286 = tpu.memref_squeeze %dma_start3A_285 : memref<1x40x50xi32, #tpu.memory_space<hbm>> -> memref<40x50xi32, #tpu.memory_space<hbm>>
      %dma_start3A_287 = arith.constant 0 : i32
      %dma_start3A_288 = arith.constant 0 : i32
      %dma_start3A_289 = tpu.memref_slice %arg3[%add3A_128, %dma_start3A_287, %dma_start3A_288] : memref<160x40x50xi32, #tpu.memory_space<hbm>> -> memref<1x40x50xi32, #tpu.memory_space<hbm>>
      %dma_start3A_290 = tpu.memref_squeeze %dma_start3A_289 : memref<1x40x50xi32, #tpu.memory_space<hbm>> -> memref<40x50xi32, #tpu.memory_space<hbm>>
      tpu.enqueue_dma source(%dma_start3A_290 : memref<40x50xi32, #tpu.memory_space<hbm>>) target(%arg8 : memref<40x50xi32, #tpu.memory_space<vmem>>) target_semaphore(%run_scoped3A : memref<!tpu.dma_semaphore, #tpu.memory_space<semaphore_mem>>)
      %dma_wait3A = arith.constant 0 : i32
      %dma_wait3A_291 = arith.constant 0 : i32
      %dma_wait3A_292 = tpu.memref_slice %arg3[%add3A_128, %dma_wait3A, %dma_wait3A_291] : memref<160x40x50xi32, #tpu.memory_space<hbm>> -> memref<1x40x50xi32, #tpu.memory_space<hbm>>
      %dma_wait3A_293 = tpu.memref_squeeze %dma_wait3A_292 : memref<1x40x50xi32, #tpu.memory_space<hbm>> -> memref<40x50xi32, #tpu.memory_space<hbm>>
      %dma_wait3A_294 = arith.constant 0 : i32
      %dma_wait3A_295 = arith.constant 0 : i32
      %dma_wait3A_296 = tpu.memref_slice %arg3[%add3A_128, %dma_wait3A_294, %dma_wait3A_295] : memref<160x40x50xi32, #tpu.memory_space<hbm>> -> memref<1x40x50xi32, #tpu.memory_space<hbm>>
      %dma_wait3A_297 = tpu.memref_squeeze %dma_wait3A_296 : memref<1x40x50xi32, #tpu.memory_space<hbm>> -> memref<40x50xi32, #tpu.memory_space<hbm>>
      tpu.wait_dma2 semaphore(%run_scoped3A : memref<!tpu.dma_semaphore, #tpu.memory_space<semaphore_mem>>) src(%dma_wait3A_297 : memref<40x50xi32, #tpu.memory_space<hbm>>) dst(%arg8 : memref<40x50xi32, #tpu.memory_space<vmem>>)
      tpu.yield
    }) : () -> ()
    %dma_start3A_129 = arith.constant 0 : i32
    %dma_start3A_130 = arith.constant 0 : i32
    %dma_start3A_131 = tpu.memref_slice %arg7[%dma_start3A_129, %dma_start3A_130] : memref<40x50xi32, #tpu.memory_space<vmem>> -> memref<1x50xi32, #tpu.memory_space<vmem>>
    %dma_start3A_132 = tpu.memref_squeeze %dma_start3A_131 : memref<1x50xi32, #tpu.memory_space<vmem>> -> memref<50xi32, #tpu.memory_space<vmem>>
    %dma_start3A_133 = arith.constant 0 : i32
    %dma_start3A_134 = arith.constant 0 : i32
    %dma_start3A_135 = tpu.memref_slice %arg4[%dma_start3A_133, %dma_start3A_134] : memref<10000x128xf32, #tpu.memory_space<hbm>> -> memref<10000x128xf32, #tpu.memory_space<hbm>>
    tpu.enqueue_indirect_dma source(%dma_start3A_135 : memref<10000x128xf32, #tpu.memory_space<hbm>>) target(%arg9 : memref<50x128xf32, #tpu.memory_space<vmem>>) offsets(%dma_start3A_132 : memref<50xi32, #tpu.memory_space<vmem>>) semaphore(%arg14 : memref<!tpu.dma_semaphore, #tpu.memory_space<semaphore_mem>>)
    %dma_start3A_136 = arith.constant 1 : i32
    %dma_start3A_137 = arith.constant 0 : i32
    %dma_start3A_138 = tpu.memref_slice %arg7[%dma_start3A_136, %dma_start3A_137] : memref<40x50xi32, #tpu.memory_space<vmem>> -> memref<1x50xi32, #tpu.memory_space<vmem>>
    %dma_start3A_139 = tpu.memref_squeeze %dma_start3A_138 : memref<1x50xi32, #tpu.memory_space<vmem>> -> memref<50xi32, #tpu.memory_space<vmem>>
    %dma_start3A_140 = arith.constant 0 : i32
    %dma_start3A_141 = arith.constant 0 : i32
    %dma_start3A_142 = tpu.memref_slice %arg4[%dma_start3A_140, %dma_start3A_141] : memref<10000x128xf32, #tpu.memory_space<hbm>> -> memref<10000x128xf32, #tpu.memory_space<hbm>>
    tpu.enqueue_indirect_dma source(%dma_start3A_142 : memref<10000x128xf32, #tpu.memory_space<hbm>>) target(%arg10 : memref<50x128xf32, #tpu.memory_space<vmem>>) offsets(%dma_start3A_139 : memref<50xi32, #tpu.memory_space<vmem>>) semaphore(%arg15 : memref<!tpu.dma_semaphore, #tpu.memory_space<semaphore_mem>>)
    %dma_start3A_143 = arith.constant 2 : i32
    %dma_start3A_144 = arith.constant 0 : i32
    %dma_start3A_145 = tpu.memref_slice %arg7[%dma_start3A_143, %dma_start3A_144] : memref<40x50xi32, #tpu.memory_space<vmem>> -> memref<1x50xi32, #tpu.memory_space<vmem>>
    %dma_start3A_146 = tpu.memref_squeeze %dma_start3A_145 : memref<1x50xi32, #tpu.memory_space<vmem>> -> memref<50xi32, #tpu.memory_space<vmem>>
    %dma_start3A_147 = arith.constant 0 : i32
    %dma_start3A_148 = arith.constant 0 : i32
    %dma_start3A_149 = tpu.memref_slice %arg4[%dma_start3A_147, %dma_start3A_148] : memref<10000x128xf32, #tpu.memory_space<hbm>> -> memref<10000x128xf32, #tpu.memory_space<hbm>>
    tpu.enqueue_indirect_dma source(%dma_start3A_149 : memref<10000x128xf32, #tpu.memory_space<hbm>>) target(%arg11 : memref<50x128xf32, #tpu.memory_space<vmem>>) offsets(%dma_start3A_146 : memref<50xi32, #tpu.memory_space<vmem>>) semaphore(%arg16 : memref<!tpu.dma_semaphore, #tpu.memory_space<semaphore_mem>>)
    %scan3A_150 = arith.constant 0 : i32
    %scan3A_151 = arith.constant 0 : i32
    %scan3A_152 = arith.constant 10 : i32
    %scan3A_153 = arith.addi %scan3A_151, %scan3A_152 : i32
    %scan3A_154 = arith.constant 1 : i32
    scf.for %scan3A_283 = %scan3A_151 to %scan3A_153 step %scan3A_154  : i32 {
      %mul3A_284 = arith.constant 4 : i32
      %mul3A_285 = arith.muli %mul3A_284, %scan3A_283 : i32
      %add3A_286 = arith.constant 0 : i32
      %add3A_287 = arith.addi %mul3A_285, %add3A_286 : i32
      %dma_wait3A = arith.constant 0 : i32
      %dma_wait3A_288 = tpu.memref_slice %arg7[%add3A_287, %dma_wait3A] : memref<40x50xi32, #tpu.memory_space<vmem>> -> memref<1x50xi32, #tpu.memory_space<vmem>>
      %dma_wait3A_289 = tpu.memref_squeeze %dma_wait3A_288 : memref<1x50xi32, #tpu.memory_space<vmem>> -> memref<50xi32, #tpu.memory_space<vmem>>
      %dma_wait3A_290 = arith.constant 0 : i32
      %dma_wait3A_291 = arith.constant 0 : i32
      %dma_wait3A_292 = tpu.memref_slice %arg4[%dma_wait3A_290, %dma_wait3A_291] : memref<10000x128xf32, #tpu.memory_space<hbm>> -> memref<10000x128xf32, #tpu.memory_space<hbm>>
      tpu.wait_indirect_dma semaphore(%arg14 : memref<!tpu.dma_semaphore, #tpu.memory_space<semaphore_mem>>) src(%dma_wait3A_292 : memref<10000x128xf32, #tpu.memory_space<hbm>>) dst(%arg9 : memref<50x128xf32, #tpu.memory_space<vmem>>)
      "tpu.region"() ({
        %run_scoped3A = tpu.sem_alloc : memref<!tpu.dma_semaphore, #tpu.memory_space<semaphore_mem>>
        %dma_start3A_355 = arith.constant 0 : i32
        %dma_start3A_356 = tpu.memref_slice %arg8[%add3A_287, %dma_start3A_355] : memref<40x50xi32, #tpu.memory_space<vmem>> -> memref<1x50xi32, #tpu.memory_space<vmem>>
        %dma_start3A_357 = tpu.memref_squeeze %dma_start3A_356 : memref<1x50xi32, #tpu.memory_space<vmem>> -> memref<50xi32, #tpu.memory_space<vmem>>
        %dma_start3A_358 = arith.constant 0 : i32
        %dma_start3A_359 = arith.constant 0 : i32
        %dma_start3A_360 = tpu.memref_slice %arg13[%dma_start3A_358, %dma_start3A_359] : memref<10240x128xf32, #tpu.memory_space<vmem_shared>> -> memref<10240x128xf32, #tpu.memory_space<vmem_shared>>
        tpu.enqueue_indirect_dma source(%arg9 : memref<50x128xf32, #tpu.memory_space<vmem>>) target(%dma_start3A_360 : memref<10240x128xf32, #tpu.memory_space<vmem_shared>>) offsets(%dma_start3A_357 : memref<50xi32, #tpu.memory_space<vmem>>) semaphore(%run_scoped3A : memref<!tpu.dma_semaphore, #tpu.memory_space<semaphore_mem>>) {add = true}
        %dma_wait3A_361 = arith.constant 0 : i32
        %dma_wait3A_362 = tpu.memref_slice %arg8[%add3A_287, %dma_wait3A_361] : memref<40x50xi32, #tpu.memory_space<vmem>> -> memref<1x50xi32, #tpu.memory_space<vmem>>
        %dma_wait3A_363 = tpu.memref_squeeze %dma_wait3A_362 : memref<1x50xi32, #tpu.memory_space<vmem>> -> memref<50xi32, #tpu.memory_space<vmem>>
        %dma_wait3A_364 = arith.constant 0 : i32
        %dma_wait3A_365 = arith.constant 0 : i32
        %dma_wait3A_366 = tpu.memref_slice %arg13[%dma_wait3A_364, %dma_wait3A_365] : memref<10240x128xf32, #tpu.memory_space<vmem_shared>> -> memref<10240x128xf32, #tpu.memory_space<vmem_shared>>
        tpu.wait_indirect_dma semaphore(%run_scoped3A : memref<!tpu.dma_semaphore, #tpu.memory_space<semaphore_mem>>) src(%arg9 : memref<50x128xf32, #tpu.memory_space<vmem>>) dst(%dma_wait3A_366 : memref<10240x128xf32, #tpu.memory_space<vmem_shared>>)
        tpu.yield
      }) : () -> ()
      %add3A_293 = arith.constant 4 : i32
      %add3A_294 = arith.addi %add3A_287, %add3A_293 : i32
      %sub3A = arith.constant 1 : i32
      %sub3A_295 = arith.subi %add3A_294, %sub3A : i32
      %lt3A = arith.constant 40 : i32
      %lt3A_296 = arith.cmpi slt, %sub3A_295, %lt3A : i32
      %convert_element_type3A = arith.extui %lt3A_296 : i1 to i32
      %cond3A = arith.constant 0 : i32
      %cond3A_297 = arith.cmpi ne, %convert_element_type3A, %cond3A : i32
      scf.if %cond3A_297 {
        %add3A_355 = arith.constant 4 : i32
        %add3A_356 = arith.addi %add3A_287, %add3A_355 : i32
        %sub3A_357 = arith.constant 1 : i32
        %sub3A_358 = arith.subi %add3A_356, %sub3A_357 : i32
        %dma_start3A_359 = arith.constant 0 : i32
        %dma_start3A_360 = tpu.memref_slice %arg7[%sub3A_358, %dma_start3A_359] : memref<40x50xi32, #tpu.memory_space<vmem>> -> memref<1x50xi32, #tpu.memory_space<vmem>>
        %dma_start3A_361 = tpu.memref_squeeze %dma_start3A_360 : memref<1x50xi32, #tpu.memory_space<vmem>> -> memref<50xi32, #tpu.memory_space<vmem>>
        %dma_start3A_362 = arith.constant 0 : i32
        %dma_start3A_363 = arith.constant 0 : i32
        %dma_start3A_364 = tpu.memref_slice %arg4[%dma_start3A_362, %dma_start3A_363] : memref<10000x128xf32, #tpu.memory_space<hbm>> -> memref<10000x128xf32, #tpu.memory_space<hbm>>
        tpu.enqueue_indirect_dma source(%dma_start3A_364 : memref<10000x128xf32, #tpu.memory_space<hbm>>) target(%arg12 : memref<50x128xf32, #tpu.memory_space<vmem>>) offsets(%dma_start3A_361 : memref<50xi32, #tpu.memory_space<vmem>>) semaphore(%arg17 : memref<!tpu.dma_semaphore, #tpu.memory_space<semaphore_mem>>)
      } else {
      }
      %mul3A_298 = arith.constant 4 : i32
      %mul3A_299 = arith.muli %mul3A_298, %scan3A_283 : i32
      %add3A_300 = arith.constant 1 : i32
      %add3A_301 = arith.addi %mul3A_299, %add3A_300 : i32
      %dma_wait3A_302 = arith.constant 0 : i32
      %dma_wait3A_303 = tpu.memref_slice %arg7[%add3A_301, %dma_wait3A_302] : memref<40x50xi32, #tpu.memory_space<vmem>> -> memref<1x50xi32, #tpu.memory_space<vmem>>
      %dma_wait3A_304 = tpu.memref_squeeze %dma_wait3A_303 : memref<1x50xi32, #tpu.memory_space<vmem>> -> memref<50xi32, #tpu.memory_space<vmem>>
      %dma_wait3A_305 = arith.constant 0 : i32
      %dma_wait3A_306 = arith.constant 0 : i32
      %dma_wait3A_307 = tpu.memref_slice %arg4[%dma_wait3A_305, %dma_wait3A_306] : memref<10000x128xf32, #tpu.memory_space<hbm>> -> memref<10000x128xf32, #tpu.memory_space<hbm>>
      tpu.wait_indirect_dma semaphore(%arg15 : memref<!tpu.dma_semaphore, #tpu.memory_space<semaphore_mem>>) src(%dma_wait3A_307 : memref<10000x128xf32, #tpu.memory_space<hbm>>) dst(%arg10 : memref<50x128xf32, #tpu.memory_space<vmem>>)
      "tpu.region"() ({
        %run_scoped3A = tpu.sem_alloc : memref<!tpu.dma_semaphore, #tpu.memory_space<semaphore_mem>>
        %dma_start3A_355 = arith.constant 0 : i32
        %dma_start3A_356 = tpu.memref_slice %arg8[%add3A_301, %dma_start3A_355] : memref<40x50xi32, #tpu.memory_space<vmem>> -> memref<1x50xi32, #tpu.memory_space<vmem>>
        %dma_start3A_357 = tpu.memref_squeeze %dma_start3A_356 : memref<1x50xi32, #tpu.memory_space<vmem>> -> memref<50xi32, #tpu.memory_space<vmem>>
        %dma_start3A_358 = arith.constant 0 : i32
        %dma_start3A_359 = arith.constant 0 : i32
        %dma_start3A_360 = tpu.memref_slice %arg13[%dma_start3A_358, %dma_start3A_359] : memref<10240x128xf32, #tpu.memory_space<vmem_shared>> -> memref<10240x128xf32, #tpu.memory_space<vmem_shared>>
        tpu.enqueue_indirect_dma source(%arg10 : memref<50x128xf32, #tpu.memory_space<vmem>>) target(%dma_start3A_360 : memref<10240x128xf32, #tpu.memory_space<vmem_shared>>) offsets(%dma_start3A_357 : memref<50xi32, #tpu.memory_space<vmem>>) semaphore(%run_scoped3A : memref<!tpu.dma_semaphore, #tpu.memory_space<semaphore_mem>>) {add = true}
        %dma_wait3A_361 = arith.constant 0 : i32
        %dma_wait3A_362 = tpu.memref_slice %arg8[%add3A_301, %dma_wait3A_361] : memref<40x50xi32, #tpu.memory_space<vmem>> -> memref<1x50xi32, #tpu.memory_space<vmem>>
        %dma_wait3A_363 = tpu.memref_squeeze %dma_wait3A_362 : memref<1x50xi32, #tpu.memory_space<vmem>> -> memref<50xi32, #tpu.memory_space<vmem>>
        %dma_wait3A_364 = arith.constant 0 : i32
        %dma_wait3A_365 = arith.constant 0 : i32
        %dma_wait3A_366 = tpu.memref_slice %arg13[%dma_wait3A_364, %dma_wait3A_365] : memref<10240x128xf32, #tpu.memory_space<vmem_shared>> -> memref<10240x128xf32, #tpu.memory_space<vmem_shared>>
        tpu.wait_indirect_dma semaphore(%run_scoped3A : memref<!tpu.dma_semaphore, #tpu.memory_space<semaphore_mem>>) src(%arg10 : memref<50x128xf32, #tpu.memory_space<vmem>>) dst(%dma_wait3A_366 : memref<10240x128xf32, #tpu.memory_space<vmem_shared>>)
        tpu.yield
      }) : () -> ()
      %add3A_308 = arith.constant 4 : i32
      %add3A_309 = arith.addi %add3A_301, %add3A_308 : i32
      %sub3A_310 = arith.constant 1 : i32
      %sub3A_311 = arith.subi %add3A_309, %sub3A_310 : i32
      %lt3A_312 = arith.constant 40 : i32
      %lt3A_313 = arith.cmpi slt, %sub3A_311, %lt3A_312 : i32
      %convert_element_type3A_314 = arith.extui %lt3A_313 : i1 to i32
      %cond3A_315 = arith.constant 0 : i32
      %cond3A_316 = arith.cmpi ne, %convert_element_type3A_314, %cond3A_315 : i32
      scf.if %cond3A_316 {
        %add3A_355 = arith.constant 4 : i32
        %add3A_356 = arith.addi %add3A_301, %add3A_355 : i32
        %sub3A_357 = arith.constant 1 : i32
        %sub3A_358 = arith.subi %add3A_356, %sub3A_357 : i32
        %dma_start3A_359 = arith.constant 0 : i32
        %dma_start3A_360 = tpu.memref_slice %arg7[%sub3A_358, %dma_start3A_359] : memref<40x50xi32, #tpu.memory_space<vmem>> -> memref<1x50xi32, #tpu.memory_space<vmem>>
        %dma_start3A_361 = tpu.memref_squeeze %dma_start3A_360 : memref<1x50xi32, #tpu.memory_space<vmem>> -> memref<50xi32, #tpu.memory_space<vmem>>
        %dma_start3A_362 = arith.constant 0 : i32
        %dma_start3A_363 = arith.constant 0 : i32
        %dma_start3A_364 = tpu.memref_slice %arg4[%dma_start3A_362, %dma_start3A_363] : memref<10000x128xf32, #tpu.memory_space<hbm>> -> memref<10000x128xf32, #tpu.memory_space<hbm>>
        tpu.enqueue_indirect_dma source(%dma_start3A_364 : memref<10000x128xf32, #tpu.memory_space<hbm>>) target(%arg9 : memref<50x128xf32, #tpu.memory_space<vmem>>) offsets(%dma_start3A_361 : memref<50xi32, #tpu.memory_space<vmem>>) semaphore(%arg14 : memref<!tpu.dma_semaphore, #tpu.memory_space<semaphore_mem>>)
      } else {
      }
      %mul3A_317 = arith.constant 4 : i32
      %mul3A_318 = arith.muli %mul3A_317, %scan3A_283 : i32
      %add3A_319 = arith.constant 2 : i32
      %add3A_320 = arith.addi %mul3A_318, %add3A_319 : i32
      %dma_wait3A_321 = arith.constant 0 : i32
      %dma_wait3A_322 = tpu.memref_slice %arg7[%add3A_320, %dma_wait3A_321] : memref<40x50xi32, #tpu.memory_space<vmem>> -> memref<1x50xi32, #tpu.memory_space<vmem>>
      %dma_wait3A_323 = tpu.memref_squeeze %dma_wait3A_322 : memref<1x50xi32, #tpu.memory_space<vmem>> -> memref<50xi32, #tpu.memory_space<vmem>>
      %dma_wait3A_324 = arith.constant 0 : i32
      %dma_wait3A_325 = arith.constant 0 : i32
      %dma_wait3A_326 = tpu.memref_slice %arg4[%dma_wait3A_324, %dma_wait3A_325] : memref<10000x128xf32, #tpu.memory_space<hbm>> -> memref<10000x128xf32, #tpu.memory_space<hbm>>
      tpu.wait_indirect_dma semaphore(%arg16 : memref<!tpu.dma_semaphore, #tpu.memory_space<semaphore_mem>>) src(%dma_wait3A_326 : memref<10000x128xf32, #tpu.memory_space<hbm>>) dst(%arg11 : memref<50x128xf32, #tpu.memory_space<vmem>>)
      "tpu.region"() ({
        %run_scoped3A = tpu.sem_alloc : memref<!tpu.dma_semaphore, #tpu.memory_space<semaphore_mem>>
        %dma_start3A_355 = arith.constant 0 : i32
        %dma_start3A_356 = tpu.memref_slice %arg8[%add3A_320, %dma_start3A_355] : memref<40x50xi32, #tpu.memory_space<vmem>> -> memref<1x50xi32, #tpu.memory_space<vmem>>
        %dma_start3A_357 = tpu.memref_squeeze %dma_start3A_356 : memref<1x50xi32, #tpu.memory_space<vmem>> -> memref<50xi32, #tpu.memory_space<vmem>>
        %dma_start3A_358 = arith.constant 0 : i32
        %dma_start3A_359 = arith.constant 0 : i32
        %dma_start3A_360 = tpu.memref_slice %arg13[%dma_start3A_358, %dma_start3A_359] : memref<10240x128xf32, #tpu.memory_space<vmem_shared>> -> memref<10240x128xf32, #tpu.memory_space<vmem_shared>>
        tpu.enqueue_indirect_dma source(%arg11 : memref<50x128xf32, #tpu.memory_space<vmem>>) target(%dma_start3A_360 : memref<10240x128xf32, #tpu.memory_space<vmem_shared>>) offsets(%dma_start3A_357 : memref<50xi32, #tpu.memory_space<vmem>>) semaphore(%run_scoped3A : memref<!tpu.dma_semaphore, #tpu.memory_space<semaphore_mem>>) {add = true}
        %dma_wait3A_361 = arith.constant 0 : i32
        %dma_wait3A_362 = tpu.memref_slice %arg8[%add3A_320, %dma_wait3A_361] : memref<40x50xi32, #tpu.memory_space<vmem>> -> memref<1x50xi32, #tpu.memory_space<vmem>>
        %dma_wait3A_363 = tpu.memref_squeeze %dma_wait3A_362 : memref<1x50xi32, #tpu.memory_space<vmem>> -> memref<50xi32, #tpu.memory_space<vmem>>
        %dma_wait3A_364 = arith.constant 0 : i32
        %dma_wait3A_365 = arith.constant 0 : i32
        %dma_wait3A_366 = tpu.memref_slice %arg13[%dma_wait3A_364, %dma_wait3A_365] : memref<10240x128xf32, #tpu.memory_space<vmem_shared>> -> memref<10240x128xf32, #tpu.memory_space<vmem_shared>>
        tpu.wait_indirect_dma semaphore(%run_scoped3A : memref<!tpu.dma_semaphore, #tpu.memory_space<semaphore_mem>>) src(%arg11 : memref<50x128xf32, #tpu.memory_space<vmem>>) dst(%dma_wait3A_366 : memref<10240x128xf32, #tpu.memory_space<vmem_shared>>)
        tpu.yield
      }) : () -> ()
      %add3A_327 = arith.constant 4 : i32
      %add3A_328 = arith.addi %add3A_320, %add3A_327 : i32
      %sub3A_329 = arith.constant 1 : i32
      %sub3A_330 = arith.subi %add3A_328, %sub3A_329 : i32
      %lt3A_331 = arith.constant 40 : i32
      %lt3A_332 = arith.cmpi slt, %sub3A_330, %lt3A_331 : i32
      %convert_element_type3A_333 = arith.extui %lt3A_332 : i1 to i32
      %cond3A_334 = arith.constant 0 : i32
      %cond3A_335 = arith.cmpi ne, %convert_element_type3A_333, %cond3A_334 : i32
      scf.if %cond3A_335 {
        %add3A_355 = arith.constant 4 : i32
        %add3A_356 = arith.addi %add3A_320, %add3A_355 : i32
        %sub3A_357 = arith.constant 1 : i32
        %sub3A_358 = arith.subi %add3A_356, %sub3A_357 : i32
        %dma_start3A_359 = arith.constant 0 : i32
        %dma_start3A_360 = tpu.memref_slice %arg7[%sub3A_358, %dma_start3A_359] : memref<40x50xi32, #tpu.memory_space<vmem>> -> memref<1x50xi32, #tpu.memory_space<vmem>>
        %dma_start3A_361 = tpu.memref_squeeze %dma_start3A_360 : memref<1x50xi32, #tpu.memory_space<vmem>> -> memref<50xi32, #tpu.memory_space<vmem>>
        %dma_start3A_362 = arith.constant 0 : i32
        %dma_start3A_363 = arith.constant 0 : i32
        %dma_start3A_364 = tpu.memref_slice %arg4[%dma_start3A_362, %dma_start3A_363] : memref<10000x128xf32, #tpu.memory_space<hbm>> -> memref<10000x128xf32, #tpu.memory_space<hbm>>
        tpu.enqueue_indirect_dma source(%dma_start3A_364 : memref<10000x128xf32, #tpu.memory_space<hbm>>) target(%arg10 : memref<50x128xf32, #tpu.memory_space<vmem>>) offsets(%dma_start3A_361 : memref<50xi32, #tpu.memory_space<vmem>>) semaphore(%arg15 : memref<!tpu.dma_semaphore, #tpu.memory_space<semaphore_mem>>)
      } else {
      }
      %mul3A_336 = arith.constant 4 : i32
      %mul3A_337 = arith.muli %mul3A_336, %scan3A_283 : i32
      %add3A_338 = arith.constant 3 : i32
      %add3A_339 = arith.addi %mul3A_337, %add3A_338 : i32
      %dma_wait3A_340 = arith.constant 0 : i32
      %dma_wait3A_341 = tpu.memref_slice %arg7[%add3A_339, %dma_wait3A_340] : memref<40x50xi32, #tpu.memory_space<vmem>> -> memref<1x50xi32, #tpu.memory_space<vmem>>
      %dma_wait3A_342 = tpu.memref_squeeze %dma_wait3A_341 : memref<1x50xi32, #tpu.memory_space<vmem>> -> memref<50xi32, #tpu.memory_space<vmem>>
      %dma_wait3A_343 = arith.constant 0 : i32
      %dma_wait3A_344 = arith.constant 0 : i32
      %dma_wait3A_345 = tpu.memref_slice %arg4[%dma_wait3A_343, %dma_wait3A_344] : memref<10000x128xf32, #tpu.memory_space<hbm>> -> memref<10000x128xf32, #tpu.memory_space<hbm>>
      tpu.wait_indirect_dma semaphore(%arg17 : memref<!tpu.dma_semaphore, #tpu.memory_space<semaphore_mem>>) src(%dma_wait3A_345 : memref<10000x128xf32, #tpu.memory_space<hbm>>) dst(%arg12 : memref<50x128xf32, #tpu.memory_space<vmem>>)
      "tpu.region"() ({
        %run_scoped3A = tpu.sem_alloc : memref<!tpu.dma_semaphore, #tpu.memory_space<semaphore_mem>>
        %dma_start3A_355 = arith.constant 0 : i32
        %dma_start3A_356 = tpu.memref_slice %arg8[%add3A_339, %dma_start3A_355] : memref<40x50xi32, #tpu.memory_space<vmem>> -> memref<1x50xi32, #tpu.memory_space<vmem>>
        %dma_start3A_357 = tpu.memref_squeeze %dma_start3A_356 : memref<1x50xi32, #tpu.memory_space<vmem>> -> memref<50xi32, #tpu.memory_space<vmem>>
        %dma_start3A_358 = arith.constant 0 : i32
        %dma_start3A_359 = arith.constant 0 : i32
        %dma_start3A_360 = tpu.memref_slice %arg13[%dma_start3A_358, %dma_start3A_359] : memref<10240x128xf32, #tpu.memory_space<vmem_shared>> -> memref<10240x128xf32, #tpu.memory_space<vmem_shared>>
        tpu.enqueue_indirect_dma source(%arg12 : memref<50x128xf32, #tpu.memory_space<vmem>>) target(%dma_start3A_360 : memref<10240x128xf32, #tpu.memory_space<vmem_shared>>) offsets(%dma_start3A_357 : memref<50xi32, #tpu.memory_space<vmem>>) semaphore(%run_scoped3A : memref<!tpu.dma_semaphore, #tpu.memory_space<semaphore_mem>>) {add = true}
        %dma_wait3A_361 = arith.constant 0 : i32
        %dma_wait3A_362 = tpu.memref_slice %arg8[%add3A_339, %dma_wait3A_361] : memref<40x50xi32, #tpu.memory_space<vmem>> -> memref<1x50xi32, #tpu.memory_space<vmem>>
        %dma_wait3A_363 = tpu.memref_squeeze %dma_wait3A_362 : memref<1x50xi32, #tpu.memory_space<vmem>> -> memref<50xi32, #tpu.memory_space<vmem>>
        %dma_wait3A_364 = arith.constant 0 : i32
        %dma_wait3A_365 = arith.constant 0 : i32
        %dma_wait3A_366 = tpu.memref_slice %arg13[%dma_wait3A_364, %dma_wait3A_365] : memref<10240x128xf32, #tpu.memory_space<vmem_shared>> -> memref<10240x128xf32, #tpu.memory_space<vmem_shared>>
        tpu.wait_indirect_dma semaphore(%run_scoped3A : memref<!tpu.dma_semaphore, #tpu.memory_space<semaphore_mem>>) src(%arg12 : memref<50x128xf32, #tpu.memory_space<vmem>>) dst(%dma_wait3A_366 : memref<10240x128xf32, #tpu.memory_space<vmem_shared>>)
        tpu.yield
      }) : () -> ()
      %add3A_346 = arith.constant 4 : i32
      %add3A_347 = arith.addi %add3A_339, %add3A_346 : i32
      %sub3A_348 = arith.constant 1 : i32
      %sub3A_349 = arith.subi %add3A_347, %sub3A_348 : i32
      %lt3A_350 = arith.constant 40 : i32
      %lt3A_351 = arith.cmpi slt, %sub3A_349, %lt3A_350 : i32
      %convert_element_type3A_352 = arith.extui %lt3A_351 : i1 to i32
      %cond3A_353 = arith.constant 0 : i32
      %cond3A_354 = arith.cmpi ne, %convert_element_type3A_352, %cond3A_353 : i32
      scf.if %cond3A_354 {
        %add3A_355 = arith.constant 4 : i32
        %add3A_356 = arith.addi %add3A_339, %add3A_355 : i32
        %sub3A_357 = arith.constant 1 : i32
        %sub3A_358 = arith.subi %add3A_356, %sub3A_357 : i32
        %dma_start3A_359 = arith.constant 0 : i32
        %dma_start3A_360 = tpu.memref_slice %arg7[%sub3A_358, %dma_start3A_359] : memref<40x50xi32, #tpu.memory_space<vmem>> -> memref<1x50xi32, #tpu.memory_space<vmem>>
        %dma_start3A_361 = tpu.memref_squeeze %dma_start3A_360 : memref<1x50xi32, #tpu.memory_space<vmem>> -> memref<50xi32, #tpu.memory_space<vmem>>
        %dma_start3A_362 = arith.constant 0 : i32
        %dma_start3A_363 = arith.constant 0 : i32
        %dma_start3A_364 = tpu.memref_slice %arg4[%dma_start3A_362, %dma_start3A_363] : memref<10000x128xf32, #tpu.memory_space<hbm>> -> memref<10000x128xf32, #tpu.memory_space<hbm>>
        tpu.enqueue_indirect_dma source(%dma_start3A_364 : memref<10000x128xf32, #tpu.memory_space<hbm>>) target(%arg11 : memref<50x128xf32, #tpu.memory_space<vmem>>) offsets(%dma_start3A_361 : memref<50xi32, #tpu.memory_space<vmem>>) semaphore(%arg16 : memref<!tpu.dma_semaphore, #tpu.memory_space<semaphore_mem>>)
      } else {
      }
    }
    %scan3A_155 = arith.constant 10 : i32
    %mul3A_156 = arith.constant 5 : i32
    %mul3A_157 = arith.muli %add3A, %mul3A_156 : i32
    %add3A_158 = arith.constant 3 : i32
    %add3A_159 = arith.addi %mul3A_157, %add3A_158 : i32
    "tpu.region"() ({
      %run_scoped3A = tpu.sem_alloc : memref<!tpu.dma_semaphore, #tpu.memory_space<semaphore_mem>>
      %dma_start3A_283 = arith.constant 0 : i32
      %dma_start3A_284 = arith.constant 0 : i32
      %dma_start3A_285 = tpu.memref_slice %arg2[%add3A_159, %dma_start3A_283, %dma_start3A_284] : memref<160x40x50xi32, #tpu.memory_space<hbm>> -> memref<1x40x50xi32, #tpu.memory_space<hbm>>
      %dma_start3A_286 = tpu.memref_squeeze %dma_start3A_285 : memref<1x40x50xi32, #tpu.memory_space<hbm>> -> memref<40x50xi32, #tpu.memory_space<hbm>>
      %dma_start3A_287 = arith.constant 0 : i32
      %dma_start3A_288 = arith.constant 0 : i32
      %dma_start3A_289 = tpu.memref_slice %arg2[%add3A_159, %dma_start3A_287, %dma_start3A_288] : memref<160x40x50xi32, #tpu.memory_space<hbm>> -> memref<1x40x50xi32, #tpu.memory_space<hbm>>
      %dma_start3A_290 = tpu.memref_squeeze %dma_start3A_289 : memref<1x40x50xi32, #tpu.memory_space<hbm>> -> memref<40x50xi32, #tpu.memory_space<hbm>>
      tpu.enqueue_dma source(%dma_start3A_290 : memref<40x50xi32, #tpu.memory_space<hbm>>) target(%arg7 : memref<40x50xi32, #tpu.memory_space<vmem>>) target_semaphore(%run_scoped3A : memref<!tpu.dma_semaphore, #tpu.memory_space<semaphore_mem>>)
      %dma_wait3A = arith.constant 0 : i32
      %dma_wait3A_291 = arith.constant 0 : i32
      %dma_wait3A_292 = tpu.memref_slice %arg2[%add3A_159, %dma_wait3A, %dma_wait3A_291] : memref<160x40x50xi32, #tpu.memory_space<hbm>> -> memref<1x40x50xi32, #tpu.memory_space<hbm>>
      %dma_wait3A_293 = tpu.memref_squeeze %dma_wait3A_292 : memref<1x40x50xi32, #tpu.memory_space<hbm>> -> memref<40x50xi32, #tpu.memory_space<hbm>>
      %dma_wait3A_294 = arith.constant 0 : i32
      %dma_wait3A_295 = arith.constant 0 : i32
      %dma_wait3A_296 = tpu.memref_slice %arg2[%add3A_159, %dma_wait3A_294, %dma_wait3A_295] : memref<160x40x50xi32, #tpu.memory_space<hbm>> -> memref<1x40x50xi32, #tpu.memory_space<hbm>>
      %dma_wait3A_297 = tpu.memref_squeeze %dma_wait3A_296 : memref<1x40x50xi32, #tpu.memory_space<hbm>> -> memref<40x50xi32, #tpu.memory_space<hbm>>
      tpu.wait_dma2 semaphore(%run_scoped3A : memref<!tpu.dma_semaphore, #tpu.memory_space<semaphore_mem>>) src(%dma_wait3A_297 : memref<40x50xi32, #tpu.memory_space<hbm>>) dst(%arg7 : memref<40x50xi32, #tpu.memory_space<vmem>>)
      tpu.yield
    }) : () -> ()
    "tpu.region"() ({
      %run_scoped3A = tpu.sem_alloc : memref<!tpu.dma_semaphore, #tpu.memory_space<semaphore_mem>>
      %dma_start3A_283 = arith.constant 0 : i32
      %dma_start3A_284 = arith.constant 0 : i32
      %dma_start3A_285 = tpu.memref_slice %arg3[%add3A_159, %dma_start3A_283, %dma_start3A_284] : memref<160x40x50xi32, #tpu.memory_space<hbm>> -> memref<1x40x50xi32, #tpu.memory_space<hbm>>
      %dma_start3A_286 = tpu.memref_squeeze %dma_start3A_285 : memref<1x40x50xi32, #tpu.memory_space<hbm>> -> memref<40x50xi32, #tpu.memory_space<hbm>>
      %dma_start3A_287 = arith.constant 0 : i32
      %dma_start3A_288 = arith.constant 0 : i32
      %dma_start3A_289 = tpu.memref_slice %arg3[%add3A_159, %dma_start3A_287, %dma_start3A_288] : memref<160x40x50xi32, #tpu.memory_space<hbm>> -> memref<1x40x50xi32, #tpu.memory_space<hbm>>
      %dma_start3A_290 = tpu.memref_squeeze %dma_start3A_289 : memref<1x40x50xi32, #tpu.memory_space<hbm>> -> memref<40x50xi32, #tpu.memory_space<hbm>>
      tpu.enqueue_dma source(%dma_start3A_290 : memref<40x50xi32, #tpu.memory_space<hbm>>) target(%arg8 : memref<40x50xi32, #tpu.memory_space<vmem>>) target_semaphore(%run_scoped3A : memref<!tpu.dma_semaphore, #tpu.memory_space<semaphore_mem>>)
      %dma_wait3A = arith.constant 0 : i32
      %dma_wait3A_291 = arith.constant 0 : i32
      %dma_wait3A_292 = tpu.memref_slice %arg3[%add3A_159, %dma_wait3A, %dma_wait3A_291] : memref<160x40x50xi32, #tpu.memory_space<hbm>> -> memref<1x40x50xi32, #tpu.memory_space<hbm>>
      %dma_wait3A_293 = tpu.memref_squeeze %dma_wait3A_292 : memref<1x40x50xi32, #tpu.memory_space<hbm>> -> memref<40x50xi32, #tpu.memory_space<hbm>>
      %dma_wait3A_294 = arith.constant 0 : i32
      %dma_wait3A_295 = arith.constant 0 : i32
      %dma_wait3A_296 = tpu.memref_slice %arg3[%add3A_159, %dma_wait3A_294, %dma_wait3A_295] : memref<160x40x50xi32, #tpu.memory_space<hbm>> -> memref<1x40x50xi32, #tpu.memory_space<hbm>>
      %dma_wait3A_297 = tpu.memref_squeeze %dma_wait3A_296 : memref<1x40x50xi32, #tpu.memory_space<hbm>> -> memref<40x50xi32, #tpu.memory_space<hbm>>
      tpu.wait_dma2 semaphore(%run_scoped3A : memref<!tpu.dma_semaphore, #tpu.memory_space<semaphore_mem>>) src(%dma_wait3A_297 : memref<40x50xi32, #tpu.memory_space<hbm>>) dst(%arg8 : memref<40x50xi32, #tpu.memory_space<vmem>>)
      tpu.yield
    }) : () -> ()
    %dma_start3A_160 = arith.constant 0 : i32
    %dma_start3A_161 = arith.constant 0 : i32
    %dma_start3A_162 = tpu.memref_slice %arg7[%dma_start3A_160, %dma_start3A_161] : memref<40x50xi32, #tpu.memory_space<vmem>> -> memref<1x50xi32, #tpu.memory_space<vmem>>
    %dma_start3A_163 = tpu.memref_squeeze %dma_start3A_162 : memref<1x50xi32, #tpu.memory_space<vmem>> -> memref<50xi32, #tpu.memory_space<vmem>>
    %dma_start3A_164 = arith.constant 0 : i32
    %dma_start3A_165 = arith.constant 0 : i32
    %dma_start3A_166 = tpu.memref_slice %arg4[%dma_start3A_164, %dma_start3A_165] : memref<10000x128xf32, #tpu.memory_space<hbm>> -> memref<10000x128xf32, #tpu.memory_space<hbm>>
    tpu.enqueue_indirect_dma source(%dma_start3A_166 : memref<10000x128xf32, #tpu.memory_space<hbm>>) target(%arg9 : memref<50x128xf32, #tpu.memory_space<vmem>>) offsets(%dma_start3A_163 : memref<50xi32, #tpu.memory_space<vmem>>) semaphore(%arg14 : memref<!tpu.dma_semaphore, #tpu.memory_space<semaphore_mem>>)
    %dma_start3A_167 = arith.constant 1 : i32
    %dma_start3A_168 = arith.constant 0 : i32
    %dma_start3A_169 = tpu.memref_slice %arg7[%dma_start3A_167, %dma_start3A_168] : memref<40x50xi32, #tpu.memory_space<vmem>> -> memref<1x50xi32, #tpu.memory_space<vmem>>
    %dma_start3A_170 = tpu.memref_squeeze %dma_start3A_169 : memref<1x50xi32, #tpu.memory_space<vmem>> -> memref<50xi32, #tpu.memory_space<vmem>>
    %dma_start3A_171 = arith.constant 0 : i32
    %dma_start3A_172 = arith.constant 0 : i32
    %dma_start3A_173 = tpu.memref_slice %arg4[%dma_start3A_171, %dma_start3A_172] : memref<10000x128xf32, #tpu.memory_space<hbm>> -> memref<10000x128xf32, #tpu.memory_space<hbm>>
    tpu.enqueue_indirect_dma source(%dma_start3A_173 : memref<10000x128xf32, #tpu.memory_space<hbm>>) target(%arg10 : memref<50x128xf32, #tpu.memory_space<vmem>>) offsets(%dma_start3A_170 : memref<50xi32, #tpu.memory_space<vmem>>) semaphore(%arg15 : memref<!tpu.dma_semaphore, #tpu.memory_space<semaphore_mem>>)
    %dma_start3A_174 = arith.constant 2 : i32
    %dma_start3A_175 = arith.constant 0 : i32
    %dma_start3A_176 = tpu.memref_slice %arg7[%dma_start3A_174, %dma_start3A_175] : memref<40x50xi32, #tpu.memory_space<vmem>> -> memref<1x50xi32, #tpu.memory_space<vmem>>
    %dma_start3A_177 = tpu.memref_squeeze %dma_start3A_176 : memref<1x50xi32, #tpu.memory_space<vmem>> -> memref<50xi32, #tpu.memory_space<vmem>>
    %dma_start3A_178 = arith.constant 0 : i32
    %dma_start3A_179 = arith.constant 0 : i32
    %dma_start3A_180 = tpu.memref_slice %arg4[%dma_start3A_178, %dma_start3A_179] : memref<10000x128xf32, #tpu.memory_space<hbm>> -> memref<10000x128xf32, #tpu.memory_space<hbm>>
    tpu.enqueue_indirect_dma source(%dma_start3A_180 : memref<10000x128xf32, #tpu.memory_space<hbm>>) target(%arg11 : memref<50x128xf32, #tpu.memory_space<vmem>>) offsets(%dma_start3A_177 : memref<50xi32, #tpu.memory_space<vmem>>) semaphore(%arg16 : memref<!tpu.dma_semaphore, #tpu.memory_space<semaphore_mem>>)
    %scan3A_181 = arith.constant 0 : i32
    %scan3A_182 = arith.constant 0 : i32
    %scan3A_183 = arith.constant 10 : i32
    %scan3A_184 = arith.addi %scan3A_182, %scan3A_183 : i32
    %scan3A_185 = arith.constant 1 : i32
    scf.for %scan3A_283 = %scan3A_182 to %scan3A_184 step %scan3A_185  : i32 {
      %mul3A_284 = arith.constant 4 : i32
      %mul3A_285 = arith.muli %mul3A_284, %scan3A_283 : i32
      %add3A_286 = arith.constant 0 : i32
      %add3A_287 = arith.addi %mul3A_285, %add3A_286 : i32
      %dma_wait3A = arith.constant 0 : i32
      %dma_wait3A_288 = tpu.memref_slice %arg7[%add3A_287, %dma_wait3A] : memref<40x50xi32, #tpu.memory_space<vmem>> -> memref<1x50xi32, #tpu.memory_space<vmem>>
      %dma_wait3A_289 = tpu.memref_squeeze %dma_wait3A_288 : memref<1x50xi32, #tpu.memory_space<vmem>> -> memref<50xi32, #tpu.memory_space<vmem>>
      %dma_wait3A_290 = arith.constant 0 : i32
      %dma_wait3A_291 = arith.constant 0 : i32
      %dma_wait3A_292 = tpu.memref_slice %arg4[%dma_wait3A_290, %dma_wait3A_291] : memref<10000x128xf32, #tpu.memory_space<hbm>> -> memref<10000x128xf32, #tpu.memory_space<hbm>>
      tpu.wait_indirect_dma semaphore(%arg14 : memref<!tpu.dma_semaphore, #tpu.memory_space<semaphore_mem>>) src(%dma_wait3A_292 : memref<10000x128xf32, #tpu.memory_space<hbm>>) dst(%arg9 : memref<50x128xf32, #tpu.memory_space<vmem>>)
      "tpu.region"() ({
        %run_scoped3A = tpu.sem_alloc : memref<!tpu.dma_semaphore, #tpu.memory_space<semaphore_mem>>
        %dma_start3A_355 = arith.constant 0 : i32
        %dma_start3A_356 = tpu.memref_slice %arg8[%add3A_287, %dma_start3A_355] : memref<40x50xi32, #tpu.memory_space<vmem>> -> memref<1x50xi32, #tpu.memory_space<vmem>>
        %dma_start3A_357 = tpu.memref_squeeze %dma_start3A_356 : memref<1x50xi32, #tpu.memory_space<vmem>> -> memref<50xi32, #tpu.memory_space<vmem>>
        %dma_start3A_358 = arith.constant 0 : i32
        %dma_start3A_359 = arith.constant 0 : i32
        %dma_start3A_360 = tpu.memref_slice %arg13[%dma_start3A_358, %dma_start3A_359] : memref<10240x128xf32, #tpu.memory_space<vmem_shared>> -> memref<10240x128xf32, #tpu.memory_space<vmem_shared>>
        tpu.enqueue_indirect_dma source(%arg9 : memref<50x128xf32, #tpu.memory_space<vmem>>) target(%dma_start3A_360 : memref<10240x128xf32, #tpu.memory_space<vmem_shared>>) offsets(%dma_start3A_357 : memref<50xi32, #tpu.memory_space<vmem>>) semaphore(%run_scoped3A : memref<!tpu.dma_semaphore, #tpu.memory_space<semaphore_mem>>) {add = true}
        %dma_wait3A_361 = arith.constant 0 : i32
        %dma_wait3A_362 = tpu.memref_slice %arg8[%add3A_287, %dma_wait3A_361] : memref<40x50xi32, #tpu.memory_space<vmem>> -> memref<1x50xi32, #tpu.memory_space<vmem>>
        %dma_wait3A_363 = tpu.memref_squeeze %dma_wait3A_362 : memref<1x50xi32, #tpu.memory_space<vmem>> -> memref<50xi32, #tpu.memory_space<vmem>>
        %dma_wait3A_364 = arith.constant 0 : i32
        %dma_wait3A_365 = arith.constant 0 : i32
        %dma_wait3A_366 = tpu.memref_slice %arg13[%dma_wait3A_364, %dma_wait3A_365] : memref<10240x128xf32, #tpu.memory_space<vmem_shared>> -> memref<10240x128xf32, #tpu.memory_space<vmem_shared>>
        tpu.wait_indirect_dma semaphore(%run_scoped3A : memref<!tpu.dma_semaphore, #tpu.memory_space<semaphore_mem>>) src(%arg9 : memref<50x128xf32, #tpu.memory_space<vmem>>) dst(%dma_wait3A_366 : memref<10240x128xf32, #tpu.memory_space<vmem_shared>>)
        tpu.yield
      }) : () -> ()
      %add3A_293 = arith.constant 4 : i32
      %add3A_294 = arith.addi %add3A_287, %add3A_293 : i32
      %sub3A = arith.constant 1 : i32
      %sub3A_295 = arith.subi %add3A_294, %sub3A : i32
      %lt3A = arith.constant 40 : i32
      %lt3A_296 = arith.cmpi slt, %sub3A_295, %lt3A : i32
      %convert_element_type3A = arith.extui %lt3A_296 : i1 to i32
      %cond3A = arith.constant 0 : i32
      %cond3A_297 = arith.cmpi ne, %convert_element_type3A, %cond3A : i32
      scf.if %cond3A_297 {
        %add3A_355 = arith.constant 4 : i32
        %add3A_356 = arith.addi %add3A_287, %add3A_355 : i32
        %sub3A_357 = arith.constant 1 : i32
        %sub3A_358 = arith.subi %add3A_356, %sub3A_357 : i32
        %dma_start3A_359 = arith.constant 0 : i32
        %dma_start3A_360 = tpu.memref_slice %arg7[%sub3A_358, %dma_start3A_359] : memref<40x50xi32, #tpu.memory_space<vmem>> -> memref<1x50xi32, #tpu.memory_space<vmem>>
        %dma_start3A_361 = tpu.memref_squeeze %dma_start3A_360 : memref<1x50xi32, #tpu.memory_space<vmem>> -> memref<50xi32, #tpu.memory_space<vmem>>
        %dma_start3A_362 = arith.constant 0 : i32
        %dma_start3A_363 = arith.constant 0 : i32
        %dma_start3A_364 = tpu.memref_slice %arg4[%dma_start3A_362, %dma_start3A_363] : memref<10000x128xf32, #tpu.memory_space<hbm>> -> memref<10000x128xf32, #tpu.memory_space<hbm>>
        tpu.enqueue_indirect_dma source(%dma_start3A_364 : memref<10000x128xf32, #tpu.memory_space<hbm>>) target(%arg12 : memref<50x128xf32, #tpu.memory_space<vmem>>) offsets(%dma_start3A_361 : memref<50xi32, #tpu.memory_space<vmem>>) semaphore(%arg17 : memref<!tpu.dma_semaphore, #tpu.memory_space<semaphore_mem>>)
      } else {
      }
      %mul3A_298 = arith.constant 4 : i32
      %mul3A_299 = arith.muli %mul3A_298, %scan3A_283 : i32
      %add3A_300 = arith.constant 1 : i32
      %add3A_301 = arith.addi %mul3A_299, %add3A_300 : i32
      %dma_wait3A_302 = arith.constant 0 : i32
      %dma_wait3A_303 = tpu.memref_slice %arg7[%add3A_301, %dma_wait3A_302] : memref<40x50xi32, #tpu.memory_space<vmem>> -> memref<1x50xi32, #tpu.memory_space<vmem>>
      %dma_wait3A_304 = tpu.memref_squeeze %dma_wait3A_303 : memref<1x50xi32, #tpu.memory_space<vmem>> -> memref<50xi32, #tpu.memory_space<vmem>>
      %dma_wait3A_305 = arith.constant 0 : i32
      %dma_wait3A_306 = arith.constant 0 : i32
      %dma_wait3A_307 = tpu.memref_slice %arg4[%dma_wait3A_305, %dma_wait3A_306] : memref<10000x128xf32, #tpu.memory_space<hbm>> -> memref<10000x128xf32, #tpu.memory_space<hbm>>
      tpu.wait_indirect_dma semaphore(%arg15 : memref<!tpu.dma_semaphore, #tpu.memory_space<semaphore_mem>>) src(%dma_wait3A_307 : memref<10000x128xf32, #tpu.memory_space<hbm>>) dst(%arg10 : memref<50x128xf32, #tpu.memory_space<vmem>>)
      "tpu.region"() ({
        %run_scoped3A = tpu.sem_alloc : memref<!tpu.dma_semaphore, #tpu.memory_space<semaphore_mem>>
        %dma_start3A_355 = arith.constant 0 : i32
        %dma_start3A_356 = tpu.memref_slice %arg8[%add3A_301, %dma_start3A_355] : memref<40x50xi32, #tpu.memory_space<vmem>> -> memref<1x50xi32, #tpu.memory_space<vmem>>
        %dma_start3A_357 = tpu.memref_squeeze %dma_start3A_356 : memref<1x50xi32, #tpu.memory_space<vmem>> -> memref<50xi32, #tpu.memory_space<vmem>>
        %dma_start3A_358 = arith.constant 0 : i32
        %dma_start3A_359 = arith.constant 0 : i32
        %dma_start3A_360 = tpu.memref_slice %arg13[%dma_start3A_358, %dma_start3A_359] : memref<10240x128xf32, #tpu.memory_space<vmem_shared>> -> memref<10240x128xf32, #tpu.memory_space<vmem_shared>>
        tpu.enqueue_indirect_dma source(%arg10 : memref<50x128xf32, #tpu.memory_space<vmem>>) target(%dma_start3A_360 : memref<10240x128xf32, #tpu.memory_space<vmem_shared>>) offsets(%dma_start3A_357 : memref<50xi32, #tpu.memory_space<vmem>>) semaphore(%run_scoped3A : memref<!tpu.dma_semaphore, #tpu.memory_space<semaphore_mem>>) {add = true}
        %dma_wait3A_361 = arith.constant 0 : i32
        %dma_wait3A_362 = tpu.memref_slice %arg8[%add3A_301, %dma_wait3A_361] : memref<40x50xi32, #tpu.memory_space<vmem>> -> memref<1x50xi32, #tpu.memory_space<vmem>>
        %dma_wait3A_363 = tpu.memref_squeeze %dma_wait3A_362 : memref<1x50xi32, #tpu.memory_space<vmem>> -> memref<50xi32, #tpu.memory_space<vmem>>
        %dma_wait3A_364 = arith.constant 0 : i32
        %dma_wait3A_365 = arith.constant 0 : i32
        %dma_wait3A_366 = tpu.memref_slice %arg13[%dma_wait3A_364, %dma_wait3A_365] : memref<10240x128xf32, #tpu.memory_space<vmem_shared>> -> memref<10240x128xf32, #tpu.memory_space<vmem_shared>>
        tpu.wait_indirect_dma semaphore(%run_scoped3A : memref<!tpu.dma_semaphore, #tpu.memory_space<semaphore_mem>>) src(%arg10 : memref<50x128xf32, #tpu.memory_space<vmem>>) dst(%dma_wait3A_366 : memref<10240x128xf32, #tpu.memory_space<vmem_shared>>)
        tpu.yield
      }) : () -> ()
      %add3A_308 = arith.constant 4 : i32
      %add3A_309 = arith.addi %add3A_301, %add3A_308 : i32
      %sub3A_310 = arith.constant 1 : i32
      %sub3A_311 = arith.subi %add3A_309, %sub3A_310 : i32
      %lt3A_312 = arith.constant 40 : i32
      %lt3A_313 = arith.cmpi slt, %sub3A_311, %lt3A_312 : i32
      %convert_element_type3A_314 = arith.extui %lt3A_313 : i1 to i32
      %cond3A_315 = arith.constant 0 : i32
      %cond3A_316 = arith.cmpi ne, %convert_element_type3A_314, %cond3A_315 : i32
      scf.if %cond3A_316 {
        %add3A_355 = arith.constant 4 : i32
        %add3A_356 = arith.addi %add3A_301, %add3A_355 : i32
        %sub3A_357 = arith.constant 1 : i32
        %sub3A_358 = arith.subi %add3A_356, %sub3A_357 : i32
        %dma_start3A_359 = arith.constant 0 : i32
        %dma_start3A_360 = tpu.memref_slice %arg7[%sub3A_358, %dma_start3A_359] : memref<40x50xi32, #tpu.memory_space<vmem>> -> memref<1x50xi32, #tpu.memory_space<vmem>>
        %dma_start3A_361 = tpu.memref_squeeze %dma_start3A_360 : memref<1x50xi32, #tpu.memory_space<vmem>> -> memref<50xi32, #tpu.memory_space<vmem>>
        %dma_start3A_362 = arith.constant 0 : i32
        %dma_start3A_363 = arith.constant 0 : i32
        %dma_start3A_364 = tpu.memref_slice %arg4[%dma_start3A_362, %dma_start3A_363] : memref<10000x128xf32, #tpu.memory_space<hbm>> -> memref<10000x128xf32, #tpu.memory_space<hbm>>
        tpu.enqueue_indirect_dma source(%dma_start3A_364 : memref<10000x128xf32, #tpu.memory_space<hbm>>) target(%arg9 : memref<50x128xf32, #tpu.memory_space<vmem>>) offsets(%dma_start3A_361 : memref<50xi32, #tpu.memory_space<vmem>>) semaphore(%arg14 : memref<!tpu.dma_semaphore, #tpu.memory_space<semaphore_mem>>)
      } else {
      }
      %mul3A_317 = arith.constant 4 : i32
      %mul3A_318 = arith.muli %mul3A_317, %scan3A_283 : i32
      %add3A_319 = arith.constant 2 : i32
      %add3A_320 = arith.addi %mul3A_318, %add3A_319 : i32
      %dma_wait3A_321 = arith.constant 0 : i32
      %dma_wait3A_322 = tpu.memref_slice %arg7[%add3A_320, %dma_wait3A_321] : memref<40x50xi32, #tpu.memory_space<vmem>> -> memref<1x50xi32, #tpu.memory_space<vmem>>
      %dma_wait3A_323 = tpu.memref_squeeze %dma_wait3A_322 : memref<1x50xi32, #tpu.memory_space<vmem>> -> memref<50xi32, #tpu.memory_space<vmem>>
      %dma_wait3A_324 = arith.constant 0 : i32
      %dma_wait3A_325 = arith.constant 0 : i32
      %dma_wait3A_326 = tpu.memref_slice %arg4[%dma_wait3A_324, %dma_wait3A_325] : memref<10000x128xf32, #tpu.memory_space<hbm>> -> memref<10000x128xf32, #tpu.memory_space<hbm>>
      tpu.wait_indirect_dma semaphore(%arg16 : memref<!tpu.dma_semaphore, #tpu.memory_space<semaphore_mem>>) src(%dma_wait3A_326 : memref<10000x128xf32, #tpu.memory_space<hbm>>) dst(%arg11 : memref<50x128xf32, #tpu.memory_space<vmem>>)
      "tpu.region"() ({
        %run_scoped3A = tpu.sem_alloc : memref<!tpu.dma_semaphore, #tpu.memory_space<semaphore_mem>>
        %dma_start3A_355 = arith.constant 0 : i32
        %dma_start3A_356 = tpu.memref_slice %arg8[%add3A_320, %dma_start3A_355] : memref<40x50xi32, #tpu.memory_space<vmem>> -> memref<1x50xi32, #tpu.memory_space<vmem>>
        %dma_start3A_357 = tpu.memref_squeeze %dma_start3A_356 : memref<1x50xi32, #tpu.memory_space<vmem>> -> memref<50xi32, #tpu.memory_space<vmem>>
        %dma_start3A_358 = arith.constant 0 : i32
        %dma_start3A_359 = arith.constant 0 : i32
        %dma_start3A_360 = tpu.memref_slice %arg13[%dma_start3A_358, %dma_start3A_359] : memref<10240x128xf32, #tpu.memory_space<vmem_shared>> -> memref<10240x128xf32, #tpu.memory_space<vmem_shared>>
        tpu.enqueue_indirect_dma source(%arg11 : memref<50x128xf32, #tpu.memory_space<vmem>>) target(%dma_start3A_360 : memref<10240x128xf32, #tpu.memory_space<vmem_shared>>) offsets(%dma_start3A_357 : memref<50xi32, #tpu.memory_space<vmem>>) semaphore(%run_scoped3A : memref<!tpu.dma_semaphore, #tpu.memory_space<semaphore_mem>>) {add = true}
        %dma_wait3A_361 = arith.constant 0 : i32
        %dma_wait3A_362 = tpu.memref_slice %arg8[%add3A_320, %dma_wait3A_361] : memref<40x50xi32, #tpu.memory_space<vmem>> -> memref<1x50xi32, #tpu.memory_space<vmem>>
        %dma_wait3A_363 = tpu.memref_squeeze %dma_wait3A_362 : memref<1x50xi32, #tpu.memory_space<vmem>> -> memref<50xi32, #tpu.memory_space<vmem>>
        %dma_wait3A_364 = arith.constant 0 : i32
        %dma_wait3A_365 = arith.constant 0 : i32
        %dma_wait3A_366 = tpu.memref_slice %arg13[%dma_wait3A_364, %dma_wait3A_365] : memref<10240x128xf32, #tpu.memory_space<vmem_shared>> -> memref<10240x128xf32, #tpu.memory_space<vmem_shared>>
        tpu.wait_indirect_dma semaphore(%run_scoped3A : memref<!tpu.dma_semaphore, #tpu.memory_space<semaphore_mem>>) src(%arg11 : memref<50x128xf32, #tpu.memory_space<vmem>>) dst(%dma_wait3A_366 : memref<10240x128xf32, #tpu.memory_space<vmem_shared>>)
        tpu.yield
      }) : () -> ()
      %add3A_327 = arith.constant 4 : i32
      %add3A_328 = arith.addi %add3A_320, %add3A_327 : i32
      %sub3A_329 = arith.constant 1 : i32
      %sub3A_330 = arith.subi %add3A_328, %sub3A_329 : i32
      %lt3A_331 = arith.constant 40 : i32
      %lt3A_332 = arith.cmpi slt, %sub3A_330, %lt3A_331 : i32
      %convert_element_type3A_333 = arith.extui %lt3A_332 : i1 to i32
      %cond3A_334 = arith.constant 0 : i32
      %cond3A_335 = arith.cmpi ne, %convert_element_type3A_333, %cond3A_334 : i32
      scf.if %cond3A_335 {
        %add3A_355 = arith.constant 4 : i32
        %add3A_356 = arith.addi %add3A_320, %add3A_355 : i32
        %sub3A_357 = arith.constant 1 : i32
        %sub3A_358 = arith.subi %add3A_356, %sub3A_357 : i32
        %dma_start3A_359 = arith.constant 0 : i32
        %dma_start3A_360 = tpu.memref_slice %arg7[%sub3A_358, %dma_start3A_359] : memref<40x50xi32, #tpu.memory_space<vmem>> -> memref<1x50xi32, #tpu.memory_space<vmem>>
        %dma_start3A_361 = tpu.memref_squeeze %dma_start3A_360 : memref<1x50xi32, #tpu.memory_space<vmem>> -> memref<50xi32, #tpu.memory_space<vmem>>
        %dma_start3A_362 = arith.constant 0 : i32
        %dma_start3A_363 = arith.constant 0 : i32
        %dma_start3A_364 = tpu.memref_slice %arg4[%dma_start3A_362, %dma_start3A_363] : memref<10000x128xf32, #tpu.memory_space<hbm>> -> memref<10000x128xf32, #tpu.memory_space<hbm>>
        tpu.enqueue_indirect_dma source(%dma_start3A_364 : memref<10000x128xf32, #tpu.memory_space<hbm>>) target(%arg10 : memref<50x128xf32, #tpu.memory_space<vmem>>) offsets(%dma_start3A_361 : memref<50xi32, #tpu.memory_space<vmem>>) semaphore(%arg15 : memref<!tpu.dma_semaphore, #tpu.memory_space<semaphore_mem>>)
      } else {
      }
      %mul3A_336 = arith.constant 4 : i32
      %mul3A_337 = arith.muli %mul3A_336, %scan3A_283 : i32
      %add3A_338 = arith.constant 3 : i32
      %add3A_339 = arith.addi %mul3A_337, %add3A_338 : i32
      %dma_wait3A_340 = arith.constant 0 : i32
      %dma_wait3A_341 = tpu.memref_slice %arg7[%add3A_339, %dma_wait3A_340] : memref<40x50xi32, #tpu.memory_space<vmem>> -> memref<1x50xi32, #tpu.memory_space<vmem>>
      %dma_wait3A_342 = tpu.memref_squeeze %dma_wait3A_341 : memref<1x50xi32, #tpu.memory_space<vmem>> -> memref<50xi32, #tpu.memory_space<vmem>>
      %dma_wait3A_343 = arith.constant 0 : i32
      %dma_wait3A_344 = arith.constant 0 : i32
      %dma_wait3A_345 = tpu.memref_slice %arg4[%dma_wait3A_343, %dma_wait3A_344] : memref<10000x128xf32, #tpu.memory_space<hbm>> -> memref<10000x128xf32, #tpu.memory_space<hbm>>
      tpu.wait_indirect_dma semaphore(%arg17 : memref<!tpu.dma_semaphore, #tpu.memory_space<semaphore_mem>>) src(%dma_wait3A_345 : memref<10000x128xf32, #tpu.memory_space<hbm>>) dst(%arg12 : memref<50x128xf32, #tpu.memory_space<vmem>>)
      "tpu.region"() ({
        %run_scoped3A = tpu.sem_alloc : memref<!tpu.dma_semaphore, #tpu.memory_space<semaphore_mem>>
        %dma_start3A_355 = arith.constant 0 : i32
        %dma_start3A_356 = tpu.memref_slice %arg8[%add3A_339, %dma_start3A_355] : memref<40x50xi32, #tpu.memory_space<vmem>> -> memref<1x50xi32, #tpu.memory_space<vmem>>
        %dma_start3A_357 = tpu.memref_squeeze %dma_start3A_356 : memref<1x50xi32, #tpu.memory_space<vmem>> -> memref<50xi32, #tpu.memory_space<vmem>>
        %dma_start3A_358 = arith.constant 0 : i32
        %dma_start3A_359 = arith.constant 0 : i32
        %dma_start3A_360 = tpu.memref_slice %arg13[%dma_start3A_358, %dma_start3A_359] : memref<10240x128xf32, #tpu.memory_space<vmem_shared>> -> memref<10240x128xf32, #tpu.memory_space<vmem_shared>>
        tpu.enqueue_indirect_dma source(%arg12 : memref<50x128xf32, #tpu.memory_space<vmem>>) target(%dma_start3A_360 : memref<10240x128xf32, #tpu.memory_space<vmem_shared>>) offsets(%dma_start3A_357 : memref<50xi32, #tpu.memory_space<vmem>>) semaphore(%run_scoped3A : memref<!tpu.dma_semaphore, #tpu.memory_space<semaphore_mem>>) {add = true}
        %dma_wait3A_361 = arith.constant 0 : i32
        %dma_wait3A_362 = tpu.memref_slice %arg8[%add3A_339, %dma_wait3A_361] : memref<40x50xi32, #tpu.memory_space<vmem>> -> memref<1x50xi32, #tpu.memory_space<vmem>>
        %dma_wait3A_363 = tpu.memref_squeeze %dma_wait3A_362 : memref<1x50xi32, #tpu.memory_space<vmem>> -> memref<50xi32, #tpu.memory_space<vmem>>
        %dma_wait3A_364 = arith.constant 0 : i32
        %dma_wait3A_365 = arith.constant 0 : i32
        %dma_wait3A_366 = tpu.memref_slice %arg13[%dma_wait3A_364, %dma_wait3A_365] : memref<10240x128xf32, #tpu.memory_space<vmem_shared>> -> memref<10240x128xf32, #tpu.memory_space<vmem_shared>>
        tpu.wait_indirect_dma semaphore(%run_scoped3A : memref<!tpu.dma_semaphore, #tpu.memory_space<semaphore_mem>>) src(%arg12 : memref<50x128xf32, #tpu.memory_space<vmem>>) dst(%dma_wait3A_366 : memref<10240x128xf32, #tpu.memory_space<vmem_shared>>)
        tpu.yield
      }) : () -> ()
      %add3A_346 = arith.constant 4 : i32
      %add3A_347 = arith.addi %add3A_339, %add3A_346 : i32
      %sub3A_348 = arith.constant 1 : i32
      %sub3A_349 = arith.subi %add3A_347, %sub3A_348 : i32
      %lt3A_350 = arith.constant 40 : i32
      %lt3A_351 = arith.cmpi slt, %sub3A_349, %lt3A_350 : i32
      %convert_element_type3A_352 = arith.extui %lt3A_351 : i1 to i32
      %cond3A_353 = arith.constant 0 : i32
      %cond3A_354 = arith.cmpi ne, %convert_element_type3A_352, %cond3A_353 : i32
      scf.if %cond3A_354 {
        %add3A_355 = arith.constant 4 : i32
        %add3A_356 = arith.addi %add3A_339, %add3A_355 : i32
        %sub3A_357 = arith.constant 1 : i32
        %sub3A_358 = arith.subi %add3A_356, %sub3A_357 : i32
        %dma_start3A_359 = arith.constant 0 : i32
        %dma_start3A_360 = tpu.memref_slice %arg7[%sub3A_358, %dma_start3A_359] : memref<40x50xi32, #tpu.memory_space<vmem>> -> memref<1x50xi32, #tpu.memory_space<vmem>>
        %dma_start3A_361 = tpu.memref_squeeze %dma_start3A_360 : memref<1x50xi32, #tpu.memory_space<vmem>> -> memref<50xi32, #tpu.memory_space<vmem>>
        %dma_start3A_362 = arith.constant 0 : i32
        %dma_start3A_363 = arith.constant 0 : i32
        %dma_start3A_364 = tpu.memref_slice %arg4[%dma_start3A_362, %dma_start3A_363] : memref<10000x128xf32, #tpu.memory_space<hbm>> -> memref<10000x128xf32, #tpu.memory_space<hbm>>
        tpu.enqueue_indirect_dma source(%dma_start3A_364 : memref<10000x128xf32, #tpu.memory_space<hbm>>) target(%arg11 : memref<50x128xf32, #tpu.memory_space<vmem>>) offsets(%dma_start3A_361 : memref<50xi32, #tpu.memory_space<vmem>>) semaphore(%arg16 : memref<!tpu.dma_semaphore, #tpu.memory_space<semaphore_mem>>)
      } else {
      }
    }
    %scan3A_186 = arith.constant 10 : i32
    %mul3A_187 = arith.constant 5 : i32
    %mul3A_188 = arith.muli %add3A, %mul3A_187 : i32
    %add3A_189 = arith.constant 4 : i32
    %add3A_190 = arith.addi %mul3A_188, %add3A_189 : i32
    "tpu.region"() ({
      %run_scoped3A = tpu.sem_alloc : memref<!tpu.dma_semaphore, #tpu.memory_space<semaphore_mem>>
      %dma_start3A_283 = arith.constant 0 : i32
      %dma_start3A_284 = arith.constant 0 : i32
      %dma_start3A_285 = tpu.memref_slice %arg2[%add3A_190, %dma_start3A_283, %dma_start3A_284] : memref<160x40x50xi32, #tpu.memory_space<hbm>> -> memref<1x40x50xi32, #tpu.memory_space<hbm>>
      %dma_start3A_286 = tpu.memref_squeeze %dma_start3A_285 : memref<1x40x50xi32, #tpu.memory_space<hbm>> -> memref<40x50xi32, #tpu.memory_space<hbm>>
      %dma_start3A_287 = arith.constant 0 : i32
      %dma_start3A_288 = arith.constant 0 : i32
      %dma_start3A_289 = tpu.memref_slice %arg2[%add3A_190, %dma_start3A_287, %dma_start3A_288] : memref<160x40x50xi32, #tpu.memory_space<hbm>> -> memref<1x40x50xi32, #tpu.memory_space<hbm>>
      %dma_start3A_290 = tpu.memref_squeeze %dma_start3A_289 : memref<1x40x50xi32, #tpu.memory_space<hbm>> -> memref<40x50xi32, #tpu.memory_space<hbm>>
      tpu.enqueue_dma source(%dma_start3A_290 : memref<40x50xi32, #tpu.memory_space<hbm>>) target(%arg7 : memref<40x50xi32, #tpu.memory_space<vmem>>) target_semaphore(%run_scoped3A : memref<!tpu.dma_semaphore, #tpu.memory_space<semaphore_mem>>)
      %dma_wait3A = arith.constant 0 : i32
      %dma_wait3A_291 = arith.constant 0 : i32
      %dma_wait3A_292 = tpu.memref_slice %arg2[%add3A_190, %dma_wait3A, %dma_wait3A_291] : memref<160x40x50xi32, #tpu.memory_space<hbm>> -> memref<1x40x50xi32, #tpu.memory_space<hbm>>
      %dma_wait3A_293 = tpu.memref_squeeze %dma_wait3A_292 : memref<1x40x50xi32, #tpu.memory_space<hbm>> -> memref<40x50xi32, #tpu.memory_space<hbm>>
      %dma_wait3A_294 = arith.constant 0 : i32
      %dma_wait3A_295 = arith.constant 0 : i32
      %dma_wait3A_296 = tpu.memref_slice %arg2[%add3A_190, %dma_wait3A_294, %dma_wait3A_295] : memref<160x40x50xi32, #tpu.memory_space<hbm>> -> memref<1x40x50xi32, #tpu.memory_space<hbm>>
      %dma_wait3A_297 = tpu.memref_squeeze %dma_wait3A_296 : memref<1x40x50xi32, #tpu.memory_space<hbm>> -> memref<40x50xi32, #tpu.memory_space<hbm>>
      tpu.wait_dma2 semaphore(%run_scoped3A : memref<!tpu.dma_semaphore, #tpu.memory_space<semaphore_mem>>) src(%dma_wait3A_297 : memref<40x50xi32, #tpu.memory_space<hbm>>) dst(%arg7 : memref<40x50xi32, #tpu.memory_space<vmem>>)
      tpu.yield
    }) : () -> ()
    "tpu.region"() ({
      %run_scoped3A = tpu.sem_alloc : memref<!tpu.dma_semaphore, #tpu.memory_space<semaphore_mem>>
      %dma_start3A_283 = arith.constant 0 : i32
      %dma_start3A_284 = arith.constant 0 : i32
      %dma_start3A_285 = tpu.memref_slice %arg3[%add3A_190, %dma_start3A_283, %dma_start3A_284] : memref<160x40x50xi32, #tpu.memory_space<hbm>> -> memref<1x40x50xi32, #tpu.memory_space<hbm>>
      %dma_start3A_286 = tpu.memref_squeeze %dma_start3A_285 : memref<1x40x50xi32, #tpu.memory_space<hbm>> -> memref<40x50xi32, #tpu.memory_space<hbm>>
      %dma_start3A_287 = arith.constant 0 : i32
      %dma_start3A_288 = arith.constant 0 : i32
      %dma_start3A_289 = tpu.memref_slice %arg3[%add3A_190, %dma_start3A_287, %dma_start3A_288] : memref<160x40x50xi32, #tpu.memory_space<hbm>> -> memref<1x40x50xi32, #tpu.memory_space<hbm>>
      %dma_start3A_290 = tpu.memref_squeeze %dma_start3A_289 : memref<1x40x50xi32, #tpu.memory_space<hbm>> -> memref<40x50xi32, #tpu.memory_space<hbm>>
      tpu.enqueue_dma source(%dma_start3A_290 : memref<40x50xi32, #tpu.memory_space<hbm>>) target(%arg8 : memref<40x50xi32, #tpu.memory_space<vmem>>) target_semaphore(%run_scoped3A : memref<!tpu.dma_semaphore, #tpu.memory_space<semaphore_mem>>)
      %dma_wait3A = arith.constant 0 : i32
      %dma_wait3A_291 = arith.constant 0 : i32
      %dma_wait3A_292 = tpu.memref_slice %arg3[%add3A_190, %dma_wait3A, %dma_wait3A_291] : memref<160x40x50xi32, #tpu.memory_space<hbm>> -> memref<1x40x50xi32, #tpu.memory_space<hbm>>
      %dma_wait3A_293 = tpu.memref_squeeze %dma_wait3A_292 : memref<1x40x50xi32, #tpu.memory_space<hbm>> -> memref<40x50xi32, #tpu.memory_space<hbm>>
      %dma_wait3A_294 = arith.constant 0 : i32
      %dma_wait3A_295 = arith.constant 0 : i32
      %dma_wait3A_296 = tpu.memref_slice %arg3[%add3A_190, %dma_wait3A_294, %dma_wait3A_295] : memref<160x40x50xi32, #tpu.memory_space<hbm>> -> memref<1x40x50xi32, #tpu.memory_space<hbm>>
      %dma_wait3A_297 = tpu.memref_squeeze %dma_wait3A_296 : memref<1x40x50xi32, #tpu.memory_space<hbm>> -> memref<40x50xi32, #tpu.memory_space<hbm>>
      tpu.wait_dma2 semaphore(%run_scoped3A : memref<!tpu.dma_semaphore, #tpu.memory_space<semaphore_mem>>) src(%dma_wait3A_297 : memref<40x50xi32, #tpu.memory_space<hbm>>) dst(%arg8 : memref<40x50xi32, #tpu.memory_space<vmem>>)
      tpu.yield
    }) : () -> ()
    %dma_start3A_191 = arith.constant 0 : i32
    %dma_start3A_192 = arith.constant 0 : i32
    %dma_start3A_193 = tpu.memref_slice %arg7[%dma_start3A_191, %dma_start3A_192] : memref<40x50xi32, #tpu.memory_space<vmem>> -> memref<1x50xi32, #tpu.memory_space<vmem>>
    %dma_start3A_194 = tpu.memref_squeeze %dma_start3A_193 : memref<1x50xi32, #tpu.memory_space<vmem>> -> memref<50xi32, #tpu.memory_space<vmem>>
    %dma_start3A_195 = arith.constant 0 : i32
    %dma_start3A_196 = arith.constant 0 : i32
    %dma_start3A_197 = tpu.memref_slice %arg4[%dma_start3A_195, %dma_start3A_196] : memref<10000x128xf32, #tpu.memory_space<hbm>> -> memref<10000x128xf32, #tpu.memory_space<hbm>>
    tpu.enqueue_indirect_dma source(%dma_start3A_197 : memref<10000x128xf32, #tpu.memory_space<hbm>>) target(%arg9 : memref<50x128xf32, #tpu.memory_space<vmem>>) offsets(%dma_start3A_194 : memref<50xi32, #tpu.memory_space<vmem>>) semaphore(%arg14 : memref<!tpu.dma_semaphore, #tpu.memory_space<semaphore_mem>>)
    %dma_start3A_198 = arith.constant 1 : i32
    %dma_start3A_199 = arith.constant 0 : i32
    %dma_start3A_200 = tpu.memref_slice %arg7[%dma_start3A_198, %dma_start3A_199] : memref<40x50xi32, #tpu.memory_space<vmem>> -> memref<1x50xi32, #tpu.memory_space<vmem>>
    %dma_start3A_201 = tpu.memref_squeeze %dma_start3A_200 : memref<1x50xi32, #tpu.memory_space<vmem>> -> memref<50xi32, #tpu.memory_space<vmem>>
    %dma_start3A_202 = arith.constant 0 : i32
    %dma_start3A_203 = arith.constant 0 : i32
    %dma_start3A_204 = tpu.memref_slice %arg4[%dma_start3A_202, %dma_start3A_203] : memref<10000x128xf32, #tpu.memory_space<hbm>> -> memref<10000x128xf32, #tpu.memory_space<hbm>>
    tpu.enqueue_indirect_dma source(%dma_start3A_204 : memref<10000x128xf32, #tpu.memory_space<hbm>>) target(%arg10 : memref<50x128xf32, #tpu.memory_space<vmem>>) offsets(%dma_start3A_201 : memref<50xi32, #tpu.memory_space<vmem>>) semaphore(%arg15 : memref<!tpu.dma_semaphore, #tpu.memory_space<semaphore_mem>>)
    %dma_start3A_205 = arith.constant 2 : i32
    %dma_start3A_206 = arith.constant 0 : i32
    %dma_start3A_207 = tpu.memref_slice %arg7[%dma_start3A_205, %dma_start3A_206] : memref<40x50xi32, #tpu.memory_space<vmem>> -> memref<1x50xi32, #tpu.memory_space<vmem>>
    %dma_start3A_208 = tpu.memref_squeeze %dma_start3A_207 : memref<1x50xi32, #tpu.memory_space<vmem>> -> memref<50xi32, #tpu.memory_space<vmem>>
    %dma_start3A_209 = arith.constant 0 : i32
    %dma_start3A_210 = arith.constant 0 : i32
    %dma_start3A_211 = tpu.memref_slice %arg4[%dma_start3A_209, %dma_start3A_210] : memref<10000x128xf32, #tpu.memory_space<hbm>> -> memref<10000x128xf32, #tpu.memory_space<hbm>>
    tpu.enqueue_indirect_dma source(%dma_start3A_211 : memref<10000x128xf32, #tpu.memory_space<hbm>>) target(%arg11 : memref<50x128xf32, #tpu.memory_space<vmem>>) offsets(%dma_start3A_208 : memref<50xi32, #tpu.memory_space<vmem>>) semaphore(%arg16 : memref<!tpu.dma_semaphore, #tpu.memory_space<semaphore_mem>>)
    %scan3A_212 = arith.constant 0 : i32
    %scan3A_213 = arith.constant 0 : i32
    %scan3A_214 = arith.constant 10 : i32
    %scan3A_215 = arith.addi %scan3A_213, %scan3A_214 : i32
    %scan3A_216 = arith.constant 1 : i32
    scf.for %scan3A_283 = %scan3A_213 to %scan3A_215 step %scan3A_216  : i32 {
      %mul3A_284 = arith.constant 4 : i32
      %mul3A_285 = arith.muli %mul3A_284, %scan3A_283 : i32
      %add3A_286 = arith.constant 0 : i32
      %add3A_287 = arith.addi %mul3A_285, %add3A_286 : i32
      %dma_wait3A = arith.constant 0 : i32
      %dma_wait3A_288 = tpu.memref_slice %arg7[%add3A_287, %dma_wait3A] : memref<40x50xi32, #tpu.memory_space<vmem>> -> memref<1x50xi32, #tpu.memory_space<vmem>>
      %dma_wait3A_289 = tpu.memref_squeeze %dma_wait3A_288 : memref<1x50xi32, #tpu.memory_space<vmem>> -> memref<50xi32, #tpu.memory_space<vmem>>
      %dma_wait3A_290 = arith.constant 0 : i32
      %dma_wait3A_291 = arith.constant 0 : i32
      %dma_wait3A_292 = tpu.memref_slice %arg4[%dma_wait3A_290, %dma_wait3A_291] : memref<10000x128xf32, #tpu.memory_space<hbm>> -> memref<10000x128xf32, #tpu.memory_space<hbm>>
      tpu.wait_indirect_dma semaphore(%arg14 : memref<!tpu.dma_semaphore, #tpu.memory_space<semaphore_mem>>) src(%dma_wait3A_292 : memref<10000x128xf32, #tpu.memory_space<hbm>>) dst(%arg9 : memref<50x128xf32, #tpu.memory_space<vmem>>)
      "tpu.region"() ({
        %run_scoped3A = tpu.sem_alloc : memref<!tpu.dma_semaphore, #tpu.memory_space<semaphore_mem>>
        %dma_start3A_355 = arith.constant 0 : i32
        %dma_start3A_356 = tpu.memref_slice %arg8[%add3A_287, %dma_start3A_355] : memref<40x50xi32, #tpu.memory_space<vmem>> -> memref<1x50xi32, #tpu.memory_space<vmem>>
        %dma_start3A_357 = tpu.memref_squeeze %dma_start3A_356 : memref<1x50xi32, #tpu.memory_space<vmem>> -> memref<50xi32, #tpu.memory_space<vmem>>
        %dma_start3A_358 = arith.constant 0 : i32
        %dma_start3A_359 = arith.constant 0 : i32
        %dma_start3A_360 = tpu.memref_slice %arg13[%dma_start3A_358, %dma_start3A_359] : memref<10240x128xf32, #tpu.memory_space<vmem_shared>> -> memref<10240x128xf32, #tpu.memory_space<vmem_shared>>
        tpu.enqueue_indirect_dma source(%arg9 : memref<50x128xf32, #tpu.memory_space<vmem>>) target(%dma_start3A_360 : memref<10240x128xf32, #tpu.memory_space<vmem_shared>>) offsets(%dma_start3A_357 : memref<50xi32, #tpu.memory_space<vmem>>) semaphore(%run_scoped3A : memref<!tpu.dma_semaphore, #tpu.memory_space<semaphore_mem>>) {add = true}
        %dma_wait3A_361 = arith.constant 0 : i32
        %dma_wait3A_362 = tpu.memref_slice %arg8[%add3A_287, %dma_wait3A_361] : memref<40x50xi32, #tpu.memory_space<vmem>> -> memref<1x50xi32, #tpu.memory_space<vmem>>
        %dma_wait3A_363 = tpu.memref_squeeze %dma_wait3A_362 : memref<1x50xi32, #tpu.memory_space<vmem>> -> memref<50xi32, #tpu.memory_space<vmem>>
        %dma_wait3A_364 = arith.constant 0 : i32
        %dma_wait3A_365 = arith.constant 0 : i32
        %dma_wait3A_366 = tpu.memref_slice %arg13[%dma_wait3A_364, %dma_wait3A_365] : memref<10240x128xf32, #tpu.memory_space<vmem_shared>> -> memref<10240x128xf32, #tpu.memory_space<vmem_shared>>
        tpu.wait_indirect_dma semaphore(%run_scoped3A : memref<!tpu.dma_semaphore, #tpu.memory_space<semaphore_mem>>) src(%arg9 : memref<50x128xf32, #tpu.memory_space<vmem>>) dst(%dma_wait3A_366 : memref<10240x128xf32, #tpu.memory_space<vmem_shared>>)
        tpu.yield
      }) : () -> ()
      %add3A_293 = arith.constant 4 : i32
      %add3A_294 = arith.addi %add3A_287, %add3A_293 : i32
      %sub3A = arith.constant 1 : i32
      %sub3A_295 = arith.subi %add3A_294, %sub3A : i32
      %lt3A = arith.constant 40 : i32
      %lt3A_296 = arith.cmpi slt, %sub3A_295, %lt3A : i32
      %convert_element_type3A = arith.extui %lt3A_296 : i1 to i32
      %cond3A = arith.constant 0 : i32
      %cond3A_297 = arith.cmpi ne, %convert_element_type3A, %cond3A : i32
      scf.if %cond3A_297 {
        %add3A_355 = arith.constant 4 : i32
        %add3A_356 = arith.addi %add3A_287, %add3A_355 : i32
        %sub3A_357 = arith.constant 1 : i32
        %sub3A_358 = arith.subi %add3A_356, %sub3A_357 : i32
        %dma_start3A_359 = arith.constant 0 : i32
        %dma_start3A_360 = tpu.memref_slice %arg7[%sub3A_358, %dma_start3A_359] : memref<40x50xi32, #tpu.memory_space<vmem>> -> memref<1x50xi32, #tpu.memory_space<vmem>>
        %dma_start3A_361 = tpu.memref_squeeze %dma_start3A_360 : memref<1x50xi32, #tpu.memory_space<vmem>> -> memref<50xi32, #tpu.memory_space<vmem>>
        %dma_start3A_362 = arith.constant 0 : i32
        %dma_start3A_363 = arith.constant 0 : i32
        %dma_start3A_364 = tpu.memref_slice %arg4[%dma_start3A_362, %dma_start3A_363] : memref<10000x128xf32, #tpu.memory_space<hbm>> -> memref<10000x128xf32, #tpu.memory_space<hbm>>
        tpu.enqueue_indirect_dma source(%dma_start3A_364 : memref<10000x128xf32, #tpu.memory_space<hbm>>) target(%arg12 : memref<50x128xf32, #tpu.memory_space<vmem>>) offsets(%dma_start3A_361 : memref<50xi32, #tpu.memory_space<vmem>>) semaphore(%arg17 : memref<!tpu.dma_semaphore, #tpu.memory_space<semaphore_mem>>)
      } else {
      }
      %mul3A_298 = arith.constant 4 : i32
      %mul3A_299 = arith.muli %mul3A_298, %scan3A_283 : i32
      %add3A_300 = arith.constant 1 : i32
      %add3A_301 = arith.addi %mul3A_299, %add3A_300 : i32
      %dma_wait3A_302 = arith.constant 0 : i32
      %dma_wait3A_303 = tpu.memref_slice %arg7[%add3A_301, %dma_wait3A_302] : memref<40x50xi32, #tpu.memory_space<vmem>> -> memref<1x50xi32, #tpu.memory_space<vmem>>
      %dma_wait3A_304 = tpu.memref_squeeze %dma_wait3A_303 : memref<1x50xi32, #tpu.memory_space<vmem>> -> memref<50xi32, #tpu.memory_space<vmem>>
      %dma_wait3A_305 = arith.constant 0 : i32
      %dma_wait3A_306 = arith.constant 0 : i32
      %dma_wait3A_307 = tpu.memref_slice %arg4[%dma_wait3A_305, %dma_wait3A_306] : memref<10000x128xf32, #tpu.memory_space<hbm>> -> memref<10000x128xf32, #tpu.memory_space<hbm>>
      tpu.wait_indirect_dma semaphore(%arg15 : memref<!tpu.dma_semaphore, #tpu.memory_space<semaphore_mem>>) src(%dma_wait3A_307 : memref<10000x128xf32, #tpu.memory_space<hbm>>) dst(%arg10 : memref<50x128xf32, #tpu.memory_space<vmem>>)
      "tpu.region"() ({
        %run_scoped3A = tpu.sem_alloc : memref<!tpu.dma_semaphore, #tpu.memory_space<semaphore_mem>>
        %dma_start3A_355 = arith.constant 0 : i32
        %dma_start3A_356 = tpu.memref_slice %arg8[%add3A_301, %dma_start3A_355] : memref<40x50xi32, #tpu.memory_space<vmem>> -> memref<1x50xi32, #tpu.memory_space<vmem>>
        %dma_start3A_357 = tpu.memref_squeeze %dma_start3A_356 : memref<1x50xi32, #tpu.memory_space<vmem>> -> memref<50xi32, #tpu.memory_space<vmem>>
        %dma_start3A_358 = arith.constant 0 : i32
        %dma_start3A_359 = arith.constant 0 : i32
        %dma_start3A_360 = tpu.memref_slice %arg13[%dma_start3A_358, %dma_start3A_359] : memref<10240x128xf32, #tpu.memory_space<vmem_shared>> -> memref<10240x128xf32, #tpu.memory_space<vmem_shared>>
        tpu.enqueue_indirect_dma source(%arg10 : memref<50x128xf32, #tpu.memory_space<vmem>>) target(%dma_start3A_360 : memref<10240x128xf32, #tpu.memory_space<vmem_shared>>) offsets(%dma_start3A_357 : memref<50xi32, #tpu.memory_space<vmem>>) semaphore(%run_scoped3A : memref<!tpu.dma_semaphore, #tpu.memory_space<semaphore_mem>>) {add = true}
        %dma_wait3A_361 = arith.constant 0 : i32
        %dma_wait3A_362 = tpu.memref_slice %arg8[%add3A_301, %dma_wait3A_361] : memref<40x50xi32, #tpu.memory_space<vmem>> -> memref<1x50xi32, #tpu.memory_space<vmem>>
        %dma_wait3A_363 = tpu.memref_squeeze %dma_wait3A_362 : memref<1x50xi32, #tpu.memory_space<vmem>> -> memref<50xi32, #tpu.memory_space<vmem>>
        %dma_wait3A_364 = arith.constant 0 : i32
        %dma_wait3A_365 = arith.constant 0 : i32
        %dma_wait3A_366 = tpu.memref_slice %arg13[%dma_wait3A_364, %dma_wait3A_365] : memref<10240x128xf32, #tpu.memory_space<vmem_shared>> -> memref<10240x128xf32, #tpu.memory_space<vmem_shared>>
        tpu.wait_indirect_dma semaphore(%run_scoped3A : memref<!tpu.dma_semaphore, #tpu.memory_space<semaphore_mem>>) src(%arg10 : memref<50x128xf32, #tpu.memory_space<vmem>>) dst(%dma_wait3A_366 : memref<10240x128xf32, #tpu.memory_space<vmem_shared>>)
        tpu.yield
      }) : () -> ()
      %add3A_308 = arith.constant 4 : i32
      %add3A_309 = arith.addi %add3A_301, %add3A_308 : i32
      %sub3A_310 = arith.constant 1 : i32
      %sub3A_311 = arith.subi %add3A_309, %sub3A_310 : i32
      %lt3A_312 = arith.constant 40 : i32
      %lt3A_313 = arith.cmpi slt, %sub3A_311, %lt3A_312 : i32
      %convert_element_type3A_314 = arith.extui %lt3A_313 : i1 to i32
      %cond3A_315 = arith.constant 0 : i32
      %cond3A_316 = arith.cmpi ne, %convert_element_type3A_314, %cond3A_315 : i32
      scf.if %cond3A_316 {
        %add3A_355 = arith.constant 4 : i32
        %add3A_356 = arith.addi %add3A_301, %add3A_355 : i32
        %sub3A_357 = arith.constant 1 : i32
        %sub3A_358 = arith.subi %add3A_356, %sub3A_357 : i32
        %dma_start3A_359 = arith.constant 0 : i32
        %dma_start3A_360 = tpu.memref_slice %arg7[%sub3A_358, %dma_start3A_359] : memref<40x50xi32, #tpu.memory_space<vmem>> -> memref<1x50xi32, #tpu.memory_space<vmem>>
        %dma_start3A_361 = tpu.memref_squeeze %dma_start3A_360 : memref<1x50xi32, #tpu.memory_space<vmem>> -> memref<50xi32, #tpu.memory_space<vmem>>
        %dma_start3A_362 = arith.constant 0 : i32
        %dma_start3A_363 = arith.constant 0 : i32
        %dma_start3A_364 = tpu.memref_slice %arg4[%dma_start3A_362, %dma_start3A_363] : memref<10000x128xf32, #tpu.memory_space<hbm>> -> memref<10000x128xf32, #tpu.memory_space<hbm>>
        tpu.enqueue_indirect_dma source(%dma_start3A_364 : memref<10000x128xf32, #tpu.memory_space<hbm>>) target(%arg9 : memref<50x128xf32, #tpu.memory_space<vmem>>) offsets(%dma_start3A_361 : memref<50xi32, #tpu.memory_space<vmem>>) semaphore(%arg14 : memref<!tpu.dma_semaphore, #tpu.memory_space<semaphore_mem>>)
      } else {
      }
      %mul3A_317 = arith.constant 4 : i32
      %mul3A_318 = arith.muli %mul3A_317, %scan3A_283 : i32
      %add3A_319 = arith.constant 2 : i32
      %add3A_320 = arith.addi %mul3A_318, %add3A_319 : i32
      %dma_wait3A_321 = arith.constant 0 : i32
      %dma_wait3A_322 = tpu.memref_slice %arg7[%add3A_320, %dma_wait3A_321] : memref<40x50xi32, #tpu.memory_space<vmem>> -> memref<1x50xi32, #tpu.memory_space<vmem>>
      %dma_wait3A_323 = tpu.memref_squeeze %dma_wait3A_322 : memref<1x50xi32, #tpu.memory_space<vmem>> -> memref<50xi32, #tpu.memory_space<vmem>>
      %dma_wait3A_324 = arith.constant 0 : i32
      %dma_wait3A_325 = arith.constant 0 : i32
      %dma_wait3A_326 = tpu.memref_slice %arg4[%dma_wait3A_324, %dma_wait3A_325] : memref<10000x128xf32, #tpu.memory_space<hbm>> -> memref<10000x128xf32, #tpu.memory_space<hbm>>
      tpu.wait_indirect_dma semaphore(%arg16 : memref<!tpu.dma_semaphore, #tpu.memory_space<semaphore_mem>>) src(%dma_wait3A_326 : memref<10000x128xf32, #tpu.memory_space<hbm>>) dst(%arg11 : memref<50x128xf32, #tpu.memory_space<vmem>>)
      "tpu.region"() ({
        %run_scoped3A = tpu.sem_alloc : memref<!tpu.dma_semaphore, #tpu.memory_space<semaphore_mem>>
        %dma_start3A_355 = arith.constant 0 : i32
        %dma_start3A_356 = tpu.memref_slice %arg8[%add3A_320, %dma_start3A_355] : memref<40x50xi32, #tpu.memory_space<vmem>> -> memref<1x50xi32, #tpu.memory_space<vmem>>
        %dma_start3A_357 = tpu.memref_squeeze %dma_start3A_356 : memref<1x50xi32, #tpu.memory_space<vmem>> -> memref<50xi32, #tpu.memory_space<vmem>>
        %dma_start3A_358 = arith.constant 0 : i32
        %dma_start3A_359 = arith.constant 0 : i32
        %dma_start3A_360 = tpu.memref_slice %arg13[%dma_start3A_358, %dma_start3A_359] : memref<10240x128xf32, #tpu.memory_space<vmem_shared>> -> memref<10240x128xf32, #tpu.memory_space<vmem_shared>>
        tpu.enqueue_indirect_dma source(%arg11 : memref<50x128xf32, #tpu.memory_space<vmem>>) target(%dma_start3A_360 : memref<10240x128xf32, #tpu.memory_space<vmem_shared>>) offsets(%dma_start3A_357 : memref<50xi32, #tpu.memory_space<vmem>>) semaphore(%run_scoped3A : memref<!tpu.dma_semaphore, #tpu.memory_space<semaphore_mem>>) {add = true}
        %dma_wait3A_361 = arith.constant 0 : i32
        %dma_wait3A_362 = tpu.memref_slice %arg8[%add3A_320, %dma_wait3A_361] : memref<40x50xi32, #tpu.memory_space<vmem>> -> memref<1x50xi32, #tpu.memory_space<vmem>>
        %dma_wait3A_363 = tpu.memref_squeeze %dma_wait3A_362 : memref<1x50xi32, #tpu.memory_space<vmem>> -> memref<50xi32, #tpu.memory_space<vmem>>
        %dma_wait3A_364 = arith.constant 0 : i32
        %dma_wait3A_365 = arith.constant 0 : i32
        %dma_wait3A_366 = tpu.memref_slice %arg13[%dma_wait3A_364, %dma_wait3A_365] : memref<10240x128xf32, #tpu.memory_space<vmem_shared>> -> memref<10240x128xf32, #tpu.memory_space<vmem_shared>>
        tpu.wait_indirect_dma semaphore(%run_scoped3A : memref<!tpu.dma_semaphore, #tpu.memory_space<semaphore_mem>>) src(%arg11 : memref<50x128xf32, #tpu.memory_space<vmem>>) dst(%dma_wait3A_366 : memref<10240x128xf32, #tpu.memory_space<vmem_shared>>)
        tpu.yield
      }) : () -> ()
      %add3A_327 = arith.constant 4 : i32
      %add3A_328 = arith.addi %add3A_320, %add3A_327 : i32
      %sub3A_329 = arith.constant 1 : i32
      %sub3A_330 = arith.subi %add3A_328, %sub3A_329 : i32
      %lt3A_331 = arith.constant 40 : i32
      %lt3A_332 = arith.cmpi slt, %sub3A_330, %lt3A_331 : i32
      %convert_element_type3A_333 = arith.extui %lt3A_332 : i1 to i32
      %cond3A_334 = arith.constant 0 : i32
      %cond3A_335 = arith.cmpi ne, %convert_element_type3A_333, %cond3A_334 : i32
      scf.if %cond3A_335 {
        %add3A_355 = arith.constant 4 : i32
        %add3A_356 = arith.addi %add3A_320, %add3A_355 : i32
        %sub3A_357 = arith.constant 1 : i32
        %sub3A_358 = arith.subi %add3A_356, %sub3A_357 : i32
        %dma_start3A_359 = arith.constant 0 : i32
        %dma_start3A_360 = tpu.memref_slice %arg7[%sub3A_358, %dma_start3A_359] : memref<40x50xi32, #tpu.memory_space<vmem>> -> memref<1x50xi32, #tpu.memory_space<vmem>>
        %dma_start3A_361 = tpu.memref_squeeze %dma_start3A_360 : memref<1x50xi32, #tpu.memory_space<vmem>> -> memref<50xi32, #tpu.memory_space<vmem>>
        %dma_start3A_362 = arith.constant 0 : i32
        %dma_start3A_363 = arith.constant 0 : i32
        %dma_start3A_364 = tpu.memref_slice %arg4[%dma_start3A_362, %dma_start3A_363] : memref<10000x128xf32, #tpu.memory_space<hbm>> -> memref<10000x128xf32, #tpu.memory_space<hbm>>
        tpu.enqueue_indirect_dma source(%dma_start3A_364 : memref<10000x128xf32, #tpu.memory_space<hbm>>) target(%arg10 : memref<50x128xf32, #tpu.memory_space<vmem>>) offsets(%dma_start3A_361 : memref<50xi32, #tpu.memory_space<vmem>>) semaphore(%arg15 : memref<!tpu.dma_semaphore, #tpu.memory_space<semaphore_mem>>)
      } else {
      }
      %mul3A_336 = arith.constant 4 : i32
      %mul3A_337 = arith.muli %mul3A_336, %scan3A_283 : i32
      %add3A_338 = arith.constant 3 : i32
      %add3A_339 = arith.addi %mul3A_337, %add3A_338 : i32
      %dma_wait3A_340 = arith.constant 0 : i32
      %dma_wait3A_341 = tpu.memref_slice %arg7[%add3A_339, %dma_wait3A_340] : memref<40x50xi32, #tpu.memory_space<vmem>> -> memref<1x50xi32, #tpu.memory_space<vmem>>
      %dma_wait3A_342 = tpu.memref_squeeze %dma_wait3A_341 : memref<1x50xi32, #tpu.memory_space<vmem>> -> memref<50xi32, #tpu.memory_space<vmem>>
      %dma_wait3A_343 = arith.constant 0 : i32
      %dma_wait3A_344 = arith.constant 0 : i32
      %dma_wait3A_345 = tpu.memref_slice %arg4[%dma_wait3A_343, %dma_wait3A_344] : memref<10000x128xf32, #tpu.memory_space<hbm>> -> memref<10000x128xf32, #tpu.memory_space<hbm>>
      tpu.wait_indirect_dma semaphore(%arg17 : memref<!tpu.dma_semaphore, #tpu.memory_space<semaphore_mem>>) src(%dma_wait3A_345 : memref<10000x128xf32, #tpu.memory_space<hbm>>) dst(%arg12 : memref<50x128xf32, #tpu.memory_space<vmem>>)
      "tpu.region"() ({
        %run_scoped3A = tpu.sem_alloc : memref<!tpu.dma_semaphore, #tpu.memory_space<semaphore_mem>>
        %dma_start3A_355 = arith.constant 0 : i32
        %dma_start3A_356 = tpu.memref_slice %arg8[%add3A_339, %dma_start3A_355] : memref<40x50xi32, #tpu.memory_space<vmem>> -> memref<1x50xi32, #tpu.memory_space<vmem>>
        %dma_start3A_357 = tpu.memref_squeeze %dma_start3A_356 : memref<1x50xi32, #tpu.memory_space<vmem>> -> memref<50xi32, #tpu.memory_space<vmem>>
        %dma_start3A_358 = arith.constant 0 : i32
        %dma_start3A_359 = arith.constant 0 : i32
        %dma_start3A_360 = tpu.memref_slice %arg13[%dma_start3A_358, %dma_start3A_359] : memref<10240x128xf32, #tpu.memory_space<vmem_shared>> -> memref<10240x128xf32, #tpu.memory_space<vmem_shared>>
        tpu.enqueue_indirect_dma source(%arg12 : memref<50x128xf32, #tpu.memory_space<vmem>>) target(%dma_start3A_360 : memref<10240x128xf32, #tpu.memory_space<vmem_shared>>) offsets(%dma_start3A_357 : memref<50xi32, #tpu.memory_space<vmem>>) semaphore(%run_scoped3A : memref<!tpu.dma_semaphore, #tpu.memory_space<semaphore_mem>>) {add = true}
        %dma_wait3A_361 = arith.constant 0 : i32
        %dma_wait3A_362 = tpu.memref_slice %arg8[%add3A_339, %dma_wait3A_361] : memref<40x50xi32, #tpu.memory_space<vmem>> -> memref<1x50xi32, #tpu.memory_space<vmem>>
        %dma_wait3A_363 = tpu.memref_squeeze %dma_wait3A_362 : memref<1x50xi32, #tpu.memory_space<vmem>> -> memref<50xi32, #tpu.memory_space<vmem>>
        %dma_wait3A_364 = arith.constant 0 : i32
        %dma_wait3A_365 = arith.constant 0 : i32
        %dma_wait3A_366 = tpu.memref_slice %arg13[%dma_wait3A_364, %dma_wait3A_365] : memref<10240x128xf32, #tpu.memory_space<vmem_shared>> -> memref<10240x128xf32, #tpu.memory_space<vmem_shared>>
        tpu.wait_indirect_dma semaphore(%run_scoped3A : memref<!tpu.dma_semaphore, #tpu.memory_space<semaphore_mem>>) src(%arg12 : memref<50x128xf32, #tpu.memory_space<vmem>>) dst(%dma_wait3A_366 : memref<10240x128xf32, #tpu.memory_space<vmem_shared>>)
        tpu.yield
      }) : () -> ()
      %add3A_346 = arith.constant 4 : i32
      %add3A_347 = arith.addi %add3A_339, %add3A_346 : i32
      %sub3A_348 = arith.constant 1 : i32
      %sub3A_349 = arith.subi %add3A_347, %sub3A_348 : i32
      %lt3A_350 = arith.constant 40 : i32
      %lt3A_351 = arith.cmpi slt, %sub3A_349, %lt3A_350 : i32
      %convert_element_type3A_352 = arith.extui %lt3A_351 : i1 to i32
      %cond3A_353 = arith.constant 0 : i32
      %cond3A_354 = arith.cmpi ne, %convert_element_type3A_352, %cond3A_353 : i32
      scf.if %cond3A_354 {
        %add3A_355 = arith.constant 4 : i32
        %add3A_356 = arith.addi %add3A_339, %add3A_355 : i32
        %sub3A_357 = arith.constant 1 : i32
        %sub3A_358 = arith.subi %add3A_356, %sub3A_357 : i32
        %dma_start3A_359 = arith.constant 0 : i32
        %dma_start3A_360 = tpu.memref_slice %arg7[%sub3A_358, %dma_start3A_359] : memref<40x50xi32, #tpu.memory_space<vmem>> -> memref<1x50xi32, #tpu.memory_space<vmem>>
        %dma_start3A_361 = tpu.memref_squeeze %dma_start3A_360 : memref<1x50xi32, #tpu.memory_space<vmem>> -> memref<50xi32, #tpu.memory_space<vmem>>
        %dma_start3A_362 = arith.constant 0 : i32
        %dma_start3A_363 = arith.constant 0 : i32
        %dma_start3A_364 = tpu.memref_slice %arg4[%dma_start3A_362, %dma_start3A_363] : memref<10000x128xf32, #tpu.memory_space<hbm>> -> memref<10000x128xf32, #tpu.memory_space<hbm>>
        tpu.enqueue_indirect_dma source(%dma_start3A_364 : memref<10000x128xf32, #tpu.memory_space<hbm>>) target(%arg11 : memref<50x128xf32, #tpu.memory_space<vmem>>) offsets(%dma_start3A_361 : memref<50xi32, #tpu.memory_space<vmem>>) semaphore(%arg16 : memref<!tpu.dma_semaphore, #tpu.memory_space<semaphore_mem>>)
      } else {
      }
    }
    %scan3A_217 = arith.constant 10 : i32
    %barrier3A_218 = arith.constant 0 : index
    tpu.barrier barrier_id(%barrier3A_218)
    %mul3A_219 = arith.constant 640 : i32
    %mul3A_220 = arith.muli %arg1, %mul3A_219 : i32
    %add3A_221 = arith.constant 0 : i32
    %add3A_222 = arith.addi %mul3A_220, %add3A_221 : i32
    "tpu.region"() ({
      %run_scoped3A = tpu.sem_alloc : memref<!tpu.dma_semaphore, #tpu.memory_space<semaphore_mem>>
      %dma_start3A_283 = arith.constant 0 : i32
      %dma_start3A_284 = arith.constant 0 : i32
      %dma_start3A_285 = tpu.memref_slice %arg9[%dma_start3A_283, %dma_start3A_284] : memref<50x128xf32, #tpu.memory_space<vmem>> -> memref<40x128xf32, #tpu.memory_space<vmem>>
      %dma_start3A_286 = arith.constant 0 : i32
      %dma_start3A_287 = tpu.memref_slice %arg13[%add3A_222, %dma_start3A_286] : memref<10240x128xf32, #tpu.memory_space<vmem_shared>> -> memref<40x128xf32, #tpu.memory_space<vmem_shared>>
      %dma_start3A_288 = arith.constant 0 : i32
      %dma_start3A_289 = arith.constant 0 : i32
      %dma_start3A_290 = tpu.memref_slice %arg9[%dma_start3A_288, %dma_start3A_289] : memref<50x128xf32, #tpu.memory_space<vmem>> -> memref<40x128xf32, #tpu.memory_space<vmem>>
      %dma_start3A_291 = arith.constant 0 : i32
      %dma_start3A_292 = tpu.memref_slice %arg13[%add3A_222, %dma_start3A_291] : memref<10240x128xf32, #tpu.memory_space<vmem_shared>> -> memref<40x128xf32, #tpu.memory_space<vmem_shared>>
      tpu.enqueue_dma source(%dma_start3A_292 : memref<40x128xf32, #tpu.memory_space<vmem_shared>>) target(%dma_start3A_290 : memref<40x128xf32, #tpu.memory_space<vmem>>) target_semaphore(%run_scoped3A : memref<!tpu.dma_semaphore, #tpu.memory_space<semaphore_mem>>)
      %dma_wait3A = arith.constant 0 : i32
      %dma_wait3A_293 = arith.constant 0 : i32
      %dma_wait3A_294 = tpu.memref_slice %arg9[%dma_wait3A, %dma_wait3A_293] : memref<50x128xf32, #tpu.memory_space<vmem>> -> memref<40x128xf32, #tpu.memory_space<vmem>>
      %dma_wait3A_295 = arith.constant 0 : i32
      %dma_wait3A_296 = tpu.memref_slice %arg13[%add3A_222, %dma_wait3A_295] : memref<10240x128xf32, #tpu.memory_space<vmem_shared>> -> memref<40x128xf32, #tpu.memory_space<vmem_shared>>
      %dma_wait3A_297 = arith.constant 0 : i32
      %dma_wait3A_298 = arith.constant 0 : i32
      %dma_wait3A_299 = tpu.memref_slice %arg9[%dma_wait3A_297, %dma_wait3A_298] : memref<50x128xf32, #tpu.memory_space<vmem>> -> memref<40x128xf32, #tpu.memory_space<vmem>>
      %dma_wait3A_300 = arith.constant 0 : i32
      %dma_wait3A_301 = tpu.memref_slice %arg13[%add3A_222, %dma_wait3A_300] : memref<10240x128xf32, #tpu.memory_space<vmem_shared>> -> memref<40x128xf32, #tpu.memory_space<vmem_shared>>
      tpu.wait_dma2 semaphore(%run_scoped3A : memref<!tpu.dma_semaphore, #tpu.memory_space<semaphore_mem>>) src(%dma_wait3A_301 : memref<40x128xf32, #tpu.memory_space<vmem_shared>>) dst(%dma_wait3A_299 : memref<40x128xf32, #tpu.memory_space<vmem>>)
      tpu.yield
    }) : () -> ()
    "tpu.region"() ({
      %run_scoped3A = tpu.sem_alloc : memref<!tpu.dma_semaphore, #tpu.memory_space<semaphore_mem>>
      %dma_start3A_283 = arith.constant 0 : i32
      %dma_start3A_284 = arith.constant 0 : i32
      %dma_start3A_285 = tpu.memref_slice %arg9[%dma_start3A_283, %dma_start3A_284] : memref<50x128xf32, #tpu.memory_space<vmem>> -> memref<40x128xf32, #tpu.memory_space<vmem>>
      %dma_start3A_286 = arith.constant 0 : i32
      %dma_start3A_287 = tpu.memref_slice %arg6[%arg0, %add3A_222, %dma_start3A_286] : memref<2x10240x128xf32, #tpu.memory_space<hbm>> -> memref<1x40x128xf32, #tpu.memory_space<hbm>>
      %dma_start3A_288 = tpu.memref_squeeze %dma_start3A_287 : memref<1x40x128xf32, #tpu.memory_space<hbm>> -> memref<40x128xf32, #tpu.memory_space<hbm>>
      %dma_start3A_289 = arith.constant 0 : i32
      %dma_start3A_290 = tpu.memref_slice %arg6[%arg0, %add3A_222, %dma_start3A_289] : memref<2x10240x128xf32, #tpu.memory_space<hbm>> -> memref<1x40x128xf32, #tpu.memory_space<hbm>>
      %dma_start3A_291 = tpu.memref_squeeze %dma_start3A_290 : memref<1x40x128xf32, #tpu.memory_space<hbm>> -> memref<40x128xf32, #tpu.memory_space<hbm>>
      %dma_start3A_292 = arith.constant 0 : i32
      %dma_start3A_293 = arith.constant 0 : i32
      %dma_start3A_294 = tpu.memref_slice %arg9[%dma_start3A_292, %dma_start3A_293] : memref<50x128xf32, #tpu.memory_space<vmem>> -> memref<40x128xf32, #tpu.memory_space<vmem>>
      tpu.enqueue_dma source(%dma_start3A_294 : memref<40x128xf32, #tpu.memory_space<vmem>>) target(%dma_start3A_291 : memref<40x128xf32, #tpu.memory_space<hbm>>) target_semaphore(%run_scoped3A : memref<!tpu.dma_semaphore, #tpu.memory_space<semaphore_mem>>)
      %dma_wait3A = arith.constant 0 : i32
      %dma_wait3A_295 = arith.constant 0 : i32
      %dma_wait3A_296 = tpu.memref_slice %arg9[%dma_wait3A, %dma_wait3A_295] : memref<50x128xf32, #tpu.memory_space<vmem>> -> memref<40x128xf32, #tpu.memory_space<vmem>>
      %dma_wait3A_297 = arith.constant 0 : i32
      %dma_wait3A_298 = tpu.memref_slice %arg6[%arg0, %add3A_222, %dma_wait3A_297] : memref<2x10240x128xf32, #tpu.memory_space<hbm>> -> memref<1x40x128xf32, #tpu.memory_space<hbm>>
      %dma_wait3A_299 = tpu.memref_squeeze %dma_wait3A_298 : memref<1x40x128xf32, #tpu.memory_space<hbm>> -> memref<40x128xf32, #tpu.memory_space<hbm>>
      %dma_wait3A_300 = arith.constant 0 : i32
      %dma_wait3A_301 = tpu.memref_slice %arg6[%arg0, %add3A_222, %dma_wait3A_300] : memref<2x10240x128xf32, #tpu.memory_space<hbm>> -> memref<1x40x128xf32, #tpu.memory_space<hbm>>
      %dma_wait3A_302 = tpu.memref_squeeze %dma_wait3A_301 : memref<1x40x128xf32, #tpu.memory_space<hbm>> -> memref<40x128xf32, #tpu.memory_space<hbm>>
      %dma_wait3A_303 = arith.constant 0 : i32
      %dma_wait3A_304 = arith.constant 0 : i32
      %dma_wait3A_305 = tpu.memref_slice %arg9[%dma_wait3A_303, %dma_wait3A_304] : memref<50x128xf32, #tpu.memory_space<vmem>> -> memref<40x128xf32, #tpu.memory_space<vmem>>
      tpu.wait_dma2 semaphore(%run_scoped3A : memref<!tpu.dma_semaphore, #tpu.memory_space<semaphore_mem>>) src(%dma_wait3A_305 : memref<40x128xf32, #tpu.memory_space<vmem>>) dst(%dma_wait3A_302 : memref<40x128xf32, #tpu.memory_space<hbm>>)
      tpu.yield
    }) : () -> ()
    %mul3A_223 = arith.constant 640 : i32
    %mul3A_224 = arith.muli %arg1, %mul3A_223 : i32
    %add3A_225 = arith.constant 40 : i32
    %add3A_226 = arith.addi %mul3A_224, %add3A_225 : i32
    "tpu.region"() ({
      %run_scoped3A = tpu.sem_alloc : memref<!tpu.dma_semaphore, #tpu.memory_space<semaphore_mem>>
      %dma_start3A_283 = arith.constant 0 : i32
      %dma_start3A_284 = arith.constant 0 : i32
      %dma_start3A_285 = tpu.memref_slice %arg9[%dma_start3A_283, %dma_start3A_284] : memref<50x128xf32, #tpu.memory_space<vmem>> -> memref<40x128xf32, #tpu.memory_space<vmem>>
      %dma_start3A_286 = arith.constant 0 : i32
      %dma_start3A_287 = tpu.memref_slice %arg13[%add3A_226, %dma_start3A_286] : memref<10240x128xf32, #tpu.memory_space<vmem_shared>> -> memref<40x128xf32, #tpu.memory_space<vmem_shared>>
      %dma_start3A_288 = arith.constant 0 : i32
      %dma_start3A_289 = arith.constant 0 : i32
      %dma_start3A_290 = tpu.memref_slice %arg9[%dma_start3A_288, %dma_start3A_289] : memref<50x128xf32, #tpu.memory_space<vmem>> -> memref<40x128xf32, #tpu.memory_space<vmem>>
      %dma_start3A_291 = arith.constant 0 : i32
      %dma_start3A_292 = tpu.memref_slice %arg13[%add3A_226, %dma_start3A_291] : memref<10240x128xf32, #tpu.memory_space<vmem_shared>> -> memref<40x128xf32, #tpu.memory_space<vmem_shared>>
      tpu.enqueue_dma source(%dma_start3A_292 : memref<40x128xf32, #tpu.memory_space<vmem_shared>>) target(%dma_start3A_290 : memref<40x128xf32, #tpu.memory_space<vmem>>) target_semaphore(%run_scoped3A : memref<!tpu.dma_semaphore, #tpu.memory_space<semaphore_mem>>)
      %dma_wait3A = arith.constant 0 : i32
      %dma_wait3A_293 = arith.constant 0 : i32
      %dma_wait3A_294 = tpu.memref_slice %arg9[%dma_wait3A, %dma_wait3A_293] : memref<50x128xf32, #tpu.memory_space<vmem>> -> memref<40x128xf32, #tpu.memory_space<vmem>>
      %dma_wait3A_295 = arith.constant 0 : i32
      %dma_wait3A_296 = tpu.memref_slice %arg13[%add3A_226, %dma_wait3A_295] : memref<10240x128xf32, #tpu.memory_space<vmem_shared>> -> memref<40x128xf32, #tpu.memory_space<vmem_shared>>
      %dma_wait3A_297 = arith.constant 0 : i32
      %dma_wait3A_298 = arith.constant 0 : i32
      %dma_wait3A_299 = tpu.memref_slice %arg9[%dma_wait3A_297, %dma_wait3A_298] : memref<50x128xf32, #tpu.memory_space<vmem>> -> memref<40x128xf32, #tpu.memory_space<vmem>>
      %dma_wait3A_300 = arith.constant 0 : i32
      %dma_wait3A_301 = tpu.memref_slice %arg13[%add3A_226, %dma_wait3A_300] : memref<10240x128xf32, #tpu.memory_space<vmem_shared>> -> memref<40x128xf32, #tpu.memory_space<vmem_shared>>
      tpu.wait_dma2 semaphore(%run_scoped3A : memref<!tpu.dma_semaphore, #tpu.memory_space<semaphore_mem>>) src(%dma_wait3A_301 : memref<40x128xf32, #tpu.memory_space<vmem_shared>>) dst(%dma_wait3A_299 : memref<40x128xf32, #tpu.memory_space<vmem>>)
      tpu.yield
    }) : () -> ()
    "tpu.region"() ({
      %run_scoped3A = tpu.sem_alloc : memref<!tpu.dma_semaphore, #tpu.memory_space<semaphore_mem>>
      %dma_start3A_283 = arith.constant 0 : i32
      %dma_start3A_284 = arith.constant 0 : i32
      %dma_start3A_285 = tpu.memref_slice %arg9[%dma_start3A_283, %dma_start3A_284] : memref<50x128xf32, #tpu.memory_space<vmem>> -> memref<40x128xf32, #tpu.memory_space<vmem>>
      %dma_start3A_286 = arith.constant 0 : i32
      %dma_start3A_287 = tpu.memref_slice %arg6[%arg0, %add3A_226, %dma_start3A_286] : memref<2x10240x128xf32, #tpu.memory_space<hbm>> -> memref<1x40x128xf32, #tpu.memory_space<hbm>>
      %dma_start3A_288 = tpu.memref_squeeze %dma_start3A_287 : memref<1x40x128xf32, #tpu.memory_space<hbm>> -> memref<40x128xf32, #tpu.memory_space<hbm>>
      %dma_start3A_289 = arith.constant 0 : i32
      %dma_start3A_290 = tpu.memref_slice %arg6[%arg0, %add3A_226, %dma_start3A_289] : memref<2x10240x128xf32, #tpu.memory_space<hbm>> -> memref<1x40x128xf32, #tpu.memory_space<hbm>>
      %dma_start3A_291 = tpu.memref_squeeze %dma_start3A_290 : memref<1x40x128xf32, #tpu.memory_space<hbm>> -> memref<40x128xf32, #tpu.memory_space<hbm>>
      %dma_start3A_292 = arith.constant 0 : i32
      %dma_start3A_293 = arith.constant 0 : i32
      %dma_start3A_294 = tpu.memref_slice %arg9[%dma_start3A_292, %dma_start3A_293] : memref<50x128xf32, #tpu.memory_space<vmem>> -> memref<40x128xf32, #tpu.memory_space<vmem>>
      tpu.enqueue_dma source(%dma_start3A_294 : memref<40x128xf32, #tpu.memory_space<vmem>>) target(%dma_start3A_291 : memref<40x128xf32, #tpu.memory_space<hbm>>) target_semaphore(%run_scoped3A : memref<!tpu.dma_semaphore, #tpu.memory_space<semaphore_mem>>)
      %dma_wait3A = arith.constant 0 : i32
      %dma_wait3A_295 = arith.constant 0 : i32
      %dma_wait3A_296 = tpu.memref_slice %arg9[%dma_wait3A, %dma_wait3A_295] : memref<50x128xf32, #tpu.memory_space<vmem>> -> memref<40x128xf32, #tpu.memory_space<vmem>>
      %dma_wait3A_297 = arith.constant 0 : i32
      %dma_wait3A_298 = tpu.memref_slice %arg6[%arg0, %add3A_226, %dma_wait3A_297] : memref<2x10240x128xf32, #tpu.memory_space<hbm>> -> memref<1x40x128xf32, #tpu.memory_space<hbm>>
      %dma_wait3A_299 = tpu.memref_squeeze %dma_wait3A_298 : memref<1x40x128xf32, #tpu.memory_space<hbm>> -> memref<40x128xf32, #tpu.memory_space<hbm>>
      %dma_wait3A_300 = arith.constant 0 : i32
      %dma_wait3A_301 = tpu.memref_slice %arg6[%arg0, %add3A_226, %dma_wait3A_300] : memref<2x10240x128xf32, #tpu.memory_space<hbm>> -> memref<1x40x128xf32, #tpu.memory_space<hbm>>
      %dma_wait3A_302 = tpu.memref_squeeze %dma_wait3A_301 : memref<1x40x128xf32, #tpu.memory_space<hbm>> -> memref<40x128xf32, #tpu.memory_space<hbm>>
      %dma_wait3A_303 = arith.constant 0 : i32
      %dma_wait3A_304 = arith.constant 0 : i32
      %dma_wait3A_305 = tpu.memref_slice %arg9[%dma_wait3A_303, %dma_wait3A_304] : memref<50x128xf32, #tpu.memory_space<vmem>> -> memref<40x128xf32, #tpu.memory_space<vmem>>
      tpu.wait_dma2 semaphore(%run_scoped3A : memref<!tpu.dma_semaphore, #tpu.memory_space<semaphore_mem>>) src(%dma_wait3A_305 : memref<40x128xf32, #tpu.memory_space<vmem>>) dst(%dma_wait3A_302 : memref<40x128xf32, #tpu.memory_space<hbm>>)
      tpu.yield
    }) : () -> ()
    %mul3A_227 = arith.constant 640 : i32
    %mul3A_228 = arith.muli %arg1, %mul3A_227 : i32
    %add3A_229 = arith.constant 80 : i32
    %add3A_230 = arith.addi %mul3A_228, %add3A_229 : i32
    "tpu.region"() ({
      %run_scoped3A = tpu.sem_alloc : memref<!tpu.dma_semaphore, #tpu.memory_space<semaphore_mem>>
      %dma_start3A_283 = arith.constant 0 : i32
      %dma_start3A_284 = arith.constant 0 : i32
      %dma_start3A_285 = tpu.memref_slice %arg9[%dma_start3A_283, %dma_start3A_284] : memref<50x128xf32, #tpu.memory_space<vmem>> -> memref<40x128xf32, #tpu.memory_space<vmem>>
      %dma_start3A_286 = arith.constant 0 : i32
      %dma_start3A_287 = tpu.memref_slice %arg13[%add3A_230, %dma_start3A_286] : memref<10240x128xf32, #tpu.memory_space<vmem_shared>> -> memref<40x128xf32, #tpu.memory_space<vmem_shared>>
      %dma_start3A_288 = arith.constant 0 : i32
      %dma_start3A_289 = arith.constant 0 : i32
      %dma_start3A_290 = tpu.memref_slice %arg9[%dma_start3A_288, %dma_start3A_289] : memref<50x128xf32, #tpu.memory_space<vmem>> -> memref<40x128xf32, #tpu.memory_space<vmem>>
      %dma_start3A_291 = arith.constant 0 : i32
      %dma_start3A_292 = tpu.memref_slice %arg13[%add3A_230, %dma_start3A_291] : memref<10240x128xf32, #tpu.memory_space<vmem_shared>> -> memref<40x128xf32, #tpu.memory_space<vmem_shared>>
      tpu.enqueue_dma source(%dma_start3A_292 : memref<40x128xf32, #tpu.memory_space<vmem_shared>>) target(%dma_start3A_290 : memref<40x128xf32, #tpu.memory_space<vmem>>) target_semaphore(%run_scoped3A : memref<!tpu.dma_semaphore, #tpu.memory_space<semaphore_mem>>)
      %dma_wait3A = arith.constant 0 : i32
      %dma_wait3A_293 = arith.constant 0 : i32
      %dma_wait3A_294 = tpu.memref_slice %arg9[%dma_wait3A, %dma_wait3A_293] : memref<50x128xf32, #tpu.memory_space<vmem>> -> memref<40x128xf32, #tpu.memory_space<vmem>>
      %dma_wait3A_295 = arith.constant 0 : i32
      %dma_wait3A_296 = tpu.memref_slice %arg13[%add3A_230, %dma_wait3A_295] : memref<10240x128xf32, #tpu.memory_space<vmem_shared>> -> memref<40x128xf32, #tpu.memory_space<vmem_shared>>
      %dma_wait3A_297 = arith.constant 0 : i32
      %dma_wait3A_298 = arith.constant 0 : i32
      %dma_wait3A_299 = tpu.memref_slice %arg9[%dma_wait3A_297, %dma_wait3A_298] : memref<50x128xf32, #tpu.memory_space<vmem>> -> memref<40x128xf32, #tpu.memory_space<vmem>>
      %dma_wait3A_300 = arith.constant 0 : i32
      %dma_wait3A_301 = tpu.memref_slice %arg13[%add3A_230, %dma_wait3A_300] : memref<10240x128xf32, #tpu.memory_space<vmem_shared>> -> memref<40x128xf32, #tpu.memory_space<vmem_shared>>
      tpu.wait_dma2 semaphore(%run_scoped3A : memref<!tpu.dma_semaphore, #tpu.memory_space<semaphore_mem>>) src(%dma_wait3A_301 : memref<40x128xf32, #tpu.memory_space<vmem_shared>>) dst(%dma_wait3A_299 : memref<40x128xf32, #tpu.memory_space<vmem>>)
      tpu.yield
    }) : () -> ()
    "tpu.region"() ({
      %run_scoped3A = tpu.sem_alloc : memref<!tpu.dma_semaphore, #tpu.memory_space<semaphore_mem>>
      %dma_start3A_283 = arith.constant 0 : i32
      %dma_start3A_284 = arith.constant 0 : i32
      %dma_start3A_285 = tpu.memref_slice %arg9[%dma_start3A_283, %dma_start3A_284] : memref<50x128xf32, #tpu.memory_space<vmem>> -> memref<40x128xf32, #tpu.memory_space<vmem>>
      %dma_start3A_286 = arith.constant 0 : i32
      %dma_start3A_287 = tpu.memref_slice %arg6[%arg0, %add3A_230, %dma_start3A_286] : memref<2x10240x128xf32, #tpu.memory_space<hbm>> -> memref<1x40x128xf32, #tpu.memory_space<hbm>>
      %dma_start3A_288 = tpu.memref_squeeze %dma_start3A_287 : memref<1x40x128xf32, #tpu.memory_space<hbm>> -> memref<40x128xf32, #tpu.memory_space<hbm>>
      %dma_start3A_289 = arith.constant 0 : i32
      %dma_start3A_290 = tpu.memref_slice %arg6[%arg0, %add3A_230, %dma_start3A_289] : memref<2x10240x128xf32, #tpu.memory_space<hbm>> -> memref<1x40x128xf32, #tpu.memory_space<hbm>>
      %dma_start3A_291 = tpu.memref_squeeze %dma_start3A_290 : memref<1x40x128xf32, #tpu.memory_space<hbm>> -> memref<40x128xf32, #tpu.memory_space<hbm>>
      %dma_start3A_292 = arith.constant 0 : i32
      %dma_start3A_293 = arith.constant 0 : i32
      %dma_start3A_294 = tpu.memref_slice %arg9[%dma_start3A_292, %dma_start3A_293] : memref<50x128xf32, #tpu.memory_space<vmem>> -> memref<40x128xf32, #tpu.memory_space<vmem>>
      tpu.enqueue_dma source(%dma_start3A_294 : memref<40x128xf32, #tpu.memory_space<vmem>>) target(%dma_start3A_291 : memref<40x128xf32, #tpu.memory_space<hbm>>) target_semaphore(%run_scoped3A : memref<!tpu.dma_semaphore, #tpu.memory_space<semaphore_mem>>)
      %dma_wait3A = arith.constant 0 : i32
      %dma_wait3A_295 = arith.constant 0 : i32
      %dma_wait3A_296 = tpu.memref_slice %arg9[%dma_wait3A, %dma_wait3A_295] : memref<50x128xf32, #tpu.memory_space<vmem>> -> memref<40x128xf32, #tpu.memory_space<vmem>>
      %dma_wait3A_297 = arith.constant 0 : i32
      %dma_wait3A_298 = tpu.memref_slice %arg6[%arg0, %add3A_230, %dma_wait3A_297] : memref<2x10240x128xf32, #tpu.memory_space<hbm>> -> memref<1x40x128xf32, #tpu.memory_space<hbm>>
      %dma_wait3A_299 = tpu.memref_squeeze %dma_wait3A_298 : memref<1x40x128xf32, #tpu.memory_space<hbm>> -> memref<40x128xf32, #tpu.memory_space<hbm>>
      %dma_wait3A_300 = arith.constant 0 : i32
      %dma_wait3A_301 = tpu.memref_slice %arg6[%arg0, %add3A_230, %dma_wait3A_300] : memref<2x10240x128xf32, #tpu.memory_space<hbm>> -> memref<1x40x128xf32, #tpu.memory_space<hbm>>
      %dma_wait3A_302 = tpu.memref_squeeze %dma_wait3A_301 : memref<1x40x128xf32, #tpu.memory_space<hbm>> -> memref<40x128xf32, #tpu.memory_space<hbm>>
      %dma_wait3A_303 = arith.constant 0 : i32
      %dma_wait3A_304 = arith.constant 0 : i32
      %dma_wait3A_305 = tpu.memref_slice %arg9[%dma_wait3A_303, %dma_wait3A_304] : memref<50x128xf32, #tpu.memory_space<vmem>> -> memref<40x128xf32, #tpu.memory_space<vmem>>
      tpu.wait_dma2 semaphore(%run_scoped3A : memref<!tpu.dma_semaphore, #tpu.memory_space<semaphore_mem>>) src(%dma_wait3A_305 : memref<40x128xf32, #tpu.memory_space<vmem>>) dst(%dma_wait3A_302 : memref<40x128xf32, #tpu.memory_space<hbm>>)
      tpu.yield
    }) : () -> ()
    %mul3A_231 = arith.constant 640 : i32
    %mul3A_232 = arith.muli %arg1, %mul3A_231 : i32
    %add3A_233 = arith.constant 120 : i32
    %add3A_234 = arith.addi %mul3A_232, %add3A_233 : i32
    "tpu.region"() ({
      %run_scoped3A = tpu.sem_alloc : memref<!tpu.dma_semaphore, #tpu.memory_space<semaphore_mem>>
      %dma_start3A_283 = arith.constant 0 : i32
      %dma_start3A_284 = arith.constant 0 : i32
      %dma_start3A_285 = tpu.memref_slice %arg9[%dma_start3A_283, %dma_start3A_284] : memref<50x128xf32, #tpu.memory_space<vmem>> -> memref<40x128xf32, #tpu.memory_space<vmem>>
      %dma_start3A_286 = arith.constant 0 : i32
      %dma_start3A_287 = tpu.memref_slice %arg13[%add3A_234, %dma_start3A_286] : memref<10240x128xf32, #tpu.memory_space<vmem_shared>> -> memref<40x128xf32, #tpu.memory_space<vmem_shared>>
      %dma_start3A_288 = arith.constant 0 : i32
      %dma_start3A_289 = arith.constant 0 : i32
      %dma_start3A_290 = tpu.memref_slice %arg9[%dma_start3A_288, %dma_start3A_289] : memref<50x128xf32, #tpu.memory_space<vmem>> -> memref<40x128xf32, #tpu.memory_space<vmem>>
      %dma_start3A_291 = arith.constant 0 : i32
      %dma_start3A_292 = tpu.memref_slice %arg13[%add3A_234, %dma_start3A_291] : memref<10240x128xf32, #tpu.memory_space<vmem_shared>> -> memref<40x128xf32, #tpu.memory_space<vmem_shared>>
      tpu.enqueue_dma source(%dma_start3A_292 : memref<40x128xf32, #tpu.memory_space<vmem_shared>>) target(%dma_start3A_290 : memref<40x128xf32, #tpu.memory_space<vmem>>) target_semaphore(%run_scoped3A : memref<!tpu.dma_semaphore, #tpu.memory_space<semaphore_mem>>)
      %dma_wait3A = arith.constant 0 : i32
      %dma_wait3A_293 = arith.constant 0 : i32
      %dma_wait3A_294 = tpu.memref_slice %arg9[%dma_wait3A, %dma_wait3A_293] : memref<50x128xf32, #tpu.memory_space<vmem>> -> memref<40x128xf32, #tpu.memory_space<vmem>>
      %dma_wait3A_295 = arith.constant 0 : i32
      %dma_wait3A_296 = tpu.memref_slice %arg13[%add3A_234, %dma_wait3A_295] : memref<10240x128xf32, #tpu.memory_space<vmem_shared>> -> memref<40x128xf32, #tpu.memory_space<vmem_shared>>
      %dma_wait3A_297 = arith.constant 0 : i32
      %dma_wait3A_298 = arith.constant 0 : i32
      %dma_wait3A_299 = tpu.memref_slice %arg9[%dma_wait3A_297, %dma_wait3A_298] : memref<50x128xf32, #tpu.memory_space<vmem>> -> memref<40x128xf32, #tpu.memory_space<vmem>>
      %dma_wait3A_300 = arith.constant 0 : i32
      %dma_wait3A_301 = tpu.memref_slice %arg13[%add3A_234, %dma_wait3A_300] : memref<10240x128xf32, #tpu.memory_space<vmem_shared>> -> memref<40x128xf32, #tpu.memory_space<vmem_shared>>
      tpu.wait_dma2 semaphore(%run_scoped3A : memref<!tpu.dma_semaphore, #tpu.memory_space<semaphore_mem>>) src(%dma_wait3A_301 : memref<40x128xf32, #tpu.memory_space<vmem_shared>>) dst(%dma_wait3A_299 : memref<40x128xf32, #tpu.memory_space<vmem>>)
      tpu.yield
    }) : () -> ()
    "tpu.region"() ({
      %run_scoped3A = tpu.sem_alloc : memref<!tpu.dma_semaphore, #tpu.memory_space<semaphore_mem>>
      %dma_start3A_283 = arith.constant 0 : i32
      %dma_start3A_284 = arith.constant 0 : i32
      %dma_start3A_285 = tpu.memref_slice %arg9[%dma_start3A_283, %dma_start3A_284] : memref<50x128xf32, #tpu.memory_space<vmem>> -> memref<40x128xf32, #tpu.memory_space<vmem>>
      %dma_start3A_286 = arith.constant 0 : i32
      %dma_start3A_287 = tpu.memref_slice %arg6[%arg0, %add3A_234, %dma_start3A_286] : memref<2x10240x128xf32, #tpu.memory_space<hbm>> -> memref<1x40x128xf32, #tpu.memory_space<hbm>>
      %dma_start3A_288 = tpu.memref_squeeze %dma_start3A_287 : memref<1x40x128xf32, #tpu.memory_space<hbm>> -> memref<40x128xf32, #tpu.memory_space<hbm>>
      %dma_start3A_289 = arith.constant 0 : i32
      %dma_start3A_290 = tpu.memref_slice %arg6[%arg0, %add3A_234, %dma_start3A_289] : memref<2x10240x128xf32, #tpu.memory_space<hbm>> -> memref<1x40x128xf32, #tpu.memory_space<hbm>>
      %dma_start3A_291 = tpu.memref_squeeze %dma_start3A_290 : memref<1x40x128xf32, #tpu.memory_space<hbm>> -> memref<40x128xf32, #tpu.memory_space<hbm>>
      %dma_start3A_292 = arith.constant 0 : i32
      %dma_start3A_293 = arith.constant 0 : i32
      %dma_start3A_294 = tpu.memref_slice %arg9[%dma_start3A_292, %dma_start3A_293] : memref<50x128xf32, #tpu.memory_space<vmem>> -> memref<40x128xf32, #tpu.memory_space<vmem>>
      tpu.enqueue_dma source(%dma_start3A_294 : memref<40x128xf32, #tpu.memory_space<vmem>>) target(%dma_start3A_291 : memref<40x128xf32, #tpu.memory_space<hbm>>) target_semaphore(%run_scoped3A : memref<!tpu.dma_semaphore, #tpu.memory_space<semaphore_mem>>)
      %dma_wait3A = arith.constant 0 : i32
      %dma_wait3A_295 = arith.constant 0 : i32
      %dma_wait3A_296 = tpu.memref_slice %arg9[%dma_wait3A, %dma_wait3A_295] : memref<50x128xf32, #tpu.memory_space<vmem>> -> memref<40x128xf32, #tpu.memory_space<vmem>>
      %dma_wait3A_297 = arith.constant 0 : i32
      %dma_wait3A_298 = tpu.memref_slice %arg6[%arg0, %add3A_234, %dma_wait3A_297] : memref<2x10240x128xf32, #tpu.memory_space<hbm>> -> memref<1x40x128xf32, #tpu.memory_space<hbm>>
      %dma_wait3A_299 = tpu.memref_squeeze %dma_wait3A_298 : memref<1x40x128xf32, #tpu.memory_space<hbm>> -> memref<40x128xf32, #tpu.memory_space<hbm>>
      %dma_wait3A_300 = arith.constant 0 : i32
      %dma_wait3A_301 = tpu.memref_slice %arg6[%arg0, %add3A_234, %dma_wait3A_300] : memref<2x10240x128xf32, #tpu.memory_space<hbm>> -> memref<1x40x128xf32, #tpu.memory_space<hbm>>
      %dma_wait3A_302 = tpu.memref_squeeze %dma_wait3A_301 : memref<1x40x128xf32, #tpu.memory_space<hbm>> -> memref<40x128xf32, #tpu.memory_space<hbm>>
      %dma_wait3A_303 = arith.constant 0 : i32
      %dma_wait3A_304 = arith.constant 0 : i32
      %dma_wait3A_305 = tpu.memref_slice %arg9[%dma_wait3A_303, %dma_wait3A_304] : memref<50x128xf32, #tpu.memory_space<vmem>> -> memref<40x128xf32, #tpu.memory_space<vmem>>
      tpu.wait_dma2 semaphore(%run_scoped3A : memref<!tpu.dma_semaphore, #tpu.memory_space<semaphore_mem>>) src(%dma_wait3A_305 : memref<40x128xf32, #tpu.memory_space<vmem>>) dst(%dma_wait3A_302 : memref<40x128xf32, #tpu.memory_space<hbm>>)
      tpu.yield
    }) : () -> ()
    %mul3A_235 = arith.constant 640 : i32
    %mul3A_236 = arith.muli %arg1, %mul3A_235 : i32
    %add3A_237 = arith.constant 160 : i32
    %add3A_238 = arith.addi %mul3A_236, %add3A_237 : i32
    "tpu.region"() ({
      %run_scoped3A = tpu.sem_alloc : memref<!tpu.dma_semaphore, #tpu.memory_space<semaphore_mem>>
      %dma_start3A_283 = arith.constant 0 : i32
      %dma_start3A_284 = arith.constant 0 : i32
      %dma_start3A_285 = tpu.memref_slice %arg9[%dma_start3A_283, %dma_start3A_284] : memref<50x128xf32, #tpu.memory_space<vmem>> -> memref<40x128xf32, #tpu.memory_space<vmem>>
      %dma_start3A_286 = arith.constant 0 : i32
      %dma_start3A_287 = tpu.memref_slice %arg13[%add3A_238, %dma_start3A_286] : memref<10240x128xf32, #tpu.memory_space<vmem_shared>> -> memref<40x128xf32, #tpu.memory_space<vmem_shared>>
      %dma_start3A_288 = arith.constant 0 : i32
      %dma_start3A_289 = arith.constant 0 : i32
      %dma_start3A_290 = tpu.memref_slice %arg9[%dma_start3A_288, %dma_start3A_289] : memref<50x128xf32, #tpu.memory_space<vmem>> -> memref<40x128xf32, #tpu.memory_space<vmem>>
      %dma_start3A_291 = arith.constant 0 : i32
      %dma_start3A_292 = tpu.memref_slice %arg13[%add3A_238, %dma_start3A_291] : memref<10240x128xf32, #tpu.memory_space<vmem_shared>> -> memref<40x128xf32, #tpu.memory_space<vmem_shared>>
      tpu.enqueue_dma source(%dma_start3A_292 : memref<40x128xf32, #tpu.memory_space<vmem_shared>>) target(%dma_start3A_290 : memref<40x128xf32, #tpu.memory_space<vmem>>) target_semaphore(%run_scoped3A : memref<!tpu.dma_semaphore, #tpu.memory_space<semaphore_mem>>)
      %dma_wait3A = arith.constant 0 : i32
      %dma_wait3A_293 = arith.constant 0 : i32
      %dma_wait3A_294 = tpu.memref_slice %arg9[%dma_wait3A, %dma_wait3A_293] : memref<50x128xf32, #tpu.memory_space<vmem>> -> memref<40x128xf32, #tpu.memory_space<vmem>>
      %dma_wait3A_295 = arith.constant 0 : i32
      %dma_wait3A_296 = tpu.memref_slice %arg13[%add3A_238, %dma_wait3A_295] : memref<10240x128xf32, #tpu.memory_space<vmem_shared>> -> memref<40x128xf32, #tpu.memory_space<vmem_shared>>
      %dma_wait3A_297 = arith.constant 0 : i32
      %dma_wait3A_298 = arith.constant 0 : i32
      %dma_wait3A_299 = tpu.memref_slice %arg9[%dma_wait3A_297, %dma_wait3A_298] : memref<50x128xf32, #tpu.memory_space<vmem>> -> memref<40x128xf32, #tpu.memory_space<vmem>>
      %dma_wait3A_300 = arith.constant 0 : i32
      %dma_wait3A_301 = tpu.memref_slice %arg13[%add3A_238, %dma_wait3A_300] : memref<10240x128xf32, #tpu.memory_space<vmem_shared>> -> memref<40x128xf32, #tpu.memory_space<vmem_shared>>
      tpu.wait_dma2 semaphore(%run_scoped3A : memref<!tpu.dma_semaphore, #tpu.memory_space<semaphore_mem>>) src(%dma_wait3A_301 : memref<40x128xf32, #tpu.memory_space<vmem_shared>>) dst(%dma_wait3A_299 : memref<40x128xf32, #tpu.memory_space<vmem>>)
      tpu.yield
    }) : () -> ()
    "tpu.region"() ({
      %run_scoped3A = tpu.sem_alloc : memref<!tpu.dma_semaphore, #tpu.memory_space<semaphore_mem>>
      %dma_start3A_283 = arith.constant 0 : i32
      %dma_start3A_284 = arith.constant 0 : i32
      %dma_start3A_285 = tpu.memref_slice %arg9[%dma_start3A_283, %dma_start3A_284] : memref<50x128xf32, #tpu.memory_space<vmem>> -> memref<40x128xf32, #tpu.memory_space<vmem>>
      %dma_start3A_286 = arith.constant 0 : i32
      %dma_start3A_287 = tpu.memref_slice %arg6[%arg0, %add3A_238, %dma_start3A_286] : memref<2x10240x128xf32, #tpu.memory_space<hbm>> -> memref<1x40x128xf32, #tpu.memory_space<hbm>>
      %dma_start3A_288 = tpu.memref_squeeze %dma_start3A_287 : memref<1x40x128xf32, #tpu.memory_space<hbm>> -> memref<40x128xf32, #tpu.memory_space<hbm>>
      %dma_start3A_289 = arith.constant 0 : i32
      %dma_start3A_290 = tpu.memref_slice %arg6[%arg0, %add3A_238, %dma_start3A_289] : memref<2x10240x128xf32, #tpu.memory_space<hbm>> -> memref<1x40x128xf32, #tpu.memory_space<hbm>>
      %dma_start3A_291 = tpu.memref_squeeze %dma_start3A_290 : memref<1x40x128xf32, #tpu.memory_space<hbm>> -> memref<40x128xf32, #tpu.memory_space<hbm>>
      %dma_start3A_292 = arith.constant 0 : i32
      %dma_start3A_293 = arith.constant 0 : i32
      %dma_start3A_294 = tpu.memref_slice %arg9[%dma_start3A_292, %dma_start3A_293] : memref<50x128xf32, #tpu.memory_space<vmem>> -> memref<40x128xf32, #tpu.memory_space<vmem>>
      tpu.enqueue_dma source(%dma_start3A_294 : memref<40x128xf32, #tpu.memory_space<vmem>>) target(%dma_start3A_291 : memref<40x128xf32, #tpu.memory_space<hbm>>) target_semaphore(%run_scoped3A : memref<!tpu.dma_semaphore, #tpu.memory_space<semaphore_mem>>)
      %dma_wait3A = arith.constant 0 : i32
      %dma_wait3A_295 = arith.constant 0 : i32
      %dma_wait3A_296 = tpu.memref_slice %arg9[%dma_wait3A, %dma_wait3A_295] : memref<50x128xf32, #tpu.memory_space<vmem>> -> memref<40x128xf32, #tpu.memory_space<vmem>>
      %dma_wait3A_297 = arith.constant 0 : i32
      %dma_wait3A_298 = tpu.memref_slice %arg6[%arg0, %add3A_238, %dma_wait3A_297] : memref<2x10240x128xf32, #tpu.memory_space<hbm>> -> memref<1x40x128xf32, #tpu.memory_space<hbm>>
      %dma_wait3A_299 = tpu.memref_squeeze %dma_wait3A_298 : memref<1x40x128xf32, #tpu.memory_space<hbm>> -> memref<40x128xf32, #tpu.memory_space<hbm>>
      %dma_wait3A_300 = arith.constant 0 : i32
      %dma_wait3A_301 = tpu.memref_slice %arg6[%arg0, %add3A_238, %dma_wait3A_300] : memref<2x10240x128xf32, #tpu.memory_space<hbm>> -> memref<1x40x128xf32, #tpu.memory_space<hbm>>
      %dma_wait3A_302 = tpu.memref_squeeze %dma_wait3A_301 : memref<1x40x128xf32, #tpu.memory_space<hbm>> -> memref<40x128xf32, #tpu.memory_space<hbm>>
      %dma_wait3A_303 = arith.constant 0 : i32
      %dma_wait3A_304 = arith.constant 0 : i32
      %dma_wait3A_305 = tpu.memref_slice %arg9[%dma_wait3A_303, %dma_wait3A_304] : memref<50x128xf32, #tpu.memory_space<vmem>> -> memref<40x128xf32, #tpu.memory_space<vmem>>
      tpu.wait_dma2 semaphore(%run_scoped3A : memref<!tpu.dma_semaphore, #tpu.memory_space<semaphore_mem>>) src(%dma_wait3A_305 : memref<40x128xf32, #tpu.memory_space<vmem>>) dst(%dma_wait3A_302 : memref<40x128xf32, #tpu.memory_space<hbm>>)
      tpu.yield
    }) : () -> ()
    %mul3A_239 = arith.constant 640 : i32
    %mul3A_240 = arith.muli %arg1, %mul3A_239 : i32
    %add3A_241 = arith.constant 200 : i32
    %add3A_242 = arith.addi %mul3A_240, %add3A_241 : i32
    "tpu.region"() ({
      %run_scoped3A = tpu.sem_alloc : memref<!tpu.dma_semaphore, #tpu.memory_space<semaphore_mem>>
      %dma_start3A_283 = arith.constant 0 : i32
      %dma_start3A_284 = arith.constant 0 : i32
      %dma_start3A_285 = tpu.memref_slice %arg9[%dma_start3A_283, %dma_start3A_284] : memref<50x128xf32, #tpu.memory_space<vmem>> -> memref<40x128xf32, #tpu.memory_space<vmem>>
      %dma_start3A_286 = arith.constant 0 : i32
      %dma_start3A_287 = tpu.memref_slice %arg13[%add3A_242, %dma_start3A_286] : memref<10240x128xf32, #tpu.memory_space<vmem_shared>> -> memref<40x128xf32, #tpu.memory_space<vmem_shared>>
      %dma_start3A_288 = arith.constant 0 : i32
      %dma_start3A_289 = arith.constant 0 : i32
      %dma_start3A_290 = tpu.memref_slice %arg9[%dma_start3A_288, %dma_start3A_289] : memref<50x128xf32, #tpu.memory_space<vmem>> -> memref<40x128xf32, #tpu.memory_space<vmem>>
      %dma_start3A_291 = arith.constant 0 : i32
      %dma_start3A_292 = tpu.memref_slice %arg13[%add3A_242, %dma_start3A_291] : memref<10240x128xf32, #tpu.memory_space<vmem_shared>> -> memref<40x128xf32, #tpu.memory_space<vmem_shared>>
      tpu.enqueue_dma source(%dma_start3A_292 : memref<40x128xf32, #tpu.memory_space<vmem_shared>>) target(%dma_start3A_290 : memref<40x128xf32, #tpu.memory_space<vmem>>) target_semaphore(%run_scoped3A : memref<!tpu.dma_semaphore, #tpu.memory_space<semaphore_mem>>)
      %dma_wait3A = arith.constant 0 : i32
      %dma_wait3A_293 = arith.constant 0 : i32
      %dma_wait3A_294 = tpu.memref_slice %arg9[%dma_wait3A, %dma_wait3A_293] : memref<50x128xf32, #tpu.memory_space<vmem>> -> memref<40x128xf32, #tpu.memory_space<vmem>>
      %dma_wait3A_295 = arith.constant 0 : i32
      %dma_wait3A_296 = tpu.memref_slice %arg13[%add3A_242, %dma_wait3A_295] : memref<10240x128xf32, #tpu.memory_space<vmem_shared>> -> memref<40x128xf32, #tpu.memory_space<vmem_shared>>
      %dma_wait3A_297 = arith.constant 0 : i32
      %dma_wait3A_298 = arith.constant 0 : i32
      %dma_wait3A_299 = tpu.memref_slice %arg9[%dma_wait3A_297, %dma_wait3A_298] : memref<50x128xf32, #tpu.memory_space<vmem>> -> memref<40x128xf32, #tpu.memory_space<vmem>>
      %dma_wait3A_300 = arith.constant 0 : i32
      %dma_wait3A_301 = tpu.memref_slice %arg13[%add3A_242, %dma_wait3A_300] : memref<10240x128xf32, #tpu.memory_space<vmem_shared>> -> memref<40x128xf32, #tpu.memory_space<vmem_shared>>
      tpu.wait_dma2 semaphore(%run_scoped3A : memref<!tpu.dma_semaphore, #tpu.memory_space<semaphore_mem>>) src(%dma_wait3A_301 : memref<40x128xf32, #tpu.memory_space<vmem_shared>>) dst(%dma_wait3A_299 : memref<40x128xf32, #tpu.memory_space<vmem>>)
      tpu.yield
    }) : () -> ()
    "tpu.region"() ({
      %run_scoped3A = tpu.sem_alloc : memref<!tpu.dma_semaphore, #tpu.memory_space<semaphore_mem>>
      %dma_start3A_283 = arith.constant 0 : i32
      %dma_start3A_284 = arith.constant 0 : i32
      %dma_start3A_285 = tpu.memref_slice %arg9[%dma_start3A_283, %dma_start3A_284] : memref<50x128xf32, #tpu.memory_space<vmem>> -> memref<40x128xf32, #tpu.memory_space<vmem>>
      %dma_start3A_286 = arith.constant 0 : i32
      %dma_start3A_287 = tpu.memref_slice %arg6[%arg0, %add3A_242, %dma_start3A_286] : memref<2x10240x128xf32, #tpu.memory_space<hbm>> -> memref<1x40x128xf32, #tpu.memory_space<hbm>>
      %dma_start3A_288 = tpu.memref_squeeze %dma_start3A_287 : memref<1x40x128xf32, #tpu.memory_space<hbm>> -> memref<40x128xf32, #tpu.memory_space<hbm>>
      %dma_start3A_289 = arith.constant 0 : i32
      %dma_start3A_290 = tpu.memref_slice %arg6[%arg0, %add3A_242, %dma_start3A_289] : memref<2x10240x128xf32, #tpu.memory_space<hbm>> -> memref<1x40x128xf32, #tpu.memory_space<hbm>>
      %dma_start3A_291 = tpu.memref_squeeze %dma_start3A_290 : memref<1x40x128xf32, #tpu.memory_space<hbm>> -> memref<40x128xf32, #tpu.memory_space<hbm>>
      %dma_start3A_292 = arith.constant 0 : i32
      %dma_start3A_293 = arith.constant 0 : i32
      %dma_start3A_294 = tpu.memref_slice %arg9[%dma_start3A_292, %dma_start3A_293] : memref<50x128xf32, #tpu.memory_space<vmem>> -> memref<40x128xf32, #tpu.memory_space<vmem>>
      tpu.enqueue_dma source(%dma_start3A_294 : memref<40x128xf32, #tpu.memory_space<vmem>>) target(%dma_start3A_291 : memref<40x128xf32, #tpu.memory_space<hbm>>) target_semaphore(%run_scoped3A : memref<!tpu.dma_semaphore, #tpu.memory_space<semaphore_mem>>)
      %dma_wait3A = arith.constant 0 : i32
      %dma_wait3A_295 = arith.constant 0 : i32
      %dma_wait3A_296 = tpu.memref_slice %arg9[%dma_wait3A, %dma_wait3A_295] : memref<50x128xf32, #tpu.memory_space<vmem>> -> memref<40x128xf32, #tpu.memory_space<vmem>>
      %dma_wait3A_297 = arith.constant 0 : i32
      %dma_wait3A_298 = tpu.memref_slice %arg6[%arg0, %add3A_242, %dma_wait3A_297] : memref<2x10240x128xf32, #tpu.memory_space<hbm>> -> memref<1x40x128xf32, #tpu.memory_space<hbm>>
      %dma_wait3A_299 = tpu.memref_squeeze %dma_wait3A_298 : memref<1x40x128xf32, #tpu.memory_space<hbm>> -> memref<40x128xf32, #tpu.memory_space<hbm>>
      %dma_wait3A_300 = arith.constant 0 : i32
      %dma_wait3A_301 = tpu.memref_slice %arg6[%arg0, %add3A_242, %dma_wait3A_300] : memref<2x10240x128xf32, #tpu.memory_space<hbm>> -> memref<1x40x128xf32, #tpu.memory_space<hbm>>
      %dma_wait3A_302 = tpu.memref_squeeze %dma_wait3A_301 : memref<1x40x128xf32, #tpu.memory_space<hbm>> -> memref<40x128xf32, #tpu.memory_space<hbm>>
      %dma_wait3A_303 = arith.constant 0 : i32
      %dma_wait3A_304 = arith.constant 0 : i32
      %dma_wait3A_305 = tpu.memref_slice %arg9[%dma_wait3A_303, %dma_wait3A_304] : memref<50x128xf32, #tpu.memory_space<vmem>> -> memref<40x128xf32, #tpu.memory_space<vmem>>
      tpu.wait_dma2 semaphore(%run_scoped3A : memref<!tpu.dma_semaphore, #tpu.memory_space<semaphore_mem>>) src(%dma_wait3A_305 : memref<40x128xf32, #tpu.memory_space<vmem>>) dst(%dma_wait3A_302 : memref<40x128xf32, #tpu.memory_space<hbm>>)
      tpu.yield
    }) : () -> ()
    %mul3A_243 = arith.constant 640 : i32
    %mul3A_244 = arith.muli %arg1, %mul3A_243 : i32
    %add3A_245 = arith.constant 240 : i32
    %add3A_246 = arith.addi %mul3A_244, %add3A_245 : i32
    "tpu.region"() ({
      %run_scoped3A = tpu.sem_alloc : memref<!tpu.dma_semaphore, #tpu.memory_space<semaphore_mem>>
      %dma_start3A_283 = arith.constant 0 : i32
      %dma_start3A_284 = arith.constant 0 : i32
      %dma_start3A_285 = tpu.memref_slice %arg9[%dma_start3A_283, %dma_start3A_284] : memref<50x128xf32, #tpu.memory_space<vmem>> -> memref<40x128xf32, #tpu.memory_space<vmem>>
      %dma_start3A_286 = arith.constant 0 : i32
      %dma_start3A_287 = tpu.memref_slice %arg13[%add3A_246, %dma_start3A_286] : memref<10240x128xf32, #tpu.memory_space<vmem_shared>> -> memref<40x128xf32, #tpu.memory_space<vmem_shared>>
      %dma_start3A_288 = arith.constant 0 : i32
      %dma_start3A_289 = arith.constant 0 : i32
      %dma_start3A_290 = tpu.memref_slice %arg9[%dma_start3A_288, %dma_start3A_289] : memref<50x128xf32, #tpu.memory_space<vmem>> -> memref<40x128xf32, #tpu.memory_space<vmem>>
      %dma_start3A_291 = arith.constant 0 : i32
      %dma_start3A_292 = tpu.memref_slice %arg13[%add3A_246, %dma_start3A_291] : memref<10240x128xf32, #tpu.memory_space<vmem_shared>> -> memref<40x128xf32, #tpu.memory_space<vmem_shared>>
      tpu.enqueue_dma source(%dma_start3A_292 : memref<40x128xf32, #tpu.memory_space<vmem_shared>>) target(%dma_start3A_290 : memref<40x128xf32, #tpu.memory_space<vmem>>) target_semaphore(%run_scoped3A : memref<!tpu.dma_semaphore, #tpu.memory_space<semaphore_mem>>)
      %dma_wait3A = arith.constant 0 : i32
      %dma_wait3A_293 = arith.constant 0 : i32
      %dma_wait3A_294 = tpu.memref_slice %arg9[%dma_wait3A, %dma_wait3A_293] : memref<50x128xf32, #tpu.memory_space<vmem>> -> memref<40x128xf32, #tpu.memory_space<vmem>>
      %dma_wait3A_295 = arith.constant 0 : i32
      %dma_wait3A_296 = tpu.memref_slice %arg13[%add3A_246, %dma_wait3A_295] : memref<10240x128xf32, #tpu.memory_space<vmem_shared>> -> memref<40x128xf32, #tpu.memory_space<vmem_shared>>
      %dma_wait3A_297 = arith.constant 0 : i32
      %dma_wait3A_298 = arith.constant 0 : i32
      %dma_wait3A_299 = tpu.memref_slice %arg9[%dma_wait3A_297, %dma_wait3A_298] : memref<50x128xf32, #tpu.memory_space<vmem>> -> memref<40x128xf32, #tpu.memory_space<vmem>>
      %dma_wait3A_300 = arith.constant 0 : i32
      %dma_wait3A_301 = tpu.memref_slice %arg13[%add3A_246, %dma_wait3A_300] : memref<10240x128xf32, #tpu.memory_space<vmem_shared>> -> memref<40x128xf32, #tpu.memory_space<vmem_shared>>
      tpu.wait_dma2 semaphore(%run_scoped3A : memref<!tpu.dma_semaphore, #tpu.memory_space<semaphore_mem>>) src(%dma_wait3A_301 : memref<40x128xf32, #tpu.memory_space<vmem_shared>>) dst(%dma_wait3A_299 : memref<40x128xf32, #tpu.memory_space<vmem>>)
      tpu.yield
    }) : () -> ()
    "tpu.region"() ({
      %run_scoped3A = tpu.sem_alloc : memref<!tpu.dma_semaphore, #tpu.memory_space<semaphore_mem>>
      %dma_start3A_283 = arith.constant 0 : i32
      %dma_start3A_284 = arith.constant 0 : i32
      %dma_start3A_285 = tpu.memref_slice %arg9[%dma_start3A_283, %dma_start3A_284] : memref<50x128xf32, #tpu.memory_space<vmem>> -> memref<40x128xf32, #tpu.memory_space<vmem>>
      %dma_start3A_286 = arith.constant 0 : i32
      %dma_start3A_287 = tpu.memref_slice %arg6[%arg0, %add3A_246, %dma_start3A_286] : memref<2x10240x128xf32, #tpu.memory_space<hbm>> -> memref<1x40x128xf32, #tpu.memory_space<hbm>>
      %dma_start3A_288 = tpu.memref_squeeze %dma_start3A_287 : memref<1x40x128xf32, #tpu.memory_space<hbm>> -> memref<40x128xf32, #tpu.memory_space<hbm>>
      %dma_start3A_289 = arith.constant 0 : i32
      %dma_start3A_290 = tpu.memref_slice %arg6[%arg0, %add3A_246, %dma_start3A_289] : memref<2x10240x128xf32, #tpu.memory_space<hbm>> -> memref<1x40x128xf32, #tpu.memory_space<hbm>>
      %dma_start3A_291 = tpu.memref_squeeze %dma_start3A_290 : memref<1x40x128xf32, #tpu.memory_space<hbm>> -> memref<40x128xf32, #tpu.memory_space<hbm>>
      %dma_start3A_292 = arith.constant 0 : i32
      %dma_start3A_293 = arith.constant 0 : i32
      %dma_start3A_294 = tpu.memref_slice %arg9[%dma_start3A_292, %dma_start3A_293] : memref<50x128xf32, #tpu.memory_space<vmem>> -> memref<40x128xf32, #tpu.memory_space<vmem>>
      tpu.enqueue_dma source(%dma_start3A_294 : memref<40x128xf32, #tpu.memory_space<vmem>>) target(%dma_start3A_291 : memref<40x128xf32, #tpu.memory_space<hbm>>) target_semaphore(%run_scoped3A : memref<!tpu.dma_semaphore, #tpu.memory_space<semaphore_mem>>)
      %dma_wait3A = arith.constant 0 : i32
      %dma_wait3A_295 = arith.constant 0 : i32
      %dma_wait3A_296 = tpu.memref_slice %arg9[%dma_wait3A, %dma_wait3A_295] : memref<50x128xf32, #tpu.memory_space<vmem>> -> memref<40x128xf32, #tpu.memory_space<vmem>>
      %dma_wait3A_297 = arith.constant 0 : i32
      %dma_wait3A_298 = tpu.memref_slice %arg6[%arg0, %add3A_246, %dma_wait3A_297] : memref<2x10240x128xf32, #tpu.memory_space<hbm>> -> memref<1x40x128xf32, #tpu.memory_space<hbm>>
      %dma_wait3A_299 = tpu.memref_squeeze %dma_wait3A_298 : memref<1x40x128xf32, #tpu.memory_space<hbm>> -> memref<40x128xf32, #tpu.memory_space<hbm>>
      %dma_wait3A_300 = arith.constant 0 : i32
      %dma_wait3A_301 = tpu.memref_slice %arg6[%arg0, %add3A_246, %dma_wait3A_300] : memref<2x10240x128xf32, #tpu.memory_space<hbm>> -> memref<1x40x128xf32, #tpu.memory_space<hbm>>
      %dma_wait3A_302 = tpu.memref_squeeze %dma_wait3A_301 : memref<1x40x128xf32, #tpu.memory_space<hbm>> -> memref<40x128xf32, #tpu.memory_space<hbm>>
      %dma_wait3A_303 = arith.constant 0 : i32
      %dma_wait3A_304 = arith.constant 0 : i32
      %dma_wait3A_305 = tpu.memref_slice %arg9[%dma_wait3A_303, %dma_wait3A_304] : memref<50x128xf32, #tpu.memory_space<vmem>> -> memref<40x128xf32, #tpu.memory_space<vmem>>
      tpu.wait_dma2 semaphore(%run_scoped3A : memref<!tpu.dma_semaphore, #tpu.memory_space<semaphore_mem>>) src(%dma_wait3A_305 : memref<40x128xf32, #tpu.memory_space<vmem>>) dst(%dma_wait3A_302 : memref<40x128xf32, #tpu.memory_space<hbm>>)
      tpu.yield
    }) : () -> ()
    %mul3A_247 = arith.constant 640 : i32
    %mul3A_248 = arith.muli %arg1, %mul3A_247 : i32
    %add3A_249 = arith.constant 280 : i32
    %add3A_250 = arith.addi %mul3A_248, %add3A_249 : i32
    "tpu.region"() ({
      %run_scoped3A = tpu.sem_alloc : memref<!tpu.dma_semaphore, #tpu.memory_space<semaphore_mem>>
      %dma_start3A_283 = arith.constant 0 : i32
      %dma_start3A_284 = arith.constant 0 : i32
      %dma_start3A_285 = tpu.memref_slice %arg9[%dma_start3A_283, %dma_start3A_284] : memref<50x128xf32, #tpu.memory_space<vmem>> -> memref<40x128xf32, #tpu.memory_space<vmem>>
      %dma_start3A_286 = arith.constant 0 : i32
      %dma_start3A_287 = tpu.memref_slice %arg13[%add3A_250, %dma_start3A_286] : memref<10240x128xf32, #tpu.memory_space<vmem_shared>> -> memref<40x128xf32, #tpu.memory_space<vmem_shared>>
      %dma_start3A_288 = arith.constant 0 : i32
      %dma_start3A_289 = arith.constant 0 : i32
      %dma_start3A_290 = tpu.memref_slice %arg9[%dma_start3A_288, %dma_start3A_289] : memref<50x128xf32, #tpu.memory_space<vmem>> -> memref<40x128xf32, #tpu.memory_space<vmem>>
      %dma_start3A_291 = arith.constant 0 : i32
      %dma_start3A_292 = tpu.memref_slice %arg13[%add3A_250, %dma_start3A_291] : memref<10240x128xf32, #tpu.memory_space<vmem_shared>> -> memref<40x128xf32, #tpu.memory_space<vmem_shared>>
      tpu.enqueue_dma source(%dma_start3A_292 : memref<40x128xf32, #tpu.memory_space<vmem_shared>>) target(%dma_start3A_290 : memref<40x128xf32, #tpu.memory_space<vmem>>) target_semaphore(%run_scoped3A : memref<!tpu.dma_semaphore, #tpu.memory_space<semaphore_mem>>)
      %dma_wait3A = arith.constant 0 : i32
      %dma_wait3A_293 = arith.constant 0 : i32
      %dma_wait3A_294 = tpu.memref_slice %arg9[%dma_wait3A, %dma_wait3A_293] : memref<50x128xf32, #tpu.memory_space<vmem>> -> memref<40x128xf32, #tpu.memory_space<vmem>>
      %dma_wait3A_295 = arith.constant 0 : i32
      %dma_wait3A_296 = tpu.memref_slice %arg13[%add3A_250, %dma_wait3A_295] : memref<10240x128xf32, #tpu.memory_space<vmem_shared>> -> memref<40x128xf32, #tpu.memory_space<vmem_shared>>
      %dma_wait3A_297 = arith.constant 0 : i32
      %dma_wait3A_298 = arith.constant 0 : i32
      %dma_wait3A_299 = tpu.memref_slice %arg9[%dma_wait3A_297, %dma_wait3A_298] : memref<50x128xf32, #tpu.memory_space<vmem>> -> memref<40x128xf32, #tpu.memory_space<vmem>>
      %dma_wait3A_300 = arith.constant 0 : i32
      %dma_wait3A_301 = tpu.memref_slice %arg13[%add3A_250, %dma_wait3A_300] : memref<10240x128xf32, #tpu.memory_space<vmem_shared>> -> memref<40x128xf32, #tpu.memory_space<vmem_shared>>
      tpu.wait_dma2 semaphore(%run_scoped3A : memref<!tpu.dma_semaphore, #tpu.memory_space<semaphore_mem>>) src(%dma_wait3A_301 : memref<40x128xf32, #tpu.memory_space<vmem_shared>>) dst(%dma_wait3A_299 : memref<40x128xf32, #tpu.memory_space<vmem>>)
      tpu.yield
    }) : () -> ()
    "tpu.region"() ({
      %run_scoped3A = tpu.sem_alloc : memref<!tpu.dma_semaphore, #tpu.memory_space<semaphore_mem>>
      %dma_start3A_283 = arith.constant 0 : i32
      %dma_start3A_284 = arith.constant 0 : i32
      %dma_start3A_285 = tpu.memref_slice %arg9[%dma_start3A_283, %dma_start3A_284] : memref<50x128xf32, #tpu.memory_space<vmem>> -> memref<40x128xf32, #tpu.memory_space<vmem>>
      %dma_start3A_286 = arith.constant 0 : i32
      %dma_start3A_287 = tpu.memref_slice %arg6[%arg0, %add3A_250, %dma_start3A_286] : memref<2x10240x128xf32, #tpu.memory_space<hbm>> -> memref<1x40x128xf32, #tpu.memory_space<hbm>>
      %dma_start3A_288 = tpu.memref_squeeze %dma_start3A_287 : memref<1x40x128xf32, #tpu.memory_space<hbm>> -> memref<40x128xf32, #tpu.memory_space<hbm>>
      %dma_start3A_289 = arith.constant 0 : i32
      %dma_start3A_290 = tpu.memref_slice %arg6[%arg0, %add3A_250, %dma_start3A_289] : memref<2x10240x128xf32, #tpu.memory_space<hbm>> -> memref<1x40x128xf32, #tpu.memory_space<hbm>>
      %dma_start3A_291 = tpu.memref_squeeze %dma_start3A_290 : memref<1x40x128xf32, #tpu.memory_space<hbm>> -> memref<40x128xf32, #tpu.memory_space<hbm>>
      %dma_start3A_292 = arith.constant 0 : i32
      %dma_start3A_293 = arith.constant 0 : i32
      %dma_start3A_294 = tpu.memref_slice %arg9[%dma_start3A_292, %dma_start3A_293] : memref<50x128xf32, #tpu.memory_space<vmem>> -> memref<40x128xf32, #tpu.memory_space<vmem>>
      tpu.enqueue_dma source(%dma_start3A_294 : memref<40x128xf32, #tpu.memory_space<vmem>>) target(%dma_start3A_291 : memref<40x128xf32, #tpu.memory_space<hbm>>) target_semaphore(%run_scoped3A : memref<!tpu.dma_semaphore, #tpu.memory_space<semaphore_mem>>)
      %dma_wait3A = arith.constant 0 : i32
      %dma_wait3A_295 = arith.constant 0 : i32
      %dma_wait3A_296 = tpu.memref_slice %arg9[%dma_wait3A, %dma_wait3A_295] : memref<50x128xf32, #tpu.memory_space<vmem>> -> memref<40x128xf32, #tpu.memory_space<vmem>>
      %dma_wait3A_297 = arith.constant 0 : i32
      %dma_wait3A_298 = tpu.memref_slice %arg6[%arg0, %add3A_250, %dma_wait3A_297] : memref<2x10240x128xf32, #tpu.memory_space<hbm>> -> memref<1x40x128xf32, #tpu.memory_space<hbm>>
      %dma_wait3A_299 = tpu.memref_squeeze %dma_wait3A_298 : memref<1x40x128xf32, #tpu.memory_space<hbm>> -> memref<40x128xf32, #tpu.memory_space<hbm>>
      %dma_wait3A_300 = arith.constant 0 : i32
      %dma_wait3A_301 = tpu.memref_slice %arg6[%arg0, %add3A_250, %dma_wait3A_300] : memref<2x10240x128xf32, #tpu.memory_space<hbm>> -> memref<1x40x128xf32, #tpu.memory_space<hbm>>
      %dma_wait3A_302 = tpu.memref_squeeze %dma_wait3A_301 : memref<1x40x128xf32, #tpu.memory_space<hbm>> -> memref<40x128xf32, #tpu.memory_space<hbm>>
      %dma_wait3A_303 = arith.constant 0 : i32
      %dma_wait3A_304 = arith.constant 0 : i32
      %dma_wait3A_305 = tpu.memref_slice %arg9[%dma_wait3A_303, %dma_wait3A_304] : memref<50x128xf32, #tpu.memory_space<vmem>> -> memref<40x128xf32, #tpu.memory_space<vmem>>
      tpu.wait_dma2 semaphore(%run_scoped3A : memref<!tpu.dma_semaphore, #tpu.memory_space<semaphore_mem>>) src(%dma_wait3A_305 : memref<40x128xf32, #tpu.memory_space<vmem>>) dst(%dma_wait3A_302 : memref<40x128xf32, #tpu.memory_space<hbm>>)
      tpu.yield
    }) : () -> ()
    %mul3A_251 = arith.constant 640 : i32
    %mul3A_252 = arith.muli %arg1, %mul3A_251 : i32
    %add3A_253 = arith.constant 320 : i32
    %add3A_254 = arith.addi %mul3A_252, %add3A_253 : i32
    "tpu.region"() ({
      %run_scoped3A = tpu.sem_alloc : memref<!tpu.dma_semaphore, #tpu.memory_space<semaphore_mem>>
      %dma_start3A_283 = arith.constant 0 : i32
      %dma_start3A_284 = arith.constant 0 : i32
      %dma_start3A_285 = tpu.memref_slice %arg9[%dma_start3A_283, %dma_start3A_284] : memref<50x128xf32, #tpu.memory_space<vmem>> -> memref<40x128xf32, #tpu.memory_space<vmem>>
      %dma_start3A_286 = arith.constant 0 : i32
      %dma_start3A_287 = tpu.memref_slice %arg13[%add3A_254, %dma_start3A_286] : memref<10240x128xf32, #tpu.memory_space<vmem_shared>> -> memref<40x128xf32, #tpu.memory_space<vmem_shared>>
      %dma_start3A_288 = arith.constant 0 : i32
      %dma_start3A_289 = arith.constant 0 : i32
      %dma_start3A_290 = tpu.memref_slice %arg9[%dma_start3A_288, %dma_start3A_289] : memref<50x128xf32, #tpu.memory_space<vmem>> -> memref<40x128xf32, #tpu.memory_space<vmem>>
      %dma_start3A_291 = arith.constant 0 : i32
      %dma_start3A_292 = tpu.memref_slice %arg13[%add3A_254, %dma_start3A_291] : memref<10240x128xf32, #tpu.memory_space<vmem_shared>> -> memref<40x128xf32, #tpu.memory_space<vmem_shared>>
      tpu.enqueue_dma source(%dma_start3A_292 : memref<40x128xf32, #tpu.memory_space<vmem_shared>>) target(%dma_start3A_290 : memref<40x128xf32, #tpu.memory_space<vmem>>) target_semaphore(%run_scoped3A : memref<!tpu.dma_semaphore, #tpu.memory_space<semaphore_mem>>)
      %dma_wait3A = arith.constant 0 : i32
      %dma_wait3A_293 = arith.constant 0 : i32
      %dma_wait3A_294 = tpu.memref_slice %arg9[%dma_wait3A, %dma_wait3A_293] : memref<50x128xf32, #tpu.memory_space<vmem>> -> memref<40x128xf32, #tpu.memory_space<vmem>>
      %dma_wait3A_295 = arith.constant 0 : i32
      %dma_wait3A_296 = tpu.memref_slice %arg13[%add3A_254, %dma_wait3A_295] : memref<10240x128xf32, #tpu.memory_space<vmem_shared>> -> memref<40x128xf32, #tpu.memory_space<vmem_shared>>
      %dma_wait3A_297 = arith.constant 0 : i32
      %dma_wait3A_298 = arith.constant 0 : i32
      %dma_wait3A_299 = tpu.memref_slice %arg9[%dma_wait3A_297, %dma_wait3A_298] : memref<50x128xf32, #tpu.memory_space<vmem>> -> memref<40x128xf32, #tpu.memory_space<vmem>>
      %dma_wait3A_300 = arith.constant 0 : i32
      %dma_wait3A_301 = tpu.memref_slice %arg13[%add3A_254, %dma_wait3A_300] : memref<10240x128xf32, #tpu.memory_space<vmem_shared>> -> memref<40x128xf32, #tpu.memory_space<vmem_shared>>
      tpu.wait_dma2 semaphore(%run_scoped3A : memref<!tpu.dma_semaphore, #tpu.memory_space<semaphore_mem>>) src(%dma_wait3A_301 : memref<40x128xf32, #tpu.memory_space<vmem_shared>>) dst(%dma_wait3A_299 : memref<40x128xf32, #tpu.memory_space<vmem>>)
      tpu.yield
    }) : () -> ()
    "tpu.region"() ({
      %run_scoped3A = tpu.sem_alloc : memref<!tpu.dma_semaphore, #tpu.memory_space<semaphore_mem>>
      %dma_start3A_283 = arith.constant 0 : i32
      %dma_start3A_284 = arith.constant 0 : i32
      %dma_start3A_285 = tpu.memref_slice %arg9[%dma_start3A_283, %dma_start3A_284] : memref<50x128xf32, #tpu.memory_space<vmem>> -> memref<40x128xf32, #tpu.memory_space<vmem>>
      %dma_start3A_286 = arith.constant 0 : i32
      %dma_start3A_287 = tpu.memref_slice %arg6[%arg0, %add3A_254, %dma_start3A_286] : memref<2x10240x128xf32, #tpu.memory_space<hbm>> -> memref<1x40x128xf32, #tpu.memory_space<hbm>>
      %dma_start3A_288 = tpu.memref_squeeze %dma_start3A_287 : memref<1x40x128xf32, #tpu.memory_space<hbm>> -> memref<40x128xf32, #tpu.memory_space<hbm>>
      %dma_start3A_289 = arith.constant 0 : i32
      %dma_start3A_290 = tpu.memref_slice %arg6[%arg0, %add3A_254, %dma_start3A_289] : memref<2x10240x128xf32, #tpu.memory_space<hbm>> -> memref<1x40x128xf32, #tpu.memory_space<hbm>>
      %dma_start3A_291 = tpu.memref_squeeze %dma_start3A_290 : memref<1x40x128xf32, #tpu.memory_space<hbm>> -> memref<40x128xf32, #tpu.memory_space<hbm>>
      %dma_start3A_292 = arith.constant 0 : i32
      %dma_start3A_293 = arith.constant 0 : i32
      %dma_start3A_294 = tpu.memref_slice %arg9[%dma_start3A_292, %dma_start3A_293] : memref<50x128xf32, #tpu.memory_space<vmem>> -> memref<40x128xf32, #tpu.memory_space<vmem>>
      tpu.enqueue_dma source(%dma_start3A_294 : memref<40x128xf32, #tpu.memory_space<vmem>>) target(%dma_start3A_291 : memref<40x128xf32, #tpu.memory_space<hbm>>) target_semaphore(%run_scoped3A : memref<!tpu.dma_semaphore, #tpu.memory_space<semaphore_mem>>)
      %dma_wait3A = arith.constant 0 : i32
      %dma_wait3A_295 = arith.constant 0 : i32
      %dma_wait3A_296 = tpu.memref_slice %arg9[%dma_wait3A, %dma_wait3A_295] : memref<50x128xf32, #tpu.memory_space<vmem>> -> memref<40x128xf32, #tpu.memory_space<vmem>>
      %dma_wait3A_297 = arith.constant 0 : i32
      %dma_wait3A_298 = tpu.memref_slice %arg6[%arg0, %add3A_254, %dma_wait3A_297] : memref<2x10240x128xf32, #tpu.memory_space<hbm>> -> memref<1x40x128xf32, #tpu.memory_space<hbm>>
      %dma_wait3A_299 = tpu.memref_squeeze %dma_wait3A_298 : memref<1x40x128xf32, #tpu.memory_space<hbm>> -> memref<40x128xf32, #tpu.memory_space<hbm>>
      %dma_wait3A_300 = arith.constant 0 : i32
      %dma_wait3A_301 = tpu.memref_slice %arg6[%arg0, %add3A_254, %dma_wait3A_300] : memref<2x10240x128xf32, #tpu.memory_space<hbm>> -> memref<1x40x128xf32, #tpu.memory_space<hbm>>
      %dma_wait3A_302 = tpu.memref_squeeze %dma_wait3A_301 : memref<1x40x128xf32, #tpu.memory_space<hbm>> -> memref<40x128xf32, #tpu.memory_space<hbm>>
      %dma_wait3A_303 = arith.constant 0 : i32
      %dma_wait3A_304 = arith.constant 0 : i32
      %dma_wait3A_305 = tpu.memref_slice %arg9[%dma_wait3A_303, %dma_wait3A_304] : memref<50x128xf32, #tpu.memory_space<vmem>> -> memref<40x128xf32, #tpu.memory_space<vmem>>
      tpu.wait_dma2 semaphore(%run_scoped3A : memref<!tpu.dma_semaphore, #tpu.memory_space<semaphore_mem>>) src(%dma_wait3A_305 : memref<40x128xf32, #tpu.memory_space<vmem>>) dst(%dma_wait3A_302 : memref<40x128xf32, #tpu.memory_space<hbm>>)
      tpu.yield
    }) : () -> ()
    %mul3A_255 = arith.constant 640 : i32
    %mul3A_256 = arith.muli %arg1, %mul3A_255 : i32
    %add3A_257 = arith.constant 360 : i32
    %add3A_258 = arith.addi %mul3A_256, %add3A_257 : i32
    "tpu.region"() ({
      %run_scoped3A = tpu.sem_alloc : memref<!tpu.dma_semaphore, #tpu.memory_space<semaphore_mem>>
      %dma_start3A_283 = arith.constant 0 : i32
      %dma_start3A_284 = arith.constant 0 : i32
      %dma_start3A_285 = tpu.memref_slice %arg9[%dma_start3A_283, %dma_start3A_284] : memref<50x128xf32, #tpu.memory_space<vmem>> -> memref<40x128xf32, #tpu.memory_space<vmem>>
      %dma_start3A_286 = arith.constant 0 : i32
      %dma_start3A_287 = tpu.memref_slice %arg13[%add3A_258, %dma_start3A_286] : memref<10240x128xf32, #tpu.memory_space<vmem_shared>> -> memref<40x128xf32, #tpu.memory_space<vmem_shared>>
      %dma_start3A_288 = arith.constant 0 : i32
      %dma_start3A_289 = arith.constant 0 : i32
      %dma_start3A_290 = tpu.memref_slice %arg9[%dma_start3A_288, %dma_start3A_289] : memref<50x128xf32, #tpu.memory_space<vmem>> -> memref<40x128xf32, #tpu.memory_space<vmem>>
      %dma_start3A_291 = arith.constant 0 : i32
      %dma_start3A_292 = tpu.memref_slice %arg13[%add3A_258, %dma_start3A_291] : memref<10240x128xf32, #tpu.memory_space<vmem_shared>> -> memref<40x128xf32, #tpu.memory_space<vmem_shared>>
      tpu.enqueue_dma source(%dma_start3A_292 : memref<40x128xf32, #tpu.memory_space<vmem_shared>>) target(%dma_start3A_290 : memref<40x128xf32, #tpu.memory_space<vmem>>) target_semaphore(%run_scoped3A : memref<!tpu.dma_semaphore, #tpu.memory_space<semaphore_mem>>)
      %dma_wait3A = arith.constant 0 : i32
      %dma_wait3A_293 = arith.constant 0 : i32
      %dma_wait3A_294 = tpu.memref_slice %arg9[%dma_wait3A, %dma_wait3A_293] : memref<50x128xf32, #tpu.memory_space<vmem>> -> memref<40x128xf32, #tpu.memory_space<vmem>>
      %dma_wait3A_295 = arith.constant 0 : i32
      %dma_wait3A_296 = tpu.memref_slice %arg13[%add3A_258, %dma_wait3A_295] : memref<10240x128xf32, #tpu.memory_space<vmem_shared>> -> memref<40x128xf32, #tpu.memory_space<vmem_shared>>
      %dma_wait3A_297 = arith.constant 0 : i32
      %dma_wait3A_298 = arith.constant 0 : i32
      %dma_wait3A_299 = tpu.memref_slice %arg9[%dma_wait3A_297, %dma_wait3A_298] : memref<50x128xf32, #tpu.memory_space<vmem>> -> memref<40x128xf32, #tpu.memory_space<vmem>>
      %dma_wait3A_300 = arith.constant 0 : i32
      %dma_wait3A_301 = tpu.memref_slice %arg13[%add3A_258, %dma_wait3A_300] : memref<10240x128xf32, #tpu.memory_space<vmem_shared>> -> memref<40x128xf32, #tpu.memory_space<vmem_shared>>
      tpu.wait_dma2 semaphore(%run_scoped3A : memref<!tpu.dma_semaphore, #tpu.memory_space<semaphore_mem>>) src(%dma_wait3A_301 : memref<40x128xf32, #tpu.memory_space<vmem_shared>>) dst(%dma_wait3A_299 : memref<40x128xf32, #tpu.memory_space<vmem>>)
      tpu.yield
    }) : () -> ()
    "tpu.region"() ({
      %run_scoped3A = tpu.sem_alloc : memref<!tpu.dma_semaphore, #tpu.memory_space<semaphore_mem>>
      %dma_start3A_283 = arith.constant 0 : i32
      %dma_start3A_284 = arith.constant 0 : i32
      %dma_start3A_285 = tpu.memref_slice %arg9[%dma_start3A_283, %dma_start3A_284] : memref<50x128xf32, #tpu.memory_space<vmem>> -> memref<40x128xf32, #tpu.memory_space<vmem>>
      %dma_start3A_286 = arith.constant 0 : i32
      %dma_start3A_287 = tpu.memref_slice %arg6[%arg0, %add3A_258, %dma_start3A_286] : memref<2x10240x128xf32, #tpu.memory_space<hbm>> -> memref<1x40x128xf32, #tpu.memory_space<hbm>>
      %dma_start3A_288 = tpu.memref_squeeze %dma_start3A_287 : memref<1x40x128xf32, #tpu.memory_space<hbm>> -> memref<40x128xf32, #tpu.memory_space<hbm>>
      %dma_start3A_289 = arith.constant 0 : i32
      %dma_start3A_290 = tpu.memref_slice %arg6[%arg0, %add3A_258, %dma_start3A_289] : memref<2x10240x128xf32, #tpu.memory_space<hbm>> -> memref<1x40x128xf32, #tpu.memory_space<hbm>>
      %dma_start3A_291 = tpu.memref_squeeze %dma_start3A_290 : memref<1x40x128xf32, #tpu.memory_space<hbm>> -> memref<40x128xf32, #tpu.memory_space<hbm>>
      %dma_start3A_292 = arith.constant 0 : i32
      %dma_start3A_293 = arith.constant 0 : i32
      %dma_start3A_294 = tpu.memref_slice %arg9[%dma_start3A_292, %dma_start3A_293] : memref<50x128xf32, #tpu.memory_space<vmem>> -> memref<40x128xf32, #tpu.memory_space<vmem>>
      tpu.enqueue_dma source(%dma_start3A_294 : memref<40x128xf32, #tpu.memory_space<vmem>>) target(%dma_start3A_291 : memref<40x128xf32, #tpu.memory_space<hbm>>) target_semaphore(%run_scoped3A : memref<!tpu.dma_semaphore, #tpu.memory_space<semaphore_mem>>)
      %dma_wait3A = arith.constant 0 : i32
      %dma_wait3A_295 = arith.constant 0 : i32
      %dma_wait3A_296 = tpu.memref_slice %arg9[%dma_wait3A, %dma_wait3A_295] : memref<50x128xf32, #tpu.memory_space<vmem>> -> memref<40x128xf32, #tpu.memory_space<vmem>>
      %dma_wait3A_297 = arith.constant 0 : i32
      %dma_wait3A_298 = tpu.memref_slice %arg6[%arg0, %add3A_258, %dma_wait3A_297] : memref<2x10240x128xf32, #tpu.memory_space<hbm>> -> memref<1x40x128xf32, #tpu.memory_space<hbm>>
      %dma_wait3A_299 = tpu.memref_squeeze %dma_wait3A_298 : memref<1x40x128xf32, #tpu.memory_space<hbm>> -> memref<40x128xf32, #tpu.memory_space<hbm>>
      %dma_wait3A_300 = arith.constant 0 : i32
      %dma_wait3A_301 = tpu.memref_slice %arg6[%arg0, %add3A_258, %dma_wait3A_300] : memref<2x10240x128xf32, #tpu.memory_space<hbm>> -> memref<1x40x128xf32, #tpu.memory_space<hbm>>
      %dma_wait3A_302 = tpu.memref_squeeze %dma_wait3A_301 : memref<1x40x128xf32, #tpu.memory_space<hbm>> -> memref<40x128xf32, #tpu.memory_space<hbm>>
      %dma_wait3A_303 = arith.constant 0 : i32
      %dma_wait3A_304 = arith.constant 0 : i32
      %dma_wait3A_305 = tpu.memref_slice %arg9[%dma_wait3A_303, %dma_wait3A_304] : memref<50x128xf32, #tpu.memory_space<vmem>> -> memref<40x128xf32, #tpu.memory_space<vmem>>
      tpu.wait_dma2 semaphore(%run_scoped3A : memref<!tpu.dma_semaphore, #tpu.memory_space<semaphore_mem>>) src(%dma_wait3A_305 : memref<40x128xf32, #tpu.memory_space<vmem>>) dst(%dma_wait3A_302 : memref<40x128xf32, #tpu.memory_space<hbm>>)
      tpu.yield
    }) : () -> ()
    %mul3A_259 = arith.constant 640 : i32
    %mul3A_260 = arith.muli %arg1, %mul3A_259 : i32
    %add3A_261 = arith.constant 400 : i32
    %add3A_262 = arith.addi %mul3A_260, %add3A_261 : i32
    "tpu.region"() ({
      %run_scoped3A = tpu.sem_alloc : memref<!tpu.dma_semaphore, #tpu.memory_space<semaphore_mem>>
      %dma_start3A_283 = arith.constant 0 : i32
      %dma_start3A_284 = arith.constant 0 : i32
      %dma_start3A_285 = tpu.memref_slice %arg9[%dma_start3A_283, %dma_start3A_284] : memref<50x128xf32, #tpu.memory_space<vmem>> -> memref<40x128xf32, #tpu.memory_space<vmem>>
      %dma_start3A_286 = arith.constant 0 : i32
      %dma_start3A_287 = tpu.memref_slice %arg13[%add3A_262, %dma_start3A_286] : memref<10240x128xf32, #tpu.memory_space<vmem_shared>> -> memref<40x128xf32, #tpu.memory_space<vmem_shared>>
      %dma_start3A_288 = arith.constant 0 : i32
      %dma_start3A_289 = arith.constant 0 : i32
      %dma_start3A_290 = tpu.memref_slice %arg9[%dma_start3A_288, %dma_start3A_289] : memref<50x128xf32, #tpu.memory_space<vmem>> -> memref<40x128xf32, #tpu.memory_space<vmem>>
      %dma_start3A_291 = arith.constant 0 : i32
      %dma_start3A_292 = tpu.memref_slice %arg13[%add3A_262, %dma_start3A_291] : memref<10240x128xf32, #tpu.memory_space<vmem_shared>> -> memref<40x128xf32, #tpu.memory_space<vmem_shared>>
      tpu.enqueue_dma source(%dma_start3A_292 : memref<40x128xf32, #tpu.memory_space<vmem_shared>>) target(%dma_start3A_290 : memref<40x128xf32, #tpu.memory_space<vmem>>) target_semaphore(%run_scoped3A : memref<!tpu.dma_semaphore, #tpu.memory_space<semaphore_mem>>)
      %dma_wait3A = arith.constant 0 : i32
      %dma_wait3A_293 = arith.constant 0 : i32
      %dma_wait3A_294 = tpu.memref_slice %arg9[%dma_wait3A, %dma_wait3A_293] : memref<50x128xf32, #tpu.memory_space<vmem>> -> memref<40x128xf32, #tpu.memory_space<vmem>>
      %dma_wait3A_295 = arith.constant 0 : i32
      %dma_wait3A_296 = tpu.memref_slice %arg13[%add3A_262, %dma_wait3A_295] : memref<10240x128xf32, #tpu.memory_space<vmem_shared>> -> memref<40x128xf32, #tpu.memory_space<vmem_shared>>
      %dma_wait3A_297 = arith.constant 0 : i32
      %dma_wait3A_298 = arith.constant 0 : i32
      %dma_wait3A_299 = tpu.memref_slice %arg9[%dma_wait3A_297, %dma_wait3A_298] : memref<50x128xf32, #tpu.memory_space<vmem>> -> memref<40x128xf32, #tpu.memory_space<vmem>>
      %dma_wait3A_300 = arith.constant 0 : i32
      %dma_wait3A_301 = tpu.memref_slice %arg13[%add3A_262, %dma_wait3A_300] : memref<10240x128xf32, #tpu.memory_space<vmem_shared>> -> memref<40x128xf32, #tpu.memory_space<vmem_shared>>
      tpu.wait_dma2 semaphore(%run_scoped3A : memref<!tpu.dma_semaphore, #tpu.memory_space<semaphore_mem>>) src(%dma_wait3A_301 : memref<40x128xf32, #tpu.memory_space<vmem_shared>>) dst(%dma_wait3A_299 : memref<40x128xf32, #tpu.memory_space<vmem>>)
      tpu.yield
    }) : () -> ()
    "tpu.region"() ({
      %run_scoped3A = tpu.sem_alloc : memref<!tpu.dma_semaphore, #tpu.memory_space<semaphore_mem>>
      %dma_start3A_283 = arith.constant 0 : i32
      %dma_start3A_284 = arith.constant 0 : i32
      %dma_start3A_285 = tpu.memref_slice %arg9[%dma_start3A_283, %dma_start3A_284] : memref<50x128xf32, #tpu.memory_space<vmem>> -> memref<40x128xf32, #tpu.memory_space<vmem>>
      %dma_start3A_286 = arith.constant 0 : i32
      %dma_start3A_287 = tpu.memref_slice %arg6[%arg0, %add3A_262, %dma_start3A_286] : memref<2x10240x128xf32, #tpu.memory_space<hbm>> -> memref<1x40x128xf32, #tpu.memory_space<hbm>>
      %dma_start3A_288 = tpu.memref_squeeze %dma_start3A_287 : memref<1x40x128xf32, #tpu.memory_space<hbm>> -> memref<40x128xf32, #tpu.memory_space<hbm>>
      %dma_start3A_289 = arith.constant 0 : i32
      %dma_start3A_290 = tpu.memref_slice %arg6[%arg0, %add3A_262, %dma_start3A_289] : memref<2x10240x128xf32, #tpu.memory_space<hbm>> -> memref<1x40x128xf32, #tpu.memory_space<hbm>>
      %dma_start3A_291 = tpu.memref_squeeze %dma_start3A_290 : memref<1x40x128xf32, #tpu.memory_space<hbm>> -> memref<40x128xf32, #tpu.memory_space<hbm>>
      %dma_start3A_292 = arith.constant 0 : i32
      %dma_start3A_293 = arith.constant 0 : i32
      %dma_start3A_294 = tpu.memref_slice %arg9[%dma_start3A_292, %dma_start3A_293] : memref<50x128xf32, #tpu.memory_space<vmem>> -> memref<40x128xf32, #tpu.memory_space<vmem>>
      tpu.enqueue_dma source(%dma_start3A_294 : memref<40x128xf32, #tpu.memory_space<vmem>>) target(%dma_start3A_291 : memref<40x128xf32, #tpu.memory_space<hbm>>) target_semaphore(%run_scoped3A : memref<!tpu.dma_semaphore, #tpu.memory_space<semaphore_mem>>)
      %dma_wait3A = arith.constant 0 : i32
      %dma_wait3A_295 = arith.constant 0 : i32
      %dma_wait3A_296 = tpu.memref_slice %arg9[%dma_wait3A, %dma_wait3A_295] : memref<50x128xf32, #tpu.memory_space<vmem>> -> memref<40x128xf32, #tpu.memory_space<vmem>>
      %dma_wait3A_297 = arith.constant 0 : i32
      %dma_wait3A_298 = tpu.memref_slice %arg6[%arg0, %add3A_262, %dma_wait3A_297] : memref<2x10240x128xf32, #tpu.memory_space<hbm>> -> memref<1x40x128xf32, #tpu.memory_space<hbm>>
      %dma_wait3A_299 = tpu.memref_squeeze %dma_wait3A_298 : memref<1x40x128xf32, #tpu.memory_space<hbm>> -> memref<40x128xf32, #tpu.memory_space<hbm>>
      %dma_wait3A_300 = arith.constant 0 : i32
      %dma_wait3A_301 = tpu.memref_slice %arg6[%arg0, %add3A_262, %dma_wait3A_300] : memref<2x10240x128xf32, #tpu.memory_space<hbm>> -> memref<1x40x128xf32, #tpu.memory_space<hbm>>
      %dma_wait3A_302 = tpu.memref_squeeze %dma_wait3A_301 : memref<1x40x128xf32, #tpu.memory_space<hbm>> -> memref<40x128xf32, #tpu.memory_space<hbm>>
      %dma_wait3A_303 = arith.constant 0 : i32
      %dma_wait3A_304 = arith.constant 0 : i32
      %dma_wait3A_305 = tpu.memref_slice %arg9[%dma_wait3A_303, %dma_wait3A_304] : memref<50x128xf32, #tpu.memory_space<vmem>> -> memref<40x128xf32, #tpu.memory_space<vmem>>
      tpu.wait_dma2 semaphore(%run_scoped3A : memref<!tpu.dma_semaphore, #tpu.memory_space<semaphore_mem>>) src(%dma_wait3A_305 : memref<40x128xf32, #tpu.memory_space<vmem>>) dst(%dma_wait3A_302 : memref<40x128xf32, #tpu.memory_space<hbm>>)
      tpu.yield
    }) : () -> ()
    %mul3A_263 = arith.constant 640 : i32
    %mul3A_264 = arith.muli %arg1, %mul3A_263 : i32
    %add3A_265 = arith.constant 440 : i32
    %add3A_266 = arith.addi %mul3A_264, %add3A_265 : i32
    "tpu.region"() ({
      %run_scoped3A = tpu.sem_alloc : memref<!tpu.dma_semaphore, #tpu.memory_space<semaphore_mem>>
      %dma_start3A_283 = arith.constant 0 : i32
      %dma_start3A_284 = arith.constant 0 : i32
      %dma_start3A_285 = tpu.memref_slice %arg9[%dma_start3A_283, %dma_start3A_284] : memref<50x128xf32, #tpu.memory_space<vmem>> -> memref<40x128xf32, #tpu.memory_space<vmem>>
      %dma_start3A_286 = arith.constant 0 : i32
      %dma_start3A_287 = tpu.memref_slice %arg13[%add3A_266, %dma_start3A_286] : memref<10240x128xf32, #tpu.memory_space<vmem_shared>> -> memref<40x128xf32, #tpu.memory_space<vmem_shared>>
      %dma_start3A_288 = arith.constant 0 : i32
      %dma_start3A_289 = arith.constant 0 : i32
      %dma_start3A_290 = tpu.memref_slice %arg9[%dma_start3A_288, %dma_start3A_289] : memref<50x128xf32, #tpu.memory_space<vmem>> -> memref<40x128xf32, #tpu.memory_space<vmem>>
      %dma_start3A_291 = arith.constant 0 : i32
      %dma_start3A_292 = tpu.memref_slice %arg13[%add3A_266, %dma_start3A_291] : memref<10240x128xf32, #tpu.memory_space<vmem_shared>> -> memref<40x128xf32, #tpu.memory_space<vmem_shared>>
      tpu.enqueue_dma source(%dma_start3A_292 : memref<40x128xf32, #tpu.memory_space<vmem_shared>>) target(%dma_start3A_290 : memref<40x128xf32, #tpu.memory_space<vmem>>) target_semaphore(%run_scoped3A : memref<!tpu.dma_semaphore, #tpu.memory_space<semaphore_mem>>)
      %dma_wait3A = arith.constant 0 : i32
      %dma_wait3A_293 = arith.constant 0 : i32
      %dma_wait3A_294 = tpu.memref_slice %arg9[%dma_wait3A, %dma_wait3A_293] : memref<50x128xf32, #tpu.memory_space<vmem>> -> memref<40x128xf32, #tpu.memory_space<vmem>>
      %dma_wait3A_295 = arith.constant 0 : i32
      %dma_wait3A_296 = tpu.memref_slice %arg13[%add3A_266, %dma_wait3A_295] : memref<10240x128xf32, #tpu.memory_space<vmem_shared>> -> memref<40x128xf32, #tpu.memory_space<vmem_shared>>
      %dma_wait3A_297 = arith.constant 0 : i32
      %dma_wait3A_298 = arith.constant 0 : i32
      %dma_wait3A_299 = tpu.memref_slice %arg9[%dma_wait3A_297, %dma_wait3A_298] : memref<50x128xf32, #tpu.memory_space<vmem>> -> memref<40x128xf32, #tpu.memory_space<vmem>>
      %dma_wait3A_300 = arith.constant 0 : i32
      %dma_wait3A_301 = tpu.memref_slice %arg13[%add3A_266, %dma_wait3A_300] : memref<10240x128xf32, #tpu.memory_space<vmem_shared>> -> memref<40x128xf32, #tpu.memory_space<vmem_shared>>
      tpu.wait_dma2 semaphore(%run_scoped3A : memref<!tpu.dma_semaphore, #tpu.memory_space<semaphore_mem>>) src(%dma_wait3A_301 : memref<40x128xf32, #tpu.memory_space<vmem_shared>>) dst(%dma_wait3A_299 : memref<40x128xf32, #tpu.memory_space<vmem>>)
      tpu.yield
    }) : () -> ()
    "tpu.region"() ({
      %run_scoped3A = tpu.sem_alloc : memref<!tpu.dma_semaphore, #tpu.memory_space<semaphore_mem>>
      %dma_start3A_283 = arith.constant 0 : i32
      %dma_start3A_284 = arith.constant 0 : i32
      %dma_start3A_285 = tpu.memref_slice %arg9[%dma_start3A_283, %dma_start3A_284] : memref<50x128xf32, #tpu.memory_space<vmem>> -> memref<40x128xf32, #tpu.memory_space<vmem>>
      %dma_start3A_286 = arith.constant 0 : i32
      %dma_start3A_287 = tpu.memref_slice %arg6[%arg0, %add3A_266, %dma_start3A_286] : memref<2x10240x128xf32, #tpu.memory_space<hbm>> -> memref<1x40x128xf32, #tpu.memory_space<hbm>>
      %dma_start3A_288 = tpu.memref_squeeze %dma_start3A_287 : memref<1x40x128xf32, #tpu.memory_space<hbm>> -> memref<40x128xf32, #tpu.memory_space<hbm>>
      %dma_start3A_289 = arith.constant 0 : i32
      %dma_start3A_290 = tpu.memref_slice %arg6[%arg0, %add3A_266, %dma_start3A_289] : memref<2x10240x128xf32, #tpu.memory_space<hbm>> -> memref<1x40x128xf32, #tpu.memory_space<hbm>>
      %dma_start3A_291 = tpu.memref_squeeze %dma_start3A_290 : memref<1x40x128xf32, #tpu.memory_space<hbm>> -> memref<40x128xf32, #tpu.memory_space<hbm>>
      %dma_start3A_292 = arith.constant 0 : i32
      %dma_start3A_293 = arith.constant 0 : i32
      %dma_start3A_294 = tpu.memref_slice %arg9[%dma_start3A_292, %dma_start3A_293] : memref<50x128xf32, #tpu.memory_space<vmem>> -> memref<40x128xf32, #tpu.memory_space<vmem>>
      tpu.enqueue_dma source(%dma_start3A_294 : memref<40x128xf32, #tpu.memory_space<vmem>>) target(%dma_start3A_291 : memref<40x128xf32, #tpu.memory_space<hbm>>) target_semaphore(%run_scoped3A : memref<!tpu.dma_semaphore, #tpu.memory_space<semaphore_mem>>)
      %dma_wait3A = arith.constant 0 : i32
      %dma_wait3A_295 = arith.constant 0 : i32
      %dma_wait3A_296 = tpu.memref_slice %arg9[%dma_wait3A, %dma_wait3A_295] : memref<50x128xf32, #tpu.memory_space<vmem>> -> memref<40x128xf32, #tpu.memory_space<vmem>>
      %dma_wait3A_297 = arith.constant 0 : i32
      %dma_wait3A_298 = tpu.memref_slice %arg6[%arg0, %add3A_266, %dma_wait3A_297] : memref<2x10240x128xf32, #tpu.memory_space<hbm>> -> memref<1x40x128xf32, #tpu.memory_space<hbm>>
      %dma_wait3A_299 = tpu.memref_squeeze %dma_wait3A_298 : memref<1x40x128xf32, #tpu.memory_space<hbm>> -> memref<40x128xf32, #tpu.memory_space<hbm>>
      %dma_wait3A_300 = arith.constant 0 : i32
      %dma_wait3A_301 = tpu.memref_slice %arg6[%arg0, %add3A_266, %dma_wait3A_300] : memref<2x10240x128xf32, #tpu.memory_space<hbm>> -> memref<1x40x128xf32, #tpu.memory_space<hbm>>
      %dma_wait3A_302 = tpu.memref_squeeze %dma_wait3A_301 : memref<1x40x128xf32, #tpu.memory_space<hbm>> -> memref<40x128xf32, #tpu.memory_space<hbm>>
      %dma_wait3A_303 = arith.constant 0 : i32
      %dma_wait3A_304 = arith.constant 0 : i32
      %dma_wait3A_305 = tpu.memref_slice %arg9[%dma_wait3A_303, %dma_wait3A_304] : memref<50x128xf32, #tpu.memory_space<vmem>> -> memref<40x128xf32, #tpu.memory_space<vmem>>
      tpu.wait_dma2 semaphore(%run_scoped3A : memref<!tpu.dma_semaphore, #tpu.memory_space<semaphore_mem>>) src(%dma_wait3A_305 : memref<40x128xf32, #tpu.memory_space<vmem>>) dst(%dma_wait3A_302 : memref<40x128xf32, #tpu.memory_space<hbm>>)
      tpu.yield
    }) : () -> ()
    %mul3A_267 = arith.constant 640 : i32
    %mul3A_268 = arith.muli %arg1, %mul3A_267 : i32
    %add3A_269 = arith.constant 480 : i32
    %add3A_270 = arith.addi %mul3A_268, %add3A_269 : i32
    "tpu.region"() ({
      %run_scoped3A = tpu.sem_alloc : memref<!tpu.dma_semaphore, #tpu.memory_space<semaphore_mem>>
      %dma_start3A_283 = arith.constant 0 : i32
      %dma_start3A_284 = arith.constant 0 : i32
      %dma_start3A_285 = tpu.memref_slice %arg9[%dma_start3A_283, %dma_start3A_284] : memref<50x128xf32, #tpu.memory_space<vmem>> -> memref<40x128xf32, #tpu.memory_space<vmem>>
      %dma_start3A_286 = arith.constant 0 : i32
      %dma_start3A_287 = tpu.memref_slice %arg13[%add3A_270, %dma_start3A_286] : memref<10240x128xf32, #tpu.memory_space<vmem_shared>> -> memref<40x128xf32, #tpu.memory_space<vmem_shared>>
      %dma_start3A_288 = arith.constant 0 : i32
      %dma_start3A_289 = arith.constant 0 : i32
      %dma_start3A_290 = tpu.memref_slice %arg9[%dma_start3A_288, %dma_start3A_289] : memref<50x128xf32, #tpu.memory_space<vmem>> -> memref<40x128xf32, #tpu.memory_space<vmem>>
      %dma_start3A_291 = arith.constant 0 : i32
      %dma_start3A_292 = tpu.memref_slice %arg13[%add3A_270, %dma_start3A_291] : memref<10240x128xf32, #tpu.memory_space<vmem_shared>> -> memref<40x128xf32, #tpu.memory_space<vmem_shared>>
      tpu.enqueue_dma source(%dma_start3A_292 : memref<40x128xf32, #tpu.memory_space<vmem_shared>>) target(%dma_start3A_290 : memref<40x128xf32, #tpu.memory_space<vmem>>) target_semaphore(%run_scoped3A : memref<!tpu.dma_semaphore, #tpu.memory_space<semaphore_mem>>)
      %dma_wait3A = arith.constant 0 : i32
      %dma_wait3A_293 = arith.constant 0 : i32
      %dma_wait3A_294 = tpu.memref_slice %arg9[%dma_wait3A, %dma_wait3A_293] : memref<50x128xf32, #tpu.memory_space<vmem>> -> memref<40x128xf32, #tpu.memory_space<vmem>>
      %dma_wait3A_295 = arith.constant 0 : i32
      %dma_wait3A_296 = tpu.memref_slice %arg13[%add3A_270, %dma_wait3A_295] : memref<10240x128xf32, #tpu.memory_space<vmem_shared>> -> memref<40x128xf32, #tpu.memory_space<vmem_shared>>
      %dma_wait3A_297 = arith.constant 0 : i32
      %dma_wait3A_298 = arith.constant 0 : i32
      %dma_wait3A_299 = tpu.memref_slice %arg9[%dma_wait3A_297, %dma_wait3A_298] : memref<50x128xf32, #tpu.memory_space<vmem>> -> memref<40x128xf32, #tpu.memory_space<vmem>>
      %dma_wait3A_300 = arith.constant 0 : i32
      %dma_wait3A_301 = tpu.memref_slice %arg13[%add3A_270, %dma_wait3A_300] : memref<10240x128xf32, #tpu.memory_space<vmem_shared>> -> memref<40x128xf32, #tpu.memory_space<vmem_shared>>
      tpu.wait_dma2 semaphore(%run_scoped3A : memref<!tpu.dma_semaphore, #tpu.memory_space<semaphore_mem>>) src(%dma_wait3A_301 : memref<40x128xf32, #tpu.memory_space<vmem_shared>>) dst(%dma_wait3A_299 : memref<40x128xf32, #tpu.memory_space<vmem>>)
      tpu.yield
    }) : () -> ()
    "tpu.region"() ({
      %run_scoped3A = tpu.sem_alloc : memref<!tpu.dma_semaphore, #tpu.memory_space<semaphore_mem>>
      %dma_start3A_283 = arith.constant 0 : i32
      %dma_start3A_284 = arith.constant 0 : i32
      %dma_start3A_285 = tpu.memref_slice %arg9[%dma_start3A_283, %dma_start3A_284] : memref<50x128xf32, #tpu.memory_space<vmem>> -> memref<40x128xf32, #tpu.memory_space<vmem>>
      %dma_start3A_286 = arith.constant 0 : i32
      %dma_start3A_287 = tpu.memref_slice %arg6[%arg0, %add3A_270, %dma_start3A_286] : memref<2x10240x128xf32, #tpu.memory_space<hbm>> -> memref<1x40x128xf32, #tpu.memory_space<hbm>>
      %dma_start3A_288 = tpu.memref_squeeze %dma_start3A_287 : memref<1x40x128xf32, #tpu.memory_space<hbm>> -> memref<40x128xf32, #tpu.memory_space<hbm>>
      %dma_start3A_289 = arith.constant 0 : i32
      %dma_start3A_290 = tpu.memref_slice %arg6[%arg0, %add3A_270, %dma_start3A_289] : memref<2x10240x128xf32, #tpu.memory_space<hbm>> -> memref<1x40x128xf32, #tpu.memory_space<hbm>>
      %dma_start3A_291 = tpu.memref_squeeze %dma_start3A_290 : memref<1x40x128xf32, #tpu.memory_space<hbm>> -> memref<40x128xf32, #tpu.memory_space<hbm>>
      %dma_start3A_292 = arith.constant 0 : i32
      %dma_start3A_293 = arith.constant 0 : i32
      %dma_start3A_294 = tpu.memref_slice %arg9[%dma_start3A_292, %dma_start3A_293] : memref<50x128xf32, #tpu.memory_space<vmem>> -> memref<40x128xf32, #tpu.memory_space<vmem>>
      tpu.enqueue_dma source(%dma_start3A_294 : memref<40x128xf32, #tpu.memory_space<vmem>>) target(%dma_start3A_291 : memref<40x128xf32, #tpu.memory_space<hbm>>) target_semaphore(%run_scoped3A : memref<!tpu.dma_semaphore, #tpu.memory_space<semaphore_mem>>)
      %dma_wait3A = arith.constant 0 : i32
      %dma_wait3A_295 = arith.constant 0 : i32
      %dma_wait3A_296 = tpu.memref_slice %arg9[%dma_wait3A, %dma_wait3A_295] : memref<50x128xf32, #tpu.memory_space<vmem>> -> memref<40x128xf32, #tpu.memory_space<vmem>>
      %dma_wait3A_297 = arith.constant 0 : i32
      %dma_wait3A_298 = tpu.memref_slice %arg6[%arg0, %add3A_270, %dma_wait3A_297] : memref<2x10240x128xf32, #tpu.memory_space<hbm>> -> memref<1x40x128xf32, #tpu.memory_space<hbm>>
      %dma_wait3A_299 = tpu.memref_squeeze %dma_wait3A_298 : memref<1x40x128xf32, #tpu.memory_space<hbm>> -> memref<40x128xf32, #tpu.memory_space<hbm>>
      %dma_wait3A_300 = arith.constant 0 : i32
      %dma_wait3A_301 = tpu.memref_slice %arg6[%arg0, %add3A_270, %dma_wait3A_300] : memref<2x10240x128xf32, #tpu.memory_space<hbm>> -> memref<1x40x128xf32, #tpu.memory_space<hbm>>
      %dma_wait3A_302 = tpu.memref_squeeze %dma_wait3A_301 : memref<1x40x128xf32, #tpu.memory_space<hbm>> -> memref<40x128xf32, #tpu.memory_space<hbm>>
      %dma_wait3A_303 = arith.constant 0 : i32
      %dma_wait3A_304 = arith.constant 0 : i32
      %dma_wait3A_305 = tpu.memref_slice %arg9[%dma_wait3A_303, %dma_wait3A_304] : memref<50x128xf32, #tpu.memory_space<vmem>> -> memref<40x128xf32, #tpu.memory_space<vmem>>
      tpu.wait_dma2 semaphore(%run_scoped3A : memref<!tpu.dma_semaphore, #tpu.memory_space<semaphore_mem>>) src(%dma_wait3A_305 : memref<40x128xf32, #tpu.memory_space<vmem>>) dst(%dma_wait3A_302 : memref<40x128xf32, #tpu.memory_space<hbm>>)
      tpu.yield
    }) : () -> ()
    %mul3A_271 = arith.constant 640 : i32
    %mul3A_272 = arith.muli %arg1, %mul3A_271 : i32
    %add3A_273 = arith.constant 520 : i32
    %add3A_274 = arith.addi %mul3A_272, %add3A_273 : i32
    "tpu.region"() ({
      %run_scoped3A = tpu.sem_alloc : memref<!tpu.dma_semaphore, #tpu.memory_space<semaphore_mem>>
      %dma_start3A_283 = arith.constant 0 : i32
      %dma_start3A_284 = arith.constant 0 : i32
      %dma_start3A_285 = tpu.memref_slice %arg9[%dma_start3A_283, %dma_start3A_284] : memref<50x128xf32, #tpu.memory_space<vmem>> -> memref<40x128xf32, #tpu.memory_space<vmem>>
      %dma_start3A_286 = arith.constant 0 : i32
      %dma_start3A_287 = tpu.memref_slice %arg13[%add3A_274, %dma_start3A_286] : memref<10240x128xf32, #tpu.memory_space<vmem_shared>> -> memref<40x128xf32, #tpu.memory_space<vmem_shared>>
      %dma_start3A_288 = arith.constant 0 : i32
      %dma_start3A_289 = arith.constant 0 : i32
      %dma_start3A_290 = tpu.memref_slice %arg9[%dma_start3A_288, %dma_start3A_289] : memref<50x128xf32, #tpu.memory_space<vmem>> -> memref<40x128xf32, #tpu.memory_space<vmem>>
      %dma_start3A_291 = arith.constant 0 : i32
      %dma_start3A_292 = tpu.memref_slice %arg13[%add3A_274, %dma_start3A_291] : memref<10240x128xf32, #tpu.memory_space<vmem_shared>> -> memref<40x128xf32, #tpu.memory_space<vmem_shared>>
      tpu.enqueue_dma source(%dma_start3A_292 : memref<40x128xf32, #tpu.memory_space<vmem_shared>>) target(%dma_start3A_290 : memref<40x128xf32, #tpu.memory_space<vmem>>) target_semaphore(%run_scoped3A : memref<!tpu.dma_semaphore, #tpu.memory_space<semaphore_mem>>)
      %dma_wait3A = arith.constant 0 : i32
      %dma_wait3A_293 = arith.constant 0 : i32
      %dma_wait3A_294 = tpu.memref_slice %arg9[%dma_wait3A, %dma_wait3A_293] : memref<50x128xf32, #tpu.memory_space<vmem>> -> memref<40x128xf32, #tpu.memory_space<vmem>>
      %dma_wait3A_295 = arith.constant 0 : i32
      %dma_wait3A_296 = tpu.memref_slice %arg13[%add3A_274, %dma_wait3A_295] : memref<10240x128xf32, #tpu.memory_space<vmem_shared>> -> memref<40x128xf32, #tpu.memory_space<vmem_shared>>
      %dma_wait3A_297 = arith.constant 0 : i32
      %dma_wait3A_298 = arith.constant 0 : i32
      %dma_wait3A_299 = tpu.memref_slice %arg9[%dma_wait3A_297, %dma_wait3A_298] : memref<50x128xf32, #tpu.memory_space<vmem>> -> memref<40x128xf32, #tpu.memory_space<vmem>>
      %dma_wait3A_300 = arith.constant 0 : i32
      %dma_wait3A_301 = tpu.memref_slice %arg13[%add3A_274, %dma_wait3A_300] : memref<10240x128xf32, #tpu.memory_space<vmem_shared>> -> memref<40x128xf32, #tpu.memory_space<vmem_shared>>
      tpu.wait_dma2 semaphore(%run_scoped3A : memref<!tpu.dma_semaphore, #tpu.memory_space<semaphore_mem>>) src(%dma_wait3A_301 : memref<40x128xf32, #tpu.memory_space<vmem_shared>>) dst(%dma_wait3A_299 : memref<40x128xf32, #tpu.memory_space<vmem>>)
      tpu.yield
    }) : () -> ()
    "tpu.region"() ({
      %run_scoped3A = tpu.sem_alloc : memref<!tpu.dma_semaphore, #tpu.memory_space<semaphore_mem>>
      %dma_start3A_283 = arith.constant 0 : i32
      %dma_start3A_284 = arith.constant 0 : i32
      %dma_start3A_285 = tpu.memref_slice %arg9[%dma_start3A_283, %dma_start3A_284] : memref<50x128xf32, #tpu.memory_space<vmem>> -> memref<40x128xf32, #tpu.memory_space<vmem>>
      %dma_start3A_286 = arith.constant 0 : i32
      %dma_start3A_287 = tpu.memref_slice %arg6[%arg0, %add3A_274, %dma_start3A_286] : memref<2x10240x128xf32, #tpu.memory_space<hbm>> -> memref<1x40x128xf32, #tpu.memory_space<hbm>>
      %dma_start3A_288 = tpu.memref_squeeze %dma_start3A_287 : memref<1x40x128xf32, #tpu.memory_space<hbm>> -> memref<40x128xf32, #tpu.memory_space<hbm>>
      %dma_start3A_289 = arith.constant 0 : i32
      %dma_start3A_290 = tpu.memref_slice %arg6[%arg0, %add3A_274, %dma_start3A_289] : memref<2x10240x128xf32, #tpu.memory_space<hbm>> -> memref<1x40x128xf32, #tpu.memory_space<hbm>>
      %dma_start3A_291 = tpu.memref_squeeze %dma_start3A_290 : memref<1x40x128xf32, #tpu.memory_space<hbm>> -> memref<40x128xf32, #tpu.memory_space<hbm>>
      %dma_start3A_292 = arith.constant 0 : i32
      %dma_start3A_293 = arith.constant 0 : i32
      %dma_start3A_294 = tpu.memref_slice %arg9[%dma_start3A_292, %dma_start3A_293] : memref<50x128xf32, #tpu.memory_space<vmem>> -> memref<40x128xf32, #tpu.memory_space<vmem>>
      tpu.enqueue_dma source(%dma_start3A_294 : memref<40x128xf32, #tpu.memory_space<vmem>>) target(%dma_start3A_291 : memref<40x128xf32, #tpu.memory_space<hbm>>) target_semaphore(%run_scoped3A : memref<!tpu.dma_semaphore, #tpu.memory_space<semaphore_mem>>)
      %dma_wait3A = arith.constant 0 : i32
      %dma_wait3A_295 = arith.constant 0 : i32
      %dma_wait3A_296 = tpu.memref_slice %arg9[%dma_wait3A, %dma_wait3A_295] : memref<50x128xf32, #tpu.memory_space<vmem>> -> memref<40x128xf32, #tpu.memory_space<vmem>>
      %dma_wait3A_297 = arith.constant 0 : i32
      %dma_wait3A_298 = tpu.memref_slice %arg6[%arg0, %add3A_274, %dma_wait3A_297] : memref<2x10240x128xf32, #tpu.memory_space<hbm>> -> memref<1x40x128xf32, #tpu.memory_space<hbm>>
      %dma_wait3A_299 = tpu.memref_squeeze %dma_wait3A_298 : memref<1x40x128xf32, #tpu.memory_space<hbm>> -> memref<40x128xf32, #tpu.memory_space<hbm>>
      %dma_wait3A_300 = arith.constant 0 : i32
      %dma_wait3A_301 = tpu.memref_slice %arg6[%arg0, %add3A_274, %dma_wait3A_300] : memref<2x10240x128xf32, #tpu.memory_space<hbm>> -> memref<1x40x128xf32, #tpu.memory_space<hbm>>
      %dma_wait3A_302 = tpu.memref_squeeze %dma_wait3A_301 : memref<1x40x128xf32, #tpu.memory_space<hbm>> -> memref<40x128xf32, #tpu.memory_space<hbm>>
      %dma_wait3A_303 = arith.constant 0 : i32
      %dma_wait3A_304 = arith.constant 0 : i32
      %dma_wait3A_305 = tpu.memref_slice %arg9[%dma_wait3A_303, %dma_wait3A_304] : memref<50x128xf32, #tpu.memory_space<vmem>> -> memref<40x128xf32, #tpu.memory_space<vmem>>
      tpu.wait_dma2 semaphore(%run_scoped3A : memref<!tpu.dma_semaphore, #tpu.memory_space<semaphore_mem>>) src(%dma_wait3A_305 : memref<40x128xf32, #tpu.memory_space<vmem>>) dst(%dma_wait3A_302 : memref<40x128xf32, #tpu.memory_space<hbm>>)
      tpu.yield
    }) : () -> ()
    %mul3A_275 = arith.constant 640 : i32
    %mul3A_276 = arith.muli %arg1, %mul3A_275 : i32
    %add3A_277 = arith.constant 560 : i32
    %add3A_278 = arith.addi %mul3A_276, %add3A_277 : i32
    "tpu.region"() ({
      %run_scoped3A = tpu.sem_alloc : memref<!tpu.dma_semaphore, #tpu.memory_space<semaphore_mem>>
      %dma_start3A_283 = arith.constant 0 : i32
      %dma_start3A_284 = arith.constant 0 : i32
      %dma_start3A_285 = tpu.memref_slice %arg9[%dma_start3A_283, %dma_start3A_284] : memref<50x128xf32, #tpu.memory_space<vmem>> -> memref<40x128xf32, #tpu.memory_space<vmem>>
      %dma_start3A_286 = arith.constant 0 : i32
      %dma_start3A_287 = tpu.memref_slice %arg13[%add3A_278, %dma_start3A_286] : memref<10240x128xf32, #tpu.memory_space<vmem_shared>> -> memref<40x128xf32, #tpu.memory_space<vmem_shared>>
      %dma_start3A_288 = arith.constant 0 : i32
      %dma_start3A_289 = arith.constant 0 : i32
      %dma_start3A_290 = tpu.memref_slice %arg9[%dma_start3A_288, %dma_start3A_289] : memref<50x128xf32, #tpu.memory_space<vmem>> -> memref<40x128xf32, #tpu.memory_space<vmem>>
      %dma_start3A_291 = arith.constant 0 : i32
      %dma_start3A_292 = tpu.memref_slice %arg13[%add3A_278, %dma_start3A_291] : memref<10240x128xf32, #tpu.memory_space<vmem_shared>> -> memref<40x128xf32, #tpu.memory_space<vmem_shared>>
      tpu.enqueue_dma source(%dma_start3A_292 : memref<40x128xf32, #tpu.memory_space<vmem_shared>>) target(%dma_start3A_290 : memref<40x128xf32, #tpu.memory_space<vmem>>) target_semaphore(%run_scoped3A : memref<!tpu.dma_semaphore, #tpu.memory_space<semaphore_mem>>)
      %dma_wait3A = arith.constant 0 : i32
      %dma_wait3A_293 = arith.constant 0 : i32
      %dma_wait3A_294 = tpu.memref_slice %arg9[%dma_wait3A, %dma_wait3A_293] : memref<50x128xf32, #tpu.memory_space<vmem>> -> memref<40x128xf32, #tpu.memory_space<vmem>>
      %dma_wait3A_295 = arith.constant 0 : i32
      %dma_wait3A_296 = tpu.memref_slice %arg13[%add3A_278, %dma_wait3A_295] : memref<10240x128xf32, #tpu.memory_space<vmem_shared>> -> memref<40x128xf32, #tpu.memory_space<vmem_shared>>
      %dma_wait3A_297 = arith.constant 0 : i32
      %dma_wait3A_298 = arith.constant 0 : i32
      %dma_wait3A_299 = tpu.memref_slice %arg9[%dma_wait3A_297, %dma_wait3A_298] : memref<50x128xf32, #tpu.memory_space<vmem>> -> memref<40x128xf32, #tpu.memory_space<vmem>>
      %dma_wait3A_300 = arith.constant 0 : i32
      %dma_wait3A_301 = tpu.memref_slice %arg13[%add3A_278, %dma_wait3A_300] : memref<10240x128xf32, #tpu.memory_space<vmem_shared>> -> memref<40x128xf32, #tpu.memory_space<vmem_shared>>
      tpu.wait_dma2 semaphore(%run_scoped3A : memref<!tpu.dma_semaphore, #tpu.memory_space<semaphore_mem>>) src(%dma_wait3A_301 : memref<40x128xf32, #tpu.memory_space<vmem_shared>>) dst(%dma_wait3A_299 : memref<40x128xf32, #tpu.memory_space<vmem>>)
      tpu.yield
    }) : () -> ()
    "tpu.region"() ({
      %run_scoped3A = tpu.sem_alloc : memref<!tpu.dma_semaphore, #tpu.memory_space<semaphore_mem>>
      %dma_start3A_283 = arith.constant 0 : i32
      %dma_start3A_284 = arith.constant 0 : i32
      %dma_start3A_285 = tpu.memref_slice %arg9[%dma_start3A_283, %dma_start3A_284] : memref<50x128xf32, #tpu.memory_space<vmem>> -> memref<40x128xf32, #tpu.memory_space<vmem>>
      %dma_start3A_286 = arith.constant 0 : i32
      %dma_start3A_287 = tpu.memref_slice %arg6[%arg0, %add3A_278, %dma_start3A_286] : memref<2x10240x128xf32, #tpu.memory_space<hbm>> -> memref<1x40x128xf32, #tpu.memory_space<hbm>>
      %dma_start3A_288 = tpu.memref_squeeze %dma_start3A_287 : memref<1x40x128xf32, #tpu.memory_space<hbm>> -> memref<40x128xf32, #tpu.memory_space<hbm>>
      %dma_start3A_289 = arith.constant 0 : i32
      %dma_start3A_290 = tpu.memref_slice %arg6[%arg0, %add3A_278, %dma_start3A_289] : memref<2x10240x128xf32, #tpu.memory_space<hbm>> -> memref<1x40x128xf32, #tpu.memory_space<hbm>>
      %dma_start3A_291 = tpu.memref_squeeze %dma_start3A_290 : memref<1x40x128xf32, #tpu.memory_space<hbm>> -> memref<40x128xf32, #tpu.memory_space<hbm>>
      %dma_start3A_292 = arith.constant 0 : i32
      %dma_start3A_293 = arith.constant 0 : i32
      %dma_start3A_294 = tpu.memref_slice %arg9[%dma_start3A_292, %dma_start3A_293] : memref<50x128xf32, #tpu.memory_space<vmem>> -> memref<40x128xf32, #tpu.memory_space<vmem>>
      tpu.enqueue_dma source(%dma_start3A_294 : memref<40x128xf32, #tpu.memory_space<vmem>>) target(%dma_start3A_291 : memref<40x128xf32, #tpu.memory_space<hbm>>) target_semaphore(%run_scoped3A : memref<!tpu.dma_semaphore, #tpu.memory_space<semaphore_mem>>)
      %dma_wait3A = arith.constant 0 : i32
      %dma_wait3A_295 = arith.constant 0 : i32
      %dma_wait3A_296 = tpu.memref_slice %arg9[%dma_wait3A, %dma_wait3A_295] : memref<50x128xf32, #tpu.memory_space<vmem>> -> memref<40x128xf32, #tpu.memory_space<vmem>>
      %dma_wait3A_297 = arith.constant 0 : i32
      %dma_wait3A_298 = tpu.memref_slice %arg6[%arg0, %add3A_278, %dma_wait3A_297] : memref<2x10240x128xf32, #tpu.memory_space<hbm>> -> memref<1x40x128xf32, #tpu.memory_space<hbm>>
      %dma_wait3A_299 = tpu.memref_squeeze %dma_wait3A_298 : memref<1x40x128xf32, #tpu.memory_space<hbm>> -> memref<40x128xf32, #tpu.memory_space<hbm>>
      %dma_wait3A_300 = arith.constant 0 : i32
      %dma_wait3A_301 = tpu.memref_slice %arg6[%arg0, %add3A_278, %dma_wait3A_300] : memref<2x10240x128xf32, #tpu.memory_space<hbm>> -> memref<1x40x128xf32, #tpu.memory_space<hbm>>
      %dma_wait3A_302 = tpu.memref_squeeze %dma_wait3A_301 : memref<1x40x128xf32, #tpu.memory_space<hbm>> -> memref<40x128xf32, #tpu.memory_space<hbm>>
      %dma_wait3A_303 = arith.constant 0 : i32
      %dma_wait3A_304 = arith.constant 0 : i32
      %dma_wait3A_305 = tpu.memref_slice %arg9[%dma_wait3A_303, %dma_wait3A_304] : memref<50x128xf32, #tpu.memory_space<vmem>> -> memref<40x128xf32, #tpu.memory_space<vmem>>
      tpu.wait_dma2 semaphore(%run_scoped3A : memref<!tpu.dma_semaphore, #tpu.memory_space<semaphore_mem>>) src(%dma_wait3A_305 : memref<40x128xf32, #tpu.memory_space<vmem>>) dst(%dma_wait3A_302 : memref<40x128xf32, #tpu.memory_space<hbm>>)
      tpu.yield
    }) : () -> ()
    %mul3A_279 = arith.constant 640 : i32
    %mul3A_280 = arith.muli %arg1, %mul3A_279 : i32
    %add3A_281 = arith.constant 600 : i32
    %add3A_282 = arith.addi %mul3A_280, %add3A_281 : i32
    "tpu.region"() ({
      %run_scoped3A = tpu.sem_alloc : memref<!tpu.dma_semaphore, #tpu.memory_space<semaphore_mem>>
      %dma_start3A_283 = arith.constant 0 : i32
      %dma_start3A_284 = arith.constant 0 : i32
      %dma_start3A_285 = tpu.memref_slice %arg9[%dma_start3A_283, %dma_start3A_284] : memref<50x128xf32, #tpu.memory_space<vmem>> -> memref<40x128xf32, #tpu.memory_space<vmem>>
      %dma_start3A_286 = arith.constant 0 : i32
      %dma_start3A_287 = tpu.memref_slice %arg13[%add3A_282, %dma_start3A_286] : memref<10240x128xf32, #tpu.memory_space<vmem_shared>> -> memref<40x128xf32, #tpu.memory_space<vmem_shared>>
      %dma_start3A_288 = arith.constant 0 : i32
      %dma_start3A_289 = arith.constant 0 : i32
      %dma_start3A_290 = tpu.memref_slice %arg9[%dma_start3A_288, %dma_start3A_289] : memref<50x128xf32, #tpu.memory_space<vmem>> -> memref<40x128xf32, #tpu.memory_space<vmem>>
      %dma_start3A_291 = arith.constant 0 : i32
      %dma_start3A_292 = tpu.memref_slice %arg13[%add3A_282, %dma_start3A_291] : memref<10240x128xf32, #tpu.memory_space<vmem_shared>> -> memref<40x128xf32, #tpu.memory_space<vmem_shared>>
      tpu.enqueue_dma source(%dma_start3A_292 : memref<40x128xf32, #tpu.memory_space<vmem_shared>>) target(%dma_start3A_290 : memref<40x128xf32, #tpu.memory_space<vmem>>) target_semaphore(%run_scoped3A : memref<!tpu.dma_semaphore, #tpu.memory_space<semaphore_mem>>)
      %dma_wait3A = arith.constant 0 : i32
      %dma_wait3A_293 = arith.constant 0 : i32
      %dma_wait3A_294 = tpu.memref_slice %arg9[%dma_wait3A, %dma_wait3A_293] : memref<50x128xf32, #tpu.memory_space<vmem>> -> memref<40x128xf32, #tpu.memory_space<vmem>>
      %dma_wait3A_295 = arith.constant 0 : i32
      %dma_wait3A_296 = tpu.memref_slice %arg13[%add3A_282, %dma_wait3A_295] : memref<10240x128xf32, #tpu.memory_space<vmem_shared>> -> memref<40x128xf32, #tpu.memory_space<vmem_shared>>
      %dma_wait3A_297 = arith.constant 0 : i32
      %dma_wait3A_298 = arith.constant 0 : i32
      %dma_wait3A_299 = tpu.memref_slice %arg9[%dma_wait3A_297, %dma_wait3A_298] : memref<50x128xf32, #tpu.memory_space<vmem>> -> memref<40x128xf32, #tpu.memory_space<vmem>>
      %dma_wait3A_300 = arith.constant 0 : i32
      %dma_wait3A_301 = tpu.memref_slice %arg13[%add3A_282, %dma_wait3A_300] : memref<10240x128xf32, #tpu.memory_space<vmem_shared>> -> memref<40x128xf32, #tpu.memory_space<vmem_shared>>
      tpu.wait_dma2 semaphore(%run_scoped3A : memref<!tpu.dma_semaphore, #tpu.memory_space<semaphore_mem>>) src(%dma_wait3A_301 : memref<40x128xf32, #tpu.memory_space<vmem_shared>>) dst(%dma_wait3A_299 : memref<40x128xf32, #tpu.memory_space<vmem>>)
      tpu.yield
    }) : () -> ()
    "tpu.region"() ({
      %run_scoped3A = tpu.sem_alloc : memref<!tpu.dma_semaphore, #tpu.memory_space<semaphore_mem>>
      %dma_start3A_283 = arith.constant 0 : i32
      %dma_start3A_284 = arith.constant 0 : i32
      %dma_start3A_285 = tpu.memref_slice %arg9[%dma_start3A_283, %dma_start3A_284] : memref<50x128xf32, #tpu.memory_space<vmem>> -> memref<40x128xf32, #tpu.memory_space<vmem>>
      %dma_start3A_286 = arith.constant 0 : i32
      %dma_start3A_287 = tpu.memref_slice %arg6[%arg0, %add3A_282, %dma_start3A_286] : memref<2x10240x128xf32, #tpu.memory_space<hbm>> -> memref<1x40x128xf32, #tpu.memory_space<hbm>>
      %dma_start3A_288 = tpu.memref_squeeze %dma_start3A_287 : memref<1x40x128xf32, #tpu.memory_space<hbm>> -> memref<40x128xf32, #tpu.memory_space<hbm>>
      %dma_start3A_289 = arith.constant 0 : i32
      %dma_start3A_290 = tpu.memref_slice %arg6[%arg0, %add3A_282, %dma_start3A_289] : memref<2x10240x128xf32, #tpu.memory_space<hbm>> -> memref<1x40x128xf32, #tpu.memory_space<hbm>>
      %dma_start3A_291 = tpu.memref_squeeze %dma_start3A_290 : memref<1x40x128xf32, #tpu.memory_space<hbm>> -> memref<40x128xf32, #tpu.memory_space<hbm>>
      %dma_start3A_292 = arith.constant 0 : i32
      %dma_start3A_293 = arith.constant 0 : i32
      %dma_start3A_294 = tpu.memref_slice %arg9[%dma_start3A_292, %dma_start3A_293] : memref<50x128xf32, #tpu.memory_space<vmem>> -> memref<40x128xf32, #tpu.memory_space<vmem>>
      tpu.enqueue_dma source(%dma_start3A_294 : memref<40x128xf32, #tpu.memory_space<vmem>>) target(%dma_start3A_291 : memref<40x128xf32, #tpu.memory_space<hbm>>) target_semaphore(%run_scoped3A : memref<!tpu.dma_semaphore, #tpu.memory_space<semaphore_mem>>)
      %dma_wait3A = arith.constant 0 : i32
      %dma_wait3A_295 = arith.constant 0 : i32
      %dma_wait3A_296 = tpu.memref_slice %arg9[%dma_wait3A, %dma_wait3A_295] : memref<50x128xf32, #tpu.memory_space<vmem>> -> memref<40x128xf32, #tpu.memory_space<vmem>>
      %dma_wait3A_297 = arith.constant 0 : i32
      %dma_wait3A_298 = tpu.memref_slice %arg6[%arg0, %add3A_282, %dma_wait3A_297] : memref<2x10240x128xf32, #tpu.memory_space<hbm>> -> memref<1x40x128xf32, #tpu.memory_space<hbm>>
      %dma_wait3A_299 = tpu.memref_squeeze %dma_wait3A_298 : memref<1x40x128xf32, #tpu.memory_space<hbm>> -> memref<40x128xf32, #tpu.memory_space<hbm>>
      %dma_wait3A_300 = arith.constant 0 : i32
      %dma_wait3A_301 = tpu.memref_slice %arg6[%arg0, %add3A_282, %dma_wait3A_300] : memref<2x10240x128xf32, #tpu.memory_space<hbm>> -> memref<1x40x128xf32, #tpu.memory_space<hbm>>
      %dma_wait3A_302 = tpu.memref_squeeze %dma_wait3A_301 : memref<1x40x128xf32, #tpu.memory_space<hbm>> -> memref<40x128xf32, #tpu.memory_space<hbm>>
      %dma_wait3A_303 = arith.constant 0 : i32
      %dma_wait3A_304 = arith.constant 0 : i32
      %dma_wait3A_305 = tpu.memref_slice %arg9[%dma_wait3A_303, %dma_wait3A_304] : memref<50x128xf32, #tpu.memory_space<vmem>> -> memref<40x128xf32, #tpu.memory_space<vmem>>
      tpu.wait_dma2 semaphore(%run_scoped3A : memref<!tpu.dma_semaphore, #tpu.memory_space<semaphore_mem>>) src(%dma_wait3A_305 : memref<40x128xf32, #tpu.memory_space<vmem>>) dst(%dma_wait3A_302 : memref<40x128xf32, #tpu.memory_space<hbm>>)
      tpu.yield
    }) : () -> ()
    return
  }
}

module attributes {stable_mosaic.version = 14 : i64} {
  func.func @_pre_body(%arg0: i32, %arg1: memref<2000x128xf32, #tpu.memory_space<vmem>>, %arg2: memref<128x128xf32, #tpu.memory_space<vmem>>, %arg3: memref<2000x1xf32, #tpu.memory_space<vmem>>, %arg4: memref<2000x128xf32, #tpu.memory_space<vmem>>, %arg5: memref<2000x1xf32, #tpu.memory_space<vmem>>) attributes {dimension_semantics = [#tpu.dimension_semantics<arbitrary>], iteration_bounds = array<i64: 5>, scalar_prefetch = 0 : i64, scratch_operands = 0 : i64, tpu.core_type = #tpu.core_type<tc>, window_params = [{transform_indices = @transform_0, window_bounds = array<i64: 2000, 128>}, {pipeline_mode = #tpu.pipeline_mode<synchronous>, transform_indices = @transform_1, window_bounds = array<i64: 128, 128>}, {transform_indices = @transform_2, window_bounds = array<i64: 2000, 1>}, {transform_indices = @transform_3, window_bounds = array<i64: 2000, 128>}, {transform_indices = @transform_4, window_bounds = array<i64: 2000, 1>}]} {
    %get3A = arith.constant 0 : index
    %get3A_0 = arith.constant 0 : index
    %get3A_1 = vector.load %arg3[%get3A, %get3A_0] : memref<2000x1xf32, #tpu.memory_space<vmem>>, vector<2000x1xf32>
    %rsqrt3A = math.rsqrt %get3A_1 : vector<2000x1xf32>
    %get3A_2 = arith.constant 0 : index
    %get3A_3 = arith.constant 0 : index
    %get3A_4 = vector.load %arg1[%get3A_2, %get3A_3] : memref<2000x128xf32, #tpu.memory_space<vmem>>, vector<2000x128xf32>
    %get3A_5 = arith.constant 0 : index
    %get3A_6 = arith.constant 0 : index
    %get3A_7 = vector.load %arg2[%get3A_5, %get3A_6] : memref<128x128xf32, #tpu.memory_space<vmem>>, vector<128x128xf32>
    %dot_general3A = arith.constant dense<0.000000e+00> : vector<2000x128xf32>
    %dot_general3A_8 = tpu.matmul %get3A_4, %get3A_7, %dot_general3A {dimension_numbers = #tpu.dot_dimension_numbers<[1], [0], [0], [1], [0, 0, 1, 1], [], []>, transpose_lhs_hint = false} : vector<2000x128xf32>, vector<128x128xf32>, vector<2000x128xf32> -> vector<2000x128xf32>
    %mul3A = vector.broadcast %rsqrt3A : vector<2000x1xf32> to vector<2000x128xf32>
    %mul3A_9 = arith.mulf %dot_general3A_8, %mul3A : vector<2000x128xf32>
    %swap3A = arith.constant 0 : index
    %swap3A_10 = arith.constant 0 : index
    %swap3A_11 = vector.load %arg4[%swap3A, %swap3A_10] : memref<2000x128xf32, #tpu.memory_space<vmem>>, vector<2000x128xf32>
    tpu.vector_store %arg4[%swap3A, %swap3A_10], %mul3A_9 {strides = array<i32>} : memref<2000x128xf32, #tpu.memory_space<vmem>>, vector<2000x128xf32>,
    %swap3A_12 = arith.constant 0 : index
    %swap3A_13 = arith.constant 0 : index
    %swap3A_14 = vector.load %arg5[%swap3A_12, %swap3A_13] : memref<2000x1xf32, #tpu.memory_space<vmem>>, vector<2000x1xf32>
    tpu.vector_store %arg5[%swap3A_12, %swap3A_13], %rsqrt3A {strides = array<i32>} : memref<2000x1xf32, #tpu.memory_space<vmem>>, vector<2000x1xf32>,
    return
  }
  func.func @transform_0(%arg0: i32) -> (i32, i32) {
    %c0_i32 = arith.constant 0 : i32
    %c0_i32_0 = arith.constant 0 : i32
    return %arg0, %c0_i32 : i32, i32
  }
  func.func @transform_1(%arg0: i32) -> (i32, i32) {
    %c0_i32 = arith.constant 0 : i32
    %c0_i32_0 = arith.constant 0 : i32
    %c0_i32_1 = arith.constant 0 : i32
    return %c0_i32, %c0_i32_0 : i32, i32
  }
  func.func @transform_2(%arg0: i32) -> (i32, i32) {
    %c0_i32 = arith.constant 0 : i32
    %c0_i32_0 = arith.constant 0 : i32
    return %arg0, %c0_i32 : i32, i32
  }
  func.func @transform_3(%arg0: i32) -> (i32, i32) {
    %c0_i32 = arith.constant 0 : i32
    %c0_i32_0 = arith.constant 0 : i32
    return %arg0, %c0_i32 : i32, i32
  }
  func.func @transform_4(%arg0: i32) -> (i32, i32) {
    %c0_i32 = arith.constant 0 : i32
    %c0_i32_0 = arith.constant 0 : i32
    return %arg0, %c0_i32 : i32, i32
  }
}

module attributes {stable_mosaic.version = 14 : i64} {
  func.func @_post_body(%arg0: i32, %arg1: i32, %arg2: memref<2000x128xf32, #tpu.memory_space<vmem>>, %arg3: memref<2x2000x128xf32, #tpu.memory_space<vmem>>, %arg4: memref<2000x128xf32, #tpu.memory_space<vmem>>, %arg5: memref<2000x1xf32, #tpu.memory_space<vmem>>, %arg6: memref<1x128xf32, #tpu.memory_space<vmem>>, %arg7: memref<1x128xf32, #tpu.memory_space<vmem>>, %arg8: memref<1x128xf32, #tpu.memory_space<vmem>>, %arg9: memref<512x128xf32, #tpu.memory_space<vmem>>, %arg10: memref<1x512xf32, #tpu.memory_space<vmem>>, %arg11: memref<128x512xf32, #tpu.memory_space<vmem>>, %arg12: memref<1x128xf32, #tpu.memory_space<vmem>>, %arg13: memref<2000x128xf32, #tpu.memory_space<vmem>>, %arg14: memref<10000x128xf32, #tpu.memory_space<vmem>>, %arg15: memref<8x128xf32, #tpu.memory_space<vmem>>, %arg16: memref<8x128xf32, #tpu.memory_space<vmem>>) attributes {dimension_semantics = [#tpu.dimension_semantics<arbitrary>, #tpu.dimension_semantics<arbitrary>], iteration_bounds = array<i64: 3, 5>, scalar_prefetch = 0 : i64, scratch_operands = 3 : i64, tpu.core_type = #tpu.core_type<tc>, window_params = [{transform_indices = @transform_0, window_bounds = array<i64: 2000, 128>}, {transform_indices = @transform_1, window_bounds = array<i64: 2, 2000, 128>}, {transform_indices = @transform_2, window_bounds = array<i64: 2000, 128>}, {transform_indices = @transform_3, window_bounds = array<i64: 2000, 1>}, {pipeline_mode = #tpu.pipeline_mode<synchronous>, transform_indices = @transform_4, window_bounds = array<i64: 1, 128>}, {pipeline_mode = #tpu.pipeline_mode<synchronous>, transform_indices = @transform_5, window_bounds = array<i64: 1, 128>}, {pipeline_mode = #tpu.pipeline_mode<synchronous>, transform_indices = @transform_6, window_bounds = array<i64: 1, 128>}, {pipeline_mode = #tpu.pipeline_mode<synchronous>, transform_indices = @transform_7, window_bounds = array<i64: 512, 128>}, {pipeline_mode = #tpu.pipeline_mode<synchronous>, transform_indices = @transform_8, window_bounds = array<i64: 1, 512>}, {pipeline_mode = #tpu.pipeline_mode<synchronous>, transform_indices = @transform_9, window_bounds = array<i64: 128, 512>}, {pipeline_mode = #tpu.pipeline_mode<synchronous>, transform_indices = @transform_10, window_bounds = array<i64: 1, 128>}, {transform_indices = @transform_11, window_bounds = array<i64: 2000, 128>}]} {
    %mul3A = arith.constant 2000 : i32
    %mul3A_0 = arith.muli %arg1, %mul3A : i32
    %eq3A = arith.constant 0 : i32
    %eq3A_1 = arith.cmpi eq, %arg0, %eq3A : i32
    %convert_element_type3A = arith.extui %eq3A_1 : i1 to i32
    %cond3A = arith.constant 0 : i32
    %cond3A_2 = arith.cmpi ne, %convert_element_type3A, %cond3A : i32
    scf.if %cond3A_2 {
      %eq3A_13 = arith.constant 0 : i32
      %eq3A_14 = arith.cmpi eq, %arg1, %eq3A_13 : i32
      %convert_element_type3A_15 = arith.extui %eq3A_14 : i1 to i32
      %cond3A_16 = arith.constant 0 : i32
      %cond3A_17 = arith.cmpi ne, %convert_element_type3A_15, %cond3A_16 : i32
      scf.if %cond3A_17 {
        %broadcast_in_dim3A_66 = arith.constant 0.000000e+00 : f32
        %broadcast_in_dim3A_67 = vector.broadcast %broadcast_in_dim3A_66 : f32 to vector<8x128xf32>
        %swap3A_68 = arith.constant 0 : index
        %swap3A_69 = arith.constant 0 : index
        %swap3A_70 = vector.load %arg15[%swap3A_68, %swap3A_69] : memref<8x128xf32, #tpu.memory_space<vmem>>, vector<8x128xf32>
        tpu.vector_store %arg15[%swap3A_68, %swap3A_69], %broadcast_in_dim3A_67 {strides = array<i32>} : memref<8x128xf32, #tpu.memory_space<vmem>>, vector<8x128xf32>,
      } else {
      }
      %get3A = arith.constant 0 : index
      %get3A_18 = arith.constant 0 : index
      %get3A_19 = arith.constant 0 : index
      %get3A_20 = vector.load %arg3[%get3A, %get3A_18, %get3A_19] : memref<2x2000x128xf32, #tpu.memory_space<vmem>>, vector<1x2000x128xf32>
      %get3A_21 = vector.shape_cast %get3A_20 : vector<1x2000x128xf32> to vector<2000x128xf32>
      %get3A_22 = arith.constant 1 : index
      %get3A_23 = arith.constant 0 : index
      %get3A_24 = arith.constant 0 : index
      %get3A_25 = vector.load %arg3[%get3A_22, %get3A_23, %get3A_24] : memref<2x2000x128xf32, #tpu.memory_space<vmem>>, vector<1x2000x128xf32>
      %get3A_26 = vector.shape_cast %get3A_25 : vector<1x2000x128xf32> to vector<2000x128xf32>
      %add3A = arith.addf %get3A_21, %get3A_26 : vector<2000x128xf32>
      %get3A_27 = arith.constant 0 : index
      %get3A_28 = arith.constant 0 : index
      %get3A_29 = vector.load %arg2[%get3A_27, %get3A_28] : memref<2000x128xf32, #tpu.memory_space<vmem>>, vector<2000x128xf32>
      %get3A_30 = arith.constant 0 : index
      %get3A_31 = arith.constant 0 : index
      %get3A_32 = vector.load %arg5[%get3A_30, %get3A_31] : memref<2000x1xf32, #tpu.memory_space<vmem>>, vector<2000x1xf32>
      %get3A_33 = arith.constant 0 : index
      %get3A_34 = arith.constant 0 : index
      %get3A_35 = vector.load %arg4[%get3A_33, %get3A_34] : memref<2000x128xf32, #tpu.memory_space<vmem>>, vector<2000x128xf32>
      %add3A_36 = arith.addf %add3A, %get3A_35 : vector<2000x128xf32>
      %mul3A_37 = vector.broadcast %get3A_32 : vector<2000x1xf32> to vector<2000x128xf32>
      %mul3A_38 = arith.mulf %mul3A_37, %add3A_36 : vector<2000x128xf32>
      %add3A_39 = arith.addf %get3A_29, %mul3A_38 : vector<2000x128xf32>
      %get3A_40 = arith.constant 0 : index
      %get3A_41 = arith.constant 0 : index
      %get3A_42 = vector.load %arg6[%get3A_40, %get3A_41] : memref<1x128xf32, #tpu.memory_space<vmem>>, vector<1x128xf32>
      %add3A_43 = vector.broadcast %get3A_42 : vector<1x128xf32> to vector<2000x128xf32>
      %add3A_44 = arith.addf %add3A_39, %add3A_43 : vector<2000x128xf32>
      %swap3A = arith.index_cast %mul3A_0 : i32 to index
      %swap3A_45 = arith.constant 0 : index
      %swap3A_46 = vector.load %arg14[%swap3A, %swap3A_45] : memref<10000x128xf32, #tpu.memory_space<vmem>>, vector<2000x128xf32>
      tpu.vector_store %arg14[%swap3A, %swap3A_45], %add3A_44 {strides = array<i32>} : memref<10000x128xf32, #tpu.memory_space<vmem>>, vector<2000x128xf32>,
      %get3A_47 = arith.constant 0 : index
      %get3A_48 = arith.constant 0 : index
      %get3A_49 = vector.load %arg15[%get3A_47, %get3A_48] : memref<8x128xf32, #tpu.memory_space<vmem>>, vector<1x128xf32>
      %reduce_sum3A = arith.constant dense<0.000000e+00> : vector<128xf32>
      %reduce_sum3A_50 = vector.multi_reduction <add>, %add3A_44, %reduce_sum3A [0] : vector<2000x128xf32> to vector<128xf32>
      %broadcast_in_dim3A = vector.shape_cast %reduce_sum3A_50 : vector<128xf32> to vector<1x128xf32>
      %add3A_51 = arith.addf %get3A_49, %broadcast_in_dim3A : vector<1x128xf32>
      %swap3A_52 = arith.constant 0 : index
      %swap3A_53 = arith.constant 0 : index
      %swap3A_54 = vector.load %arg15[%swap3A_52, %swap3A_53] : memref<8x128xf32, #tpu.memory_space<vmem>>, vector<1x128xf32>
      tpu.vector_store %arg15[%swap3A_52, %swap3A_53], %add3A_51 {strides = array<i32>} : memref<8x128xf32, #tpu.memory_space<vmem>>, vector<1x128xf32>,
      %get3A_55 = arith.constant 1 : index
      %get3A_56 = arith.constant 0 : index
      %get3A_57 = vector.load %arg15[%get3A_55, %get3A_56] : memref<8x128xf32, #tpu.memory_space<vmem>>, vector<1x128xf32>
      %mul3A_58 = arith.mulf %add3A_44, %add3A_44 : vector<2000x128xf32>
      %reduce_sum3A_59 = arith.constant dense<0.000000e+00> : vector<128xf32>
      %reduce_sum3A_60 = vector.multi_reduction <add>, %mul3A_58, %reduce_sum3A_59 [0] : vector<2000x128xf32> to vector<128xf32>
      %broadcast_in_dim3A_61 = vector.shape_cast %reduce_sum3A_60 : vector<128xf32> to vector<1x128xf32>
      %add3A_62 = arith.addf %get3A_57, %broadcast_in_dim3A_61 : vector<1x128xf32>
      %swap3A_63 = arith.constant 1 : index
      %swap3A_64 = arith.constant 0 : index
      %swap3A_65 = vector.load %arg15[%swap3A_63, %swap3A_64] : memref<8x128xf32, #tpu.memory_space<vmem>>, vector<1x128xf32>
      tpu.vector_store %arg15[%swap3A_63, %swap3A_64], %add3A_62 {strides = array<i32>} : memref<8x128xf32, #tpu.memory_space<vmem>>, vector<1x128xf32>,
    } else {
    }
    %eq3A_3 = arith.constant 1 : i32
    %eq3A_4 = arith.cmpi eq, %arg0, %eq3A_3 : i32
    %convert_element_type3A_5 = arith.extui %eq3A_4 : i1 to i32
    %cond3A_6 = arith.constant 0 : i32
    %cond3A_7 = arith.cmpi ne, %convert_element_type3A_5, %cond3A_6 : i32
    scf.if %cond3A_7 {
      %eq3A_13 = arith.constant 0 : i32
      %eq3A_14 = arith.cmpi eq, %arg1, %eq3A_13 : i32
      %convert_element_type3A_15 = arith.extui %eq3A_14 : i1 to i32
      %cond3A_16 = arith.constant 0 : i32
      %cond3A_17 = arith.cmpi ne, %convert_element_type3A_15, %cond3A_16 : i32
      scf.if %cond3A_17 {
        %get3A_72 = arith.constant 0 : index
        %get3A_73 = arith.constant 0 : index
        %get3A_74 = vector.load %arg15[%get3A_72, %get3A_73] : memref<8x128xf32, #tpu.memory_space<vmem>>, vector<1x128xf32>
        %mul3A_75 = arith.constant 9.99999974E-5 : f32
        %mul3A_76 = vector.broadcast %mul3A_75 : f32 to vector<1x128xf32>
        %mul3A_77 = arith.mulf %get3A_74, %mul3A_76 : vector<1x128xf32>
        %get3A_78 = arith.constant 1 : index
        %get3A_79 = arith.constant 0 : index
        %get3A_80 = vector.load %arg15[%get3A_78, %get3A_79] : memref<8x128xf32, #tpu.memory_space<vmem>>, vector<1x128xf32>
        %mul3A_81 = arith.constant 9.99999974E-5 : f32
        %mul3A_82 = vector.broadcast %mul3A_81 : f32 to vector<1x128xf32>
        %mul3A_83 = arith.mulf %get3A_80, %mul3A_82 : vector<1x128xf32>
        %mul3A_84 = arith.mulf %mul3A_77, %mul3A_77 : vector<1x128xf32>
        %sub3A = arith.subf %mul3A_83, %mul3A_84 : vector<1x128xf32>
        %get3A_85 = arith.constant 0 : index
        %get3A_86 = arith.constant 0 : index
        %get3A_87 = vector.load %arg7[%get3A_85, %get3A_86] : memref<1x128xf32, #tpu.memory_space<vmem>>, vector<1x128xf32>
        %add3A_88 = arith.constant 9.99999974E-6 : f32
        %add3A_89 = vector.broadcast %add3A_88 : f32 to vector<1x128xf32>
        %add3A_90 = arith.addf %sub3A, %add3A_89 : vector<1x128xf32>
        %rsqrt3A = math.rsqrt %add3A_90 : vector<1x128xf32>
        %mul3A_91 = arith.mulf %get3A_87, %rsqrt3A : vector<1x128xf32>
        %swap3A_92 = arith.constant 0 : index
        %swap3A_93 = arith.constant 0 : index
        %swap3A_94 = vector.load %arg16[%swap3A_92, %swap3A_93] : memref<8x128xf32, #tpu.memory_space<vmem>>, vector<1x128xf32>
        tpu.vector_store %arg16[%swap3A_92, %swap3A_93], %mul3A_91 {strides = array<i32>} : memref<8x128xf32, #tpu.memory_space<vmem>>, vector<1x128xf32>,
        %get3A_95 = arith.constant 0 : index
        %get3A_96 = arith.constant 0 : index
        %get3A_97 = vector.load %arg8[%get3A_95, %get3A_96] : memref<1x128xf32, #tpu.memory_space<vmem>>, vector<1x128xf32>
        %mul3A_98 = arith.mulf %mul3A_77, %mul3A_91 : vector<1x128xf32>
        %sub3A_99 = arith.subf %get3A_97, %mul3A_98 : vector<1x128xf32>
        %swap3A_100 = arith.constant 1 : index
        %swap3A_101 = arith.constant 0 : index
        %swap3A_102 = vector.load %arg16[%swap3A_100, %swap3A_101] : memref<8x128xf32, #tpu.memory_space<vmem>>, vector<1x128xf32>
        tpu.vector_store %arg16[%swap3A_100, %swap3A_101], %sub3A_99 {strides = array<i32>} : memref<8x128xf32, #tpu.memory_space<vmem>>, vector<1x128xf32>,
      } else {
      }
      %get3A = arith.index_cast %mul3A_0 : i32 to index
      %get3A_18 = arith.constant 0 : index
      %get3A_19 = vector.load %arg14[%get3A, %get3A_18] : memref<10000x128xf32, #tpu.memory_space<vmem>>, vector<2000x128xf32>
      %get3A_20 = arith.constant 0 : index
      %get3A_21 = arith.constant 0 : index
      %get3A_22 = vector.load %arg16[%get3A_20, %get3A_21] : memref<8x128xf32, #tpu.memory_space<vmem>>, vector<1x128xf32>
      %mul3A_23 = vector.broadcast %get3A_22 : vector<1x128xf32> to vector<2000x128xf32>
      %mul3A_24 = arith.mulf %get3A_19, %mul3A_23 : vector<2000x128xf32>
      %get3A_25 = arith.constant 1 : index
      %get3A_26 = arith.constant 0 : index
      %get3A_27 = vector.load %arg16[%get3A_25, %get3A_26] : memref<8x128xf32, #tpu.memory_space<vmem>>, vector<1x128xf32>
      %add3A = vector.broadcast %get3A_27 : vector<1x128xf32> to vector<2000x128xf32>
      %add3A_28 = arith.addf %mul3A_24, %add3A : vector<2000x128xf32>
      %get3A_29 = arith.constant 0 : index
      %get3A_30 = arith.constant 0 : index
      %get3A_31 = vector.load %arg9[%get3A_29, %get3A_30] : memref<512x128xf32, #tpu.memory_space<vmem>>, vector<512x128xf32>
      %dot_general3A = arith.constant dense<0.000000e+00> : vector<2000x512xf32>
      %dot_general3A_32 = tpu.matmul %add3A_28, %get3A_31, %dot_general3A {dimension_numbers = #tpu.dot_dimension_numbers<[1], [1], [0], [0], [0, 0, 1, 0], [], []>, transpose_lhs_hint = false} : vector<2000x128xf32>, vector<512x128xf32>, vector<2000x512xf32> -> vector<2000x512xf32>
      %get3A_33 = arith.constant 0 : index
      %get3A_34 = arith.constant 0 : index
      %get3A_35 = vector.load %arg10[%get3A_33, %get3A_34] : memref<1x512xf32, #tpu.memory_space<vmem>>, vector<1x512xf32>
      %add3A_36 = vector.broadcast %get3A_35 : vector<1x512xf32> to vector<2000x512xf32>
      %add3A_37 = arith.addf %dot_general3A_32, %add3A_36 : vector<2000x512xf32>
      %max3A = arith.constant 0.000000e+00 : f32
      %max3A_38 = vector.broadcast %max3A : f32 to vector<2000x512xf32>
      %max3A_39 = arith.maximumf %add3A_37, %max3A_38 : vector<2000x512xf32>
      %get3A_40 = arith.constant 0 : index
      %get3A_41 = arith.constant 0 : index
      %get3A_42 = vector.load %arg11[%get3A_40, %get3A_41] : memref<128x512xf32, #tpu.memory_space<vmem>>, vector<128x512xf32>
      %dot_general3A_43 = arith.constant dense<0.000000e+00> : vector<2000x128xf32>
      %dot_general3A_44 = tpu.matmul %max3A_39, %get3A_42, %dot_general3A_43 {dimension_numbers = #tpu.dot_dimension_numbers<[1], [1], [0], [0], [0, 0, 1, 0], [], []>, transpose_lhs_hint = false} : vector<2000x512xf32>, vector<128x512xf32>, vector<2000x128xf32> -> vector<2000x128xf32>
      %add3A_45 = arith.addf %add3A_28, %dot_general3A_44 : vector<2000x128xf32>
      %get3A_46 = arith.constant 0 : index
      %get3A_47 = arith.constant 0 : index
      %get3A_48 = vector.load %arg12[%get3A_46, %get3A_47] : memref<1x128xf32, #tpu.memory_space<vmem>>, vector<1x128xf32>
      %add3A_49 = vector.broadcast %get3A_48 : vector<1x128xf32> to vector<2000x128xf32>
      %add3A_50 = arith.addf %add3A_45, %add3A_49 : vector<2000x128xf32>
      %swap3A = arith.index_cast %mul3A_0 : i32 to index
      %swap3A_51 = arith.constant 0 : index
      %swap3A_52 = vector.load %arg14[%swap3A, %swap3A_51] : memref<10000x128xf32, #tpu.memory_space<vmem>>, vector<2000x128xf32>
      tpu.vector_store %arg14[%swap3A, %swap3A_51], %add3A_50 {strides = array<i32>} : memref<10000x128xf32, #tpu.memory_space<vmem>>, vector<2000x128xf32>,
      %get3A_53 = arith.constant 2 : index
      %get3A_54 = arith.constant 0 : index
      %get3A_55 = vector.load %arg15[%get3A_53, %get3A_54] : memref<8x128xf32, #tpu.memory_space<vmem>>, vector<1x128xf32>
      %reduce_sum3A = arith.constant dense<0.000000e+00> : vector<128xf32>
      %reduce_sum3A_56 = vector.multi_reduction <add>, %add3A_50, %reduce_sum3A [0] : vector<2000x128xf32> to vector<128xf32>
      %broadcast_in_dim3A = vector.shape_cast %reduce_sum3A_56 : vector<128xf32> to vector<1x128xf32>
      %add3A_57 = arith.addf %get3A_55, %broadcast_in_dim3A : vector<1x128xf32>
      %swap3A_58 = arith.constant 2 : index
      %swap3A_59 = arith.constant 0 : index
      %swap3A_60 = vector.load %arg15[%swap3A_58, %swap3A_59] : memref<8x128xf32, #tpu.memory_space<vmem>>, vector<1x128xf32>
      tpu.vector_store %arg15[%swap3A_58, %swap3A_59], %add3A_57 {strides = array<i32>} : memref<8x128xf32, #tpu.memory_space<vmem>>, vector<1x128xf32>,
      %get3A_61 = arith.constant 3 : index
      %get3A_62 = arith.constant 0 : index
      %get3A_63 = vector.load %arg15[%get3A_61, %get3A_62] : memref<8x128xf32, #tpu.memory_space<vmem>>, vector<1x128xf32>
      %mul3A_64 = arith.mulf %add3A_50, %add3A_50 : vector<2000x128xf32>
      %reduce_sum3A_65 = arith.constant dense<0.000000e+00> : vector<128xf32>
      %reduce_sum3A_66 = vector.multi_reduction <add>, %mul3A_64, %reduce_sum3A_65 [0] : vector<2000x128xf32> to vector<128xf32>
      %broadcast_in_dim3A_67 = vector.shape_cast %reduce_sum3A_66 : vector<128xf32> to vector<1x128xf32>
      %add3A_68 = arith.addf %get3A_63, %broadcast_in_dim3A_67 : vector<1x128xf32>
      %swap3A_69 = arith.constant 3 : index
      %swap3A_70 = arith.constant 0 : index
      %swap3A_71 = vector.load %arg15[%swap3A_69, %swap3A_70] : memref<8x128xf32, #tpu.memory_space<vmem>>, vector<1x128xf32>
      tpu.vector_store %arg15[%swap3A_69, %swap3A_70], %add3A_68 {strides = array<i32>} : memref<8x128xf32, #tpu.memory_space<vmem>>, vector<1x128xf32>,
    } else {
    }
    %eq3A_8 = arith.constant 2 : i32
    %eq3A_9 = arith.cmpi eq, %arg0, %eq3A_8 : i32
    %convert_element_type3A_10 = arith.extui %eq3A_9 : i1 to i32
    %cond3A_11 = arith.constant 0 : i32
    %cond3A_12 = arith.cmpi ne, %convert_element_type3A_10, %cond3A_11 : i32
    scf.if %cond3A_12 {
      %eq3A_13 = arith.constant 0 : i32
      %eq3A_14 = arith.cmpi eq, %arg1, %eq3A_13 : i32
      %convert_element_type3A_15 = arith.extui %eq3A_14 : i1 to i32
      %cond3A_16 = arith.constant 0 : i32
      %cond3A_17 = arith.cmpi ne, %convert_element_type3A_15, %cond3A_16 : i32
      scf.if %cond3A_17 {
        %get3A_31 = arith.constant 2 : index
        %get3A_32 = arith.constant 0 : index
        %get3A_33 = vector.load %arg15[%get3A_31, %get3A_32] : memref<8x128xf32, #tpu.memory_space<vmem>>, vector<1x128xf32>
        %mul3A_34 = arith.constant 9.99999974E-5 : f32
        %mul3A_35 = vector.broadcast %mul3A_34 : f32 to vector<1x128xf32>
        %mul3A_36 = arith.mulf %get3A_33, %mul3A_35 : vector<1x128xf32>
        %get3A_37 = arith.constant 3 : index
        %get3A_38 = arith.constant 0 : index
        %get3A_39 = vector.load %arg15[%get3A_37, %get3A_38] : memref<8x128xf32, #tpu.memory_space<vmem>>, vector<1x128xf32>
        %mul3A_40 = arith.constant 9.99999974E-5 : f32
        %mul3A_41 = vector.broadcast %mul3A_40 : f32 to vector<1x128xf32>
        %mul3A_42 = arith.mulf %get3A_39, %mul3A_41 : vector<1x128xf32>
        %mul3A_43 = arith.mulf %mul3A_36, %mul3A_36 : vector<1x128xf32>
        %sub3A = arith.subf %mul3A_42, %mul3A_43 : vector<1x128xf32>
        %get3A_44 = arith.constant 0 : index
        %get3A_45 = arith.constant 0 : index
        %get3A_46 = vector.load %arg7[%get3A_44, %get3A_45] : memref<1x128xf32, #tpu.memory_space<vmem>>, vector<1x128xf32>
        %add3A_47 = arith.constant 9.99999974E-6 : f32
        %add3A_48 = vector.broadcast %add3A_47 : f32 to vector<1x128xf32>
        %add3A_49 = arith.addf %sub3A, %add3A_48 : vector<1x128xf32>
        %rsqrt3A = math.rsqrt %add3A_49 : vector<1x128xf32>
        %mul3A_50 = arith.mulf %get3A_46, %rsqrt3A : vector<1x128xf32>
        %swap3A_51 = arith.constant 2 : index
        %swap3A_52 = arith.constant 0 : index
        %swap3A_53 = vector.load %arg16[%swap3A_51, %swap3A_52] : memref<8x128xf32, #tpu.memory_space<vmem>>, vector<1x128xf32>
        tpu.vector_store %arg16[%swap3A_51, %swap3A_52], %mul3A_50 {strides = array<i32>} : memref<8x128xf32, #tpu.memory_space<vmem>>, vector<1x128xf32>,
        %get3A_54 = arith.constant 0 : index
        %get3A_55 = arith.constant 0 : index
        %get3A_56 = vector.load %arg8[%get3A_54, %get3A_55] : memref<1x128xf32, #tpu.memory_space<vmem>>, vector<1x128xf32>
        %mul3A_57 = arith.mulf %mul3A_36, %mul3A_50 : vector<1x128xf32>
        %sub3A_58 = arith.subf %get3A_56, %mul3A_57 : vector<1x128xf32>
        %swap3A_59 = arith.constant 3 : index
        %swap3A_60 = arith.constant 0 : index
        %swap3A_61 = vector.load %arg16[%swap3A_59, %swap3A_60] : memref<8x128xf32, #tpu.memory_space<vmem>>, vector<1x128xf32>
        tpu.vector_store %arg16[%swap3A_59, %swap3A_60], %sub3A_58 {strides = array<i32>} : memref<8x128xf32, #tpu.memory_space<vmem>>, vector<1x128xf32>,
      } else {
      }
      %get3A = arith.index_cast %mul3A_0 : i32 to index
      %get3A_18 = arith.constant 0 : index
      %get3A_19 = vector.load %arg14[%get3A, %get3A_18] : memref<10000x128xf32, #tpu.memory_space<vmem>>, vector<2000x128xf32>
      %get3A_20 = arith.constant 2 : index
      %get3A_21 = arith.constant 0 : index
      %get3A_22 = vector.load %arg16[%get3A_20, %get3A_21] : memref<8x128xf32, #tpu.memory_space<vmem>>, vector<1x128xf32>
      %mul3A_23 = vector.broadcast %get3A_22 : vector<1x128xf32> to vector<2000x128xf32>
      %mul3A_24 = arith.mulf %get3A_19, %mul3A_23 : vector<2000x128xf32>
      %get3A_25 = arith.constant 3 : index
      %get3A_26 = arith.constant 0 : index
      %get3A_27 = vector.load %arg16[%get3A_25, %get3A_26] : memref<8x128xf32, #tpu.memory_space<vmem>>, vector<1x128xf32>
      %add3A = vector.broadcast %get3A_27 : vector<1x128xf32> to vector<2000x128xf32>
      %add3A_28 = arith.addf %mul3A_24, %add3A : vector<2000x128xf32>
      %swap3A = arith.constant 0 : index
      %swap3A_29 = arith.constant 0 : index
      %swap3A_30 = vector.load %arg13[%swap3A, %swap3A_29] : memref<2000x128xf32, #tpu.memory_space<vmem>>, vector<2000x128xf32>
      tpu.vector_store %arg13[%swap3A, %swap3A_29], %add3A_28 {strides = array<i32>} : memref<2000x128xf32, #tpu.memory_space<vmem>>, vector<2000x128xf32>,
    } else {
    }
    return
  }
  func.func @transform_0(%arg0: i32, %arg1: i32) -> (i32, i32) {
    %eq3A = arith.constant 0 : i32
    %eq3A_0 = arith.cmpi eq, %arg0, %eq3A : i32
    %jit3A = arith.constant 0 : i32
    %select_n3A = arith.select %eq3A_0, %arg1, %jit3A : i32
    %c0_i32 = arith.constant 0 : i32
    %c0_i32_1 = arith.constant 0 : i32
    return %select_n3A, %c0_i32 : i32, i32
  }
  func.func @transform_1(%arg0: i32, %arg1: i32) -> (i32, i32, i32) {
    %eq3A = arith.constant 0 : i32
    %eq3A_0 = arith.cmpi eq, %arg0, %eq3A : i32
    %jit3A = arith.constant 0 : i32
    %select_n3A = arith.select %eq3A_0, %arg1, %jit3A : i32
    %c0_i32 = arith.constant 0 : i32
    %c0_i32_1 = arith.constant 0 : i32
    %c0_i32_2 = arith.constant 0 : i32
    return %c0_i32, %select_n3A, %c0_i32_1 : i32, i32, i32
  }
  func.func @transform_2(%arg0: i32, %arg1: i32) -> (i32, i32) {
    %eq3A = arith.constant 0 : i32
    %eq3A_0 = arith.cmpi eq, %arg0, %eq3A : i32
    %jit3A = arith.constant 0 : i32
    %select_n3A = arith.select %eq3A_0, %arg1, %jit3A : i32
    %c0_i32 = arith.constant 0 : i32
    %c0_i32_1 = arith.constant 0 : i32
    return %select_n3A, %c0_i32 : i32, i32
  }
  func.func @transform_3(%arg0: i32, %arg1: i32) -> (i32, i32) {
    %eq3A = arith.constant 0 : i32
    %eq3A_0 = arith.cmpi eq, %arg0, %eq3A : i32
    %jit3A = arith.constant 0 : i32
    %select_n3A = arith.select %eq3A_0, %arg1, %jit3A : i32
    %c0_i32 = arith.constant 0 : i32
    %c0_i32_1 = arith.constant 0 : i32
    return %select_n3A, %c0_i32 : i32, i32
  }
  func.func @transform_4(%arg0: i32, %arg1: i32) -> (i32, i32) {
    %c0_i32 = arith.constant 0 : i32
    %c0_i32_0 = arith.constant 0 : i32
    %c0_i32_1 = arith.constant 0 : i32
    return %c0_i32, %c0_i32_0 : i32, i32
  }
  func.func @transform_5(%arg0: i32, %arg1: i32) -> (i32, i32) {
    %c0_i32 = arith.constant 0 : i32
    %c0_i32_0 = arith.constant 0 : i32
    %c0_i32_1 = arith.constant 0 : i32
    return %c0_i32, %c0_i32_0 : i32, i32
  }
  func.func @transform_6(%arg0: i32, %arg1: i32) -> (i32, i32) {
    %c0_i32 = arith.constant 0 : i32
    %c0_i32_0 = arith.constant 0 : i32
    %c0_i32_1 = arith.constant 0 : i32
    return %c0_i32, %c0_i32_0 : i32, i32
  }
  func.func @transform_7(%arg0: i32, %arg1: i32) -> (i32, i32) {
    %c0_i32 = arith.constant 0 : i32
    %c0_i32_0 = arith.constant 0 : i32
    %c0_i32_1 = arith.constant 0 : i32
    return %c0_i32, %c0_i32_0 : i32, i32
  }
  func.func @transform_8(%arg0: i32, %arg1: i32) -> (i32, i32) {
    %c0_i32 = arith.constant 0 : i32
    %c0_i32_0 = arith.constant 0 : i32
    %c0_i32_1 = arith.constant 0 : i32
    return %c0_i32, %c0_i32_0 : i32, i32
  }
  func.func @transform_9(%arg0: i32, %arg1: i32) -> (i32, i32) {
    %c0_i32 = arith.constant 0 : i32
    %c0_i32_0 = arith.constant 0 : i32
    %c0_i32_1 = arith.constant 0 : i32
    return %c0_i32, %c0_i32_0 : i32, i32
  }
  func.func @transform_10(%arg0: i32, %arg1: i32) -> (i32, i32) {
    %c0_i32 = arith.constant 0 : i32
    %c0_i32_0 = arith.constant 0 : i32
    %c0_i32_1 = arith.constant 0 : i32
    return %c0_i32, %c0_i32_0 : i32, i32
  }
  func.func @transform_11(%arg0: i32, %arg1: i32) -> (i32, i32) {
    %eq3A = arith.constant 2 : i32
    %eq3A_0 = arith.cmpi eq, %arg0, %eq3A : i32
    %jit3A = arith.constant 0 : i32
    %select_n3A = arith.select %eq3A_0, %arg1, %jit3A : i32
    %c0_i32 = arith.constant 0 : i32
    %c0_i32_1 = arith.constant 0 : i32
    return %select_n3A, %c0_i32 : i32, i32
  }
}

</mosaic_0001>

<sc_bundles>
// kernel: kernel.6.cloned.1.call-start
scs
__scs_entry_jumppad:
0x0: {  	(pc) =	sbr.rel $0x88, $3  }
0x1: {  	(tag) =	ssettag $0x0;
	lr =	simm.s32 $0x1  }
0x2: {  	[smem:$0x3F97] =	sst lr;
	_ =	strace $0xD0000000  }
0x3: {  	_ = 	snop  }
0x4: {  	_ = 	snop  }
0x5: {  	_ = 	snop  }
0x6: {  	_ = 	snop  }
0x7: {  	_ = 	snop  }
__scs_overlays_trampoline_lowered:
0x8: {  	[smem:$0x3FA6] =	sst s0  }
0x9: {  	[smem:$0x3FA7] =	sst s1  }
0xa: {  	[smem:$0x3FA8] =	sst s2  }
0xb: {  	[smem:$0x3FA9] =	sst s3  }
0xc: {  	[smem:$0x3FAA] =	sst s4  }
0xd: {  	[smem:$0x3FAB] =	sst s5  }
0xe: {  	[smem:$0x3FAC] =	sst s6  }
0xf: {  	[smem:$0x3FAD] =	sst s7  }
0x10: {  	[smem:$0x3FAE] =	sst s8  }
0x11: {  	[smem:$0x3FAF] =	sst s9;
	s0 =	simm.s32 @!p0 $0x0  }
0x12: {  	s1 =	sld [smem:$0x3F95];
	s0 =	simm.s32 @p0 $0x1  }
0x13: {  	[smem:$0x3FB0] =	sst s0;
	s0 =	simm.s32 @!p1 $0x0  }
0x14: {  	s2 =	sld [smem:$0x3F94];
	s0 =	simm.s32 @p1 $0x1  }
0x15: {  	[smem:$0x3FB1] =	sst s0;
	s0 =	simm.s32 @!p2 $0x0  }
0x16: {  	s3 =	sld [smem:$0x3FDB];
	s0 =	simm.s32 @p2 $0x1  }
0x17: {  	s4 =	simm.s32 $0x1BF5;
	[smem:$0x3FB3] =	sst s0  }
0x18: {  	s0 =	sld [smem:$0x3F96];
	_ =	swait.ge [sflag:s4], $0x0  }
0x19: {  	s7 =	sld [smem:$0x3F97]  }
0x1a: {  	s8 =	sadd.s32 $0xFFFFE003, lr  }
0x1b: {  	s9 =	sadd.s32 $0xFFFFFEF7, lr;
	s5 =	simm.s32 $0xFFFFFFFF;
	p2 =	slt.u32 s8, $0xFFFFF086  }
0x1c: {  	p1 =	slt.u32 s9, $0xF7A;
	s5 =	simm.s32 @!p2 $0x0  }
0x1d: {  	s5 =	simm.s32 @p1 $0x1;
	p0 =	seq.s32 s7, s2  }
0x1e: {  	s7 =	smul.u32 @!p0 $0xF7A, s2;
	p2 =	seq.s32 @!p0 s5, $0x0  }
0x1f: {  	s9 =	smul.u32 $0xF7A, s1;
	s8 =	simm.s32 @!p0 $0x1BF5;
	p2 =	por !p2, p0  }
0x20: {  	[sflag:s8] =	ssyncset.s32 @!p0 $0xFFFFF086;
	s6 =	sadd.s32 @!p0 s3, s7;
	s7 =	simm.s32 @!p0 $0x108  }
0x21: {  	s3 =	sadd.s32 s3, s9;
	s6 =	sadd.s32 @!p0 $0x88, s6;
	s7 =	simm.s32 @p2 $0x1082  }
0x22: {  	[simem:s7], [sflag:s8] =	dma.local @!p0 [hbm:s6], $0xF7A  }
0x23: {  	s9 =	sor.u32 $0xD0000000, s2;
	s6 =	simm.s32 $0x108;
	_ =	swait.ge @!p0 [sflag:s8], $0x0  }
0x24: {  	s3 =	sadd.s32 $0x88, s3;
	s6 =	simm.s32 @!p1 $0x1082;
	[sflag:s4] =	ssyncset.s32 $0xFFFFF086  }
0x25: {  	[simem:s6], [sflag:s4] =	dma.local [hbm:s3], $0xF7A  }
0x26: {  	[smem:$0x3F97] =	sst s1;
	(tag) =	ssettag s2;
	_ =	strace s9  }
0x27: {  	s1 =	sld [smem:$0x3FA7]  }
0x28: {  	s2 =	sld [smem:$0x3FA8]  }
0x29: {  	s4 =	sld [smem:$0x3FAA]  }
0x2a: {  	p0 =	seq.s32 s5, $0x0;
	s5 =	sld [smem:$0x3FAB]  }
0x2b: {  	s6 =	sld [smem:$0x3FAC]  }
0x2c: {  	s7 =	sld [smem:$0x3FAD]  }
0x2d: {  	s3 =	simm.s32 $0x108;
	s8 =	sld [smem:$0x3FAE]  }
0x2e: {  	s3 =	simm.s32 @!p0 $0x1082;
	s9 =	sld [smem:$0x3FAF]  }
0x2f: {  	lr =	sadd.s32 s0, s3;
	s0 =	sld [smem:$0x3FA6]  }
0x30: {  	s3 =	sld [smem:$0x3FA9]  }
0x31: {  	[smem:$0x3FB2] =	sst s10  }
0x32: {  	s10 =	sld [smem:$0x3FB0];
	_ =	sdelay $0x3  }
0x33: {  	p0 =	seq.s32 s10, $0x1;
	s10 =	sld [smem:$0x3FB2];
	_ =	sdelay $0x3  }
0x34: {  	[smem:$0x3FB2] =	sst s10  }
0x35: {  	s10 =	sld [smem:$0x3FB1];
	_ =	sdelay $0x3  }
0x36: {  	p1 =	seq.s32 s10, $0x1;
	s10 =	sld [smem:$0x3FB2];
	_ =	sdelay $0x3  }
0x37: {  	[smem:$0x3FB2] =	sst s10  }
0x38: {  	s10 =	sld [smem:$0x3FB3]  }
0x39: {  	_ = 	snop;
	(pc) =	sbr.ind lr, $3  }
0x3a: {  	_ = 	snop  }
0x3b: {  	_ = 	snop  }
0x3c: {  	p2 =	seq.s32 s10, $0x1;
	s10 =	sld [smem:$0x3FB2]  }
0x3d: {  	_ =	shalt  }
0x3e: {  	_ =	shalt  }
0x3f: {  	_ =	shalt  }
0x40: {  	_ =	shalt  }
0x41: {  	_ =	shalt  }
0x42: {  	_ =	shalt  }
0x43: {  	_ =	shalt  }
0x44: {  	_ =	shalt  }
0x45: {  	_ =	shalt  }
0x46: {  	_ =	shalt  }
0x47: {  	_ =	shalt  }
0x48: {  	_ =	shalt  }
0x49: {  	_ =	shalt  }
0x4a: {  	_ =	shalt  }
0x4b: {  	_ =	shalt  }
0x4c: {  	_ =	shalt  }
0x4d: {  	_ =	shalt  }
0x4e: {  	_ =	shalt  }
0x4f: {  	_ =	shalt  }
0x50: {  	_ =	shalt  }
0x51: {  	_ =	shalt  }
0x52: {  	_ =	shalt  }
0x53: {  	_ =	shalt  }
0x54: {  	_ =	shalt  }
0x55: {  	_ =	shalt  }
0x56: {  	_ =	shalt  }
0x57: {  	_ =	shalt  }
0x58: {  	_ =	shalt  }
0x59: {  	_ =	shalt  }
0x5a: {  	_ =	shalt  }
0x5b: {  	_ =	shalt  }
0x5c: {  	_ =	shalt  }
0x5d: {  	_ =	shalt  }
0x5e: {  	_ =	shalt  }
0x5f: {  	_ =	shalt  }
0x60: {  	_ =	shalt  }
0x61: {  	_ =	shalt  }
0x62: {  	_ =	shalt  }
0x63: {  	_ =	shalt  }
0x64: {  	_ =	shalt  }
0x65: {  	_ =	shalt  }
0x66: {  	_ =	shalt  }
0x67: {  	_ =	shalt  }
0x68: {  	_ =	shalt  }
0x69: {  	_ =	shalt  }
0x6a: {  	_ =	shalt  }
0x6b: {  	_ =	shalt  }
0x6c: {  	_ =	shalt  }
0x6d: {  	_ =	shalt  }
0x6e: {  	_ =	shalt  }
0x6f: {  	_ =	shalt  }
0x70: {  	_ =	shalt  }
0x71: {  	_ =	shalt  }
0x72: {  	_ =	shalt  }
0x73: {  	_ =	shalt  }
0x74: {  	_ =	shalt  }
0x75: {  	_ =	shalt  }
0x76: {  	_ =	shalt  }
0x77: {  	_ =	shalt  }
0x78: {  	_ =	shalt  }
0x79: {  	_ =	shalt  }
0x7a: {  	_ =	shalt  }
0x7b: {  	_ =	shalt  }
0x7c: {  	_ =	shalt  }
0x7d: {  	_ =	shalt  }
0x7e: {  	_ =	shalt  }
0x7f: {  	_ =	shalt  }
0x80: {  	_ =	shalt  }
0x81: {  	_ =	shalt  }
0x82: {  	_ =	shalt  }
0x83: {  	_ =	shalt  }
0x84: {  	_ =	shalt  }
0x85: {  	_ =	shalt  }
0x86: {  	_ =	shalt  }
0x87: {  	_ =	shalt  }
.Lfunc_end0:
.L_simem_size_0:
called_computation_lowered:
.L_overlay_start_0:
0x88: {  	s2 =	sld [smem:$0x3FD9]  }
0x89: {  	s3 =	sld [smem:$0x3FFE];
	_ =	sdelay $0x1  }
0x8a: {  	s1 =	srdreg.scid  }
0x8b: {  	s0 =	sand.u32 $0x1, s1  }
0x8c: {  	s17 =	sshll.u32 s0, $0xA;
	s2 =	sadd.s32 s3, s2  }
0x8d: {  	s2 =	sadd.s32 s2, s17  }
0x8e: {  	[smem:$0x3FBE] =	sst s2  }
0x8f: {  	_ = 	snop  }
0x90: {  	s2 =	sld [smem:$0x3FD0];
	(tm) =	ssettm $0x1  }
0x91: {  	s18 =	sld [smem:$0x3FFB];
	_ =	sdelay $0x3  }
0x92: {  	_ =	strace s18  }
0x93: {  	s3 =	sld [smem:$0x3FFC];
	_ =	sdelay $0x3  }
0x94: {  	_ =	strace s3  }
0x95: {  	s3 =	sld [smem:$0x3FFD];
	_ =	sdelay $0x3  }
0x96: {  	_ =	strace s3  }
0x97: {  	_ =	strace $0x8FFFFFFF  }
0x98: {  	s19 =	sld [smem:$0x3FDB];
	_ =	sdelay $0x1  }
0x99: {  	s4 =	simm.s32 $_scs_section_size  }
0x9a: {  	s5 =	simm.s32 $_size__tile_overlayer_lowered;
	s6 =	simm.s32 $_tile_overlayer_lowered  }
0x9b: {  	s22 =	simm.s32 $0x1BFF;
	s21 =	sshll.u32 s6, $0x1;
	s3 =	sadd.s32 s4, s19  }
0x9c: {  	s7 =	simm.s32 $0x0;
	s20 =	sshll.u32 s5, $0x1;
	s5 =	sadd.s32 s21, s3  }
0x9d: {  	[timem:s7], [sflag:s22] =	dma.local [hbm:s5], s20  }
0x9e: {  	_ =	swait.ge [sflag:s22], s20  }
0x9f: {  	s4 =	ssub.s32 $0x0, s20;
	[sflag:s22] =	ssyncset.done $0x0  }
0xa0: {  	[sflag:s22] =	ssyncadd.s32 s4;
	_ =	sdelay $0x1  }
0xa1: {  	s23 =	simm.s32 $0x1B8B  }
0xa2: {  	_ =	swait.ge [sflag:s23], $0x1  }
0xa3: {  	[sflag:s23] =	ssyncset.done $0x0  }
0xa4: {  	s25 =	simm.s32 $0x1B8E;
	s24 =	sld [smem:$0x3FFE];
	[sflag:s23] =	ssyncadd.s32 $0xFFFFFFFF  }
0xa5: {  	s26 =	simm.s32 $execute0_lowered;
	[smem:$0x3FD2] =	sst s25  }
0xa6: {  	s5 =	sshll.u32 s26, $0x1;
	_ =	strace $0x80000046;
	[dreg:$0x1] =	wrdreg $0xFFFFFFFF  }
0xa7: {  	s28 =	simm.s32 $_size_execute0_lowered;
	s3 =	sadd.s32 s3, s5;
	[dreg:$0x0] =	wrdreg $0x0  }
0xa8: {  	s5 =	sshll.u32 s28, $0x1;
	[dreg:$0x2] =	wrdreg s3  }
0xa9: {  	[dreg:$0x3] =	wrdreg s5  }
0xaa: {  	[dreg:$0x4] =	wrdreg $0xC0  }
0xab: {  	_ =	task [dreg:s7], $0x5FFFF  }
0xac: {  	[dreg:$0x1] =	wrdreg $0xFFFFFFFF  }
0xad: {  	[dreg:$0x0] =	wrdreg $0x60  }
0xae: {  	[dreg:$0x2] =	wrdreg s2  }
0xaf: {  	[dreg:$0x3] =	wrdreg s24  }
0xb0: {  	[dreg:$0x4] =	wrdreg $0x37000  }
0xb1: {  	[dreg:$0x5] =	wrdreg $0x9  }
0xb2: {  	_ =	task.clear_ibuf [dreg:s7], $0x6FFFF;
	_ =	strace $0x90000046  }
0xb3: {  	s29 =	simm.s32 $0x9;
	_ =	strace $0x80000048  }
0xb4: {  	_ =	swait.ge [sflag:s29], $0x1  }
0xb5: {  	[sflag:s29] =	ssyncadd.s32 $0xFFFFFFFF  }
0xb6: {  	_ =	strace $0x90000048  }
0xb7: {  	_ =	sfence  }
0xb8: {  	s30 =	sld [smem:$0x0];
	_ =	sdelay $0x2  }
0xb9: {  	s31 =	sshll.u32 s1, $0xD;
	s1 =	sshrl.u32 s1, $0x2  }
0xba: {  	s3 =	sand.u32 $0x4000, s31;
	s1 =	sadd.s32 s1, s30  }
0xbb: {  	s0 =	sor.u32 s3, s0;
	s1 =	sshll.u32 s1, $0x11  }
0xbc: {  	s0 =	sor.u32 s1, s0  }
0xbd: {  	s0 =	sadd.s32 $0x8F2B, s0  }
0xbe: {  	[sflag:s0] =	ssyncadd.remote.s32 $0x1  }
0xbf: {  	_ =	sfence.sel $0xFFFF  }
0xc0: {  	[dreg:$0x0] =	wrdreg $0xFFFFFFFF;
	(pc) =	sbr.abs _section_cstart, $3  }
0xc1: {  	[dreg:$0x1] =	wrdreg $0xFFFFFFFF  }
0xc2: {  	_ =	task.clear_ibuf [dreg:s7], $0x2FFFF;
	_ =	strace $0x9FFFFFFF  }
0xc3: {  	(tm) =	ssettm $0x7FFFFFFF  }
tec
execute0_lowered:
.L_overlay_start_1:
0x0: {  	(tag) =	ssettag $0x1  }
0x1: {  	s7 =	rddreg [dreg:$0x0]  }
0x2: {  	s6 =	rddreg [dreg:$0x1]  }
0x3: {  	s1 =	rddreg [dreg:$0x2]  }
0x4: {  	s0 =	rddreg [dreg:$0x3]  }
0x5: {  	s3 =	simm.s32 $0x0;
	s5 =	srdreg.scid;
	s2 =	stileid.u32  }
0x6: {  	s13 =	simm.s32 $0x1;
	s14 =	simm.s32 $0x80;
	s15 =	simm.s32 $0x100  }
0x7: {  	s16 =	simm.s32 $0x0;
	s18 =	simm.s32 $0x64;
	[smem:$0x7FF] =	sst s3  }
0x8: {  	s4 =	sadd.s32 $0x2400, s6;
	s8 =	sand.u32 $0x1, s5;
	s9 =	smul.u32 $0x500, s2  }
0x9: {  	s5 =	sadd.s32 $0x2600, s6;
	s30 =	smul.u32 $0xA00, s2;
	_ =	strace $0x80000047  }
0xa: {  	s10 =	sshll.u32 s8, $0x7;
	s11 =	sshll.u32 s8, $0x4;
	s8 =	ssub.s32 $0x2, s8  }
0xb: {  	s9 =	sor.u32 s10, s9;
	s11 =	sor.u32 s2, s11;
	s31 =	sshrl.u32 s8, $0x1  }
0xc: {  	s10 =	sshrl.u32 s30, $0x2;
	s9 =	sshrl.u32 s9, $0x3;
	s11 =	smul.u32 $0x680, s11  }
0xd: {  	s12 =	ssub.s32 s8, s31;
	s9 =	sadd.s32 s9, s6;
	s6 =	sadd.s32 s10, s1  }
0xe: {  	s10 =	simm.s32 $0x3480;
	s7 =	sadd.s32 s7, s11;
	s8 =	sadd.s32 $0x2800, s9  }
0xf: {  	s9 =	smax.u32 s12, $0x1;
	s11 =	simm.s32 $0x2;
	s12 =	simm.s32 $0x3400  }
.LBB2_1:
0x10: {  	[tilespmem:s10], [sflag:$0x2] =	stream.linear.gather [hbm4b:s5+s3], $0x280, $0x38;
	[tilespmem:$0x3980] =	vst v63  }
0x11: {  	_ =	swait.ge [sflag:s11], $0x280  }
0x12: {  	[sflag:s11] =	ssyncset.done $0x0  }
0x13: {  	[sflag:s11] =	ssyncadd.s32 $0xFFFFFD80  }
0x14: {  	[spmem:s6] =	stream.linear.scatter [tilespmem:s10], [sflag:$0x2], $0x280, $0x38;
	[tilespmem:$0x3980] =	vst v63  }
0x15: {  	_ =	swait.ge [sflag:s11], $0x280  }
0x16: {  	[sflag:s11] =	ssyncset.done $0x0  }
0x17: {  	[sflag:s11] =	ssyncadd.s32 $0xFFFFFD80  }
0x18: {  	[tilespmem:s3], [sflag:$0x2] =	stream.linear.gather [hbm4b:s7+s3], $0x3200, $0x38;
	[tilespmem:$0x3980] =	vst v63  }
0x19: {  	_ =	swait.ge [sflag:s11], $0x3200  }
0x1a: {  	[sflag:s11] =	ssyncset.done $0x0  }
0x1b: {  	[sflag:s11] =	ssyncadd.s32 $0xFFFFCE00  }
0x1c: {  	[tilespmem:s12], [sflag:$0x2] =	stream.linear.gather [hbm4b:s4+s3], $0x64, $0x38;
	[tilespmem:$0x3980] =	vst v63  }
0x1d: {  	_ =	swait.ge [sflag:s11], $0x64  }
0x1e: {  	[sflag:s11] =	ssyncset.done $0x0  }
0x1f: {  	[sflag:s11] =	ssyncadd.s32 $0xFFFFFF9C  }
0x20: {  	s17 =	simm.s32 $0x200;
	s19 =	simm.s32 $0x0;
	[bflag:$0x0] =	sbarrier.arrive $0xFFFF  }
.LBB2_2:
0x21: {  	[spmem:s1] =	stream.indirect.scatter.add.f32 [tilespmem:s12], [sflag:$0x1], $0x1, s19, s18, $0xb8;
	[tilespmem:$0x3980] =	vst v63  }
0x22: {  	s19 =	smov.u32 s17;
	p0 =	sne.s32 s17, $0xC600  }
.Ltmp0:
0x23: {  	s17 =	sadd.s32 $0x200, s17;
	(pc) =	sbr.rel @p0 .LBB2_2-.Ltmp0, $2  }
0x24: {  	_ =	sdelay $0x2  }
0x25: {  	s19 =	sshra.s32 s19, $0x2  }
0x26: {  	[spmem:s1] =	stream.indirect.scatter.add.f32 [tilespmem:s12], [sflag:$0x1], $0x1, s19, s18, $0xb8;
	[tilespmem:$0x3980] =	vst v63  }
0x27: {  	_ =	swait.ge [sflag:s13], $0x64  }
0x28: {  	s17 =	simm.s32 $0x63;
	[sflag:s13] =	ssyncset.done $0x0  }
.LBB2_4:
0x29: {  	p0 =	sne.s32 s17, $0x1;
	s17 =	sadd.s32 $0xFFFFFFFF, s17;
	[sflag:s13] =	ssyncadd.s32 $0xFFFFFF9C  }
.Ltmp1:
0x2a: {  	(pc) =	sbr.rel @p0 .LBB2_4-.Ltmp1, $3  }
0x2b: {  	_ =	sdelay $0x1  }
0x2c: {  	_ =	swait.ge [sflag:s13], $0x64  }
0x2d: {  	[sflag:s13] =	ssyncset.done $0x0  }
0x2e: {  	[sflag:s13] =	ssyncadd.s32 $0xFFFFFF9C  }
0x2f: {  	[bflag:$0x0] =	sbarrier.arrive $0xFFFF  }
0x30: {  	[tilespmem:s10], [sflag:$0x2] =	stream.linear.gather [spmem:s6], $0x280, $0x38;
	[tilespmem:$0x3980] =	vst v63  }
0x31: {  	s16 =	sadd.s32 $0x1, s16;
	_ =	swait.ge [sflag:s11], $0x280  }
0x32: {  	p0 =	sne.s32 s16, s9;
	[sflag:s11] =	ssyncset.done $0x0  }
.Ltmp2:
0x33: {  	[sflag:s11] =	ssyncadd.s32 $0xFFFFFD80;
	(pc) =	sbr.rel @p0 .LBB2_1-.Ltmp2, $4  }
0x34: {  	[hbm4b:s8+s14] =	stream.strided.scatter [tilespmem:s10], [sflag:$0x2], $0x280, s15, s14, $0x38;
	[tilespmem:$0x3980] =	vst v63  }
0x35: {  	_ =	swait.ge [sflag:s11], $0x280  }
0x36: {  	[sflag:s11] =	ssyncset.done $0x0  }
0x37: {  	[sflag:s11] =	ssyncadd.s32 $0xFFFFFD80  }
0x38: {  	_ =	sfence.sel $0x180000  }
0x39: {  	[bflag:$0x0] =	sbarrier.arrive $0xFFFF  }
0x3a: {  	p0 =	sne.s32 s2, $0x0;
	_ =	strace $0x90000047  }
0x3b: {  	s0 =	sadd.s32 @!p0 $0x100000, s0;
	[bflag:$0x2] =	sbarrier.arrive $0xFFFF  }
0x3c: {  	[sflag:s0] =	ssyncadd.tile.s32 @!p0 $0x1;
	_ =	shalt  }
.Lfunc_end2:
_tile_overlayer_lowered:
.L_overlay_start_2:
0x3d: {  	(tag) =	ssettag $0x2  }
0x3e: {  	s0 =	rddreg [dreg:$0x0];
	s2 =	stileid.u32  }
0x3f: {  	s1 =	rddreg [dreg:$0x1];
	p0 =	sne.s32 s2, $0x0  }
0x40: {  	s3 =	rddreg [dreg:$0x2];
	[bflag:$0x3] =	sbarrier.arrive $0xFFFF;
	s2 =	simm.s32 @!p0 $0x1C02  }
0x41: {  	[timem:s3], [sflag:s2] =	dma.local @!p0 [hbm:s0], s1  }
0x42: {  	s0 =	simm.s32 @!p0 $0x2  }
0x43: {  	_ =	swait.ge @!p0 [sflag:s0], s1  }
0x44: {  	s1 =	ssub.s32 @!p0 $0x0, s1;
	[sflag:s0] =	ssyncset.done @!p0 $0x0  }
0x45: {  	[sflag:s0] =	ssyncadd.s32 @!p0 s1  }
0x46: {  	[bflag:$0x3] =	sbarrier.arrive $0xFFFF  }
0x47: {  	_ =	shalt  }

// kernel: kernel.9.cloned.1.call-start
scs
__scs_entry_jumppad:
0x0: {  	(pc) =	sbr.rel $0x88, $3  }
0x1: {  	(tag) =	ssettag $0x0;
	lr =	simm.s32 $0x1  }
0x2: {  	[smem:$0x3F97] =	sst lr;
	_ =	strace $0xD0000000  }
0x3: {  	_ = 	snop  }
0x4: {  	_ = 	snop  }
0x5: {  	_ = 	snop  }
0x6: {  	_ = 	snop  }
0x7: {  	_ = 	snop  }
__scs_overlays_trampoline_lowered:
0x8: {  	[smem:$0x3FA6] =	sst s0  }
0x9: {  	[smem:$0x3FA7] =	sst s1  }
0xa: {  	[smem:$0x3FA8] =	sst s2  }
0xb: {  	[smem:$0x3FA9] =	sst s3  }
0xc: {  	[smem:$0x3FAA] =	sst s4  }
0xd: {  	[smem:$0x3FAB] =	sst s5  }
0xe: {  	[smem:$0x3FAC] =	sst s6  }
0xf: {  	[smem:$0x3FAD] =	sst s7  }
0x10: {  	[smem:$0x3FAE] =	sst s8  }
0x11: {  	[smem:$0x3FAF] =	sst s9;
	s0 =	simm.s32 @!p0 $0x0  }
0x12: {  	s1 =	sld [smem:$0x3F95];
	s0 =	simm.s32 @p0 $0x1  }
0x13: {  	[smem:$0x3FB0] =	sst s0;
	s0 =	simm.s32 @!p1 $0x0  }
0x14: {  	s2 =	sld [smem:$0x3F94];
	s0 =	simm.s32 @p1 $0x1  }
0x15: {  	[smem:$0x3FB1] =	sst s0;
	s0 =	simm.s32 @!p2 $0x0  }
0x16: {  	s3 =	sld [smem:$0x3FDB];
	s0 =	simm.s32 @p2 $0x1  }
0x17: {  	s4 =	simm.s32 $0x1BF5;
	[smem:$0x3FB3] =	sst s0  }
0x18: {  	s0 =	sld [smem:$0x3F96];
	_ =	swait.ge [sflag:s4], $0x0  }
0x19: {  	s7 =	sld [smem:$0x3F97]  }
0x1a: {  	s8 =	sadd.s32 $0xFFFFE003, lr  }
0x1b: {  	s9 =	sadd.s32 $0xFFFFFEF7, lr;
	s5 =	simm.s32 $0xFFFFFFFF;
	p2 =	slt.u32 s8, $0xFFFFF086  }
0x1c: {  	p1 =	slt.u32 s9, $0xF7A;
	s5 =	simm.s32 @!p2 $0x0  }
0x1d: {  	s5 =	simm.s32 @p1 $0x1;
	p0 =	seq.s32 s7, s2  }
0x1e: {  	s7 =	smul.u32 @!p0 $0xF7A, s2;
	p2 =	seq.s32 @!p0 s5, $0x0  }
0x1f: {  	s9 =	smul.u32 $0xF7A, s1;
	s8 =	simm.s32 @!p0 $0x1BF5;
	p2 =	por !p2, p0  }
0x20: {  	[sflag:s8] =	ssyncset.s32 @!p0 $0xFFFFF086;
	s6 =	sadd.s32 @!p0 s3, s7;
	s7 =	simm.s32 @!p0 $0x108  }
0x21: {  	s3 =	sadd.s32 s3, s9;
	s6 =	sadd.s32 @!p0 $0x88, s6;
	s7 =	simm.s32 @p2 $0x1082  }
0x22: {  	[simem:s7], [sflag:s8] =	dma.local @!p0 [hbm:s6], $0xF7A  }
0x23: {  	s9 =	sor.u32 $0xD0000000, s2;
	s6 =	simm.s32 $0x108;
	_ =	swait.ge @!p0 [sflag:s8], $0x0  }
0x24: {  	s3 =	sadd.s32 $0x88, s3;
	s6 =	simm.s32 @!p1 $0x1082;
	[sflag:s4] =	ssyncset.s32 $0xFFFFF086  }
0x25: {  	[simem:s6], [sflag:s4] =	dma.local [hbm:s3], $0xF7A  }
0x26: {  	[smem:$0x3F97] =	sst s1;
	(tag) =	ssettag s2;
	_ =	strace s9  }
0x27: {  	s1 =	sld [smem:$0x3FA7]  }
0x28: {  	s2 =	sld [smem:$0x3FA8]  }
0x29: {  	s4 =	sld [smem:$0x3FAA]  }
0x2a: {  	p0 =	seq.s32 s5, $0x0;
	s5 =	sld [smem:$0x3FAB]  }
0x2b: {  	s6 =	sld [smem:$0x3FAC]  }
0x2c: {  	s7 =	sld [smem:$0x3FAD]  }
0x2d: {  	s3 =	simm.s32 $0x108;
	s8 =	sld [smem:$0x3FAE]  }
0x2e: {  	s3 =	simm.s32 @!p0 $0x1082;
	s9 =	sld [smem:$0x3FAF]  }
0x2f: {  	lr =	sadd.s32 s0, s3;
	s0 =	sld [smem:$0x3FA6]  }
0x30: {  	s3 =	sld [smem:$0x3FA9]  }
0x31: {  	[smem:$0x3FB2] =	sst s10  }
0x32: {  	s10 =	sld [smem:$0x3FB0];
	_ =	sdelay $0x3  }
0x33: {  	p0 =	seq.s32 s10, $0x1;
	s10 =	sld [smem:$0x3FB2];
	_ =	sdelay $0x3  }
0x34: {  	[smem:$0x3FB2] =	sst s10  }
0x35: {  	s10 =	sld [smem:$0x3FB1];
	_ =	sdelay $0x3  }
0x36: {  	p1 =	seq.s32 s10, $0x1;
	s10 =	sld [smem:$0x3FB2];
	_ =	sdelay $0x3  }
0x37: {  	[smem:$0x3FB2] =	sst s10  }
0x38: {  	s10 =	sld [smem:$0x3FB3]  }
0x39: {  	_ = 	snop;
	(pc) =	sbr.ind lr, $3  }
0x3a: {  	_ = 	snop  }
0x3b: {  	_ = 	snop  }
0x3c: {  	p2 =	seq.s32 s10, $0x1;
	s10 =	sld [smem:$0x3FB2]  }
0x3d: {  	_ =	shalt  }
0x3e: {  	_ =	shalt  }
0x3f: {  	_ =	shalt  }
0x40: {  	_ =	shalt  }
0x41: {  	_ =	shalt  }
0x42: {  	_ =	shalt  }
0x43: {  	_ =	shalt  }
0x44: {  	_ =	shalt  }
0x45: {  	_ =	shalt  }
0x46: {  	_ =	shalt  }
0x47: {  	_ =	shalt  }
0x48: {  	_ =	shalt  }
0x49: {  	_ =	shalt  }
0x4a: {  	_ =	shalt  }
0x4b: {  	_ =	shalt  }
0x4c: {  	_ =	shalt  }
0x4d: {  	_ =	shalt  }
0x4e: {  	_ =	shalt  }
0x4f: {  	_ =	shalt  }
0x50: {  	_ =	shalt  }
0x51: {  	_ =	shalt  }
0x52: {  	_ =	shalt  }
0x53: {  	_ =	shalt  }
0x54: {  	_ =	shalt  }
0x55: {  	_ =	shalt  }
0x56: {  	_ =	shalt  }
0x57: {  	_ =	shalt  }
0x58: {  	_ =	shalt  }
0x59: {  	_ =	shalt  }
0x5a: {  	_ =	shalt  }
0x5b: {  	_ =	shalt  }
0x5c: {  	_ =	shalt  }
0x5d: {  	_ =	shalt  }
0x5e: {  	_ =	shalt  }
0x5f: {  	_ =	shalt  }
0x60: {  	_ =	shalt  }
0x61: {  	_ =	shalt  }
0x62: {  	_ =	shalt  }
0x63: {  	_ =	shalt  }
0x64: {  	_ =	shalt  }
0x65: {  	_ =	shalt  }
0x66: {  	_ =	shalt  }
0x67: {  	_ =	shalt  }
0x68: {  	_ =	shalt  }
0x69: {  	_ =	shalt  }
0x6a: {  	_ =	shalt  }
0x6b: {  	_ =	shalt  }
0x6c: {  	_ =	shalt  }
0x6d: {  	_ =	shalt  }
0x6e: {  	_ =	shalt  }
0x6f: {  	_ =	shalt  }
0x70: {  	_ =	shalt  }
0x71: {  	_ =	shalt  }
0x72: {  	_ =	shalt  }
0x73: {  	_ =	shalt  }
0x74: {  	_ =	shalt  }
0x75: {  	_ =	shalt  }
0x76: {  	_ =	shalt  }
0x77: {  	_ =	shalt  }
0x78: {  	_ =	shalt  }
0x79: {  	_ =	shalt  }
0x7a: {  	_ =	shalt  }
0x7b: {  	_ =	shalt  }
0x7c: {  	_ =	shalt  }
0x7d: {  	_ =	shalt  }
0x7e: {  	_ =	shalt  }
0x7f: {  	_ =	shalt  }
0x80: {  	_ =	shalt  }
0x81: {  	_ =	shalt  }
0x82: {  	_ =	shalt  }
0x83: {  	_ =	shalt  }
0x84: {  	_ =	shalt  }
0x85: {  	_ =	shalt  }
0x86: {  	_ =	shalt  }
0x87: {  	_ =	shalt  }
.Lfunc_end0:
.L_simem_size_0:
called_computation.1_lowered:
.L_overlay_start_0:
0x88: {  	s2 =	sld [smem:$0x3FD9]  }
0x89: {  	s3 =	sld [smem:$0x3FFE];
	_ =	sdelay $0x1  }
0x8a: {  	s1 =	srdreg.scid  }
0x8b: {  	s0 =	sand.u32 $0x1, s1  }
0x8c: {  	s17 =	sshll.u32 s0, $0xA;
	s2 =	sadd.s32 s3, s2  }
0x8d: {  	s2 =	sadd.s32 s2, s17  }
0x8e: {  	[smem:$0x3FBE] =	sst s2  }
0x8f: {  	_ = 	snop  }
0x90: {  	s2 =	sld [smem:$0x3FD0];
	(tm) =	ssettm $0x1  }
0x91: {  	s18 =	sld [smem:$0x3FFB];
	_ =	sdelay $0x3  }
0x92: {  	_ =	strace s18  }
0x93: {  	s3 =	sld [smem:$0x3FFC];
	_ =	sdelay $0x3  }
0x94: {  	_ =	strace s3  }
0x95: {  	s3 =	sld [smem:$0x3FFD];
	_ =	sdelay $0x3  }
0x96: {  	_ =	strace s3  }
0x97: {  	_ =	strace $0x8FFFFFFF  }
0x98: {  	s19 =	sld [smem:$0x3FDB];
	_ =	sdelay $0x1  }
0x99: {  	s4 =	simm.s32 $_scs_section_size  }
0x9a: {  	s5 =	simm.s32 $_size__tile_overlayer_lowered;
	s6 =	simm.s32 $_tile_overlayer_lowered  }
0x9b: {  	s22 =	simm.s32 $0x1BFF;
	s21 =	sshll.u32 s6, $0x1;
	s3 =	sadd.s32 s4, s19  }
0x9c: {  	s7 =	simm.s32 $0x0;
	s20 =	sshll.u32 s5, $0x1;
	s5 =	sadd.s32 s21, s3  }
0x9d: {  	[timem:s7], [sflag:s22] =	dma.local [hbm:s5], s20  }
0x9e: {  	_ =	swait.ge [sflag:s22], s20  }
0x9f: {  	s4 =	ssub.s32 $0x0, s20;
	[sflag:s22] =	ssyncset.done $0x0  }
0xa0: {  	[sflag:s22] =	ssyncadd.s32 s4;
	_ =	sdelay $0x1  }
0xa1: {  	s23 =	simm.s32 $0x1B8B  }
0xa2: {  	_ =	swait.ge [sflag:s23], $0x1  }
0xa3: {  	[sflag:s23] =	ssyncset.done $0x0  }
0xa4: {  	s25 =	simm.s32 $0x1B8E;
	s24 =	sld [smem:$0x3FFE];
	[sflag:s23] =	ssyncadd.s32 $0xFFFFFFFF  }
0xa5: {  	s26 =	simm.s32 $execute0_lowered;
	[smem:$0x3FD2] =	sst s25  }
0xa6: {  	s5 =	sshll.u32 s26, $0x1;
	_ =	strace $0x80000049;
	[dreg:$0x1] =	wrdreg $0xFFFFFFFF  }
0xa7: {  	s28 =	simm.s32 $_size_execute0_lowered;
	s3 =	sadd.s32 s3, s5;
	[dreg:$0x0] =	wrdreg $0x0  }
0xa8: {  	s5 =	sshll.u32 s28, $0x1;
	[dreg:$0x2] =	wrdreg s3  }
0xa9: {  	[dreg:$0x3] =	wrdreg s5  }
0xaa: {  	[dreg:$0x4] =	wrdreg $0xC0  }
0xab: {  	_ =	task [dreg:s7], $0x5FFFF  }
0xac: {  	[dreg:$0x1] =	wrdreg $0xFFFFFFFF  }
0xad: {  	[dreg:$0x0] =	wrdreg $0x60  }
0xae: {  	[dreg:$0x2] =	wrdreg s24  }
0xaf: {  	[dreg:$0x3] =	wrdreg s2  }
0xb0: {  	[dreg:$0x4] =	wrdreg $0x98000  }
0xb1: {  	[dreg:$0x5] =	wrdreg $0x9  }
0xb2: {  	_ =	task.clear_ibuf [dreg:s7], $0x6FFFF;
	_ =	strace $0x90000049  }
0xb3: {  	s29 =	simm.s32 $0x9;
	_ =	strace $0x8000004B  }
0xb4: {  	_ =	swait.ge [sflag:s29], $0x1  }
0xb5: {  	[sflag:s29] =	ssyncadd.s32 $0xFFFFFFFF  }
0xb6: {  	_ =	strace $0x9000004B  }
0xb7: {  	_ =	sfence  }
0xb8: {  	s30 =	sld [smem:$0x0];
	_ =	sdelay $0x2  }
0xb9: {  	s31 =	sshll.u32 s1, $0xD;
	s1 =	sshrl.u32 s1, $0x2  }
0xba: {  	s3 =	sand.u32 $0x4000, s31;
	s1 =	sadd.s32 s1, s30  }
0xbb: {  	s0 =	sor.u32 s3, s0;
	s1 =	sshll.u32 s1, $0x11  }
0xbc: {  	s0 =	sor.u32 s1, s0  }
0xbd: {  	s0 =	sadd.s32 $0x8F2B, s0  }
0xbe: {  	[sflag:s0] =	ssyncadd.remote.s32 $0x1  }
0xbf: {  	_ =	sfence.sel $0xFFFF  }
0xc0: {  	[dreg:$0x0] =	wrdreg $0xFFFFFFFF;
	(pc) =	sbr.abs _section_cstart, $3  }
0xc1: {  	[dreg:$0x1] =	wrdreg $0xFFFFFFFF  }
0xc2: {  	_ =	task.clear_ibuf [dreg:s7], $0x2FFFF;
	_ =	strace $0x9FFFFFFF  }
0xc3: {  	(tm) =	ssettm $0x7FFFFFFF  }
tec
execute0_lowered:
.L_overlay_start_1:
0x0: {  	(tag) =	ssettag $0x1  }
0x1: {  	s2 =	rddreg [dreg:$0x0]  }
0x2: {  	s0 =	srdreg.scid;
	s1 =	simm.s32 $0x0;
	s28 =	rddreg [dreg:$0x1]  }
0x3: {  	s23 =	stileid.u32;
	s29 =	rddreg [dreg:$0x2];
	s31 =	simm.s32 $0x7C00  }
0x4: {  	s13 =	sand.u32 $0x1, s0;
	[smem:$0x7FF] =	sst s1;
	s12 =	sadd.s32 $0x1C200, s2  }
0x5: {  	s18 =	smul.u32 $0x14000, s23;
	s0 =	ssub.s32 $0x2, s13;
	s24 =	sshll.u32 s13, $0x4  }
0x6: {  	s14 =	sadd.s32 $0x3200, s2;
	s3 =	sshrl.u32 s0, $0x1;
	s9 =	sor.u32 s23, s24  }
0x7: {  	s4 =	sor.u32 $0x2800, s18;
	s5 =	sor.u32 $0x3C00, s18;
	s6 =	sadd.s32 $0x5000, s18  }
0x8: {  	s7 =	sadd.s32 $0x6400, s18;
	s8 =	sadd.s32 $0x7800, s18;
	s11 =	smul.u32 $0x6400, s9  }
0x9: {  	s10 =	sadd.s32 $0xA000, s18;
	s30 =	sadd.s32 $0xF000, s18;
	s15 =	smul.u32 $0xC80, s9  }
0xa: {  	s0 =	ssub.s32 s0, s3;
	s3 =	sor.u32 $0x1400, s18;
	s9 =	sadd.s32 $0x8C00, s18  }
0xb: {  	s0 =	smax.u32 s0, $0x1;
	s16 =	sshrl.u32 s11, $0x3;
	s17 =	sadd.s32 s12, s15  }
0xc: {  	s15 =	sadd.s32 s14, s15;
	[dreg:$0x4] =	wrdreg s17;
	s25 =	sadd.s32 $0x280, s16  }
0xd: {  	s11 =	sadd.s32 $0xB400, s18;
	[dreg:$0x5] =	wrdreg s15;
	s26 =	sadd.s32 s12, s25  }
0xe: {  	s19 =	sadd.s32 $0x500, s16;
	s17 =	sadd.s32 s14, s25;
	[dreg:$0x6] =	wrdreg s26  }
0xf: {  	s21 =	sadd.s32 $0x780, s16;
	s20 =	sadd.s32 s12, s19;
	[dreg:$0x7] =	wrdreg s17  }
0x10: {  	s24 =	sadd.s32 $0xA00, s16;
	s15 =	sadd.s32 s14, s19;
	[dreg:$0x8] =	wrdreg s20  }
0x11: {  	s22 =	sadd.s32 s12, s21;
	s25 =	sadd.s32 s14, s21;
	[dreg:$0x9] =	wrdreg s15  }
0x12: {  	s12 =	sadd.s32 s12, s24;
	s19 =	smul.u32 $0x140000, s13;
	[dreg:$0xa] =	wrdreg s22  }
0x13: {  	s21 =	sadd.s32 $0x35200, s2;
	s2 =	sadd.s32 $0x2400, s2;
	[dreg:$0xb] =	wrdreg s25  }
0x14: {  	[dreg:$0xc] =	wrdreg s12;
	s26 =	sadd.s32 s14, s24;
	s12 =	sadd.s32 $0xC800, s18  }
0x15: {  	s24 =	sadd.s32 $0xDC00, s18;
	s25 =	sadd.s32 $0x10400, s18;
	s17 =	sadd.s32 $0x12C00, s18  }
0x16: {  	[dreg:$0xd] =	wrdreg s26;
	s26 =	sadd.s32 $0x11800, s18;
	s18 =	sadd.s32 s18, s19  }
0x17: {  	s20 =	sadd.s32 s19, s3;
	s15 =	sadd.s32 s19, s4;
	s16 =	sadd.s32 s19, s5  }
0x18: {  	s22 =	sadd.s32 s19, s6;
	s3 =	sadd.s32 s3, s29;
	s18 =	sshrl.u32 s18, $0x3  }
0x19: {  	s20 =	sshrl.u32 s20, $0x3;
	s22 =	sshrl.u32 s22, $0x3;
	s18 =	sadd.s32 s21, s18  }
0x1a: {  	s14 =	sadd.s32 s21, s20;
	s20 =	sshrl.u32 s16, $0x3;
	[dreg:$0xe] =	wrdreg s18  }
0x1b: {  	s13 =	sadd.s32 s21, s22;
	s16 =	sadd.s32 s19, s9;
	[dreg:$0xf] =	wrdreg s14  }
0x1c: {  	s18 =	sshrl.u32 s15, $0x3;
	[dreg:$0x12] =	wrdreg s13;
	s14 =	sadd.s32 s19, s7  }
0x1d: {  	s15 =	sadd.s32 s19, s8;
	s22 =	sshrl.u32 s16, $0x3;
	s16 =	sadd.s32 s19, s12  }
0x1e: {  	s18 =	sadd.s32 s21, s18;
	s13 =	sadd.s32 s21, s22;
	s22 =	sshrl.u32 s16, $0x3  }
0x1f: {  	s16 =	sadd.s32 s19, s25;
	[dreg:$0x10] =	wrdreg s18;
	s18 =	sadd.s32 s21, s20  }
0x20: {  	s20 =	sshrl.u32 s15, $0x3;
	[dreg:$0x15] =	wrdreg s13;
	s15 =	sadd.s32 s19, s11  }
0x21: {  	s13 =	sadd.s32 s21, s22;
	s11 =	sadd.s32 s11, s29;
	[dreg:$0x11] =	wrdreg s18  }
0x22: {  	s18 =	sshrl.u32 s14, $0x3;
	s14 =	sadd.s32 s19, s10;
	[dreg:$0x18] =	wrdreg s13  }
0x23: {  	s13 =	sshrl.u32 s16, $0x3;
	s16 =	smul.u32 $0x50000, s23;
	s18 =	sadd.s32 s21, s18  }
0x24: {  	s23 =	sadd.s32 s8, s29;
	[dreg:$0x13] =	wrdreg s18;
	s18 =	sadd.s32 s21, s20  }
0x25: {  	s20 =	sshrl.u32 s15, $0x3;
	s15 =	sadd.s32 s19, s30;
	s22 =	sshrl.u32 s16, $0x2  }
0x26: {  	s16 =	sadd.s32 s6, s29;
	[dreg:$0x14] =	wrdreg s18;
	s18 =	sshrl.u32 s14, $0x3  }
0x27: {  	s6 =	sadd.s32 s26, s29;
	s14 =	sadd.s32 s19, s24;
	s18 =	sadd.s32 s21, s18  }
0x28: {  	[dreg:$0x16] =	wrdreg s18;
	s18 =	sadd.s32 s21, s20;
	s20 =	sshrl.u32 s15, $0x3  }
0x29: {  	s15 =	sadd.s32 s19, s26;
	s19 =	sadd.s32 s19, s17;
	s26 =	simm.s32 $0x2  }
0x2a: {  	[dreg:$0x17] =	wrdreg s18;
	s18 =	sshrl.u32 s14, $0x3;
	s14 =	sadd.s32 s21, s13  }
0x2b: {  	s19 =	sshrl.u32 s19, $0x3;
	s13 =	sadd.s32 s4, s29;
	s4 =	sadd.s32 s30, s29  }
0x2c: {  	s30 =	simm.s32 $0x1;
	s18 =	sadd.s32 s21, s18;
	[dreg:$0x1b] =	wrdreg s14  }
0x2d: {  	s14 =	sadd.s32 s5, s29;
	[dreg:$0x19] =	wrdreg s18;
	s18 =	sadd.s32 s21, s20  }
0x2e: {  	s5 =	sadd.s32 s25, s29;
	[dreg:$0x1a] =	wrdreg s18;
	s18 =	sshrl.u32 s15, $0x3  }
0x2f: {  	s25 =	simm.s32 $0x6000;
	s20 =	sadd.s32 s9, s29;
	s18 =	sadd.s32 s21, s18  }
0x30: {  	s15 =	sadd.s32 s7, s29;
	s21 =	sadd.s32 s21, s19;
	[dreg:$0x1c] =	wrdreg s18  }
0x31: {  	s7 =	simm.s32 $0x0;
	s19 =	simm.s32 $0x5;
	[dreg:$0x1d] =	wrdreg s21  }
0x32: {  	s18 =	simm.s32 $0x2800;
	_ =	strace $0x8000004A;
	[dreg:$0x1e] =	wrdreg s2  }
0x33: {  	s21 =	simm.s32 $0x32;
	s2 =	sadd.s32 s22, s29;
	[smem:$0x7F9] =	sst s0  }
0x34: {  	s22 =	sadd.s32 s10, s29;
	s10 =	smov.u32 s3;
	[dreg:$0x1f] =	wrdreg s16  }
0x35: {  	s3 =	sadd.s32 s24, s29;
	s24 =	sadd.s32 s17, s29;
	[smem:$0x7FA] =	sst s13  }
0x36: {  	s17 =	simm.s32 $0x3;
	s0 =	simm.s32 $0x4;
	[smem:$0x7FB] =	sst s10  }
0x37: {  	s9 =	smov.u32 s2;
	s2 =	sadd.s32 s12, s29;
	[smem:$0x7FD] =	sst s24  }
0x38: {  	s12 =	smov.u32 s23;
	s23 =	simm.s32 $0x4400;
	[smem:$0x7FC] =	sst s9  }
.LBB2_1:
0x39: {  	s8 =	rddreg [dreg:$0x1e]  }
0x3a: {  	[tilespmem:s18], [sflag:$0x5] =	stream.linear.gather [hbm4b:s8+s1], $0x1400, $0x38;
	[tilespmem:$0x1D800] =	vst v63  }
0x3b: {  	_ =	swait.ge [sflag:s19], $0x1400  }
0x3c: {  	[sflag:s19] =	ssyncset.done $0x0  }
0x3d: {  	[sflag:s19] =	ssyncadd.s32 $0xFFFFEC00  }
0x3e: {  	[spmem:s9] =	stream.linear.scatter [tilespmem:s18], [sflag:$0x5], $0x1400, $0x38;
	[tilespmem:$0x1D800] =	vst v63  }
0x3f: {  	_ =	swait.ge [sflag:s19], $0x1400  }
0x40: {  	[sflag:s19] =	ssyncset.done $0x0  }
0x41: {  	[sflag:s19] =	ssyncadd.s32 $0xFFFFEC00  }
0x42: {  	[spmem:s10] =	stream.linear.scatter [tilespmem:s18], [sflag:$0x5], $0x1400, $0x38;
	[tilespmem:$0x1D800] =	vst v63  }
0x43: {  	_ =	swait.ge [sflag:s19], $0x1400  }
0x44: {  	[sflag:s19] =	ssyncset.done $0x0  }
0x45: {  	[sflag:s19] =	ssyncadd.s32 $0xFFFFEC00  }
0x46: {  	[spmem:s13] =	stream.linear.scatter [tilespmem:s18], [sflag:$0x5], $0x1400, $0x38;
	[tilespmem:$0x1D800] =	vst v63  }
0x47: {  	_ =	swait.ge [sflag:s19], $0x1400  }
0x48: {  	[sflag:s19] =	ssyncset.done $0x0  }
0x49: {  	[sflag:s19] =	ssyncadd.s32 $0xFFFFEC00  }
0x4a: {  	[spmem:s14] =	stream.linear.scatter [tilespmem:s18], [sflag:$0x5], $0x1400, $0x38;
	[tilespmem:$0x1D800] =	vst v63  }
0x4b: {  	_ =	swait.ge [sflag:s19], $0x1400  }
0x4c: {  	[sflag:s19] =	ssyncset.done $0x0  }
0x4d: {  	[sflag:s19] =	ssyncadd.s32 $0xFFFFEC00  }
0x4e: {  	[spmem:s16] =	stream.linear.scatter [tilespmem:s18], [sflag:$0x5], $0x1400, $0x38;
	[tilespmem:$0x1D800] =	vst v63  }
0x4f: {  	_ =	swait.ge [sflag:s19], $0x1400  }
0x50: {  	[sflag:s19] =	ssyncset.done $0x0  }
0x51: {  	[sflag:s19] =	ssyncadd.s32 $0xFFFFEC00  }
0x52: {  	[spmem:s15] =	stream.linear.scatter [tilespmem:s18], [sflag:$0x5], $0x1400, $0x38;
	[tilespmem:$0x1D800] =	vst v63  }
0x53: {  	_ =	swait.ge [sflag:s19], $0x1400  }
0x54: {  	[sflag:s19] =	ssyncset.done $0x0  }
0x55: {  	[sflag:s19] =	ssyncadd.s32 $0xFFFFEC00  }
0x56: {  	[spmem:s12] =	stream.linear.scatter [tilespmem:s18], [sflag:$0x5], $0x1400, $0x38;
	[tilespmem:$0x1D800] =	vst v63  }
0x57: {  	_ =	swait.ge [sflag:s19], $0x1400  }
0x58: {  	[sflag:s19] =	ssyncset.done $0x0  }
0x59: {  	[sflag:s19] =	ssyncadd.s32 $0xFFFFEC00  }
0x5a: {  	[spmem:s20] =	stream.linear.scatter [tilespmem:s18], [sflag:$0x5], $0x1400, $0x38;
	[tilespmem:$0x1D800] =	vst v63  }
0x5b: {  	_ =	swait.ge [sflag:s19], $0x1400  }
0x5c: {  	[sflag:s19] =	ssyncset.done $0x0  }
0x5d: {  	[sflag:s19] =	ssyncadd.s32 $0xFFFFEC00  }
0x5e: {  	[spmem:s22] =	stream.linear.scatter [tilespmem:s18], [sflag:$0x5], $0x1400, $0x38;
	[tilespmem:$0x1D800] =	vst v63  }
0x5f: {  	_ =	swait.ge [sflag:s19], $0x1400  }
0x60: {  	[sflag:s19] =	ssyncset.done $0x0  }
0x61: {  	[sflag:s19] =	ssyncadd.s32 $0xFFFFEC00  }
0x62: {  	[spmem:s11] =	stream.linear.scatter [tilespmem:s18], [sflag:$0x5], $0x1400, $0x38;
	[tilespmem:$0x1D800] =	vst v63  }
0x63: {  	_ =	swait.ge [sflag:s19], $0x1400  }
0x64: {  	[sflag:s19] =	ssyncset.done $0x0  }
0x65: {  	[sflag:s19] =	ssyncadd.s32 $0xFFFFEC00  }
0x66: {  	[spmem:s2] =	stream.linear.scatter [tilespmem:s18], [sflag:$0x5], $0x1400, $0x38;
	[tilespmem:$0x1D800] =	vst v63  }
0x67: {  	_ =	swait.ge [sflag:s19], $0x1400  }
0x68: {  	[sflag:s19] =	ssyncset.done $0x0  }
0x69: {  	[sflag:s19] =	ssyncadd.s32 $0xFFFFEC00  }
0x6a: {  	[spmem:s3] =	stream.linear.scatter [tilespmem:s18], [sflag:$0x5], $0x1400, $0x38;
	[tilespmem:$0x1D800] =	vst v63  }
0x6b: {  	_ =	swait.ge [sflag:s19], $0x1400  }
0x6c: {  	[sflag:s19] =	ssyncset.done $0x0  }
0x6d: {  	[sflag:s19] =	ssyncadd.s32 $0xFFFFEC00  }
0x6e: {  	[spmem:s4] =	stream.linear.scatter [tilespmem:s18], [sflag:$0x5], $0x1400, $0x38;
	[tilespmem:$0x1D800] =	vst v63  }
0x6f: {  	_ =	swait.ge [sflag:s19], $0x1400  }
0x70: {  	[sflag:s19] =	ssyncset.done $0x0  }
0x71: {  	[sflag:s19] =	ssyncadd.s32 $0xFFFFEC00  }
0x72: {  	[spmem:s5] =	stream.linear.scatter [tilespmem:s18], [sflag:$0x5], $0x1400, $0x38;
	[tilespmem:$0x1D800] =	vst v63  }
0x73: {  	_ =	swait.ge [sflag:s19], $0x1400  }
0x74: {  	[sflag:s19] =	ssyncset.done $0x0  }
0x75: {  	[sflag:s19] =	ssyncadd.s32 $0xFFFFEC00  }
0x76: {  	[spmem:s6] =	stream.linear.scatter [tilespmem:s18], [sflag:$0x5], $0x1400, $0x38;
	[tilespmem:$0x1D800] =	vst v63  }
0x77: {  	_ =	swait.ge [sflag:s19], $0x1400  }
0x78: {  	[sflag:s19] =	ssyncset.done $0x0  }
0x79: {  	[sflag:s19] =	ssyncadd.s32 $0xFFFFEC00  }
0x7a: {  	[spmem:s24] =	stream.linear.scatter [tilespmem:s18], [sflag:$0x5], $0x1400, $0x38;
	[tilespmem:$0x1D800] =	vst v63  }
0x7b: {  	_ =	swait.ge [sflag:s19], $0x1400  }
0x7c: {  	[sflag:s19] =	ssyncset.done $0x0  }
0x7d: {  	[sflag:s19] =	ssyncadd.s32 $0xFFFFEC00  }
0x7e: {  	[bflag:$0x0] =	sbarrier.arrive $0xFFFF  }
0x7f: {  	s10 =	rddreg [dreg:$0x4]  }
0x80: {  	[tilespmem:s1], [sflag:$0x5] =	stream.linear.gather [hbm4b:s10+s1], $0x1400, $0x38;
	[tilespmem:$0x1D800] =	vst v63  }
0x81: {  	_ =	swait.ge [sflag:s19], $0x1400  }
0x82: {  	[sflag:s19] =	ssyncset.done $0x0  }
0x83: {  	s16 =	simm.s32 $0x1400;
	s13 =	rddreg [dreg:$0x5];
	[sflag:s19] =	ssyncadd.s32 $0xFFFFEC00  }
0x84: {  	[tilespmem:s16], [sflag:$0x5] =	stream.linear.gather [hbm4b:s13+s1], $0x1400, $0x38;
	[tilespmem:$0x1D800] =	vst v63  }
0x85: {  	_ =	swait.ge [sflag:s19], $0x1400  }
0x86: {  	[sflag:s19] =	ssyncset.done $0x0  }
0x87: {  	[sflag:s19] =	ssyncadd.s32 $0xFFFFEC00  }
0x88: {  	[tilespmem:s18], [sflag:$0x1] =	stream.indirect.gather [hbm4b:s28+s21], $0x80, s1, s21, $0xb8;
	[tilespmem:$0x1D800] =	vst v63  }
0x89: {  	s24 =	simm.s32 $0x80  }
0x8a: {  	[tilespmem:s23], [sflag:$0x2] =	stream.indirect.gather [hbm4b:s28+s21], $0x80, s24, s21, $0xb8;
	[tilespmem:$0x1D800] =	vst v63  }
0x8b: {  	s9 =	simm.s32 $0x100  }
0x8c: {  	[tilespmem:s25], [sflag:$0x3] =	stream.indirect.gather [hbm4b:s28+s21], $0x80, s9, s21, $0xb8;
	[tilespmem:$0x1D800] =	vst v63  }
0x8d: {  	_ =	swait.ge [sflag:s30], $0x1900  }
0x8e: {  	[sflag:s30] =	ssyncset.done $0x0  }
0x8f: {  	s10 =	simm.s32 $0x1400;
	[sflag:s30] =	ssyncadd.s32 $0xFFFFE700  }
0x90: {  	[spmem:s29] =	stream.indirect.scatter.add.f32 [tilespmem:s18], [sflag:$0x5], $0x80, s10, s21, $0xb8;
	[tilespmem:$0x1D800] =	vst v63  }
0x91: {  	_ =	swait.ge [sflag:s19], $0x1900  }
0x92: {  	[sflag:s19] =	ssyncset.done $0x0  }
0x93: {  	s13 =	simm.s32 $0x180;
	[sflag:s19] =	ssyncadd.s32 $0xFFFFE700  }
0x94: {  	[tilespmem:s31], [sflag:$0x4] =	stream.indirect.gather [hbm4b:s28+s21], $0x80, s13, s21, $0xb8;
	[tilespmem:$0x1D800] =	vst v63  }
0x95: {  	_ =	swait.ge [sflag:s26], $0x1900  }
0x96: {  	[sflag:s26] =	ssyncset.done $0x0  }
0x97: {  	s24 =	simm.s32 $0x1480;
	[sflag:s26] =	ssyncadd.s32 $0xFFFFE700  }
0x98: {  	[spmem:s29] =	stream.indirect.scatter.add.f32 [tilespmem:s23], [sflag:$0x5], $0x80, s24, s21, $0xb8;
	[tilespmem:$0x1D800] =	vst v63  }
0x99: {  	_ =	swait.ge [sflag:s19], $0x1900  }
0x9a: {  	[sflag:s19] =	ssyncset.done $0x0  }
0x9b: {  	s9 =	simm.s32 $0x200;
	[sflag:s19] =	ssyncadd.s32 $0xFFFFE700  }
0x9c: {  	[tilespmem:s18], [sflag:$0x1] =	stream.indirect.gather [hbm4b:s28+s21], $0x80, s9, s21, $0xb8;
	[tilespmem:$0x1D800] =	vst v63  }
0x9d: {  	_ =	swait.ge [sflag:s17], $0x1900  }
0x9e: {  	[sflag:s17] =	ssyncset.done $0x0  }
0x9f: {  	s10 =	simm.s32 $0x1500;
	[sflag:s17] =	ssyncadd.s32 $0xFFFFE700  }
0xa0: {  	[spmem:s29] =	stream.indirect.scatter.add.f32 [tilespmem:s25], [sflag:$0x5], $0x80, s10, s21, $0xb8;
	[tilespmem:$0x1D800] =	vst v63  }
0xa1: {  	_ =	swait.ge [sflag:s19], $0x1900  }
0xa2: {  	[sflag:s19] =	ssyncset.done $0x0  }
0xa3: {  	s13 =	simm.s32 $0x280;
	[sflag:s19] =	ssyncadd.s32 $0xFFFFE700  }
0xa4: {  	[tilespmem:s23], [sflag:$0x2] =	stream.indirect.gather [hbm4b:s28+s21], $0x80, s13, s21, $0xb8;
	[tilespmem:$0x1D800] =	vst v63  }
0xa5: {  	_ =	swait.ge [sflag:s0], $0x1900  }
0xa6: {  	[sflag:s0] =	ssyncset.done $0x0  }
0xa7: {  	s24 =	simm.s32 $0x1580;
	[sflag:s0] =	ssyncadd.s32 $0xFFFFE700  }
0xa8: {  	[spmem:s29] =	stream.indirect.scatter.add.f32 [tilespmem:s31], [sflag:$0x5], $0x80, s24, s21, $0xb8;
	[tilespmem:$0x1D800] =	vst v63  }
0xa9: {  	_ =	swait.ge [sflag:s19], $0x1900  }
0xaa: {  	s8 =	simm.s32 $0x800;
	[sflag:s19] =	ssyncset.done $0x0  }
0xab: {  	s9 =	simm.s32 $0x300;
	s13 =	smov.u32 s14;
	[sflag:s19] =	ssyncadd.s32 $0xFFFFE700  }
.LBB2_2:
0xac: {  	[tilespmem:s25], [sflag:$0x3] =	stream.indirect.gather [hbm4b:s28+s21], $0x80, s9, s21, $0xb8;
	[tilespmem:$0x1D800] =	vst v63  }
0xad: {  	s9 =	smov.u32 s8  }
0xae: {  	p0 =	sne.s32 s8, $0x4000;
	s8 =	sadd.s32 $0x800, s8;
	_ =	swait.ge [sflag:s30], $0x1900  }
0xaf: {  	s9 =	sshra.s32 s9, $0x2;
	[sflag:s30] =	ssyncset.done $0x0  }
0xb0: {  	s10 =	sadd.s32 $0x1400, s9;
	[sflag:s30] =	ssyncadd.s32 $0xFFFFE700  }
0xb1: {  	[spmem:s29] =	stream.indirect.scatter.add.f32 [tilespmem:s18], [sflag:$0x5], $0x80, s10, s21, $0xb8;
	[tilespmem:$0x1D800] =	vst v63  }
0xb2: {  	_ =	swait.ge [sflag:s19], $0x1900  }
0xb3: {  	[sflag:s19] =	ssyncset.done $0x0  }
0xb4: {  	s10 =	sadd.s32 $0x180, s9;
	[sflag:s19] =	ssyncadd.s32 $0xFFFFE700  }
0xb5: {  	[tilespmem:s31], [sflag:$0x4] =	stream.indirect.gather [hbm4b:s28+s21], $0x80, s10, s21, $0xb8;
	[tilespmem:$0x1D800] =	vst v63  }
0xb6: {  	_ =	swait.ge [sflag:s26], $0x1900  }
0xb7: {  	[sflag:s26] =	ssyncset.done $0x0  }
0xb8: {  	s10 =	sadd.s32 $0x1480, s9;
	[sflag:s26] =	ssyncadd.s32 $0xFFFFE700  }
0xb9: {  	[spmem:s29] =	stream.indirect.scatter.add.f32 [tilespmem:s23], [sflag:$0x5], $0x80, s10, s21, $0xb8;
	[tilespmem:$0x1D800] =	vst v63  }
0xba: {  	_ =	swait.ge [sflag:s19], $0x1900  }
0xbb: {  	[sflag:s19] =	ssyncset.done $0x0  }
0xbc: {  	s10 =	sadd.s32 $0x200, s9;
	[sflag:s19] =	ssyncadd.s32 $0xFFFFE700  }
0xbd: {  	[tilespmem:s18], [sflag:$0x1] =	stream.indirect.gather [hbm4b:s28+s21], $0x80, s10, s21, $0xb8;
	[tilespmem:$0x1D800] =	vst v63  }
0xbe: {  	_ =	swait.ge [sflag:s17], $0x1900  }
0xbf: {  	[sflag:s17] =	ssyncset.done $0x0  }
0xc0: {  	s10 =	sadd.s32 $0x1500, s9;
	[sflag:s17] =	ssyncadd.s32 $0xFFFFE700  }
0xc1: {  	[spmem:s29] =	stream.indirect.scatter.add.f32 [tilespmem:s25], [sflag:$0x5], $0x80, s10, s21, $0xb8;
	[tilespmem:$0x1D800] =	vst v63  }
0xc2: {  	_ =	swait.ge [sflag:s19], $0x1900  }
0xc3: {  	[sflag:s19] =	ssyncset.done $0x0  }
0xc4: {  	s10 =	sadd.s32 $0x280, s9;
	[sflag:s19] =	ssyncadd.s32 $0xFFFFE700  }
0xc5: {  	[tilespmem:s23], [sflag:$0x2] =	stream.indirect.gather [hbm4b:s28+s21], $0x80, s10, s21, $0xb8;
	[tilespmem:$0x1D800] =	vst v63  }
0xc6: {  	_ =	swait.ge [sflag:s0], $0x1900  }
0xc7: {  	[sflag:s0] =	ssyncset.done $0x0  }
.Ltmp0:
0xc8: {  	s10 =	sadd.s32 $0x1580, s9;
	[sflag:s0] =	ssyncadd.s32 $0xFFFFE700;
	(pc) =	sbr.rel @p0 .LBB2_2-.Ltmp0, $4  }
0xc9: {  	[spmem:s29] =	stream.indirect.scatter.add.f32 [tilespmem:s31], [sflag:$0x5], $0x80, s10, s21, $0xb8;
	[tilespmem:$0x1D800] =	vst v63  }
0xca: {  	_ =	swait.ge [sflag:s19], $0x1900  }
0xcb: {  	[sflag:s19] =	ssyncset.done $0x0  }
0xcc: {  	s9 =	sadd.s32 $0x300, s9;
	[sflag:s19] =	ssyncadd.s32 $0xFFFFE700  }
0xcd: {  	[tilespmem:s25], [sflag:$0x3] =	stream.indirect.gather [hbm4b:s28+s21], $0x80, s9, s21, $0xb8;
	[tilespmem:$0x1D800] =	vst v63  }
0xce: {  	_ =	swait.ge [sflag:s30], $0x1900  }
0xcf: {  	[sflag:s30] =	ssyncset.done $0x0  }
0xd0: {  	s8 =	simm.s32 $0x2600;
	[sflag:s30] =	ssyncadd.s32 $0xFFFFE700  }
0xd1: {  	[spmem:s29] =	stream.indirect.scatter.add.f32 [tilespmem:s18], [sflag:$0x5], $0x80, s8, s21, $0xb8;
	[tilespmem:$0x1D800] =	vst v63  }
0xd2: {  	_ =	swait.ge [sflag:s19], $0x1900  }
0xd3: {  	[sflag:s19] =	ssyncset.done $0x0  }
0xd4: {  	s10 =	simm.s32 $0x1380;
	[sflag:s19] =	ssyncadd.s32 $0xFFFFE700  }
0xd5: {  	[tilespmem:s31], [sflag:$0x4] =	stream.indirect.gather [hbm4b:s28+s21], $0x80, s10, s21, $0xb8;
	[tilespmem:$0x1D800] =	vst v63  }
0xd6: {  	_ =	swait.ge [sflag:s26], $0x1900  }
0xd7: {  	[sflag:s26] =	ssyncset.done $0x0  }
0xd8: {  	s14 =	simm.s32 $0x2680;
	[sflag:s26] =	ssyncadd.s32 $0xFFFFE700  }
0xd9: {  	[spmem:s29] =	stream.indirect.scatter.add.f32 [tilespmem:s23], [sflag:$0x5], $0x80, s14, s21, $0xb8;
	[tilespmem:$0x1D800] =	vst v63  }
0xda: {  	_ =	swait.ge [sflag:s19], $0x1900  }
0xdb: {  	[sflag:s19] =	ssyncset.done $0x0  }
0xdc: {  	[sflag:s19] =	ssyncadd.s32 $0xFFFFE700  }
0xdd: {  	_ =	swait.ge [sflag:s17], $0x1900  }
0xde: {  	[sflag:s17] =	ssyncset.done $0x0  }
0xdf: {  	s24 =	simm.s32 $0x2700;
	[sflag:s17] =	ssyncadd.s32 $0xFFFFE700  }
0xe0: {  	[spmem:s29] =	stream.indirect.scatter.add.f32 [tilespmem:s25], [sflag:$0x5], $0x80, s24, s21, $0xb8;
	[tilespmem:$0x1D800] =	vst v63  }
0xe1: {  	_ =	swait.ge [sflag:s19], $0x1900  }
0xe2: {  	[sflag:s19] =	ssyncset.done $0x0  }
0xe3: {  	[sflag:s19] =	ssyncadd.s32 $0xFFFFE700  }
0xe4: {  	_ =	swait.ge [sflag:s0], $0x1900  }
0xe5: {  	[sflag:s0] =	ssyncset.done $0x0  }
0xe6: {  	s9 =	simm.s32 $0x2780;
	[sflag:s0] =	ssyncadd.s32 $0xFFFFE700  }
0xe7: {  	[spmem:s29] =	stream.indirect.scatter.add.f32 [tilespmem:s31], [sflag:$0x5], $0x80, s9, s21, $0xb8;
	[tilespmem:$0x1D800] =	vst v63  }
0xe8: {  	_ =	swait.ge [sflag:s19], $0x1900  }
0xe9: {  	[sflag:s19] =	ssyncset.done $0x0  }
0xea: {  	s10 =	simm.s32 $0x0;
	s14 =	rddreg [dreg:$0x6];
	[sflag:s19] =	ssyncadd.s32 $0xFFFFE700  }
0xeb: {  	[tilespmem:s10], [sflag:$0x5] =	stream.linear.gather [hbm4b:s14+s10], $0x1400, $0x38;
	[tilespmem:$0x1D800] =	vst v63  }
0xec: {  	_ =	swait.ge [sflag:s19], $0x1400  }
0xed: {  	[sflag:s19] =	ssyncset.done $0x0  }
0xee: {  	s24 =	rddreg [dreg:$0x7];
	[sflag:s19] =	ssyncadd.s32 $0xFFFFEC00  }
0xef: {  	[tilespmem:s16], [sflag:$0x5] =	stream.linear.gather [hbm4b:s24+s10], $0x1400, $0x38;
	[tilespmem:$0x1D800] =	vst v63  }
0xf0: {  	_ =	swait.ge [sflag:s19], $0x1400  }
0xf1: {  	[sflag:s19] =	ssyncset.done $0x0  }
0xf2: {  	[sflag:s19] =	ssyncadd.s32 $0xFFFFEC00  }
0xf3: {  	[tilespmem:s18], [sflag:$0x1] =	stream.indirect.gather [hbm4b:s28+s21], $0x80, s10, s21, $0xb8;
	[tilespmem:$0x1D800] =	vst v63  }
0xf4: {  	s14 =	simm.s32 $0x80  }
0xf5: {  	[tilespmem:s23], [sflag:$0x2] =	stream.indirect.gather [hbm4b:s28+s21], $0x80, s14, s21, $0xb8;
	[tilespmem:$0x1D800] =	vst v63  }
0xf6: {  	s10 =	simm.s32 $0x100  }
0xf7: {  	[tilespmem:s25], [sflag:$0x3] =	stream.indirect.gather [hbm4b:s28+s21], $0x80, s10, s21, $0xb8;
	[tilespmem:$0x1D800] =	vst v63  }
0xf8: {  	_ =	swait.ge [sflag:s30], $0x1900  }
0xf9: {  	[sflag:s30] =	ssyncset.done $0x0  }
0xfa: {  	s24 =	simm.s32 $0x1400;
	[sflag:s30] =	ssyncadd.s32 $0xFFFFE700  }
0xfb: {  	[spmem:s29] =	stream.indirect.scatter.add.f32 [tilespmem:s18], [sflag:$0x5], $0x80, s24, s21, $0xb8;
	[tilespmem:$0x1D800] =	vst v63  }
0xfc: {  	_ =	swait.ge [sflag:s19], $0x1900  }
0xfd: {  	[sflag:s19] =	ssyncset.done $0x0  }
0xfe: {  	s9 =	simm.s32 $0x180;
	[sflag:s19] =	ssyncadd.s32 $0xFFFFE700  }
0xff: {  	[tilespmem:s31], [sflag:$0x4] =	stream.indirect.gather [hbm4b:s28+s21], $0x80, s9, s21, $0xb8;
	[tilespmem:$0x1D800] =	vst v63  }
0x100: {  	_ =	swait.ge [sflag:s26], $0x1900  }
0x101: {  	[sflag:s26] =	ssyncset.done $0x0  }
0x102: {  	s10 =	simm.s32 $0x1480;
	[sflag:s26] =	ssyncadd.s32 $0xFFFFE700  }
0x103: {  	[spmem:s29] =	stream.indirect.scatter.add.f32 [tilespmem:s23], [sflag:$0x5], $0x80, s10, s21, $0xb8;
	[tilespmem:$0x1D800] =	vst v63  }
0x104: {  	_ =	swait.ge [sflag:s19], $0x1900  }
0x105: {  	[sflag:s19] =	ssyncset.done $0x0  }
0x106: {  	s24 =	simm.s32 $0x200;
	[sflag:s19] =	ssyncadd.s32 $0xFFFFE700  }
0x107: {  	[tilespmem:s18], [sflag:$0x1] =	stream.indirect.gather [hbm4b:s28+s21], $0x80, s24, s21, $0xb8;
	[tilespmem:$0x1D800] =	vst v63  }
0x108: {  	_ =	swait.ge [sflag:s17], $0x1900  }
0x109: {  	[sflag:s17] =	ssyncset.done $0x0  }
0x10a: {  	s9 =	simm.s32 $0x1500;
	[sflag:s17] =	ssyncadd.s32 $0xFFFFE700  }
0x10b: {  	[spmem:s29] =	stream.indirect.scatter.add.f32 [tilespmem:s25], [sflag:$0x5], $0x80, s9, s21, $0xb8;
	[tilespmem:$0x1D800] =	vst v63  }
0x10c: {  	_ =	swait.ge [sflag:s19], $0x1900  }
0x10d: {  	[sflag:s19] =	ssyncset.done $0x0  }
0x10e: {  	s10 =	simm.s32 $0x280;
	[sflag:s19] =	ssyncadd.s32 $0xFFFFE700  }
0x10f: {  	[tilespmem:s23], [sflag:$0x2] =	stream.indirect.gather [hbm4b:s28+s21], $0x80, s10, s21, $0xb8;
	[tilespmem:$0x1D800] =	vst v63  }
0x110: {  	_ =	swait.ge [sflag:s0], $0x1900  }
0x111: {  	[sflag:s0] =	ssyncset.done $0x0  }
0x112: {  	s24 =	simm.s32 $0x1580;
	[sflag:s0] =	ssyncadd.s32 $0xFFFFE700  }
0x113: {  	[spmem:s29] =	stream.indirect.scatter.add.f32 [tilespmem:s31], [sflag:$0x5], $0x80, s24, s21, $0xb8;
	[tilespmem:$0x1D800] =	vst v63  }
0x114: {  	_ =	swait.ge [sflag:s19], $0x1900  }
0x115: {  	[sflag:s19] =	ssyncset.done $0x0  }
0x116: {  	s8 =	simm.s32 $0x800;
	s9 =	simm.s32 $0x300;
	[sflag:s19] =	ssyncadd.s32 $0xFFFFE700  }
.LBB2_4:
0x117: {  	[tilespmem:s25], [sflag:$0x3] =	stream.indirect.gather [hbm4b:s28+s21], $0x80, s9, s21, $0xb8;
	[tilespmem:$0x1D800] =	vst v63  }
0x118: {  	s9 =	smov.u32 s8  }
0x119: {  	p0 =	sne.s32 s8, $0x4000;
	s8 =	sadd.s32 $0x800, s8;
	_ =	swait.ge [sflag:s30], $0x1900  }
0x11a: {  	s9 =	sshra.s32 s9, $0x2;
	[sflag:s30] =	ssyncset.done $0x0  }
0x11b: {  	s10 =	sadd.s32 $0x1400, s9;
	[sflag:s30] =	ssyncadd.s32 $0xFFFFE700  }
0x11c: {  	[spmem:s29] =	stream.indirect.scatter.add.f32 [tilespmem:s18], [sflag:$0x5], $0x80, s10, s21, $0xb8;
	[tilespmem:$0x1D800] =	vst v63  }
0x11d: {  	_ =	swait.ge [sflag:s19], $0x1900  }
0x11e: {  	[sflag:s19] =	ssyncset.done $0x0  }
0x11f: {  	s10 =	sadd.s32 $0x180, s9;
	[sflag:s19] =	ssyncadd.s32 $0xFFFFE700  }
0x120: {  	[tilespmem:s31], [sflag:$0x4] =	stream.indirect.gather [hbm4b:s28+s21], $0x80, s10, s21, $0xb8;
	[tilespmem:$0x1D800] =	vst v63  }
0x121: {  	_ =	swait.ge [sflag:s26], $0x1900  }
0x122: {  	[sflag:s26] =	ssyncset.done $0x0  }
0x123: {  	s10 =	sadd.s32 $0x1480, s9;
	[sflag:s26] =	ssyncadd.s32 $0xFFFFE700  }
0x124: {  	[spmem:s29] =	stream.indirect.scatter.add.f32 [tilespmem:s23], [sflag:$0x5], $0x80, s10, s21, $0xb8;
	[tilespmem:$0x1D800] =	vst v63  }
0x125: {  	_ =	swait.ge [sflag:s19], $0x1900  }
0x126: {  	[sflag:s19] =	ssyncset.done $0x0  }
0x127: {  	s10 =	sadd.s32 $0x200, s9;
	[sflag:s19] =	ssyncadd.s32 $0xFFFFE700  }
0x128: {  	[tilespmem:s18], [sflag:$0x1] =	stream.indirect.gather [hbm4b:s28+s21], $0x80, s10, s21, $0xb8;
	[tilespmem:$0x1D800] =	vst v63  }
0x129: {  	_ =	swait.ge [sflag:s17], $0x1900  }
0x12a: {  	[sflag:s17] =	ssyncset.done $0x0  }
0x12b: {  	s10 =	sadd.s32 $0x1500, s9;
	[sflag:s17] =	ssyncadd.s32 $0xFFFFE700  }
0x12c: {  	[spmem:s29] =	stream.indirect.scatter.add.f32 [tilespmem:s25], [sflag:$0x5], $0x80, s10, s21, $0xb8;
	[tilespmem:$0x1D800] =	vst v63  }
0x12d: {  	_ =	swait.ge [sflag:s19], $0x1900  }
0x12e: {  	[sflag:s19] =	ssyncset.done $0x0  }
0x12f: {  	s10 =	sadd.s32 $0x280, s9;
	[sflag:s19] =	ssyncadd.s32 $0xFFFFE700  }
0x130: {  	[tilespmem:s23], [sflag:$0x2] =	stream.indirect.gather [hbm4b:s28+s21], $0x80, s10, s21, $0xb8;
	[tilespmem:$0x1D800] =	vst v63  }
0x131: {  	_ =	swait.ge [sflag:s0], $0x1900  }
0x132: {  	[sflag:s0] =	ssyncset.done $0x0  }
.Ltmp1:
0x133: {  	s10 =	sadd.s32 $0x1580, s9;
	[sflag:s0] =	ssyncadd.s32 $0xFFFFE700;
	(pc) =	sbr.rel @p0 .LBB2_4-.Ltmp1, $4  }
0x134: {  	[spmem:s29] =	stream.indirect.scatter.add.f32 [tilespmem:s31], [sflag:$0x5], $0x80, s10, s21, $0xb8;
	[tilespmem:$0x1D800] =	vst v63  }
0x135: {  	_ =	swait.ge [sflag:s19], $0x1900  }
0x136: {  	[sflag:s19] =	ssyncset.done $0x0  }
0x137: {  	s9 =	sadd.s32 $0x300, s9;
	[sflag:s19] =	ssyncadd.s32 $0xFFFFE700  }
0x138: {  	[tilespmem:s25], [sflag:$0x3] =	stream.indirect.gather [hbm4b:s28+s21], $0x80, s9, s21, $0xb8;
	[tilespmem:$0x1D800] =	vst v63  }
0x139: {  	_ =	swait.ge [sflag:s30], $0x1900  }
0x13a: {  	[sflag:s30] =	ssyncset.done $0x0  }
0x13b: {  	s8 =	simm.s32 $0x2600;
	[sflag:s30] =	ssyncadd.s32 $0xFFFFE700  }
0x13c: {  	[spmem:s29] =	stream.indirect.scatter.add.f32 [tilespmem:s18], [sflag:$0x5], $0x80, s8, s21, $0xb8;
	[tilespmem:$0x1D800] =	vst v63  }
0x13d: {  	_ =	swait.ge [sflag:s19], $0x1900  }
0x13e: {  	[sflag:s19] =	ssyncset.done $0x0  }
0x13f: {  	s9 =	simm.s32 $0x1380;
	[sflag:s19] =	ssyncadd.s32 $0xFFFFE700  }
0x140: {  	[tilespmem:s31], [sflag:$0x4] =	stream.indirect.gather [hbm4b:s28+s21], $0x80, s9, s21, $0xb8;
	[tilespmem:$0x1D800] =	vst v63  }
0x141: {  	_ =	swait.ge [sflag:s26], $0x1900  }
0x142: {  	[sflag:s26] =	ssyncset.done $0x0  }
0x143: {  	s10 =	simm.s32 $0x2680;
	[sflag:s26] =	ssyncadd.s32 $0xFFFFE700  }
0x144: {  	[spmem:s29] =	stream.indirect.scatter.add.f32 [tilespmem:s23], [sflag:$0x5], $0x80, s10, s21, $0xb8;
	[tilespmem:$0x1D800] =	vst v63  }
0x145: {  	_ =	swait.ge [sflag:s19], $0x1900  }
0x146: {  	[sflag:s19] =	ssyncset.done $0x0  }
0x147: {  	[sflag:s19] =	ssyncadd.s32 $0xFFFFE700  }
0x148: {  	_ =	swait.ge [sflag:s17], $0x1900  }
0x149: {  	[sflag:s17] =	ssyncset.done $0x0  }
0x14a: {  	s24 =	smov.u32 s11;
	s11 =	simm.s32 $0x2700;
	[sflag:s17] =	ssyncadd.s32 $0xFFFFE700  }
0x14b: {  	[spmem:s29] =	stream.indirect.scatter.add.f32 [tilespmem:s25], [sflag:$0x5], $0x80, s11, s21, $0xb8;
	[tilespmem:$0x1D800] =	vst v63  }
0x14c: {  	_ =	swait.ge [sflag:s19], $0x1900  }
0x14d: {  	[sflag:s19] =	ssyncset.done $0x0  }
0x14e: {  	[sflag:s19] =	ssyncadd.s32 $0xFFFFE700  }
0x14f: {  	_ =	swait.ge [sflag:s0], $0x1900  }
0x150: {  	[sflag:s0] =	ssyncset.done $0x0  }
0x151: {  	s9 =	simm.s32 $0x2780;
	[sflag:s0] =	ssyncadd.s32 $0xFFFFE700  }
0x152: {  	[spmem:s29] =	stream.indirect.scatter.add.f32 [tilespmem:s31], [sflag:$0x5], $0x80, s9, s21, $0xb8;
	[tilespmem:$0x1D800] =	vst v63  }
0x153: {  	_ =	swait.ge [sflag:s19], $0x1900  }
0x154: {  	[sflag:s19] =	ssyncset.done $0x0  }
0x155: {  	s8 =	simm.s32 $0x0;
	s10 =	rddreg [dreg:$0x8];
	[sflag:s19] =	ssyncadd.s32 $0xFFFFE700  }
0x156: {  	[tilespmem:s8], [sflag:$0x5] =	stream.linear.gather [hbm4b:s10+s8], $0x1400, $0x38;
	[tilespmem:$0x1D800] =	vst v63  }
0x157: {  	_ =	swait.ge [sflag:s19], $0x1400  }
0x158: {  	[sflag:s19] =	ssyncset.done $0x0  }
0x159: {  	s11 =	rddreg [dreg:$0x9];
	[sflag:s19] =	ssyncadd.s32 $0xFFFFEC00  }
0x15a: {  	[tilespmem:s16], [sflag:$0x5] =	stream.linear.gather [hbm4b:s11+s8], $0x1400, $0x38;
	[tilespmem:$0x1D800] =	vst v63  }
0x15b: {  	_ =	swait.ge [sflag:s19], $0x1400  }
0x15c: {  	[sflag:s19] =	ssyncset.done $0x0  }
0x15d: {  	[sflag:s19] =	ssyncadd.s32 $0xFFFFEC00  }
0x15e: {  	[tilespmem:s18], [sflag:$0x1] =	stream.indirect.gather [hbm4b:s28+s21], $0x80, s8, s21, $0xb8;
	[tilespmem:$0x1D800] =	vst v63  }
0x15f: {  	_ = 	snop  }
0x160: {  	[tilespmem:s23], [sflag:$0x2] =	stream.indirect.gather [hbm4b:s28+s21], $0x80, s14, s21, $0xb8;
	[tilespmem:$0x1D800] =	vst v63  }
0x161: {  	s10 =	simm.s32 $0x100  }
0x162: {  	[tilespmem:s25], [sflag:$0x3] =	stream.indirect.gather [hbm4b:s28+s21], $0x80, s10, s21, $0xb8;
	[tilespmem:$0x1D800] =	vst v63  }
0x163: {  	_ =	swait.ge [sflag:s30], $0x1900  }
0x164: {  	[sflag:s30] =	ssyncset.done $0x0  }
0x165: {  	s11 =	simm.s32 $0x1400;
	[sflag:s30] =	ssyncadd.s32 $0xFFFFE700  }
0x166: {  	[spmem:s29] =	stream.indirect.scatter.add.f32 [tilespmem:s18], [sflag:$0x5], $0x80, s11, s21, $0xb8;
	[tilespmem:$0x1D800] =	vst v63  }
0x167: {  	_ =	swait.ge [sflag:s19], $0x1900  }
0x168: {  	[sflag:s19] =	ssyncset.done $0x0  }
0x169: {  	s9 =	simm.s32 $0x180;
	[sflag:s19] =	ssyncadd.s32 $0xFFFFE700  }
0x16a: {  	[tilespmem:s31], [sflag:$0x4] =	stream.indirect.gather [hbm4b:s28+s21], $0x80, s9, s21, $0xb8;
	[tilespmem:$0x1D800] =	vst v63  }
0x16b: {  	_ =	swait.ge [sflag:s26], $0x1900  }
0x16c: {  	[sflag:s26] =	ssyncset.done $0x0  }
0x16d: {  	s10 =	simm.s32 $0x1480;
	[sflag:s26] =	ssyncadd.s32 $0xFFFFE700  }
0x16e: {  	[spmem:s29] =	stream.indirect.scatter.add.f32 [tilespmem:s23], [sflag:$0x5], $0x80, s10, s21, $0xb8;
	[tilespmem:$0x1D800] =	vst v63  }
0x16f: {  	_ =	swait.ge [sflag:s19], $0x1900  }
0x170: {  	[sflag:s19] =	ssyncset.done $0x0  }
0x171: {  	s11 =	simm.s32 $0x200;
	[sflag:s19] =	ssyncadd.s32 $0xFFFFE700  }
0x172: {  	[tilespmem:s18], [sflag:$0x1] =	stream.indirect.gather [hbm4b:s28+s21], $0x80, s11, s21, $0xb8;
	[tilespmem:$0x1D800] =	vst v63  }
0x173: {  	_ =	swait.ge [sflag:s17], $0x1900  }
0x174: {  	[sflag:s17] =	ssyncset.done $0x0  }
0x175: {  	s9 =	simm.s32 $0x1500;
	[sflag:s17] =	ssyncadd.s32 $0xFFFFE700  }
0x176: {  	[spmem:s29] =	stream.indirect.scatter.add.f32 [tilespmem:s25], [sflag:$0x5], $0x80, s9, s21, $0xb8;
	[tilespmem:$0x1D800] =	vst v63  }
0x177: {  	_ =	swait.ge [sflag:s19], $0x1900  }
0x178: {  	[sflag:s19] =	ssyncset.done $0x0  }
0x179: {  	s10 =	simm.s32 $0x280;
	[sflag:s19] =	ssyncadd.s32 $0xFFFFE700  }
0x17a: {  	[tilespmem:s23], [sflag:$0x2] =	stream.indirect.gather [hbm4b:s28+s21], $0x80, s10, s21, $0xb8;
	[tilespmem:$0x1D800] =	vst v63  }
0x17b: {  	_ =	swait.ge [sflag:s0], $0x1900  }
0x17c: {  	[sflag:s0] =	ssyncset.done $0x0  }
0x17d: {  	s11 =	simm.s32 $0x1580;
	[sflag:s0] =	ssyncadd.s32 $0xFFFFE700  }
0x17e: {  	[spmem:s29] =	stream.indirect.scatter.add.f32 [tilespmem:s31], [sflag:$0x5], $0x80, s11, s21, $0xb8;
	[tilespmem:$0x1D800] =	vst v63  }
0x17f: {  	_ =	swait.ge [sflag:s19], $0x1900  }
0x180: {  	[sflag:s19] =	ssyncset.done $0x0  }
0x181: {  	s8 =	simm.s32 $0x800;
	s9 =	simm.s32 $0x300;
	[sflag:s19] =	ssyncadd.s32 $0xFFFFE700  }
.LBB2_6:
0x182: {  	[tilespmem:s25], [sflag:$0x3] =	stream.indirect.gather [hbm4b:s28+s21], $0x80, s9, s21, $0xb8;
	[tilespmem:$0x1D800] =	vst v63  }
0x183: {  	s9 =	smov.u32 s8  }
0x184: {  	p0 =	sne.s32 s8, $0x4000;
	s8 =	sadd.s32 $0x800, s8;
	_ =	swait.ge [sflag:s30], $0x1900  }
0x185: {  	s9 =	sshra.s32 s9, $0x2;
	[sflag:s30] =	ssyncset.done $0x0  }
0x186: {  	s10 =	sadd.s32 $0x1400, s9;
	[sflag:s30] =	ssyncadd.s32 $0xFFFFE700  }
0x187: {  	[spmem:s29] =	stream.indirect.scatter.add.f32 [tilespmem:s18], [sflag:$0x5], $0x80, s10, s21, $0xb8;
	[tilespmem:$0x1D800] =	vst v63  }
0x188: {  	_ =	swait.ge [sflag:s19], $0x1900  }
0x189: {  	[sflag:s19] =	ssyncset.done $0x0  }
0x18a: {  	s10 =	sadd.s32 $0x180, s9;
	[sflag:s19] =	ssyncadd.s32 $0xFFFFE700  }
0x18b: {  	[tilespmem:s31], [sflag:$0x4] =	stream.indirect.gather [hbm4b:s28+s21], $0x80, s10, s21, $0xb8;
	[tilespmem:$0x1D800] =	vst v63  }
0x18c: {  	_ =	swait.ge [sflag:s26], $0x1900  }
0x18d: {  	[sflag:s26] =	ssyncset.done $0x0  }
0x18e: {  	s10 =	sadd.s32 $0x1480, s9;
	[sflag:s26] =	ssyncadd.s32 $0xFFFFE700  }
0x18f: {  	[spmem:s29] =	stream.indirect.scatter.add.f32 [tilespmem:s23], [sflag:$0x5], $0x80, s10, s21, $0xb8;
	[tilespmem:$0x1D800] =	vst v63  }
0x190: {  	_ =	swait.ge [sflag:s19], $0x1900  }
0x191: {  	[sflag:s19] =	ssyncset.done $0x0  }
0x192: {  	s10 =	sadd.s32 $0x200, s9;
	[sflag:s19] =	ssyncadd.s32 $0xFFFFE700  }
0x193: {  	[tilespmem:s18], [sflag:$0x1] =	stream.indirect.gather [hbm4b:s28+s21], $0x80, s10, s21, $0xb8;
	[tilespmem:$0x1D800] =	vst v63  }
0x194: {  	_ =	swait.ge [sflag:s17], $0x1900  }
0x195: {  	[sflag:s17] =	ssyncset.done $0x0  }
0x196: {  	s10 =	sadd.s32 $0x1500, s9;
	[sflag:s17] =	ssyncadd.s32 $0xFFFFE700  }
0x197: {  	[spmem:s29] =	stream.indirect.scatter.add.f32 [tilespmem:s25], [sflag:$0x5], $0x80, s10, s21, $0xb8;
	[tilespmem:$0x1D800] =	vst v63  }
0x198: {  	_ =	swait.ge [sflag:s19], $0x1900  }
0x199: {  	[sflag:s19] =	ssyncset.done $0x0  }
0x19a: {  	s10 =	sadd.s32 $0x280, s9;
	[sflag:s19] =	ssyncadd.s32 $0xFFFFE700  }
0x19b: {  	[tilespmem:s23], [sflag:$0x2] =	stream.indirect.gather [hbm4b:s28+s21], $0x80, s10, s21, $0xb8;
	[tilespmem:$0x1D800] =	vst v63  }
0x19c: {  	_ =	swait.ge [sflag:s0], $0x1900  }
0x19d: {  	[sflag:s0] =	ssyncset.done $0x0  }
.Ltmp2:
0x19e: {  	s10 =	sadd.s32 $0x1580, s9;
	[sflag:s0] =	ssyncadd.s32 $0xFFFFE700;
	(pc) =	sbr.rel @p0 .LBB2_6-.Ltmp2, $4  }
0x19f: {  	[spmem:s29] =	stream.indirect.scatter.add.f32 [tilespmem:s31], [sflag:$0x5], $0x80, s10, s21, $0xb8;
	[tilespmem:$0x1D800] =	vst v63  }
0x1a0: {  	_ =	swait.ge [sflag:s19], $0x1900  }
0x1a1: {  	[sflag:s19] =	ssyncset.done $0x0  }
0x1a2: {  	s9 =	sadd.s32 $0x300, s9;
	[sflag:s19] =	ssyncadd.s32 $0xFFFFE700  }
0x1a3: {  	[tilespmem:s25], [sflag:$0x3] =	stream.indirect.gather [hbm4b:s28+s21], $0x80, s9, s21, $0xb8;
	[tilespmem:$0x1D800] =	vst v63  }
0x1a4: {  	_ =	swait.ge [sflag:s30], $0x1900  }
0x1a5: {  	[sflag:s30] =	ssyncset.done $0x0  }
0x1a6: {  	s8 =	simm.s32 $0x2600;
	[sflag:s30] =	ssyncadd.s32 $0xFFFFE700  }
0x1a7: {  	[spmem:s29] =	stream.indirect.scatter.add.f32 [tilespmem:s18], [sflag:$0x5], $0x80, s8, s21, $0xb8;
	[tilespmem:$0x1D800] =	vst v63  }
0x1a8: {  	_ =	swait.ge [sflag:s19], $0x1900  }
0x1a9: {  	[sflag:s19] =	ssyncset.done $0x0  }
0x1aa: {  	s9 =	simm.s32 $0x1380;
	[sflag:s19] =	ssyncadd.s32 $0xFFFFE700  }
0x1ab: {  	[tilespmem:s31], [sflag:$0x4] =	stream.indirect.gather [hbm4b:s28+s21], $0x80, s9, s21, $0xb8;
	[tilespmem:$0x1D800] =	vst v63  }
0x1ac: {  	_ =	swait.ge [sflag:s26], $0x1900  }
0x1ad: {  	[sflag:s26] =	ssyncset.done $0x0  }
0x1ae: {  	s10 =	simm.s32 $0x2680;
	[sflag:s26] =	ssyncadd.s32 $0xFFFFE700  }
0x1af: {  	[spmem:s29] =	stream.indirect.scatter.add.f32 [tilespmem:s23], [sflag:$0x5], $0x80, s10, s21, $0xb8;
	[tilespmem:$0x1D800] =	vst v63  }
0x1b0: {  	_ =	swait.ge [sflag:s19], $0x1900  }
0x1b1: {  	[sflag:s19] =	ssyncset.done $0x0  }
0x1b2: {  	[sflag:s19] =	ssyncadd.s32 $0xFFFFE700  }
0x1b3: {  	_ =	swait.ge [sflag:s17], $0x1900  }
0x1b4: {  	[sflag:s17] =	ssyncset.done $0x0  }
0x1b5: {  	s11 =	smov.u32 s12;
	s12 =	simm.s32 $0x2700;
	[sflag:s17] =	ssyncadd.s32 $0xFFFFE700  }
0x1b6: {  	[spmem:s29] =	stream.indirect.scatter.add.f32 [tilespmem:s25], [sflag:$0x5], $0x80, s12, s21, $0xb8;
	[tilespmem:$0x1D800] =	vst v63  }
0x1b7: {  	_ =	swait.ge [sflag:s19], $0x1900  }
0x1b8: {  	[sflag:s19] =	ssyncset.done $0x0  }
0x1b9: {  	[sflag:s19] =	ssyncadd.s32 $0xFFFFE700  }
0x1ba: {  	_ =	swait.ge [sflag:s0], $0x1900  }
0x1bb: {  	[sflag:s0] =	ssyncset.done $0x0  }
0x1bc: {  	s9 =	simm.s32 $0x2780;
	[sflag:s0] =	ssyncadd.s32 $0xFFFFE700  }
0x1bd: {  	[spmem:s29] =	stream.indirect.scatter.add.f32 [tilespmem:s31], [sflag:$0x5], $0x80, s9, s21, $0xb8;
	[tilespmem:$0x1D800] =	vst v63  }
0x1be: {  	_ =	swait.ge [sflag:s19], $0x1900  }
0x1bf: {  	[sflag:s19] =	ssyncset.done $0x0  }
0x1c0: {  	s8 =	simm.s32 $0x0;
	s10 =	rddreg [dreg:$0xa];
	[sflag:s19] =	ssyncadd.s32 $0xFFFFE700  }
0x1c1: {  	[tilespmem:s8], [sflag:$0x5] =	stream.linear.gather [hbm4b:s10+s8], $0x1400, $0x38;
	[tilespmem:$0x1D800] =	vst v63  }
0x1c2: {  	_ =	swait.ge [sflag:s19], $0x1400  }
0x1c3: {  	[sflag:s19] =	ssyncset.done $0x0  }
0x1c4: {  	s12 =	rddreg [dreg:$0xb];
	[sflag:s19] =	ssyncadd.s32 $0xFFFFEC00  }
0x1c5: {  	[tilespmem:s16], [sflag:$0x5] =	stream.linear.gather [hbm4b:s12+s8], $0x1400, $0x38;
	[tilespmem:$0x1D800] =	vst v63  }
0x1c6: {  	_ =	swait.ge [sflag:s19], $0x1400  }
0x1c7: {  	[sflag:s19] =	ssyncset.done $0x0  }
0x1c8: {  	[sflag:s19] =	ssyncadd.s32 $0xFFFFEC00  }
0x1c9: {  	[tilespmem:s18], [sflag:$0x1] =	stream.indirect.gather [hbm4b:s28+s21], $0x80, s8, s21, $0xb8;
	[tilespmem:$0x1D800] =	vst v63  }
0x1ca: {  	_ = 	snop  }
0x1cb: {  	[tilespmem:s23], [sflag:$0x2] =	stream.indirect.gather [hbm4b:s28+s21], $0x80, s14, s21, $0xb8;
	[tilespmem:$0x1D800] =	vst v63  }
0x1cc: {  	s10 =	simm.s32 $0x100  }
0x1cd: {  	[tilespmem:s25], [sflag:$0x3] =	stream.indirect.gather [hbm4b:s28+s21], $0x80, s10, s21, $0xb8;
	[tilespmem:$0x1D800] =	vst v63  }
0x1ce: {  	_ =	swait.ge [sflag:s30], $0x1900  }
0x1cf: {  	[sflag:s30] =	ssyncset.done $0x0  }
0x1d0: {  	s12 =	simm.s32 $0x1400;
	[sflag:s30] =	ssyncadd.s32 $0xFFFFE700  }
0x1d1: {  	[spmem:s29] =	stream.indirect.scatter.add.f32 [tilespmem:s18], [sflag:$0x5], $0x80, s12, s21, $0xb8;
	[tilespmem:$0x1D800] =	vst v63  }
0x1d2: {  	_ =	swait.ge [sflag:s19], $0x1900  }
0x1d3: {  	[sflag:s19] =	ssyncset.done $0x0  }
0x1d4: {  	s9 =	simm.s32 $0x180;
	[sflag:s19] =	ssyncadd.s32 $0xFFFFE700  }
0x1d5: {  	[tilespmem:s31], [sflag:$0x4] =	stream.indirect.gather [hbm4b:s28+s21], $0x80, s9, s21, $0xb8;
	[tilespmem:$0x1D800] =	vst v63  }
0x1d6: {  	_ =	swait.ge [sflag:s26], $0x1900  }
0x1d7: {  	[sflag:s26] =	ssyncset.done $0x0  }
0x1d8: {  	s10 =	simm.s32 $0x1480;
	[sflag:s26] =	ssyncadd.s32 $0xFFFFE700  }
0x1d9: {  	[spmem:s29] =	stream.indirect.scatter.add.f32 [tilespmem:s23], [sflag:$0x5], $0x80, s10, s21, $0xb8;
	[tilespmem:$0x1D800] =	vst v63  }
0x1da: {  	_ =	swait.ge [sflag:s19], $0x1900  }
0x1db: {  	[sflag:s19] =	ssyncset.done $0x0  }
0x1dc: {  	s12 =	simm.s32 $0x200;
	[sflag:s19] =	ssyncadd.s32 $0xFFFFE700  }
0x1dd: {  	[tilespmem:s18], [sflag:$0x1] =	stream.indirect.gather [hbm4b:s28+s21], $0x80, s12, s21, $0xb8;
	[tilespmem:$0x1D800] =	vst v63  }
0x1de: {  	_ =	swait.ge [sflag:s17], $0x1900  }
0x1df: {  	[sflag:s17] =	ssyncset.done $0x0  }
0x1e0: {  	s9 =	simm.s32 $0x1500;
	[sflag:s17] =	ssyncadd.s32 $0xFFFFE700  }
0x1e1: {  	[spmem:s29] =	stream.indirect.scatter.add.f32 [tilespmem:s25], [sflag:$0x5], $0x80, s9, s21, $0xb8;
	[tilespmem:$0x1D800] =	vst v63  }
0x1e2: {  	_ =	swait.ge [sflag:s19], $0x1900  }
0x1e3: {  	[sflag:s19] =	ssyncset.done $0x0  }
0x1e4: {  	s10 =	simm.s32 $0x280;
	[sflag:s19] =	ssyncadd.s32 $0xFFFFE700  }
0x1e5: {  	[tilespmem:s23], [sflag:$0x2] =	stream.indirect.gather [hbm4b:s28+s21], $0x80, s10, s21, $0xb8;
	[tilespmem:$0x1D800] =	vst v63  }
0x1e6: {  	_ =	swait.ge [sflag:s0], $0x1900  }
0x1e7: {  	[sflag:s0] =	ssyncset.done $0x0  }
0x1e8: {  	s12 =	simm.s32 $0x1580;
	[sflag:s0] =	ssyncadd.s32 $0xFFFFE700  }
0x1e9: {  	[spmem:s29] =	stream.indirect.scatter.add.f32 [tilespmem:s31], [sflag:$0x5], $0x80, s12, s21, $0xb8;
	[tilespmem:$0x1D800] =	vst v63  }
0x1ea: {  	_ =	swait.ge [sflag:s19], $0x1900  }
0x1eb: {  	[sflag:s19] =	ssyncset.done $0x0  }
0x1ec: {  	s8 =	simm.s32 $0x800;
	s9 =	simm.s32 $0x300;
	[sflag:s19] =	ssyncadd.s32 $0xFFFFE700  }
.LBB2_8:
0x1ed: {  	[tilespmem:s25], [sflag:$0x3] =	stream.indirect.gather [hbm4b:s28+s21], $0x80, s9, s21, $0xb8;
	[tilespmem:$0x1D800] =	vst v63  }
0x1ee: {  	s9 =	smov.u32 s8  }
0x1ef: {  	p0 =	sne.s32 s8, $0x4000;
	s8 =	sadd.s32 $0x800, s8;
	_ =	swait.ge [sflag:s30], $0x1900  }
0x1f0: {  	s9 =	sshra.s32 s9, $0x2;
	[sflag:s30] =	ssyncset.done $0x0  }
0x1f1: {  	s10 =	sadd.s32 $0x1400, s9;
	[sflag:s30] =	ssyncadd.s32 $0xFFFFE700  }
0x1f2: {  	[spmem:s29] =	stream.indirect.scatter.add.f32 [tilespmem:s18], [sflag:$0x5], $0x80, s10, s21, $0xb8;
	[tilespmem:$0x1D800] =	vst v63  }
0x1f3: {  	_ =	swait.ge [sflag:s19], $0x1900  }
0x1f4: {  	[sflag:s19] =	ssyncset.done $0x0  }
0x1f5: {  	s10 =	sadd.s32 $0x180, s9;
	[sflag:s19] =	ssyncadd.s32 $0xFFFFE700  }
0x1f6: {  	[tilespmem:s31], [sflag:$0x4] =	stream.indirect.gather [hbm4b:s28+s21], $0x80, s10, s21, $0xb8;
	[tilespmem:$0x1D800] =	vst v63  }
0x1f7: {  	_ =	swait.ge [sflag:s26], $0x1900  }
0x1f8: {  	[sflag:s26] =	ssyncset.done $0x0  }
0x1f9: {  	s10 =	sadd.s32 $0x1480, s9;
	[sflag:s26] =	ssyncadd.s32 $0xFFFFE700  }
0x1fa: {  	[spmem:s29] =	stream.indirect.scatter.add.f32 [tilespmem:s23], [sflag:$0x5], $0x80, s10, s21, $0xb8;
	[tilespmem:$0x1D800] =	vst v63  }
0x1fb: {  	_ =	swait.ge [sflag:s19], $0x1900  }
0x1fc: {  	[sflag:s19] =	ssyncset.done $0x0  }
0x1fd: {  	s10 =	sadd.s32 $0x200, s9;
	[sflag:s19] =	ssyncadd.s32 $0xFFFFE700  }
0x1fe: {  	[tilespmem:s18], [sflag:$0x1] =	stream.indirect.gather [hbm4b:s28+s21], $0x80, s10, s21, $0xb8;
	[tilespmem:$0x1D800] =	vst v63  }
0x1ff: {  	_ =	swait.ge [sflag:s17], $0x1900  }
0x200: {  	[sflag:s17] =	ssyncset.done $0x0  }
0x201: {  	s10 =	sadd.s32 $0x1500, s9;
	[sflag:s17] =	ssyncadd.s32 $0xFFFFE700  }
0x202: {  	[spmem:s29] =	stream.indirect.scatter.add.f32 [tilespmem:s25], [sflag:$0x5], $0x80, s10, s21, $0xb8;
	[tilespmem:$0x1D800] =	vst v63  }
0x203: {  	_ =	swait.ge [sflag:s19], $0x1900  }
0x204: {  	[sflag:s19] =	ssyncset.done $0x0  }
0x205: {  	s10 =	sadd.s32 $0x280, s9;
	[sflag:s19] =	ssyncadd.s32 $0xFFFFE700  }
0x206: {  	[tilespmem:s23], [sflag:$0x2] =	stream.indirect.gather [hbm4b:s28+s21], $0x80, s10, s21, $0xb8;
	[tilespmem:$0x1D800] =	vst v63  }
0x207: {  	_ =	swait.ge [sflag:s0], $0x1900  }
0x208: {  	[sflag:s0] =	ssyncset.done $0x0  }
.Ltmp3:
0x209: {  	s10 =	sadd.s32 $0x1580, s9;
	[sflag:s0] =	ssyncadd.s32 $0xFFFFE700;
	(pc) =	sbr.rel @p0 .LBB2_8-.Ltmp3, $4  }
0x20a: {  	[spmem:s29] =	stream.indirect.scatter.add.f32 [tilespmem:s31], [sflag:$0x5], $0x80, s10, s21, $0xb8;
	[tilespmem:$0x1D800] =	vst v63  }
0x20b: {  	_ =	swait.ge [sflag:s19], $0x1900  }
0x20c: {  	[sflag:s19] =	ssyncset.done $0x0  }
0x20d: {  	s9 =	sadd.s32 $0x300, s9;
	[sflag:s19] =	ssyncadd.s32 $0xFFFFE700  }
0x20e: {  	[tilespmem:s25], [sflag:$0x3] =	stream.indirect.gather [hbm4b:s28+s21], $0x80, s9, s21, $0xb8;
	[tilespmem:$0x1D800] =	vst v63  }
0x20f: {  	_ =	swait.ge [sflag:s30], $0x1900  }
0x210: {  	[sflag:s30] =	ssyncset.done $0x0  }
0x211: {  	s8 =	simm.s32 $0x2600;
	[sflag:s30] =	ssyncadd.s32 $0xFFFFE700  }
0x212: {  	[spmem:s29] =	stream.indirect.scatter.add.f32 [tilespmem:s18], [sflag:$0x5], $0x80, s8, s21, $0xb8;
	[tilespmem:$0x1D800] =	vst v63  }
0x213: {  	_ =	swait.ge [sflag:s19], $0x1900  }
0x214: {  	[sflag:s19] =	ssyncset.done $0x0  }
0x215: {  	s10 =	simm.s32 $0x1380;
	[sflag:s19] =	ssyncadd.s32 $0xFFFFE700  }
0x216: {  	[tilespmem:s31], [sflag:$0x4] =	stream.indirect.gather [hbm4b:s28+s21], $0x80, s10, s21, $0xb8;
	[tilespmem:$0x1D800] =	vst v63  }
0x217: {  	_ =	swait.ge [sflag:s26], $0x1900  }
0x218: {  	s12 =	smov.u32 s15;
	[sflag:s26] =	ssyncset.done $0x0  }
0x219: {  	s15 =	smov.u32 s13;
	s13 =	simm.s32 $0x2680;
	[sflag:s26] =	ssyncadd.s32 $0xFFFFE700  }
0x21a: {  	[spmem:s29] =	stream.indirect.scatter.add.f32 [tilespmem:s23], [sflag:$0x5], $0x80, s13, s21, $0xb8;
	[tilespmem:$0x1D800] =	vst v63  }
0x21b: {  	_ =	swait.ge [sflag:s19], $0x1900  }
0x21c: {  	[sflag:s19] =	ssyncset.done $0x0  }
0x21d: {  	[sflag:s19] =	ssyncadd.s32 $0xFFFFE700  }
0x21e: {  	_ =	swait.ge [sflag:s17], $0x1900  }
0x21f: {  	[sflag:s17] =	ssyncset.done $0x0  }
0x220: {  	s9 =	simm.s32 $0x2700;
	[sflag:s17] =	ssyncadd.s32 $0xFFFFE700  }
0x221: {  	[spmem:s29] =	stream.indirect.scatter.add.f32 [tilespmem:s25], [sflag:$0x5], $0x80, s9, s21, $0xb8;
	[tilespmem:$0x1D800] =	vst v63  }
0x222: {  	_ =	swait.ge [sflag:s19], $0x1900  }
0x223: {  	[sflag:s19] =	ssyncset.done $0x0  }
0x224: {  	[sflag:s19] =	ssyncadd.s32 $0xFFFFE700  }
0x225: {  	_ =	swait.ge [sflag:s0], $0x1900  }
0x226: {  	[sflag:s0] =	ssyncset.done $0x0  }
0x227: {  	s10 =	simm.s32 $0x2780;
	[sflag:s0] =	ssyncadd.s32 $0xFFFFE700  }
0x228: {  	[spmem:s29] =	stream.indirect.scatter.add.f32 [tilespmem:s31], [sflag:$0x5], $0x80, s10, s21, $0xb8;
	[tilespmem:$0x1D800] =	vst v63  }
0x229: {  	_ =	swait.ge [sflag:s19], $0x1900  }
0x22a: {  	[sflag:s19] =	ssyncset.done $0x0  }
0x22b: {  	s8 =	simm.s32 $0x0;
	s13 =	rddreg [dreg:$0xc];
	[sflag:s19] =	ssyncadd.s32 $0xFFFFE700  }
0x22c: {  	[tilespmem:s8], [sflag:$0x5] =	stream.linear.gather [hbm4b:s13+s8], $0x1400, $0x38;
	[tilespmem:$0x1D800] =	vst v63  }
0x22d: {  	_ =	swait.ge [sflag:s19], $0x1400  }
0x22e: {  	[sflag:s19] =	ssyncset.done $0x0  }
0x22f: {  	s10 =	rddreg [dreg:$0xd];
	[sflag:s19] =	ssyncadd.s32 $0xFFFFEC00  }
0x230: {  	[tilespmem:s16], [sflag:$0x5] =	stream.linear.gather [hbm4b:s10+s8], $0x1400, $0x38;
	[tilespmem:$0x1D800] =	vst v63  }
0x231: {  	_ =	swait.ge [sflag:s19], $0x1400  }
0x232: {  	[sflag:s19] =	ssyncset.done $0x0  }
0x233: {  	[sflag:s19] =	ssyncadd.s32 $0xFFFFEC00  }
0x234: {  	[tilespmem:s18], [sflag:$0x1] =	stream.indirect.gather [hbm4b:s28+s21], $0x80, s8, s21, $0xb8;
	[tilespmem:$0x1D800] =	vst v63  }
0x235: {  	_ = 	snop  }
0x236: {  	[tilespmem:s23], [sflag:$0x2] =	stream.indirect.gather [hbm4b:s28+s21], $0x80, s14, s21, $0xb8;
	[tilespmem:$0x1D800] =	vst v63  }
0x237: {  	s13 =	simm.s32 $0x100  }
0x238: {  	[tilespmem:s25], [sflag:$0x3] =	stream.indirect.gather [hbm4b:s28+s21], $0x80, s13, s21, $0xb8;
	[tilespmem:$0x1D800] =	vst v63  }
0x239: {  	_ =	swait.ge [sflag:s30], $0x1900  }
0x23a: {  	[sflag:s30] =	ssyncset.done $0x0  }
0x23b: {  	s14 =	simm.s32 $0x1400;
	[sflag:s30] =	ssyncadd.s32 $0xFFFFE700  }
0x23c: {  	[spmem:s29] =	stream.indirect.scatter.add.f32 [tilespmem:s18], [sflag:$0x5], $0x80, s14, s21, $0xb8;
	[tilespmem:$0x1D800] =	vst v63  }
0x23d: {  	_ =	swait.ge [sflag:s19], $0x1900  }
0x23e: {  	[sflag:s19] =	ssyncset.done $0x0  }
0x23f: {  	s16 =	simm.s32 $0x180;
	[sflag:s19] =	ssyncadd.s32 $0xFFFFE700  }
0x240: {  	[tilespmem:s31], [sflag:$0x4] =	stream.indirect.gather [hbm4b:s28+s21], $0x80, s16, s21, $0xb8;
	[tilespmem:$0x1D800] =	vst v63  }
0x241: {  	_ =	swait.ge [sflag:s26], $0x1900  }
0x242: {  	[sflag:s26] =	ssyncset.done $0x0  }
0x243: {  	s9 =	simm.s32 $0x1480;
	[sflag:s26] =	ssyncadd.s32 $0xFFFFE700  }
0x244: {  	[spmem:s29] =	stream.indirect.scatter.add.f32 [tilespmem:s23], [sflag:$0x5], $0x80, s9, s21, $0xb8;
	[tilespmem:$0x1D800] =	vst v63  }
0x245: {  	_ =	swait.ge [sflag:s19], $0x1900  }
0x246: {  	[sflag:s19] =	ssyncset.done $0x0  }
0x247: {  	s10 =	simm.s32 $0x200;
	[sflag:s19] =	ssyncadd.s32 $0xFFFFE700  }
0x248: {  	[tilespmem:s18], [sflag:$0x1] =	stream.indirect.gather [hbm4b:s28+s21], $0x80, s10, s21, $0xb8;
	[tilespmem:$0x1D800] =	vst v63  }
0x249: {  	_ =	swait.ge [sflag:s17], $0x1900  }
0x24a: {  	[sflag:s17] =	ssyncset.done $0x0  }
0x24b: {  	s13 =	simm.s32 $0x1500;
	[sflag:s17] =	ssyncadd.s32 $0xFFFFE700  }
0x24c: {  	[spmem:s29] =	stream.indirect.scatter.add.f32 [tilespmem:s25], [sflag:$0x5], $0x80, s13, s21, $0xb8;
	[tilespmem:$0x1D800] =	vst v63  }
0x24d: {  	_ =	swait.ge [sflag:s19], $0x1900  }
0x24e: {  	[sflag:s19] =	ssyncset.done $0x0  }
0x24f: {  	s14 =	simm.s32 $0x280;
	[sflag:s19] =	ssyncadd.s32 $0xFFFFE700  }
0x250: {  	[tilespmem:s23], [sflag:$0x2] =	stream.indirect.gather [hbm4b:s28+s21], $0x80, s14, s21, $0xb8;
	[tilespmem:$0x1D800] =	vst v63  }
0x251: {  	_ =	swait.ge [sflag:s0], $0x1900  }
0x252: {  	[sflag:s0] =	ssyncset.done $0x0  }
0x253: {  	s16 =	simm.s32 $0x1580;
	[sflag:s0] =	ssyncadd.s32 $0xFFFFE700  }
0x254: {  	[spmem:s29] =	stream.indirect.scatter.add.f32 [tilespmem:s31], [sflag:$0x5], $0x80, s16, s21, $0xb8;
	[tilespmem:$0x1D800] =	vst v63  }
0x255: {  	_ =	swait.ge [sflag:s19], $0x1900  }
0x256: {  	[sflag:s19] =	ssyncset.done $0x0  }
0x257: {  	s8 =	simm.s32 $0x800;
	s9 =	simm.s32 $0x300;
	[sflag:s19] =	ssyncadd.s32 $0xFFFFE700  }
.LBB2_10:
0x258: {  	[tilespmem:s25], [sflag:$0x3] =	stream.indirect.gather [hbm4b:s28+s21], $0x80, s9, s21, $0xb8;
	[tilespmem:$0x1D800] =	vst v63  }
0x259: {  	s9 =	smov.u32 s8  }
0x25a: {  	p0 =	sne.s32 s8, $0x4000;
	s8 =	sadd.s32 $0x800, s8;
	_ =	swait.ge [sflag:s30], $0x1900  }
0x25b: {  	s9 =	sshra.s32 s9, $0x2;
	[sflag:s30] =	ssyncset.done $0x0  }
0x25c: {  	s10 =	sadd.s32 $0x1400, s9;
	[sflag:s30] =	ssyncadd.s32 $0xFFFFE700  }
0x25d: {  	[spmem:s29] =	stream.indirect.scatter.add.f32 [tilespmem:s18], [sflag:$0x5], $0x80, s10, s21, $0xb8;
	[tilespmem:$0x1D800] =	vst v63  }
0x25e: {  	_ =	swait.ge [sflag:s19], $0x1900  }
0x25f: {  	[sflag:s19] =	ssyncset.done $0x0  }
0x260: {  	s10 =	sadd.s32 $0x180, s9;
	[sflag:s19] =	ssyncadd.s32 $0xFFFFE700  }
0x261: {  	[tilespmem:s31], [sflag:$0x4] =	stream.indirect.gather [hbm4b:s28+s21], $0x80, s10, s21, $0xb8;
	[tilespmem:$0x1D800] =	vst v63  }
0x262: {  	_ =	swait.ge [sflag:s26], $0x1900  }
0x263: {  	[sflag:s26] =	ssyncset.done $0x0  }
0x264: {  	s10 =	sadd.s32 $0x1480, s9;
	[sflag:s26] =	ssyncadd.s32 $0xFFFFE700  }
0x265: {  	[spmem:s29] =	stream.indirect.scatter.add.f32 [tilespmem:s23], [sflag:$0x5], $0x80, s10, s21, $0xb8;
	[tilespmem:$0x1D800] =	vst v63  }
0x266: {  	_ =	swait.ge [sflag:s19], $0x1900  }
0x267: {  	[sflag:s19] =	ssyncset.done $0x0  }
0x268: {  	s10 =	sadd.s32 $0x200, s9;
	[sflag:s19] =	ssyncadd.s32 $0xFFFFE700  }
0x269: {  	[tilespmem:s18], [sflag:$0x1] =	stream.indirect.gather [hbm4b:s28+s21], $0x80, s10, s21, $0xb8;
	[tilespmem:$0x1D800] =	vst v63  }
0x26a: {  	_ =	swait.ge [sflag:s17], $0x1900  }
0x26b: {  	[sflag:s17] =	ssyncset.done $0x0  }
0x26c: {  	s10 =	sadd.s32 $0x1500, s9;
	[sflag:s17] =	ssyncadd.s32 $0xFFFFE700  }
0x26d: {  	[spmem:s29] =	stream.indirect.scatter.add.f32 [tilespmem:s25], [sflag:$0x5], $0x80, s10, s21, $0xb8;
	[tilespmem:$0x1D800] =	vst v63  }
0x26e: {  	_ =	swait.ge [sflag:s19], $0x1900  }
0x26f: {  	[sflag:s19] =	ssyncset.done $0x0  }
0x270: {  	s10 =	sadd.s32 $0x280, s9;
	[sflag:s19] =	ssyncadd.s32 $0xFFFFE700  }
0x271: {  	[tilespmem:s23], [sflag:$0x2] =	stream.indirect.gather [hbm4b:s28+s21], $0x80, s10, s21, $0xb8;
	[tilespmem:$0x1D800] =	vst v63  }
0x272: {  	_ =	swait.ge [sflag:s0], $0x1900  }
0x273: {  	[sflag:s0] =	ssyncset.done $0x0  }
.Ltmp4:
0x274: {  	s10 =	sadd.s32 $0x1580, s9;
	[sflag:s0] =	ssyncadd.s32 $0xFFFFE700;
	(pc) =	sbr.rel @p0 .LBB2_10-.Ltmp4, $4  }
0x275: {  	[spmem:s29] =	stream.indirect.scatter.add.f32 [tilespmem:s31], [sflag:$0x5], $0x80, s10, s21, $0xb8;
	[tilespmem:$0x1D800] =	vst v63  }
0x276: {  	_ =	swait.ge [sflag:s19], $0x1900  }
0x277: {  	[sflag:s19] =	ssyncset.done $0x0  }
0x278: {  	s9 =	sadd.s32 $0x300, s9;
	[sflag:s19] =	ssyncadd.s32 $0xFFFFE700  }
0x279: {  	[tilespmem:s25], [sflag:$0x3] =	stream.indirect.gather [hbm4b:s28+s21], $0x80, s9, s21, $0xb8;
	[tilespmem:$0x1D800] =	vst v63  }
0x27a: {  	_ =	swait.ge [sflag:s30], $0x1900  }
0x27b: {  	[sflag:s30] =	ssyncset.done $0x0  }
0x27c: {  	s8 =	simm.s32 $0x2600;
	[sflag:s30] =	ssyncadd.s32 $0xFFFFE700  }
0x27d: {  	[spmem:s29] =	stream.indirect.scatter.add.f32 [tilespmem:s18], [sflag:$0x5], $0x80, s8, s21, $0xb8;
	[tilespmem:$0x1D800] =	vst v63  }
0x27e: {  	_ =	swait.ge [sflag:s19], $0x1900  }
0x27f: {  	[sflag:s19] =	ssyncset.done $0x0  }
0x280: {  	s13 =	simm.s32 $0x1380;
	[sflag:s19] =	ssyncadd.s32 $0xFFFFE700  }
0x281: {  	[tilespmem:s31], [sflag:$0x4] =	stream.indirect.gather [hbm4b:s28+s21], $0x80, s13, s21, $0xb8;
	[tilespmem:$0x1D800] =	vst v63  }
0x282: {  	_ =	swait.ge [sflag:s26], $0x1900  }
0x283: {  	[sflag:s26] =	ssyncset.done $0x0  }
0x284: {  	s14 =	simm.s32 $0x2680;
	[sflag:s26] =	ssyncadd.s32 $0xFFFFE700  }
0x285: {  	[spmem:s29] =	stream.indirect.scatter.add.f32 [tilespmem:s23], [sflag:$0x5], $0x80, s14, s21, $0xb8;
	[tilespmem:$0x1D800] =	vst v63  }
0x286: {  	_ =	swait.ge [sflag:s19], $0x1900  }
0x287: {  	[sflag:s19] =	ssyncset.done $0x0  }
0x288: {  	[sflag:s19] =	ssyncadd.s32 $0xFFFFE700  }
0x289: {  	_ =	swait.ge [sflag:s17], $0x1900  }
0x28a: {  	[sflag:s17] =	ssyncset.done $0x0  }
0x28b: {  	s16 =	simm.s32 $0x2700;
	[sflag:s17] =	ssyncadd.s32 $0xFFFFE700  }
0x28c: {  	[spmem:s29] =	stream.indirect.scatter.add.f32 [tilespmem:s25], [sflag:$0x5], $0x80, s16, s21, $0xb8;
	[tilespmem:$0x1D800] =	vst v63  }
0x28d: {  	_ =	swait.ge [sflag:s19], $0x1900  }
0x28e: {  	[sflag:s19] =	ssyncset.done $0x0  }
0x28f: {  	[sflag:s19] =	ssyncadd.s32 $0xFFFFE700  }
0x290: {  	_ =	swait.ge [sflag:s0], $0x1900  }
0x291: {  	[sflag:s0] =	ssyncset.done $0x0  }
0x292: {  	s9 =	simm.s32 $0x2780;
	[sflag:s0] =	ssyncadd.s32 $0xFFFFE700  }
0x293: {  	[spmem:s29] =	stream.indirect.scatter.add.f32 [tilespmem:s31], [sflag:$0x5], $0x80, s9, s21, $0xb8;
	[tilespmem:$0x1D800] =	vst v63  }
0x294: {  	_ =	swait.ge [sflag:s19], $0x1900  }
0x295: {  	[sflag:s19] =	ssyncset.done $0x0  }
0x296: {  	[sflag:s19] =	ssyncadd.s32 $0xFFFFE700  }
0x297: {  	[bflag:$0x0] =	sbarrier.arrive $0xFFFF  }
0x298: {  	s9 =	sld [smem:$0x7FC];
	_ =	sdelay $0x2  }
0x299: {  	[tilespmem:s18], [sflag:$0x5] =	stream.linear.gather [spmem:s9], $0x1400, $0x38;
	[tilespmem:$0x1D800] =	vst v63  }
0x29a: {  	_ =	swait.ge [sflag:s19], $0x1400  }
0x29b: {  	[sflag:s19] =	ssyncset.done $0x0  }
0x29c: {  	s10 =	rddreg [dreg:$0xe];
	[sflag:s19] =	ssyncadd.s32 $0xFFFFEC00  }
0x29d: {  	[hbm4b:s10+s1] =	stream.linear.scatter [tilespmem:s18], [sflag:$0x5], $0x1400, $0x38;
	[tilespmem:$0x1D800] =	vst v63  }
0x29e: {  	_ =	swait.ge [sflag:s19], $0x1400  }
0x29f: {  	s10 =	sld [smem:$0x7FB]  }
0x2a0: {  	[sflag:s19] =	ssyncset.done $0x0  }
0x2a1: {  	[sflag:s19] =	ssyncadd.s32 $0xFFFFEC00  }
0x2a2: {  	[tilespmem:s18], [sflag:$0x5] =	stream.linear.gather [spmem:s10], $0x1400, $0x38;
	[tilespmem:$0x1D800] =	vst v63  }
0x2a3: {  	_ =	swait.ge [sflag:s19], $0x1400  }
0x2a4: {  	[sflag:s19] =	ssyncset.done $0x0  }
0x2a5: {  	s13 =	rddreg [dreg:$0xf];
	[sflag:s19] =	ssyncadd.s32 $0xFFFFEC00  }
0x2a6: {  	[hbm4b:s13+s1] =	stream.linear.scatter [tilespmem:s18], [sflag:$0x5], $0x1400, $0x38;
	[tilespmem:$0x1D800] =	vst v63  }
0x2a7: {  	_ =	swait.ge [sflag:s19], $0x1400  }
0x2a8: {  	s13 =	sld [smem:$0x7FA]  }
0x2a9: {  	[sflag:s19] =	ssyncset.done $0x0  }
0x2aa: {  	[sflag:s19] =	ssyncadd.s32 $0xFFFFEC00  }
0x2ab: {  	[tilespmem:s18], [sflag:$0x5] =	stream.linear.gather [spmem:s13], $0x1400, $0x38;
	[tilespmem:$0x1D800] =	vst v63  }
0x2ac: {  	_ =	swait.ge [sflag:s19], $0x1400  }
0x2ad: {  	[sflag:s19] =	ssyncset.done $0x0  }
0x2ae: {  	s14 =	rddreg [dreg:$0x10];
	[sflag:s19] =	ssyncadd.s32 $0xFFFFEC00  }
0x2af: {  	[hbm4b:s14+s1] =	stream.linear.scatter [tilespmem:s18], [sflag:$0x5], $0x1400, $0x38;
	[tilespmem:$0x1D800] =	vst v63  }
0x2b0: {  	_ =	swait.ge [sflag:s19], $0x1400  }
0x2b1: {  	[sflag:s19] =	ssyncset.done $0x0  }
0x2b2: {  	[sflag:s19] =	ssyncadd.s32 $0xFFFFEC00  }
0x2b3: {  	[tilespmem:s18], [sflag:$0x5] =	stream.linear.gather [spmem:s15], $0x1400, $0x38;
	[tilespmem:$0x1D800] =	vst v63  }
0x2b4: {  	_ =	swait.ge [sflag:s19], $0x1400  }
0x2b5: {  	[sflag:s19] =	ssyncset.done $0x0  }
0x2b6: {  	s16 =	rddreg [dreg:$0x11];
	[sflag:s19] =	ssyncadd.s32 $0xFFFFEC00  }
0x2b7: {  	[hbm4b:s16+s1] =	stream.linear.scatter [tilespmem:s18], [sflag:$0x5], $0x1400, $0x38;
	[tilespmem:$0x1D800] =	vst v63  }
0x2b8: {  	_ =	swait.ge [sflag:s19], $0x1400  }
0x2b9: {  	[sflag:s19] =	ssyncset.done $0x0  }
0x2ba: {  	s16 =	rddreg [dreg:$0x1f];
	[sflag:s19] =	ssyncadd.s32 $0xFFFFEC00  }
0x2bb: {  	[tilespmem:s18], [sflag:$0x5] =	stream.linear.gather [spmem:s16], $0x1400, $0x38;
	[tilespmem:$0x1D800] =	vst v63  }
0x2bc: {  	_ =	swait.ge [sflag:s19], $0x1400  }
0x2bd: {  	[sflag:s19] =	ssyncset.done $0x0  }
0x2be: {  	s14 =	smov.u32 s15;
	s15 =	rddreg [dreg:$0x12];
	[sflag:s19] =	ssyncadd.s32 $0xFFFFEC00  }
0x2bf: {  	[hbm4b:s15+s1] =	stream.linear.scatter [tilespmem:s18], [sflag:$0x5], $0x1400, $0x38;
	[tilespmem:$0x1D800] =	vst v63  }
0x2c0: {  	_ =	swait.ge [sflag:s19], $0x1400  }
0x2c1: {  	[sflag:s19] =	ssyncset.done $0x0  }
0x2c2: {  	[sflag:s19] =	ssyncadd.s32 $0xFFFFEC00  }
0x2c3: {  	[tilespmem:s18], [sflag:$0x5] =	stream.linear.gather [spmem:s12], $0x1400, $0x38;
	[tilespmem:$0x1D800] =	vst v63  }
0x2c4: {  	_ =	swait.ge [sflag:s19], $0x1400  }
0x2c5: {  	[sflag:s19] =	ssyncset.done $0x0  }
0x2c6: {  	s15 =	smov.u32 s12;
	s12 =	rddreg [dreg:$0x13];
	[sflag:s19] =	ssyncadd.s32 $0xFFFFEC00  }
0x2c7: {  	[hbm4b:s12+s1] =	stream.linear.scatter [tilespmem:s18], [sflag:$0x5], $0x1400, $0x38;
	[tilespmem:$0x1D800] =	vst v63  }
0x2c8: {  	_ =	swait.ge [sflag:s19], $0x1400  }
0x2c9: {  	[sflag:s19] =	ssyncset.done $0x0  }
0x2ca: {  	[sflag:s19] =	ssyncadd.s32 $0xFFFFEC00  }
0x2cb: {  	[tilespmem:s18], [sflag:$0x5] =	stream.linear.gather [spmem:s11], $0x1400, $0x38;
	[tilespmem:$0x1D800] =	vst v63  }
0x2cc: {  	_ =	swait.ge [sflag:s19], $0x1400  }
0x2cd: {  	[sflag:s19] =	ssyncset.done $0x0  }
0x2ce: {  	s12 =	smov.u32 s11;
	s11 =	rddreg [dreg:$0x14];
	[sflag:s19] =	ssyncadd.s32 $0xFFFFEC00  }
0x2cf: {  	[hbm4b:s11+s1] =	stream.linear.scatter [tilespmem:s18], [sflag:$0x5], $0x1400, $0x38;
	[tilespmem:$0x1D800] =	vst v63  }
0x2d0: {  	_ =	swait.ge [sflag:s19], $0x1400  }
0x2d1: {  	[sflag:s19] =	ssyncset.done $0x0  }
0x2d2: {  	[sflag:s19] =	ssyncadd.s32 $0xFFFFEC00  }
0x2d3: {  	[tilespmem:s18], [sflag:$0x5] =	stream.linear.gather [spmem:s20], $0x1400, $0x38;
	[tilespmem:$0x1D800] =	vst v63  }
0x2d4: {  	_ =	swait.ge [sflag:s19], $0x1400  }
0x2d5: {  	[sflag:s19] =	ssyncset.done $0x0  }
0x2d6: {  	s11 =	rddreg [dreg:$0x15];
	[sflag:s19] =	ssyncadd.s32 $0xFFFFEC00  }
0x2d7: {  	[hbm4b:s11+s1] =	stream.linear.scatter [tilespmem:s18], [sflag:$0x5], $0x1400, $0x38;
	[tilespmem:$0x1D800] =	vst v63  }
0x2d8: {  	_ =	swait.ge [sflag:s19], $0x1400  }
0x2d9: {  	[sflag:s19] =	ssyncset.done $0x0  }
0x2da: {  	[sflag:s19] =	ssyncadd.s32 $0xFFFFEC00  }
0x2db: {  	[tilespmem:s18], [sflag:$0x5] =	stream.linear.gather [spmem:s22], $0x1400, $0x38;
	[tilespmem:$0x1D800] =	vst v63  }
0x2dc: {  	_ =	swait.ge [sflag:s19], $0x1400  }
0x2dd: {  	[sflag:s19] =	ssyncset.done $0x0  }
0x2de: {  	s11 =	rddreg [dreg:$0x16];
	[sflag:s19] =	ssyncadd.s32 $0xFFFFEC00  }
0x2df: {  	[hbm4b:s11+s1] =	stream.linear.scatter [tilespmem:s18], [sflag:$0x5], $0x1400, $0x38;
	[tilespmem:$0x1D800] =	vst v63  }
0x2e0: {  	_ =	swait.ge [sflag:s19], $0x1400  }
0x2e1: {  	[sflag:s19] =	ssyncset.done $0x0  }
0x2e2: {  	[sflag:s19] =	ssyncadd.s32 $0xFFFFEC00  }
0x2e3: {  	[tilespmem:s18], [sflag:$0x5] =	stream.linear.gather [spmem:s24], $0x1400, $0x38;
	[tilespmem:$0x1D800] =	vst v63  }
0x2e4: {  	_ =	swait.ge [sflag:s19], $0x1400  }
0x2e5: {  	[sflag:s19] =	ssyncset.done $0x0  }
0x2e6: {  	s11 =	smov.u32 s24;
	s24 =	rddreg [dreg:$0x17];
	[sflag:s19] =	ssyncadd.s32 $0xFFFFEC00  }
0x2e7: {  	[hbm4b:s24+s1] =	stream.linear.scatter [tilespmem:s18], [sflag:$0x5], $0x1400, $0x38;
	[tilespmem:$0x1D800] =	vst v63  }
0x2e8: {  	_ =	swait.ge [sflag:s19], $0x1400  }
0x2e9: {  	[sflag:s19] =	ssyncset.done $0x0  }
0x2ea: {  	[sflag:s19] =	ssyncadd.s32 $0xFFFFEC00  }
0x2eb: {  	[tilespmem:s18], [sflag:$0x5] =	stream.linear.gather [spmem:s2], $0x1400, $0x38;
	[tilespmem:$0x1D800] =	vst v63  }
0x2ec: {  	_ =	swait.ge [sflag:s19], $0x1400  }
0x2ed: {  	[sflag:s19] =	ssyncset.done $0x0  }
0x2ee: {  	s24 =	rddreg [dreg:$0x18];
	[sflag:s19] =	ssyncadd.s32 $0xFFFFEC00  }
0x2ef: {  	[hbm4b:s24+s1] =	stream.linear.scatter [tilespmem:s18], [sflag:$0x5], $0x1400, $0x38;
	[tilespmem:$0x1D800] =	vst v63  }
0x2f0: {  	_ =	swait.ge [sflag:s19], $0x1400  }
0x2f1: {  	[sflag:s19] =	ssyncset.done $0x0  }
0x2f2: {  	[sflag:s19] =	ssyncadd.s32 $0xFFFFEC00  }
0x2f3: {  	[tilespmem:s18], [sflag:$0x5] =	stream.linear.gather [spmem:s3], $0x1400, $0x38;
	[tilespmem:$0x1D800] =	vst v63  }
0x2f4: {  	_ =	swait.ge [sflag:s19], $0x1400  }
0x2f5: {  	[sflag:s19] =	ssyncset.done $0x0  }
0x2f6: {  	s24 =	rddreg [dreg:$0x19];
	[sflag:s19] =	ssyncadd.s32 $0xFFFFEC00  }
0x2f7: {  	[hbm4b:s24+s1] =	stream.linear.scatter [tilespmem:s18], [sflag:$0x5], $0x1400, $0x38;
	[tilespmem:$0x1D800] =	vst v63  }
0x2f8: {  	_ =	swait.ge [sflag:s19], $0x1400  }
0x2f9: {  	[sflag:s19] =	ssyncset.done $0x0  }
0x2fa: {  	[sflag:s19] =	ssyncadd.s32 $0xFFFFEC00  }
0x2fb: {  	[tilespmem:s18], [sflag:$0x5] =	stream.linear.gather [spmem:s4], $0x1400, $0x38;
	[tilespmem:$0x1D800] =	vst v63  }
0x2fc: {  	_ =	swait.ge [sflag:s19], $0x1400  }
0x2fd: {  	[sflag:s19] =	ssyncset.done $0x0  }
0x2fe: {  	s24 =	rddreg [dreg:$0x1a];
	[sflag:s19] =	ssyncadd.s32 $0xFFFFEC00  }
0x2ff: {  	[hbm4b:s24+s1] =	stream.linear.scatter [tilespmem:s18], [sflag:$0x5], $0x1400, $0x38;
	[tilespmem:$0x1D800] =	vst v63  }
0x300: {  	_ =	swait.ge [sflag:s19], $0x1400  }
0x301: {  	[sflag:s19] =	ssyncset.done $0x0  }
0x302: {  	[sflag:s19] =	ssyncadd.s32 $0xFFFFEC00  }
0x303: {  	[tilespmem:s18], [sflag:$0x5] =	stream.linear.gather [spmem:s5], $0x1400, $0x38;
	[tilespmem:$0x1D800] =	vst v63  }
0x304: {  	_ =	swait.ge [sflag:s19], $0x1400  }
0x305: {  	[sflag:s19] =	ssyncset.done $0x0  }
0x306: {  	s24 =	rddreg [dreg:$0x1b];
	[sflag:s19] =	ssyncadd.s32 $0xFFFFEC00  }
0x307: {  	[hbm4b:s24+s1] =	stream.linear.scatter [tilespmem:s18], [sflag:$0x5], $0x1400, $0x38;
	[tilespmem:$0x1D800] =	vst v63  }
0x308: {  	_ =	swait.ge [sflag:s19], $0x1400  }
0x309: {  	[sflag:s19] =	ssyncset.done $0x0  }
0x30a: {  	[sflag:s19] =	ssyncadd.s32 $0xFFFFEC00  }
0x30b: {  	[tilespmem:s18], [sflag:$0x5] =	stream.linear.gather [spmem:s6], $0x1400, $0x38;
	[tilespmem:$0x1D800] =	vst v63  }
0x30c: {  	_ =	swait.ge [sflag:s19], $0x1400  }
0x30d: {  	[sflag:s19] =	ssyncset.done $0x0  }
0x30e: {  	s24 =	rddreg [dreg:$0x1c];
	[sflag:s19] =	ssyncadd.s32 $0xFFFFEC00  }
0x30f: {  	[hbm4b:s24+s1] =	stream.linear.scatter [tilespmem:s18], [sflag:$0x5], $0x1400, $0x38;
	[tilespmem:$0x1D800] =	vst v63  }
0x310: {  	_ =	swait.ge [sflag:s19], $0x1400  }
0x311: {  	s24 =	sld [smem:$0x7FD]  }
0x312: {  	[sflag:s19] =	ssyncset.done $0x0  }
0x313: {  	[sflag:s19] =	ssyncadd.s32 $0xFFFFEC00  }
0x314: {  	[tilespmem:s18], [sflag:$0x5] =	stream.linear.gather [spmem:s24], $0x1400, $0x38;
	[tilespmem:$0x1D800] =	vst v63  }
0x315: {  	_ =	swait.ge [sflag:s19], $0x1400  }
0x316: {  	[sflag:s19] =	ssyncset.done $0x0  }
0x317: {  	s8 =	rddreg [dreg:$0x1d];
	[sflag:s19] =	ssyncadd.s32 $0xFFFFEC00  }
0x318: {  	[hbm4b:s8+s1] =	stream.linear.scatter [tilespmem:s18], [sflag:$0x5], $0x1400, $0x38;
	[tilespmem:$0x1D800] =	vst v63  }
0x319: {  	_ =	swait.ge [sflag:s19], $0x1400  }
0x31a: {  	s8 =	sld [smem:$0x7F9];
	_ =	sdelay $0x1  }
0x31b: {  	s7 =	sadd.s32 $0x1, s7  }
0x31c: {  	p0 =	sne.s32 s7, s8  }
.Ltmp5:
0x31d: {  	_ = 	snop;
	(pc) =	sbr.rel @p0 .LBB2_1-.Ltmp5, $3  }
0x31e: {  	_ =	sdelay $0x1  }
0x31f: {  	[sflag:s19] =	ssyncset.done $0x0  }
0x320: {  	[sflag:s19] =	ssyncadd.s32 $0xFFFFEC00  }
0x321: {  	_ =	sfence.sel $0x180000  }
0x322: {  	[bflag:$0x0] =	sbarrier.arrive $0xFFFF  }
0x323: {  	_ =	strace $0x9000004A  }
0x324: {  	s0 =	stileid.u32;
	[bflag:$0x2] =	sbarrier.arrive $0xFFFF  }
0x325: {  	p0 =	sne.s32 s0, $0x0;
	s0 =	rddreg [dreg:$0x3]  }
0x326: {  	s0 =	sadd.s32 @!p0 $0x100000, s0  }
0x327: {  	[sflag:s0] =	ssyncadd.tile.s32 @!p0 $0x1;
	_ =	shalt  }
.Lfunc_end2:
_tile_overlayer_lowered:
.L_overlay_start_2:
0x328: {  	(tag) =	ssettag $0x2  }
0x329: {  	s0 =	rddreg [dreg:$0x0];
	s2 =	stileid.u32  }
0x32a: {  	s1 =	rddreg [dreg:$0x1];
	p0 =	sne.s32 s2, $0x0  }
0x32b: {  	s3 =	rddreg [dreg:$0x2];
	[bflag:$0x3] =	sbarrier.arrive $0xFFFF;
	s2 =	simm.s32 @!p0 $0x1C05  }
0x32c: {  	[timem:s3], [sflag:s2] =	dma.local @!p0 [hbm:s0], s1  }
0x32d: {  	s0 =	simm.s32 @!p0 $0x5  }
0x32e: {  	_ =	swait.ge @!p0 [sflag:s0], s1  }
0x32f: {  	s1 =	ssub.s32 @!p0 $0x0, s1;
	[sflag:s0] =	ssyncset.done @!p0 $0x0  }
0x330: {  	[sflag:s0] =	ssyncadd.s32 @!p0 s1  }
0x331: {  	[bflag:$0x3] =	sbarrier.arrive $0xFFFF  }
0x332: {  	_ =	shalt  }

</sc_bundles>
